<compile_context>
chip_gen: v7x
topology: tpu7x:2x2x1
jax: 0.10.2.dev20260603
libtpu: 0.0.44.dev20260713+nightly
codegen_flags: <defaults>
</compile_context>

<pallas_src>
import functools

import jax
import jax.numpy as jnp
from jax import lax
from jax.experimental import pallas as pl
from jax.experimental.pallas import tpu as pltpu
from jax.experimental.pallas import tpu_sc as plsc

_NC, _NS, _L = 2, 16, 16
_NW = _NC * _NS
_B, _S, _D = 4, 8192, 1024
_SB = _S // _NW
_C = 16
_NCH = _SB // _C


def _sc_body(x_hbm, t_hbm, o_hbm, tbuf, xb0, xb1, xb2, xb3,
             ld0, ld1, ld2, ld3, st0, st1, st2, st3):
    cid = lax.axis_index("c")
    sid = lax.axis_index("s")
    wid = sid * _NC + cid
    s0 = wid * _SB

    xbs = (xb0, xb1, xb2, xb3)
    lds = (ld0, ld1, ld2, ld3)
    sts = (st0, st1, st2, st3)

    def chunk(ci, carry):
        srow = s0 + ci * _C
        rows = pl.ds(srow, _C)
        handles = []
        for b in range(4):
            @pl.when(ci > 0)
            def _(b=b):
                pltpu.make_async_copy(
                    xbs[b], o_hbm.at[b, pl.ds(0, _C), :], sts[b]).wait()
            handles.append(
                pltpu.async_copy(x_hbm.at[b, rows, :], xbs[b], lds[b]))
        pltpu.sync_copy(t_hbm.at[rows, :], tbuf)
        for b in range(4):
            handles[b].wait()

        def tile_body(tc_i, c):
            col0 = tc_i * 128
            for r in range(_C):
                for cc in range(128 // _L):
                    sl = pl.ds(col0 + cc * _L, _L)
                    v = tbuf[r, sl]
                    for b in range(4):
                        plsc.addupdate(xbs[b].at[r, sl], v)
            return c

        lax.fori_loop(0, _D // 128, tile_body, None)
        for b in range(4):
            pltpu.async_copy(xbs[b], o_hbm.at[b, rows, :], sts[b])
        return carry

    lax.fori_loop(0, _NCH, chunk, None)
    for b in range(4):
        pltpu.make_async_copy(
            xbs[b], o_hbm.at[b, pl.ds(0, _C), :], sts[b]).wait()


@jax.jit
def _sc_add(x, t):
    mesh = plsc.VectorSubcoreMesh(
        core_axis_name="c", subcore_axis_name="s",
        num_cores=_NC, num_subcores=_NS)
    f = pl.kernel(
        _sc_body,
        out_type=jax.ShapeDtypeStruct((_B, _S, _D), jnp.float32),
        mesh=mesh,
        scratch_types=(
            [pltpu.VMEM((_C, _D), jnp.float32)] * 5
            + [pltpu.SemaphoreType.DMA] * 8
        ),
        compiler_params=pltpu.CompilerParams(use_tc_tiling_on_sc=True),
    )
    return f(x, t)


def _tc_add_body(x_ref, t_ref, o_ref):
    o_ref[...] = x_ref[...] + t_ref[...]


def _tc_add(input_embeddings, emb_table):
    B, S, D = input_embeddings.shape
    BS = 2048
    grid = (S // BS, B)
    return pl.pallas_call(
        _tc_add_body,
        grid=grid,
        in_specs=[
            pl.BlockSpec((1, BS, D), lambda s, b: (b, s, 0)),
            pl.BlockSpec((BS, D), lambda s, b: (s, 0)),
        ],
        out_specs=pl.BlockSpec((1, BS, D), lambda s, b: (b, s, 0)),
        out_shape=jax.ShapeDtypeStruct((B, S, D), jnp.float32),
    )(input_embeddings, emb_table)


def kernel(input_embeddings, emb_table):
    return (_tc_add(input_embeddings, emb_table),
            _sc_add(input_embeddings, emb_table))

# --- scband reference (transcript-rebuilt; emitter-appended) ---
"""Pipeline reference for scband-position-embedder-81896436400324 (READ-ONLY COPY).

The authoritative reference and input builder live on the scoring server;
editing this copy changes nothing except your own understanding.
"""

import jax, jax.numpy as jnp
import numpy as np

MAX_SEQ = 8192
EMB_DIM = 1024
B, S, D = 4, 8192, 1024

def setup_inputs(seed: int = 0) -> dict:
    key = jax.random.key(seed)
    k1, k2 = jax.random.split(key)
    input_embeddings = jax.random.normal(k1, (B, S, D), dtype=jnp.float32)
    # nn.Embedding default init: N(0, 1)
    emb_table = jax.random.normal(k2, (MAX_SEQ, EMB_DIM), dtype=jnp.float32)
    return {"input_embeddings": input_embeddings, "emb_table": emb_table}

def reference(input_embeddings, emb_table):
    seq_len = input_embeddings.shape[1]
    positions = jnp.arange(seq_len)
    pos_emb = jnp.take(emb_table, positions, axis=0)  # [S, D]
    return input_embeddings + pos_emb[None, :, :]

if __name__ == "__main__":
    import jax
    _d = setup_inputs()
    print(jax.jit(kernel)(*tuple(_d.values())))

</pallas_src>

<mosaic_0001>
#map = affine_map<(d0, d1) -> (0, 0, 0)>
#map1 = affine_map<(d0, d1) -> (0, 0)>
module attributes {stable_mosaic.version = 14 : i64} {
  func.func @_sc_body(%arg0: i32, %arg1: i32, %arg2: memref<4x8192x1024xf32, #tpu.memory_space<hbm>>, %arg3: memref<8192x1024xf32, #tpu.memory_space<hbm>>, %arg4: memref<4x8192x1024xf32, #tpu.memory_space<hbm>>, %arg5: memref<16x1024xf32, #tpu.memory_space<vmem>>, %arg6: memref<16x1024xf32, #tpu.memory_space<vmem>>, %arg7: memref<16x1024xf32, #tpu.memory_space<vmem>>, %arg8: memref<16x1024xf32, #tpu.memory_space<vmem>>, %arg9: memref<16x1024xf32, #tpu.memory_space<vmem>>, %arg10: memref<!tpu.dma_semaphore, #tpu.memory_space<semaphore_mem>>, %arg11: memref<!tpu.dma_semaphore, #tpu.memory_space<semaphore_mem>>, %arg12: memref<!tpu.dma_semaphore, #tpu.memory_space<semaphore_mem>>, %arg13: memref<!tpu.dma_semaphore, #tpu.memory_space<semaphore_mem>>, %arg14: memref<!tpu.dma_semaphore, #tpu.memory_space<semaphore_mem>>, %arg15: memref<!tpu.dma_semaphore, #tpu.memory_space<semaphore_mem>>, %arg16: memref<!tpu.dma_semaphore, #tpu.memory_space<semaphore_mem>>, %arg17: memref<!tpu.dma_semaphore, #tpu.memory_space<semaphore_mem>>) attributes {dimension_semantics = [#tpu.dimension_semantics<core_parallel>, #tpu.dimension_semantics<subcore_parallel>], iteration_bounds = array<i64: 2, 16>, scalar_prefetch = 0 : i64, scratch_operands = 13 : i64, tpu.core_type = #tpu.core_type<sc_vector_subcore>, window_params = [{transform_indices = #map}, {transform_indices = #map1}, {transform_indices = #map}]} {
    %mul3A = arith.constant 2 : i32
    %mul3A_0 = arith.muli %arg1, %mul3A : i32
    %add3A = arith.addi %mul3A_0, %arg0 : i32
    %mul3A_1 = arith.constant 256 : i32
    %mul3A_2 = arith.muli %add3A, %mul3A_1 : i32
    %scan3A = arith.constant 0 : i32
    %scan3A_3 = arith.constant 16 : i32
    %scan3A_4 = arith.addi %scan3A, %scan3A_3 : i32
    %scan3A_5 = arith.constant 1 : i32
    scf.for %scan3A_42 = %scan3A to %scan3A_4 step %scan3A_5  : i32 {
      %mul3A_43 = arith.constant 16 : i32
      %mul3A_44 = arith.muli %scan3A_42, %mul3A_43 : i32
      %add3A_45 = arith.addi %mul3A_2, %mul3A_44 : i32
      %gt3A = arith.constant 0 : i32
      %gt3A_46 = arith.cmpi sgt, %scan3A_42, %gt3A : i32
      %convert_element_type3A = arith.extui %gt3A_46 : i1 to i32
      %cond3A = arith.constant 0 : i32
      %cond3A_47 = arith.cmpi ne, %convert_element_type3A, %cond3A : i32
      scf.if %cond3A_47 {
        %dma_wait3A_151 = arith.constant 0 : i32
        %dma_wait3A_152 = arith.constant 0 : i32
        %dma_wait3A_153 = arith.constant 0 : i32
        %dma_wait3A_154 = tpu.memref_slice %arg4[%dma_wait3A_151, %dma_wait3A_152, %dma_wait3A_153] : memref<4x8192x1024xf32, #tpu.memory_space<hbm>> -> memref<1x16x1024xf32, #tpu.memory_space<hbm>>
        %dma_wait3A_155 = tpu.memref_squeeze %dma_wait3A_154 : memref<1x16x1024xf32, #tpu.memory_space<hbm>> -> memref<16x1024xf32, #tpu.memory_space<hbm>>
        %dma_wait3A_156 = arith.constant 0 : i32
        %dma_wait3A_157 = arith.constant 0 : i32
        %dma_wait3A_158 = tpu.memref_slice %arg4[%dma_wait3A_151, %dma_wait3A_156, %dma_wait3A_157] : memref<4x8192x1024xf32, #tpu.memory_space<hbm>> -> memref<1x16x1024xf32, #tpu.memory_space<hbm>>
        %dma_wait3A_159 = tpu.memref_squeeze %dma_wait3A_158 : memref<1x16x1024xf32, #tpu.memory_space<hbm>> -> memref<16x1024xf32, #tpu.memory_space<hbm>>
        tpu.wait_dma2 semaphore(%arg14 : memref<!tpu.dma_semaphore, #tpu.memory_space<semaphore_mem>>) src(%arg6 : memref<16x1024xf32, #tpu.memory_space<vmem>>) dst(%dma_wait3A_159 : memref<16x1024xf32, #tpu.memory_space<hbm>>)
      } else {
      }
      %dma_start3A = arith.constant 0 : i32
      %dma_start3A_48 = arith.constant 0 : i32
      %dma_start3A_49 = tpu.memref_slice %arg2[%dma_start3A, %add3A_45, %dma_start3A_48] : memref<4x8192x1024xf32, #tpu.memory_space<hbm>> -> memref<1x16x1024xf32, #tpu.memory_space<hbm>>
      %dma_start3A_50 = tpu.memref_squeeze %dma_start3A_49 : memref<1x16x1024xf32, #tpu.memory_space<hbm>> -> memref<16x1024xf32, #tpu.memory_space<hbm>>
      %dma_start3A_51 = arith.constant 0 : i32
      %dma_start3A_52 = tpu.memref_slice %arg2[%dma_start3A, %add3A_45, %dma_start3A_51] : memref<4x8192x1024xf32, #tpu.memory_space<hbm>> -> memref<1x16x1024xf32, #tpu.memory_space<hbm>>
      %dma_start3A_53 = tpu.memref_squeeze %dma_start3A_52 : memref<1x16x1024xf32, #tpu.memory_space<hbm>> -> memref<16x1024xf32, #tpu.memory_space<hbm>>
      tpu.enqueue_dma source(%dma_start3A_53 : memref<16x1024xf32, #tpu.memory_space<hbm>>) target(%arg6 : memref<16x1024xf32, #tpu.memory_space<vmem>>) target_semaphore(%arg10 : memref<!tpu.dma_semaphore, #tpu.memory_space<semaphore_mem>>)
      %gt3A_54 = arith.constant 0 : i32
      %gt3A_55 = arith.cmpi sgt, %scan3A_42, %gt3A_54 : i32
      %convert_element_type3A_56 = arith.extui %gt3A_55 : i1 to i32
      %cond3A_57 = arith.constant 0 : i32
      %cond3A_58 = arith.cmpi ne, %convert_element_type3A_56, %cond3A_57 : i32
      scf.if %cond3A_58 {
        %dma_wait3A_151 = arith.constant 1 : i32
        %dma_wait3A_152 = arith.constant 0 : i32
        %dma_wait3A_153 = arith.constant 0 : i32
        %dma_wait3A_154 = tpu.memref_slice %arg4[%dma_wait3A_151, %dma_wait3A_152, %dma_wait3A_153] : memref<4x8192x1024xf32, #tpu.memory_space<hbm>> -> memref<1x16x1024xf32, #tpu.memory_space<hbm>>
        %dma_wait3A_155 = tpu.memref_squeeze %dma_wait3A_154 : memref<1x16x1024xf32, #tpu.memory_space<hbm>> -> memref<16x1024xf32, #tpu.memory_space<hbm>>
        %dma_wait3A_156 = arith.constant 0 : i32
        %dma_wait3A_157 = arith.constant 0 : i32
        %dma_wait3A_158 = tpu.memref_slice %arg4[%dma_wait3A_151, %dma_wait3A_156, %dma_wait3A_157] : memref<4x8192x1024xf32, #tpu.memory_space<hbm>> -> memref<1x16x1024xf32, #tpu.memory_space<hbm>>
        %dma_wait3A_159 = tpu.memref_squeeze %dma_wait3A_158 : memref<1x16x1024xf32, #tpu.memory_space<hbm>> -> memref<16x1024xf32, #tpu.memory_space<hbm>>
        tpu.wait_dma2 semaphore(%arg15 : memref<!tpu.dma_semaphore, #tpu.memory_space<semaphore_mem>>) src(%arg7 : memref<16x1024xf32, #tpu.memory_space<vmem>>) dst(%dma_wait3A_159 : memref<16x1024xf32, #tpu.memory_space<hbm>>)
      } else {
      }
      %dma_start3A_59 = arith.constant 1 : i32
      %dma_start3A_60 = arith.constant 0 : i32
      %dma_start3A_61 = tpu.memref_slice %arg2[%dma_start3A_59, %add3A_45, %dma_start3A_60] : memref<4x8192x1024xf32, #tpu.memory_space<hbm>> -> memref<1x16x1024xf32, #tpu.memory_space<hbm>>
      %dma_start3A_62 = tpu.memref_squeeze %dma_start3A_61 : memref<1x16x1024xf32, #tpu.memory_space<hbm>> -> memref<16x1024xf32, #tpu.memory_space<hbm>>
      %dma_start3A_63 = arith.constant 0 : i32
      %dma_start3A_64 = tpu.memref_slice %arg2[%dma_start3A_59, %add3A_45, %dma_start3A_63] : memref<4x8192x1024xf32, #tpu.memory_space<hbm>> -> memref<1x16x1024xf32, #tpu.memory_space<hbm>>
      %dma_start3A_65 = tpu.memref_squeeze %dma_start3A_64 : memref<1x16x1024xf32, #tpu.memory_space<hbm>> -> memref<16x1024xf32, #tpu.memory_space<hbm>>
      tpu.enqueue_dma source(%dma_start3A_65 : memref<16x1024xf32, #tpu.memory_space<hbm>>) target(%arg7 : memref<16x1024xf32, #tpu.memory_space<vmem>>) target_semaphore(%arg11 : memref<!tpu.dma_semaphore, #tpu.memory_space<semaphore_mem>>)
      %gt3A_66 = arith.constant 0 : i32
      %gt3A_67 = arith.cmpi sgt, %scan3A_42, %gt3A_66 : i32
      %convert_element_type3A_68 = arith.extui %gt3A_67 : i1 to i32
      %cond3A_69 = arith.constant 0 : i32
      %cond3A_70 = arith.cmpi ne, %convert_element_type3A_68, %cond3A_69 : i32
      scf.if %cond3A_70 {
        %dma_wait3A_151 = arith.constant 2 : i32
        %dma_wait3A_152 = arith.constant 0 : i32
        %dma_wait3A_153 = arith.constant 0 : i32
        %dma_wait3A_154 = tpu.memref_slice %arg4[%dma_wait3A_151, %dma_wait3A_152, %dma_wait3A_153] : memref<4x8192x1024xf32, #tpu.memory_space<hbm>> -> memref<1x16x1024xf32, #tpu.memory_space<hbm>>
        %dma_wait3A_155 = tpu.memref_squeeze %dma_wait3A_154 : memref<1x16x1024xf32, #tpu.memory_space<hbm>> -> memref<16x1024xf32, #tpu.memory_space<hbm>>
        %dma_wait3A_156 = arith.constant 0 : i32
        %dma_wait3A_157 = arith.constant 0 : i32
        %dma_wait3A_158 = tpu.memref_slice %arg4[%dma_wait3A_151, %dma_wait3A_156, %dma_wait3A_157] : memref<4x8192x1024xf32, #tpu.memory_space<hbm>> -> memref<1x16x1024xf32, #tpu.memory_space<hbm>>
        %dma_wait3A_159 = tpu.memref_squeeze %dma_wait3A_158 : memref<1x16x1024xf32, #tpu.memory_space<hbm>> -> memref<16x1024xf32, #tpu.memory_space<hbm>>
        tpu.wait_dma2 semaphore(%arg16 : memref<!tpu.dma_semaphore, #tpu.memory_space<semaphore_mem>>) src(%arg8 : memref<16x1024xf32, #tpu.memory_space<vmem>>) dst(%dma_wait3A_159 : memref<16x1024xf32, #tpu.memory_space<hbm>>)
      } else {
      }
      %dma_start3A_71 = arith.constant 2 : i32
      %dma_start3A_72 = arith.constant 0 : i32
      %dma_start3A_73 = tpu.memref_slice %arg2[%dma_start3A_71, %add3A_45, %dma_start3A_72] : memref<4x8192x1024xf32, #tpu.memory_space<hbm>> -> memref<1x16x1024xf32, #tpu.memory_space<hbm>>
      %dma_start3A_74 = tpu.memref_squeeze %dma_start3A_73 : memref<1x16x1024xf32, #tpu.memory_space<hbm>> -> memref<16x1024xf32, #tpu.memory_space<hbm>>
      %dma_start3A_75 = arith.constant 0 : i32
      %dma_start3A_76 = tpu.memref_slice %arg2[%dma_start3A_71, %add3A_45, %dma_start3A_75] : memref<4x8192x1024xf32, #tpu.memory_space<hbm>> -> memref<1x16x1024xf32, #tpu.memory_space<hbm>>
      %dma_start3A_77 = tpu.memref_squeeze %dma_start3A_76 : memref<1x16x1024xf32, #tpu.memory_space<hbm>> -> memref<16x1024xf32, #tpu.memory_space<hbm>>
      tpu.enqueue_dma source(%dma_start3A_77 : memref<16x1024xf32, #tpu.memory_space<hbm>>) target(%arg8 : memref<16x1024xf32, #tpu.memory_space<vmem>>) target_semaphore(%arg12 : memref<!tpu.dma_semaphore, #tpu.memory_space<semaphore_mem>>)
      %gt3A_78 = arith.constant 0 : i32
      %gt3A_79 = arith.cmpi sgt, %scan3A_42, %gt3A_78 : i32
      %convert_element_type3A_80 = arith.extui %gt3A_79 : i1 to i32
      %cond3A_81 = arith.constant 0 : i32
      %cond3A_82 = arith.cmpi ne, %convert_element_type3A_80, %cond3A_81 : i32
      scf.if %cond3A_82 {
        %dma_wait3A_151 = arith.constant 3 : i32
        %dma_wait3A_152 = arith.constant 0 : i32
        %dma_wait3A_153 = arith.constant 0 : i32
        %dma_wait3A_154 = tpu.memref_slice %arg4[%dma_wait3A_151, %dma_wait3A_152, %dma_wait3A_153] : memref<4x8192x1024xf32, #tpu.memory_space<hbm>> -> memref<1x16x1024xf32, #tpu.memory_space<hbm>>
        %dma_wait3A_155 = tpu.memref_squeeze %dma_wait3A_154 : memref<1x16x1024xf32, #tpu.memory_space<hbm>> -> memref<16x1024xf32, #tpu.memory_space<hbm>>
        %dma_wait3A_156 = arith.constant 0 : i32
        %dma_wait3A_157 = arith.constant 0 : i32
        %dma_wait3A_158 = tpu.memref_slice %arg4[%dma_wait3A_151, %dma_wait3A_156, %dma_wait3A_157] : memref<4x8192x1024xf32, #tpu.memory_space<hbm>> -> memref<1x16x1024xf32, #tpu.memory_space<hbm>>
        %dma_wait3A_159 = tpu.memref_squeeze %dma_wait3A_158 : memref<1x16x1024xf32, #tpu.memory_space<hbm>> -> memref<16x1024xf32, #tpu.memory_space<hbm>>
        tpu.wait_dma2 semaphore(%arg17 : memref<!tpu.dma_semaphore, #tpu.memory_space<semaphore_mem>>) src(%arg9 : memref<16x1024xf32, #tpu.memory_space<vmem>>) dst(%dma_wait3A_159 : memref<16x1024xf32, #tpu.memory_space<hbm>>)
      } else {
      }
      %dma_start3A_83 = arith.constant 3 : i32
      %dma_start3A_84 = arith.constant 0 : i32
      %dma_start3A_85 = tpu.memref_slice %arg2[%dma_start3A_83, %add3A_45, %dma_start3A_84] : memref<4x8192x1024xf32, #tpu.memory_space<hbm>> -> memref<1x16x1024xf32, #tpu.memory_space<hbm>>
      %dma_start3A_86 = tpu.memref_squeeze %dma_start3A_85 : memref<1x16x1024xf32, #tpu.memory_space<hbm>> -> memref<16x1024xf32, #tpu.memory_space<hbm>>
      %dma_start3A_87 = arith.constant 0 : i32
      %dma_start3A_88 = tpu.memref_slice %arg2[%dma_start3A_83, %add3A_45, %dma_start3A_87] : memref<4x8192x1024xf32, #tpu.memory_space<hbm>> -> memref<1x16x1024xf32, #tpu.memory_space<hbm>>
      %dma_start3A_89 = tpu.memref_squeeze %dma_start3A_88 : memref<1x16x1024xf32, #tpu.memory_space<hbm>> -> memref<16x1024xf32, #tpu.memory_space<hbm>>
      tpu.enqueue_dma source(%dma_start3A_89 : memref<16x1024xf32, #tpu.memory_space<hbm>>) target(%arg9 : memref<16x1024xf32, #tpu.memory_space<vmem>>) target_semaphore(%arg13 : memref<!tpu.dma_semaphore, #tpu.memory_space<semaphore_mem>>)
      "tpu.region"() ({
        %run_scoped3A = tpu.sem_alloc : memref<!tpu.dma_semaphore, #tpu.memory_space<semaphore_mem>>
        %dma_start3A_151 = arith.constant 0 : i32
        %dma_start3A_152 = tpu.memref_slice %arg3[%add3A_45, %dma_start3A_151] : memref<8192x1024xf32, #tpu.memory_space<hbm>> -> memref<16x1024xf32, #tpu.memory_space<hbm>>
        %dma_start3A_153 = arith.constant 0 : i32
        %dma_start3A_154 = tpu.memref_slice %arg3[%add3A_45, %dma_start3A_153] : memref<8192x1024xf32, #tpu.memory_space<hbm>> -> memref<16x1024xf32, #tpu.memory_space<hbm>>
        tpu.enqueue_dma source(%dma_start3A_154 : memref<16x1024xf32, #tpu.memory_space<hbm>>) target(%arg5 : memref<16x1024xf32, #tpu.memory_space<vmem>>) target_semaphore(%run_scoped3A : memref<!tpu.dma_semaphore, #tpu.memory_space<semaphore_mem>>)
        %dma_wait3A_155 = arith.constant 0 : i32
        %dma_wait3A_156 = tpu.memref_slice %arg3[%add3A_45, %dma_wait3A_155] : memref<8192x1024xf32, #tpu.memory_space<hbm>> -> memref<16x1024xf32, #tpu.memory_space<hbm>>
        %dma_wait3A_157 = arith.constant 0 : i32
        %dma_wait3A_158 = tpu.memref_slice %arg3[%add3A_45, %dma_wait3A_157] : memref<8192x1024xf32, #tpu.memory_space<hbm>> -> memref<16x1024xf32, #tpu.memory_space<hbm>>
        tpu.wait_dma2 semaphore(%run_scoped3A : memref<!tpu.dma_semaphore, #tpu.memory_space<semaphore_mem>>) src(%dma_wait3A_158 : memref<16x1024xf32, #tpu.memory_space<hbm>>) dst(%arg5 : memref<16x1024xf32, #tpu.memory_space<vmem>>)
        tpu.yield
      }) : () -> ()
      %dma_wait3A_90 = arith.constant 0 : i32
      %dma_wait3A_91 = arith.constant 0 : i32
      %dma_wait3A_92 = tpu.memref_slice %arg2[%dma_wait3A_90, %add3A_45, %dma_wait3A_91] : memref<4x8192x1024xf32, #tpu.memory_space<hbm>> -> memref<1x16x1024xf32, #tpu.memory_space<hbm>>
      %dma_wait3A_93 = tpu.memref_squeeze %dma_wait3A_92 : memref<1x16x1024xf32, #tpu.memory_space<hbm>> -> memref<16x1024xf32, #tpu.memory_space<hbm>>
      %dma_wait3A_94 = arith.constant 0 : i32
      %dma_wait3A_95 = tpu.memref_slice %arg2[%dma_wait3A_90, %add3A_45, %dma_wait3A_94] : memref<4x8192x1024xf32, #tpu.memory_space<hbm>> -> memref<1x16x1024xf32, #tpu.memory_space<hbm>>
      %dma_wait3A_96 = tpu.memref_squeeze %dma_wait3A_95 : memref<1x16x1024xf32, #tpu.memory_space<hbm>> -> memref<16x1024xf32, #tpu.memory_space<hbm>>
      tpu.wait_dma2 semaphore(%arg10 : memref<!tpu.dma_semaphore, #tpu.memory_space<semaphore_mem>>) src(%dma_wait3A_96 : memref<16x1024xf32, #tpu.memory_space<hbm>>) dst(%arg6 : memref<16x1024xf32, #tpu.memory_space<vmem>>)
      %dma_wait3A_97 = arith.constant 1 : i32
      %dma_wait3A_98 = arith.constant 0 : i32
      %dma_wait3A_99 = tpu.memref_slice %arg2[%dma_wait3A_97, %add3A_45, %dma_wait3A_98] : memref<4x8192x1024xf32, #tpu.memory_space<hbm>> -> memref<1x16x1024xf32, #tpu.memory_space<hbm>>
      %dma_wait3A_100 = tpu.memref_squeeze %dma_wait3A_99 : memref<1x16x1024xf32, #tpu.memory_space<hbm>> -> memref<16x1024xf32, #tpu.memory_space<hbm>>
      %dma_wait3A_101 = arith.constant 0 : i32
      %dma_wait3A_102 = tpu.memref_slice %arg2[%dma_wait3A_97, %add3A_45, %dma_wait3A_101] : memref<4x8192x1024xf32, #tpu.memory_space<hbm>> -> memref<1x16x1024xf32, #tpu.memory_space<hbm>>
      %dma_wait3A_103 = tpu.memref_squeeze %dma_wait3A_102 : memref<1x16x1024xf32, #tpu.memory_space<hbm>> -> memref<16x1024xf32, #tpu.memory_space<hbm>>
      tpu.wait_dma2 semaphore(%arg11 : memref<!tpu.dma_semaphore, #tpu.memory_space<semaphore_mem>>) src(%dma_wait3A_103 : memref<16x1024xf32, #tpu.memory_space<hbm>>) dst(%arg7 : memref<16x1024xf32, #tpu.memory_space<vmem>>)
      %dma_wait3A_104 = arith.constant 2 : i32
      %dma_wait3A_105 = arith.constant 0 : i32
      %dma_wait3A_106 = tpu.memref_slice %arg2[%dma_wait3A_104, %add3A_45, %dma_wait3A_105] : memref<4x8192x1024xf32, #tpu.memory_space<hbm>> -> memref<1x16x1024xf32, #tpu.memory_space<hbm>>
      %dma_wait3A_107 = tpu.memref_squeeze %dma_wait3A_106 : memref<1x16x1024xf32, #tpu.memory_space<hbm>> -> memref<16x1024xf32, #tpu.memory_space<hbm>>
      %dma_wait3A_108 = arith.constant 0 : i32
      %dma_wait3A_109 = tpu.memref_slice %arg2[%dma_wait3A_104, %add3A_45, %dma_wait3A_108] : memref<4x8192x1024xf32, #tpu.memory_space<hbm>> -> memref<1x16x1024xf32, #tpu.memory_space<hbm>>
      %dma_wait3A_110 = tpu.memref_squeeze %dma_wait3A_109 : memref<1x16x1024xf32, #tpu.memory_space<hbm>> -> memref<16x1024xf32, #tpu.memory_space<hbm>>
      tpu.wait_dma2 semaphore(%arg12 : memref<!tpu.dma_semaphore, #tpu.memory_space<semaphore_mem>>) src(%dma_wait3A_110 : memref<16x1024xf32, #tpu.memory_space<hbm>>) dst(%arg8 : memref<16x1024xf32, #tpu.memory_space<vmem>>)
      %dma_wait3A_111 = arith.constant 3 : i32
      %dma_wait3A_112 = arith.constant 0 : i32
      %dma_wait3A_113 = tpu.memref_slice %arg2[%dma_wait3A_111, %add3A_45, %dma_wait3A_112] : memref<4x8192x1024xf32, #tpu.memory_space<hbm>> -> memref<1x16x1024xf32, #tpu.memory_space<hbm>>
      %dma_wait3A_114 = tpu.memref_squeeze %dma_wait3A_113 : memref<1x16x1024xf32, #tpu.memory_space<hbm>> -> memref<16x1024xf32, #tpu.memory_space<hbm>>
      %dma_wait3A_115 = arith.constant 0 : i32
      %dma_wait3A_116 = tpu.memref_slice %arg2[%dma_wait3A_111, %add3A_45, %dma_wait3A_115] : memref<4x8192x1024xf32, #tpu.memory_space<hbm>> -> memref<1x16x1024xf32, #tpu.memory_space<hbm>>
      %dma_wait3A_117 = tpu.memref_squeeze %dma_wait3A_116 : memref<1x16x1024xf32, #tpu.memory_space<hbm>> -> memref<16x1024xf32, #tpu.memory_space<hbm>>
      tpu.wait_dma2 semaphore(%arg13 : memref<!tpu.dma_semaphore, #tpu.memory_space<semaphore_mem>>) src(%dma_wait3A_117 : memref<16x1024xf32, #tpu.memory_space<hbm>>) dst(%arg9 : memref<16x1024xf32, #tpu.memory_space<vmem>>)
      %scan3A_118 = arith.constant 0 : i32
      %scan3A_119 = arith.constant 8 : i32
      %scan3A_120 = arith.addi %scan3A_118, %scan3A_119 : i32
      %scan3A_121 = arith.constant 1 : i32
      scf.for %scan3A_151 = %scan3A_118 to %scan3A_120 step %scan3A_121  : i32 {
        %mul3A_152 = arith.constant 128 : i32
        %mul3A_153 = arith.muli %scan3A_151, %mul3A_152 : i32
        %add3A_154 = arith.constant 0 : i32
        %add3A_155 = arith.addi %mul3A_153, %add3A_154 : i32
        %get3A = arith.constant 0 : i32
        %get3A_156 = arith.index_cast %get3A : i32 to index
        %get3A_157 = arith.index_cast %add3A_155 : i32 to index
        %get3A_158 = tpu.vector_load %arg5[%get3A_156, %get3A_157] {strides = array<i32>} : memref<16x1024xf32, #tpu.memory_space<vmem>>, vector<1x16xf32>,
        %get3A_159 = vector.shape_cast %get3A_158 : vector<1x16xf32> to vector<16xf32>
        %swap3A = arith.constant 0 : i32
        %swap3A_160 = arith.index_cast %swap3A : i32 to index
        %swap3A_161 = arith.index_cast %add3A_155 : i32 to index
        %swap3A_162 = tpu.vector_load %arg6[%swap3A_160, %swap3A_161] {strides = array<i32>} : memref<16x1024xf32, #tpu.memory_space<vmem>>, vector<1x16xf32>,
        %swap3A_163 = vector.shape_cast %swap3A_162 : vector<1x16xf32> to vector<16xf32>
        %swap3A_164 = vector.shape_cast %get3A_159 : vector<16xf32> to vector<1x16xf32>
        tpu.vector_store %arg6[%swap3A_160, %swap3A_161], %swap3A_164 {add = true, strides = array<i32>} : memref<16x1024xf32, #tpu.memory_space<vmem>>, vector<1x16xf32>,
        %swap3A_165 = arith.constant 0 : i32
        %swap3A_166 = arith.index_cast %swap3A_165 : i32 to index
        %swap3A_167 = arith.index_cast %add3A_155 : i32 to index
        %swap3A_168 = tpu.vector_load %arg7[%swap3A_166, %swap3A_167] {strides = array<i32>} : memref<16x1024xf32, #tpu.memory_space<vmem>>, vector<1x16xf32>,
        %swap3A_169 = vector.shape_cast %swap3A_168 : vector<1x16xf32> to vector<16xf32>
        %swap3A_170 = vector.shape_cast %get3A_159 : vector<16xf32> to vector<1x16xf32>
        tpu.vector_store %arg7[%swap3A_166, %swap3A_167], %swap3A_170 {add = true, strides = array<i32>} : memref<16x1024xf32, #tpu.memory_space<vmem>>, vector<1x16xf32>,
        %swap3A_171 = arith.constant 0 : i32
        %swap3A_172 = arith.index_cast %swap3A_171 : i32 to index
        %swap3A_173 = arith.index_cast %add3A_155 : i32 to index
        %swap3A_174 = tpu.vector_load %arg8[%swap3A_172, %swap3A_173] {strides = array<i32>} : memref<16x1024xf32, #tpu.memory_space<vmem>>, vector<1x16xf32>,
        %swap3A_175 = vector.shape_cast %swap3A_174 : vector<1x16xf32> to vector<16xf32>
        %swap3A_176 = vector.shape_cast %get3A_159 : vector<16xf32> to vector<1x16xf32>
        tpu.vector_store %arg8[%swap3A_172, %swap3A_173], %swap3A_176 {add = true, strides = array<i32>} : memref<16x1024xf32, #tpu.memory_space<vmem>>, vector<1x16xf32>,
        %swap3A_177 = arith.constant 0 : i32
        %swap3A_178 = arith.index_cast %swap3A_177 : i32 to index
        %swap3A_179 = arith.index_cast %add3A_155 : i32 to index
        %swap3A_180 = tpu.vector_load %arg9[%swap3A_178, %swap3A_179] {strides = array<i32>} : memref<16x1024xf32, #tpu.memory_space<vmem>>, vector<1x16xf32>,
        %swap3A_181 = vector.shape_cast %swap3A_180 : vector<1x16xf32> to vector<16xf32>
        %swap3A_182 = vector.shape_cast %get3A_159 : vector<16xf32> to vector<1x16xf32>
        tpu.vector_store %arg9[%swap3A_178, %swap3A_179], %swap3A_182 {add = true, strides = array<i32>} : memref<16x1024xf32, #tpu.memory_space<vmem>>, vector<1x16xf32>,
        %add3A_183 = arith.constant 16 : i32
        %add3A_184 = arith.addi %mul3A_153, %add3A_183 : i32
        %get3A_185 = arith.constant 0 : i32
        %get3A_186 = arith.index_cast %get3A_185 : i32 to index
        %get3A_187 = arith.index_cast %add3A_184 : i32 to index
        %get3A_188 = tpu.vector_load %arg5[%get3A_186, %get3A_187] {strides = array<i32>} : memref<16x1024xf32, #tpu.memory_space<vmem>>, vector<1x16xf32>,
        %get3A_189 = vector.shape_cast %get3A_188 : vector<1x16xf32> to vector<16xf32>
        %swap3A_190 = arith.constant 0 : i32
        %swap3A_191 = arith.index_cast %swap3A_190 : i32 to index
        %swap3A_192 = arith.index_cast %add3A_184 : i32 to index
        %swap3A_193 = tpu.vector_load %arg6[%swap3A_191, %swap3A_192] {strides = array<i32>} : memref<16x1024xf32, #tpu.memory_space<vmem>>, vector<1x16xf32>,
        %swap3A_194 = vector.shape_cast %swap3A_193 : vector<1x16xf32> to vector<16xf32>
        %swap3A_195 = vector.shape_cast %get3A_189 : vector<16xf32> to vector<1x16xf32>
        tpu.vector_store %arg6[%swap3A_191, %swap3A_192], %swap3A_195 {add = true, strides = array<i32>} : memref<16x1024xf32, #tpu.memory_space<vmem>>, vector<1x16xf32>,
        %swap3A_196 = arith.constant 0 : i32
        %swap3A_197 = arith.index_cast %swap3A_196 : i32 to index
        %swap3A_198 = arith.index_cast %add3A_184 : i32 to index
        %swap3A_199 = tpu.vector_load %arg7[%swap3A_197, %swap3A_198] {strides = array<i32>} : memref<16x1024xf32, #tpu.memory_space<vmem>>, vector<1x16xf32>,
        %swap3A_200 = vector.shape_cast %swap3A_199 : vector<1x16xf32> to vector<16xf32>
        %swap3A_201 = vector.shape_cast %get3A_189 : vector<16xf32> to vector<1x16xf32>
        tpu.vector_store %arg7[%swap3A_197, %swap3A_198], %swap3A_201 {add = true, strides = array<i32>} : memref<16x1024xf32, #tpu.memory_space<vmem>>, vector<1x16xf32>,
        %swap3A_202 = arith.constant 0 : i32
        %swap3A_203 = arith.index_cast %swap3A_202 : i32 to index
        %swap3A_204 = arith.index_cast %add3A_184 : i32 to index
        %swap3A_205 = tpu.vector_load %arg8[%swap3A_203, %swap3A_204] {strides = array<i32>} : memref<16x1024xf32, #tpu.memory_space<vmem>>, vector<1x16xf32>,
        %swap3A_206 = vector.shape_cast %swap3A_205 : vector<1x16xf32> to vector<16xf32>
        %swap3A_207 = vector.shape_cast %get3A_189 : vector<16xf32> to vector<1x16xf32>
        tpu.vector_store %arg8[%swap3A_203, %swap3A_204], %swap3A_207 {add = true, strides = array<i32>} : memref<16x1024xf32, #tpu.memory_space<vmem>>, vector<1x16xf32>,
        %swap3A_208 = arith.constant 0 : i32
        %swap3A_209 = arith.index_cast %swap3A_208 : i32 to index
        %swap3A_210 = arith.index_cast %add3A_184 : i32 to index
        %swap3A_211 = tpu.vector_load %arg9[%swap3A_209, %swap3A_210] {strides = array<i32>} : memref<16x1024xf32, #tpu.memory_space<vmem>>, vector<1x16xf32>,
        %swap3A_212 = vector.shape_cast %swap3A_211 : vector<1x16xf32> to vector<16xf32>
        %swap3A_213 = vector.shape_cast %get3A_189 : vector<16xf32> to vector<1x16xf32>
        tpu.vector_store %arg9[%swap3A_209, %swap3A_210], %swap3A_213 {add = true, strides = array<i32>} : memref<16x1024xf32, #tpu.memory_space<vmem>>, vector<1x16xf32>,
        %add3A_214 = arith.constant 32 : i32
        %add3A_215 = arith.addi %mul3A_153, %add3A_214 : i32
        %get3A_216 = arith.constant 0 : i32
        %get3A_217 = arith.index_cast %get3A_216 : i32 to index
        %get3A_218 = arith.index_cast %add3A_215 : i32 to index
        %get3A_219 = tpu.vector_load %arg5[%get3A_217, %get3A_218] {strides = array<i32>} : memref<16x1024xf32, #tpu.memory_space<vmem>>, vector<1x16xf32>,
        %get3A_220 = vector.shape_cast %get3A_219 : vector<1x16xf32> to vector<16xf32>
        %swap3A_221 = arith.constant 0 : i32
        %swap3A_222 = arith.index_cast %swap3A_221 : i32 to index
        %swap3A_223 = arith.index_cast %add3A_215 : i32 to index
        %swap3A_224 = tpu.vector_load %arg6[%swap3A_222, %swap3A_223] {strides = array<i32>} : memref<16x1024xf32, #tpu.memory_space<vmem>>, vector<1x16xf32>,
        %swap3A_225 = vector.shape_cast %swap3A_224 : vector<1x16xf32> to vector<16xf32>
        %swap3A_226 = vector.shape_cast %get3A_220 : vector<16xf32> to vector<1x16xf32>
        tpu.vector_store %arg6[%swap3A_222, %swap3A_223], %swap3A_226 {add = true, strides = array<i32>} : memref<16x1024xf32, #tpu.memory_space<vmem>>, vector<1x16xf32>,
        %swap3A_227 = arith.constant 0 : i32
        %swap3A_228 = arith.index_cast %swap3A_227 : i32 to index
        %swap3A_229 = arith.index_cast %add3A_215 : i32 to index
        %swap3A_230 = tpu.vector_load %arg7[%swap3A_228, %swap3A_229] {strides = array<i32>} : memref<16x1024xf32, #tpu.memory_space<vmem>>, vector<1x16xf32>,
        %swap3A_231 = vector.shape_cast %swap3A_230 : vector<1x16xf32> to vector<16xf32>
        %swap3A_232 = vector.shape_cast %get3A_220 : vector<16xf32> to vector<1x16xf32>
        tpu.vector_store %arg7[%swap3A_228, %swap3A_229], %swap3A_232 {add = true, strides = array<i32>} : memref<16x1024xf32, #tpu.memory_space<vmem>>, vector<1x16xf32>,
        %swap3A_233 = arith.constant 0 : i32
        %swap3A_234 = arith.index_cast %swap3A_233 : i32 to index
        %swap3A_235 = arith.index_cast %add3A_215 : i32 to index
        %swap3A_236 = tpu.vector_load %arg8[%swap3A_234, %swap3A_235] {strides = array<i32>} : memref<16x1024xf32, #tpu.memory_space<vmem>>, vector<1x16xf32>,
        %swap3A_237 = vector.shape_cast %swap3A_236 : vector<1x16xf32> to vector<16xf32>
        %swap3A_238 = vector.shape_cast %get3A_220 : vector<16xf32> to vector<1x16xf32>
        tpu.vector_store %arg8[%swap3A_234, %swap3A_235], %swap3A_238 {add = true, strides = array<i32>} : memref<16x1024xf32, #tpu.memory_space<vmem>>, vector<1x16xf32>,
        %swap3A_239 = arith.constant 0 : i32
        %swap3A_240 = arith.index_cast %swap3A_239 : i32 to index
        %swap3A_241 = arith.index_cast %add3A_215 : i32 to index
        %swap3A_242 = tpu.vector_load %arg9[%swap3A_240, %swap3A_241] {strides = array<i32>} : memref<16x1024xf32, #tpu.memory_space<vmem>>, vector<1x16xf32>,
        %swap3A_243 = vector.shape_cast %swap3A_242 : vector<1x16xf32> to vector<16xf32>
        %swap3A_244 = vector.shape_cast %get3A_220 : vector<16xf32> to vector<1x16xf32>
        tpu.vector_store %arg9[%swap3A_240, %swap3A_241], %swap3A_244 {add = true, strides = array<i32>} : memref<16x1024xf32, #tpu.memory_space<vmem>>, vector<1x16xf32>,
        %add3A_245 = arith.constant 48 : i32
        %add3A_246 = arith.addi %mul3A_153, %add3A_245 : i32
        %get3A_247 = arith.constant 0 : i32
        %get3A_248 = arith.index_cast %get3A_247 : i32 to index
        %get3A_249 = arith.index_cast %add3A_246 : i32 to index
        %get3A_250 = tpu.vector_load %arg5[%get3A_248, %get3A_249] {strides = array<i32>} : memref<16x1024xf32, #tpu.memory_space<vmem>>, vector<1x16xf32>,
        %get3A_251 = vector.shape_cast %get3A_250 : vector<1x16xf32> to vector<16xf32>
        %swap3A_252 = arith.constant 0 : i32
        %swap3A_253 = arith.index_cast %swap3A_252 : i32 to index
        %swap3A_254 = arith.index_cast %add3A_246 : i32 to index
        %swap3A_255 = tpu.vector_load %arg6[%swap3A_253, %swap3A_254] {strides = array<i32>} : memref<16x1024xf32, #tpu.memory_space<vmem>>, vector<1x16xf32>,
        %swap3A_256 = vector.shape_cast %swap3A_255 : vector<1x16xf32> to vector<16xf32>
        %swap3A_257 = vector.shape_cast %get3A_251 : vector<16xf32> to vector<1x16xf32>
        tpu.vector_store %arg6[%swap3A_253, %swap3A_254], %swap3A_257 {add = true, strides = array<i32>} : memref<16x1024xf32, #tpu.memory_space<vmem>>, vector<1x16xf32>,
        %swap3A_258 = arith.constant 0 : i32
        %swap3A_259 = arith.index_cast %swap3A_258 : i32 to index
        %swap3A_260 = arith.index_cast %add3A_246 : i32 to index
        %swap3A_261 = tpu.vector_load %arg7[%swap3A_259, %swap3A_260] {strides = array<i32>} : memref<16x1024xf32, #tpu.memory_space<vmem>>, vector<1x16xf32>,
        %swap3A_262 = vector.shape_cast %swap3A_261 : vector<1x16xf32> to vector<16xf32>
        %swap3A_263 = vector.shape_cast %get3A_251 : vector<16xf32> to vector<1x16xf32>
        tpu.vector_store %arg7[%swap3A_259, %swap3A_260], %swap3A_263 {add = true, strides = array<i32>} : memref<16x1024xf32, #tpu.memory_space<vmem>>, vector<1x16xf32>,
        %swap3A_264 = arith.constant 0 : i32
        %swap3A_265 = arith.index_cast %swap3A_264 : i32 to index
        %swap3A_266 = arith.index_cast %add3A_246 : i32 to index
        %swap3A_267 = tpu.vector_load %arg8[%swap3A_265, %swap3A_266] {strides = array<i32>} : memref<16x1024xf32, #tpu.memory_space<vmem>>, vector<1x16xf32>,
        %swap3A_268 = vector.shape_cast %swap3A_267 : vector<1x16xf32> to vector<16xf32>
        %swap3A_269 = vector.shape_cast %get3A_251 : vector<16xf32> to vector<1x16xf32>
        tpu.vector_store %arg8[%swap3A_265, %swap3A_266], %swap3A_269 {add = true, strides = array<i32>} : memref<16x1024xf32, #tpu.memory_space<vmem>>, vector<1x16xf32>,
        %swap3A_270 = arith.constant 0 : i32
        %swap3A_271 = arith.index_cast %swap3A_270 : i32 to index
        %swap3A_272 = arith.index_cast %add3A_246 : i32 to index
        %swap3A_273 = tpu.vector_load %arg9[%swap3A_271, %swap3A_272] {strides = array<i32>} : memref<16x1024xf32, #tpu.memory_space<vmem>>, vector<1x16xf32>,
        %swap3A_274 = vector.shape_cast %swap3A_273 : vector<1x16xf32> to vector<16xf32>
        %swap3A_275 = vector.shape_cast %get3A_251 : vector<16xf32> to vector<1x16xf32>
        tpu.vector_store %arg9[%swap3A_271, %swap3A_272], %swap3A_275 {add = true, strides = array<i32>} : memref<16x1024xf32, #tpu.memory_space<vmem>>, vector<1x16xf32>,
        %add3A_276 = arith.constant 64 : i32
        %add3A_277 = arith.addi %mul3A_153, %add3A_276 : i32
        %get3A_278 = arith.constant 0 : i32
        %get3A_279 = arith.index_cast %get3A_278 : i32 to index
        %get3A_280 = arith.index_cast %add3A_277 : i32 to index
        %get3A_281 = tpu.vector_load %arg5[%get3A_279, %get3A_280] {strides = array<i32>} : memref<16x1024xf32, #tpu.memory_space<vmem>>, vector<1x16xf32>,
        %get3A_282 = vector.shape_cast %get3A_281 : vector<1x16xf32> to vector<16xf32>
        %swap3A_283 = arith.constant 0 : i32
        %swap3A_284 = arith.index_cast %swap3A_283 : i32 to index
        %swap3A_285 = arith.index_cast %add3A_277 : i32 to index
        %swap3A_286 = tpu.vector_load %arg6[%swap3A_284, %swap3A_285] {strides = array<i32>} : memref<16x1024xf32, #tpu.memory_space<vmem>>, vector<1x16xf32>,
        %swap3A_287 = vector.shape_cast %swap3A_286 : vector<1x16xf32> to vector<16xf32>
        %swap3A_288 = vector.shape_cast %get3A_282 : vector<16xf32> to vector<1x16xf32>
        tpu.vector_store %arg6[%swap3A_284, %swap3A_285], %swap3A_288 {add = true, strides = array<i32>} : memref<16x1024xf32, #tpu.memory_space<vmem>>, vector<1x16xf32>,
        %swap3A_289 = arith.constant 0 : i32
        %swap3A_290 = arith.index_cast %swap3A_289 : i32 to index
        %swap3A_291 = arith.index_cast %add3A_277 : i32 to index
        %swap3A_292 = tpu.vector_load %arg7[%swap3A_290, %swap3A_291] {strides = array<i32>} : memref<16x1024xf32, #tpu.memory_space<vmem>>, vector<1x16xf32>,
        %swap3A_293 = vector.shape_cast %swap3A_292 : vector<1x16xf32> to vector<16xf32>
        %swap3A_294 = vector.shape_cast %get3A_282 : vector<16xf32> to vector<1x16xf32>
        tpu.vector_store %arg7[%swap3A_290, %swap3A_291], %swap3A_294 {add = true, strides = array<i32>} : memref<16x1024xf32, #tpu.memory_space<vmem>>, vector<1x16xf32>,
        %swap3A_295 = arith.constant 0 : i32
        %swap3A_296 = arith.index_cast %swap3A_295 : i32 to index
        %swap3A_297 = arith.index_cast %add3A_277 : i32 to index
        %swap3A_298 = tpu.vector_load %arg8[%swap3A_296, %swap3A_297] {strides = array<i32>} : memref<16x1024xf32, #tpu.memory_space<vmem>>, vector<1x16xf32>,
        %swap3A_299 = vector.shape_cast %swap3A_298 : vector<1x16xf32> to vector<16xf32>
        %swap3A_300 = vector.shape_cast %get3A_282 : vector<16xf32> to vector<1x16xf32>
        tpu.vector_store %arg8[%swap3A_296, %swap3A_297], %swap3A_300 {add = true, strides = array<i32>} : memref<16x1024xf32, #tpu.memory_space<vmem>>, vector<1x16xf32>,
        %swap3A_301 = arith.constant 0 : i32
        %swap3A_302 = arith.index_cast %swap3A_301 : i32 to index
        %swap3A_303 = arith.index_cast %add3A_277 : i32 to index
        %swap3A_304 = tpu.vector_load %arg9[%swap3A_302, %swap3A_303] {strides = array<i32>} : memref<16x1024xf32, #tpu.memory_space<vmem>>, vector<1x16xf32>,
        %swap3A_305 = vector.shape_cast %swap3A_304 : vector<1x16xf32> to vector<16xf32>
        %swap3A_306 = vector.shape_cast %get3A_282 : vector<16xf32> to vector<1x16xf32>
        tpu.vector_store %arg9[%swap3A_302, %swap3A_303], %swap3A_306 {add = true, strides = array<i32>} : memref<16x1024xf32, #tpu.memory_space<vmem>>, vector<1x16xf32>,
        %add3A_307 = arith.constant 80 : i32
        %add3A_308 = arith.addi %mul3A_153, %add3A_307 : i32
        %get3A_309 = arith.constant 0 : i32
        %get3A_310 = arith.index_cast %get3A_309 : i32 to index
        %get3A_311 = arith.index_cast %add3A_308 : i32 to index
        %get3A_312 = tpu.vector_load %arg5[%get3A_310, %get3A_311] {strides = array<i32>} : memref<16x1024xf32, #tpu.memory_space<vmem>>, vector<1x16xf32>,
        %get3A_313 = vector.shape_cast %get3A_312 : vector<1x16xf32> to vector<16xf32>
        %swap3A_314 = arith.constant 0 : i32
        %swap3A_315 = arith.index_cast %swap3A_314 : i32 to index
        %swap3A_316 = arith.index_cast %add3A_308 : i32 to index
        %swap3A_317 = tpu.vector_load %arg6[%swap3A_315, %swap3A_316] {strides = array<i32>} : memref<16x1024xf32, #tpu.memory_space<vmem>>, vector<1x16xf32>,
        %swap3A_318 = vector.shape_cast %swap3A_317 : vector<1x16xf32> to vector<16xf32>
        %swap3A_319 = vector.shape_cast %get3A_313 : vector<16xf32> to vector<1x16xf32>
        tpu.vector_store %arg6[%swap3A_315, %swap3A_316], %swap3A_319 {add = true, strides = array<i32>} : memref<16x1024xf32, #tpu.memory_space<vmem>>, vector<1x16xf32>,
        %swap3A_320 = arith.constant 0 : i32
        %swap3A_321 = arith.index_cast %swap3A_320 : i32 to index
        %swap3A_322 = arith.index_cast %add3A_308 : i32 to index
        %swap3A_323 = tpu.vector_load %arg7[%swap3A_321, %swap3A_322] {strides = array<i32>} : memref<16x1024xf32, #tpu.memory_space<vmem>>, vector<1x16xf32>,
        %swap3A_324 = vector.shape_cast %swap3A_323 : vector<1x16xf32> to vector<16xf32>
        %swap3A_325 = vector.shape_cast %get3A_313 : vector<16xf32> to vector<1x16xf32>
        tpu.vector_store %arg7[%swap3A_321, %swap3A_322], %swap3A_325 {add = true, strides = array<i32>} : memref<16x1024xf32, #tpu.memory_space<vmem>>, vector<1x16xf32>,
        %swap3A_326 = arith.constant 0 : i32
        %swap3A_327 = arith.index_cast %swap3A_326 : i32 to index
        %swap3A_328 = arith.index_cast %add3A_308 : i32 to index
        %swap3A_329 = tpu.vector_load %arg8[%swap3A_327, %swap3A_328] {strides = array<i32>} : memref<16x1024xf32, #tpu.memory_space<vmem>>, vector<1x16xf32>,
        %swap3A_330 = vector.shape_cast %swap3A_329 : vector<1x16xf32> to vector<16xf32>
        %swap3A_331 = vector.shape_cast %get3A_313 : vector<16xf32> to vector<1x16xf32>
        tpu.vector_store %arg8[%swap3A_327, %swap3A_328], %swap3A_331 {add = true, strides = array<i32>} : memref<16x1024xf32, #tpu.memory_space<vmem>>, vector<1x16xf32>,
        %swap3A_332 = arith.constant 0 : i32
        %swap3A_333 = arith.index_cast %swap3A_332 : i32 to index
        %swap3A_334 = arith.index_cast %add3A_308 : i32 to index
        %swap3A_335 = tpu.vector_load %arg9[%swap3A_333, %swap3A_334] {strides = array<i32>} : memref<16x1024xf32, #tpu.memory_space<vmem>>, vector<1x16xf32>,
        %swap3A_336 = vector.shape_cast %swap3A_335 : vector<1x16xf32> to vector<16xf32>
        %swap3A_337 = vector.shape_cast %get3A_313 : vector<16xf32> to vector<1x16xf32>
        tpu.vector_store %arg9[%swap3A_333, %swap3A_334], %swap3A_337 {add = true, strides = array<i32>} : memref<16x1024xf32, #tpu.memory_space<vmem>>, vector<1x16xf32>,
        %add3A_338 = arith.constant 96 : i32
        %add3A_339 = arith.addi %mul3A_153, %add3A_338 : i32
        %get3A_340 = arith.constant 0 : i32
        %get3A_341 = arith.index_cast %get3A_340 : i32 to index
        %get3A_342 = arith.index_cast %add3A_339 : i32 to index
        %get3A_343 = tpu.vector_load %arg5[%get3A_341, %get3A_342] {strides = array<i32>} : memref<16x1024xf32, #tpu.memory_space<vmem>>, vector<1x16xf32>,
        %get3A_344 = vector.shape_cast %get3A_343 : vector<1x16xf32> to vector<16xf32>
        %swap3A_345 = arith.constant 0 : i32
        %swap3A_346 = arith.index_cast %swap3A_345 : i32 to index
        %swap3A_347 = arith.index_cast %add3A_339 : i32 to index
        %swap3A_348 = tpu.vector_load %arg6[%swap3A_346, %swap3A_347] {strides = array<i32>} : memref<16x1024xf32, #tpu.memory_space<vmem>>, vector<1x16xf32>,
        %swap3A_349 = vector.shape_cast %swap3A_348 : vector<1x16xf32> to vector<16xf32>
        %swap3A_350 = vector.shape_cast %get3A_344 : vector<16xf32> to vector<1x16xf32>
        tpu.vector_store %arg6[%swap3A_346, %swap3A_347], %swap3A_350 {add = true, strides = array<i32>} : memref<16x1024xf32, #tpu.memory_space<vmem>>, vector<1x16xf32>,
        %swap3A_351 = arith.constant 0 : i32
        %swap3A_352 = arith.index_cast %swap3A_351 : i32 to index
        %swap3A_353 = arith.index_cast %add3A_339 : i32 to index
        %swap3A_354 = tpu.vector_load %arg7[%swap3A_352, %swap3A_353] {strides = array<i32>} : memref<16x1024xf32, #tpu.memory_space<vmem>>, vector<1x16xf32>,
        %swap3A_355 = vector.shape_cast %swap3A_354 : vector<1x16xf32> to vector<16xf32>
        %swap3A_356 = vector.shape_cast %get3A_344 : vector<16xf32> to vector<1x16xf32>
        tpu.vector_store %arg7[%swap3A_352, %swap3A_353], %swap3A_356 {add = true, strides = array<i32>} : memref<16x1024xf32, #tpu.memory_space<vmem>>, vector<1x16xf32>,
        %swap3A_357 = arith.constant 0 : i32
        %swap3A_358 = arith.index_cast %swap3A_357 : i32 to index
        %swap3A_359 = arith.index_cast %add3A_339 : i32 to index
        %swap3A_360 = tpu.vector_load %arg8[%swap3A_358, %swap3A_359] {strides = array<i32>} : memref<16x1024xf32, #tpu.memory_space<vmem>>, vector<1x16xf32>,
        %swap3A_361 = vector.shape_cast %swap3A_360 : vector<1x16xf32> to vector<16xf32>
        %swap3A_362 = vector.shape_cast %get3A_344 : vector<16xf32> to vector<1x16xf32>
        tpu.vector_store %arg8[%swap3A_358, %swap3A_359], %swap3A_362 {add = true, strides = array<i32>} : memref<16x1024xf32, #tpu.memory_space<vmem>>, vector<1x16xf32>,
        %swap3A_363 = arith.constant 0 : i32
        %swap3A_364 = arith.index_cast %swap3A_363 : i32 to index
        %swap3A_365 = arith.index_cast %add3A_339 : i32 to index
        %swap3A_366 = tpu.vector_load %arg9[%swap3A_364, %swap3A_365] {strides = array<i32>} : memref<16x1024xf32, #tpu.memory_space<vmem>>, vector<1x16xf32>,
        %swap3A_367 = vector.shape_cast %swap3A_366 : vector<1x16xf32> to vector<16xf32>
        %swap3A_368 = vector.shape_cast %get3A_344 : vector<16xf32> to vector<1x16xf32>
        tpu.vector_store %arg9[%swap3A_364, %swap3A_365], %swap3A_368 {add = true, strides = array<i32>} : memref<16x1024xf32, #tpu.memory_space<vmem>>, vector<1x16xf32>,
        %add3A_369 = arith.constant 112 : i32
        %add3A_370 = arith.addi %mul3A_153, %add3A_369 : i32
        %get3A_371 = arith.constant 0 : i32
        %get3A_372 = arith.index_cast %get3A_371 : i32 to index
        %get3A_373 = arith.index_cast %add3A_370 : i32 to index
        %get3A_374 = tpu.vector_load %arg5[%get3A_372, %get3A_373] {strides = array<i32>} : memref<16x1024xf32, #tpu.memory_space<vmem>>, vector<1x16xf32>,
        %get3A_375 = vector.shape_cast %get3A_374 : vector<1x16xf32> to vector<16xf32>
        %swap3A_376 = arith.constant 0 : i32
        %swap3A_377 = arith.index_cast %swap3A_376 : i32 to index
        %swap3A_378 = arith.index_cast %add3A_370 : i32 to index
        %swap3A_379 = tpu.vector_load %arg6[%swap3A_377, %swap3A_378] {strides = array<i32>} : memref<16x1024xf32, #tpu.memory_space<vmem>>, vector<1x16xf32>,
        %swap3A_380 = vector.shape_cast %swap3A_379 : vector<1x16xf32> to vector<16xf32>
        %swap3A_381 = vector.shape_cast %get3A_375 : vector<16xf32> to vector<1x16xf32>
        tpu.vector_store %arg6[%swap3A_377, %swap3A_378], %swap3A_381 {add = true, strides = array<i32>} : memref<16x1024xf32, #tpu.memory_space<vmem>>, vector<1x16xf32>,
        %swap3A_382 = arith.constant 0 : i32
        %swap3A_383 = arith.index_cast %swap3A_382 : i32 to index
        %swap3A_384 = arith.index_cast %add3A_370 : i32 to index
        %swap3A_385 = tpu.vector_load %arg7[%swap3A_383, %swap3A_384] {strides = array<i32>} : memref<16x1024xf32, #tpu.memory_space<vmem>>, vector<1x16xf32>,
        %swap3A_386 = vector.shape_cast %swap3A_385 : vector<1x16xf32> to vector<16xf32>
        %swap3A_387 = vector.shape_cast %get3A_375 : vector<16xf32> to vector<1x16xf32>
        tpu.vector_store %arg7[%swap3A_383, %swap3A_384], %swap3A_387 {add = true, strides = array<i32>} : memref<16x1024xf32, #tpu.memory_space<vmem>>, vector<1x16xf32>,
        %swap3A_388 = arith.constant 0 : i32
        %swap3A_389 = arith.index_cast %swap3A_388 : i32 to index
        %swap3A_390 = arith.index_cast %add3A_370 : i32 to index
        %swap3A_391 = tpu.vector_load %arg8[%swap3A_389, %swap3A_390] {strides = array<i32>} : memref<16x1024xf32, #tpu.memory_space<vmem>>, vector<1x16xf32>,
        %swap3A_392 = vector.shape_cast %swap3A_391 : vector<1x16xf32> to vector<16xf32>
        %swap3A_393 = vector.shape_cast %get3A_375 : vector<16xf32> to vector<1x16xf32>
        tpu.vector_store %arg8[%swap3A_389, %swap3A_390], %swap3A_393 {add = true, strides = array<i32>} : memref<16x1024xf32, #tpu.memory_space<vmem>>, vector<1x16xf32>,
        %swap3A_394 = arith.constant 0 : i32
        %swap3A_395 = arith.index_cast %swap3A_394 : i32 to index
        %swap3A_396 = arith.index_cast %add3A_370 : i32 to index
        %swap3A_397 = tpu.vector_load %arg9[%swap3A_395, %swap3A_396] {strides = array<i32>} : memref<16x1024xf32, #tpu.memory_space<vmem>>, vector<1x16xf32>,
        %swap3A_398 = vector.shape_cast %swap3A_397 : vector<1x16xf32> to vector<16xf32>
        %swap3A_399 = vector.shape_cast %get3A_375 : vector<16xf32> to vector<1x16xf32>
        tpu.vector_store %arg9[%swap3A_395, %swap3A_396], %swap3A_399 {add = true, strides = array<i32>} : memref<16x1024xf32, #tpu.memory_space<vmem>>, vector<1x16xf32>,
        %add3A_400 = arith.constant 0 : i32
        %add3A_401 = arith.addi %mul3A_153, %add3A_400 : i32
        %get3A_402 = arith.constant 1 : i32
        %get3A_403 = arith.index_cast %get3A_402 : i32 to index
        %get3A_404 = arith.index_cast %add3A_401 : i32 to index
        %get3A_405 = tpu.vector_load %arg5[%get3A_403, %get3A_404] {strides = array<i32>} : memref<16x1024xf32, #tpu.memory_space<vmem>>, vector<1x16xf32>,
        %get3A_406 = vector.shape_cast %get3A_405 : vector<1x16xf32> to vector<16xf32>
        %swap3A_407 = arith.constant 1 : i32
        %swap3A_408 = arith.index_cast %swap3A_407 : i32 to index
        %swap3A_409 = arith.index_cast %add3A_401 : i32 to index
        %swap3A_410 = tpu.vector_load %arg6[%swap3A_408, %swap3A_409] {strides = array<i32>} : memref<16x1024xf32, #tpu.memory_space<vmem>>, vector<1x16xf32>,
        %swap3A_411 = vector.shape_cast %swap3A_410 : vector<1x16xf32> to vector<16xf32>
        %swap3A_412 = vector.shape_cast %get3A_406 : vector<16xf32> to vector<1x16xf32>
        tpu.vector_store %arg6[%swap3A_408, %swap3A_409], %swap3A_412 {add = true, strides = array<i32>} : memref<16x1024xf32, #tpu.memory_space<vmem>>, vector<1x16xf32>,
        %swap3A_413 = arith.constant 1 : i32
        %swap3A_414 = arith.index_cast %swap3A_413 : i32 to index
        %swap3A_415 = arith.index_cast %add3A_401 : i32 to index
        %swap3A_416 = tpu.vector_load %arg7[%swap3A_414, %swap3A_415] {strides = array<i32>} : memref<16x1024xf32, #tpu.memory_space<vmem>>, vector<1x16xf32>,
        %swap3A_417 = vector.shape_cast %swap3A_416 : vector<1x16xf32> to vector<16xf32>
        %swap3A_418 = vector.shape_cast %get3A_406 : vector<16xf32> to vector<1x16xf32>
        tpu.vector_store %arg7[%swap3A_414, %swap3A_415], %swap3A_418 {add = true, strides = array<i32>} : memref<16x1024xf32, #tpu.memory_space<vmem>>, vector<1x16xf32>,
        %swap3A_419 = arith.constant 1 : i32
        %swap3A_420 = arith.index_cast %swap3A_419 : i32 to index
        %swap3A_421 = arith.index_cast %add3A_401 : i32 to index
        %swap3A_422 = tpu.vector_load %arg8[%swap3A_420, %swap3A_421] {strides = array<i32>} : memref<16x1024xf32, #tpu.memory_space<vmem>>, vector<1x16xf32>,
        %swap3A_423 = vector.shape_cast %swap3A_422 : vector<1x16xf32> to vector<16xf32>
        %swap3A_424 = vector.shape_cast %get3A_406 : vector<16xf32> to vector<1x16xf32>
        tpu.vector_store %arg8[%swap3A_420, %swap3A_421], %swap3A_424 {add = true, strides = array<i32>} : memref<16x1024xf32, #tpu.memory_space<vmem>>, vector<1x16xf32>,
        %swap3A_425 = arith.constant 1 : i32
        %swap3A_426 = arith.index_cast %swap3A_425 : i32 to index
        %swap3A_427 = arith.index_cast %add3A_401 : i32 to index
        %swap3A_428 = tpu.vector_load %arg9[%swap3A_426, %swap3A_427] {strides = array<i32>} : memref<16x1024xf32, #tpu.memory_space<vmem>>, vector<1x16xf32>,
        %swap3A_429 = vector.shape_cast %swap3A_428 : vector<1x16xf32> to vector<16xf32>
        %swap3A_430 = vector.shape_cast %get3A_406 : vector<16xf32> to vector<1x16xf32>
        tpu.vector_store %arg9[%swap3A_426, %swap3A_427], %swap3A_430 {add = true, strides = array<i32>} : memref<16x1024xf32, #tpu.memory_space<vmem>>, vector<1x16xf32>,
        %add3A_431 = arith.constant 16 : i32
        %add3A_432 = arith.addi %mul3A_153, %add3A_431 : i32
        %get3A_433 = arith.constant 1 : i32
        %get3A_434 = arith.index_cast %get3A_433 : i32 to index
        %get3A_435 = arith.index_cast %add3A_432 : i32 to index
        %get3A_436 = tpu.vector_load %arg5[%get3A_434, %get3A_435] {strides = array<i32>} : memref<16x1024xf32, #tpu.memory_space<vmem>>, vector<1x16xf32>,
        %get3A_437 = vector.shape_cast %get3A_436 : vector<1x16xf32> to vector<16xf32>
        %swap3A_438 = arith.constant 1 : i32
        %swap3A_439 = arith.index_cast %swap3A_438 : i32 to index
        %swap3A_440 = arith.index_cast %add3A_432 : i32 to index
        %swap3A_441 = tpu.vector_load %arg6[%swap3A_439, %swap3A_440] {strides = array<i32>} : memref<16x1024xf32, #tpu.memory_space<vmem>>, vector<1x16xf32>,
        %swap3A_442 = vector.shape_cast %swap3A_441 : vector<1x16xf32> to vector<16xf32>
        %swap3A_443 = vector.shape_cast %get3A_437 : vector<16xf32> to vector<1x16xf32>
        tpu.vector_store %arg6[%swap3A_439, %swap3A_440], %swap3A_443 {add = true, strides = array<i32>} : memref<16x1024xf32, #tpu.memory_space<vmem>>, vector<1x16xf32>,
        %swap3A_444 = arith.constant 1 : i32
        %swap3A_445 = arith.index_cast %swap3A_444 : i32 to index
        %swap3A_446 = arith.index_cast %add3A_432 : i32 to index
        %swap3A_447 = tpu.vector_load %arg7[%swap3A_445, %swap3A_446] {strides = array<i32>} : memref<16x1024xf32, #tpu.memory_space<vmem>>, vector<1x16xf32>,
        %swap3A_448 = vector.shape_cast %swap3A_447 : vector<1x16xf32> to vector<16xf32>
        %swap3A_449 = vector.shape_cast %get3A_437 : vector<16xf32> to vector<1x16xf32>
        tpu.vector_store %arg7[%swap3A_445, %swap3A_446], %swap3A_449 {add = true, strides = array<i32>} : memref<16x1024xf32, #tpu.memory_space<vmem>>, vector<1x16xf32>,
        %swap3A_450 = arith.constant 1 : i32
        %swap3A_451 = arith.index_cast %swap3A_450 : i32 to index
        %swap3A_452 = arith.index_cast %add3A_432 : i32 to index
        %swap3A_453 = tpu.vector_load %arg8[%swap3A_451, %swap3A_452] {strides = array<i32>} : memref<16x1024xf32, #tpu.memory_space<vmem>>, vector<1x16xf32>,
        %swap3A_454 = vector.shape_cast %swap3A_453 : vector<1x16xf32> to vector<16xf32>
        %swap3A_455 = vector.shape_cast %get3A_437 : vector<16xf32> to vector<1x16xf32>
        tpu.vector_store %arg8[%swap3A_451, %swap3A_452], %swap3A_455 {add = true, strides = array<i32>} : memref<16x1024xf32, #tpu.memory_space<vmem>>, vector<1x16xf32>,
        %swap3A_456 = arith.constant 1 : i32
        %swap3A_457 = arith.index_cast %swap3A_456 : i32 to index
        %swap3A_458 = arith.index_cast %add3A_432 : i32 to index
        %swap3A_459 = tpu.vector_load %arg9[%swap3A_457, %swap3A_458] {strides = array<i32>} : memref<16x1024xf32, #tpu.memory_space<vmem>>, vector<1x16xf32>,
        %swap3A_460 = vector.shape_cast %swap3A_459 : vector<1x16xf32> to vector<16xf32>
        %swap3A_461 = vector.shape_cast %get3A_437 : vector<16xf32> to vector<1x16xf32>
        tpu.vector_store %arg9[%swap3A_457, %swap3A_458], %swap3A_461 {add = true, strides = array<i32>} : memref<16x1024xf32, #tpu.memory_space<vmem>>, vector<1x16xf32>,
        %add3A_462 = arith.constant 32 : i32
        %add3A_463 = arith.addi %mul3A_153, %add3A_462 : i32
        %get3A_464 = arith.constant 1 : i32
        %get3A_465 = arith.index_cast %get3A_464 : i32 to index
        %get3A_466 = arith.index_cast %add3A_463 : i32 to index
        %get3A_467 = tpu.vector_load %arg5[%get3A_465, %get3A_466] {strides = array<i32>} : memref<16x1024xf32, #tpu.memory_space<vmem>>, vector<1x16xf32>,
        %get3A_468 = vector.shape_cast %get3A_467 : vector<1x16xf32> to vector<16xf32>
        %swap3A_469 = arith.constant 1 : i32
        %swap3A_470 = arith.index_cast %swap3A_469 : i32 to index
        %swap3A_471 = arith.index_cast %add3A_463 : i32 to index
        %swap3A_472 = tpu.vector_load %arg6[%swap3A_470, %swap3A_471] {strides = array<i32>} : memref<16x1024xf32, #tpu.memory_space<vmem>>, vector<1x16xf32>,
        %swap3A_473 = vector.shape_cast %swap3A_472 : vector<1x16xf32> to vector<16xf32>
        %swap3A_474 = vector.shape_cast %get3A_468 : vector<16xf32> to vector<1x16xf32>
        tpu.vector_store %arg6[%swap3A_470, %swap3A_471], %swap3A_474 {add = true, strides = array<i32>} : memref<16x1024xf32, #tpu.memory_space<vmem>>, vector<1x16xf32>,
        %swap3A_475 = arith.constant 1 : i32
        %swap3A_476 = arith.index_cast %swap3A_475 : i32 to index
        %swap3A_477 = arith.index_cast %add3A_463 : i32 to index
        %swap3A_478 = tpu.vector_load %arg7[%swap3A_476, %swap3A_477] {strides = array<i32>} : memref<16x1024xf32, #tpu.memory_space<vmem>>, vector<1x16xf32>,
        %swap3A_479 = vector.shape_cast %swap3A_478 : vector<1x16xf32> to vector<16xf32>
        %swap3A_480 = vector.shape_cast %get3A_468 : vector<16xf32> to vector<1x16xf32>
        tpu.vector_store %arg7[%swap3A_476, %swap3A_477], %swap3A_480 {add = true, strides = array<i32>} : memref<16x1024xf32, #tpu.memory_space<vmem>>, vector<1x16xf32>,
        %swap3A_481 = arith.constant 1 : i32
        %swap3A_482 = arith.index_cast %swap3A_481 : i32 to index
        %swap3A_483 = arith.index_cast %add3A_463 : i32 to index
        %swap3A_484 = tpu.vector_load %arg8[%swap3A_482, %swap3A_483] {strides = array<i32>} : memref<16x1024xf32, #tpu.memory_space<vmem>>, vector<1x16xf32>,
        %swap3A_485 = vector.shape_cast %swap3A_484 : vector<1x16xf32> to vector<16xf32>
        %swap3A_486 = vector.shape_cast %get3A_468 : vector<16xf32> to vector<1x16xf32>
        tpu.vector_store %arg8[%swap3A_482, %swap3A_483], %swap3A_486 {add = true, strides = array<i32>} : memref<16x1024xf32, #tpu.memory_space<vmem>>, vector<1x16xf32>,
        %swap3A_487 = arith.constant 1 : i32
        %swap3A_488 = arith.index_cast %swap3A_487 : i32 to index
        %swap3A_489 = arith.index_cast %add3A_463 : i32 to index
        %swap3A_490 = tpu.vector_load %arg9[%swap3A_488, %swap3A_489] {strides = array<i32>} : memref<16x1024xf32, #tpu.memory_space<vmem>>, vector<1x16xf32>,
        %swap3A_491 = vector.shape_cast %swap3A_490 : vector<1x16xf32> to vector<16xf32>
        %swap3A_492 = vector.shape_cast %get3A_468 : vector<16xf32> to vector<1x16xf32>
        tpu.vector_store %arg9[%swap3A_488, %swap3A_489], %swap3A_492 {add = true, strides = array<i32>} : memref<16x1024xf32, #tpu.memory_space<vmem>>, vector<1x16xf32>,
        %add3A_493 = arith.constant 48 : i32
        %add3A_494 = arith.addi %mul3A_153, %add3A_493 : i32
        %get3A_495 = arith.constant 1 : i32
        %get3A_496 = arith.index_cast %get3A_495 : i32 to index
        %get3A_497 = arith.index_cast %add3A_494 : i32 to index
        %get3A_498 = tpu.vector_load %arg5[%get3A_496, %get3A_497] {strides = array<i32>} : memref<16x1024xf32, #tpu.memory_space<vmem>>, vector<1x16xf32>,
        %get3A_499 = vector.shape_cast %get3A_498 : vector<1x16xf32> to vector<16xf32>
        %swap3A_500 = arith.constant 1 : i32
        %swap3A_501 = arith.index_cast %swap3A_500 : i32 to index
        %swap3A_502 = arith.index_cast %add3A_494 : i32 to index
        %swap3A_503 = tpu.vector_load %arg6[%swap3A_501, %swap3A_502] {strides = array<i32>} : memref<16x1024xf32, #tpu.memory_space<vmem>>, vector<1x16xf32>,
        %swap3A_504 = vector.shape_cast %swap3A_503 : vector<1x16xf32> to vector<16xf32>
        %swap3A_505 = vector.shape_cast %get3A_499 : vector<16xf32> to vector<1x16xf32>
        tpu.vector_store %arg6[%swap3A_501, %swap3A_502], %swap3A_505 {add = true, strides = array<i32>} : memref<16x1024xf32, #tpu.memory_space<vmem>>, vector<1x16xf32>,
        %swap3A_506 = arith.constant 1 : i32
        %swap3A_507 = arith.index_cast %swap3A_506 : i32 to index
        %swap3A_508 = arith.index_cast %add3A_494 : i32 to index
        %swap3A_509 = tpu.vector_load %arg7[%swap3A_507, %swap3A_508] {strides = array<i32>} : memref<16x1024xf32, #tpu.memory_space<vmem>>, vector<1x16xf32>,
        %swap3A_510 = vector.shape_cast %swap3A_509 : vector<1x16xf32> to vector<16xf32>
        %swap3A_511 = vector.shape_cast %get3A_499 : vector<16xf32> to vector<1x16xf32>
        tpu.vector_store %arg7[%swap3A_507, %swap3A_508], %swap3A_511 {add = true, strides = array<i32>} : memref<16x1024xf32, #tpu.memory_space<vmem>>, vector<1x16xf32>,
        %swap3A_512 = arith.constant 1 : i32
        %swap3A_513 = arith.index_cast %swap3A_512 : i32 to index
        %swap3A_514 = arith.index_cast %add3A_494 : i32 to index
        %swap3A_515 = tpu.vector_load %arg8[%swap3A_513, %swap3A_514] {strides = array<i32>} : memref<16x1024xf32, #tpu.memory_space<vmem>>, vector<1x16xf32>,
        %swap3A_516 = vector.shape_cast %swap3A_515 : vector<1x16xf32> to vector<16xf32>
        %swap3A_517 = vector.shape_cast %get3A_499 : vector<16xf32> to vector<1x16xf32>
        tpu.vector_store %arg8[%swap3A_513, %swap3A_514], %swap3A_517 {add = true, strides = array<i32>} : memref<16x1024xf32, #tpu.memory_space<vmem>>, vector<1x16xf32>,
        %swap3A_518 = arith.constant 1 : i32
        %swap3A_519 = arith.index_cast %swap3A_518 : i32 to index
        %swap3A_520 = arith.index_cast %add3A_494 : i32 to index
        %swap3A_521 = tpu.vector_load %arg9[%swap3A_519, %swap3A_520] {strides = array<i32>} : memref<16x1024xf32, #tpu.memory_space<vmem>>, vector<1x16xf32>,
        %swap3A_522 = vector.shape_cast %swap3A_521 : vector<1x16xf32> to vector<16xf32>
        %swap3A_523 = vector.shape_cast %get3A_499 : vector<16xf32> to vector<1x16xf32>
        tpu.vector_store %arg9[%swap3A_519, %swap3A_520], %swap3A_523 {add = true, strides = array<i32>} : memref<16x1024xf32, #tpu.memory_space<vmem>>, vector<1x16xf32>,
        %add3A_524 = arith.constant 64 : i32
        %add3A_525 = arith.addi %mul3A_153, %add3A_524 : i32
        %get3A_526 = arith.constant 1 : i32
        %get3A_527 = arith.index_cast %get3A_526 : i32 to index
        %get3A_528 = arith.index_cast %add3A_525 : i32 to index
        %get3A_529 = tpu.vector_load %arg5[%get3A_527, %get3A_528] {strides = array<i32>} : memref<16x1024xf32, #tpu.memory_space<vmem>>, vector<1x16xf32>,
        %get3A_530 = vector.shape_cast %get3A_529 : vector<1x16xf32> to vector<16xf32>
        %swap3A_531 = arith.constant 1 : i32
        %swap3A_532 = arith.index_cast %swap3A_531 : i32 to index
        %swap3A_533 = arith.index_cast %add3A_525 : i32 to index
        %swap3A_534 = tpu.vector_load %arg6[%swap3A_532, %swap3A_533] {strides = array<i32>} : memref<16x1024xf32, #tpu.memory_space<vmem>>, vector<1x16xf32>,
        %swap3A_535 = vector.shape_cast %swap3A_534 : vector<1x16xf32> to vector<16xf32>
        %swap3A_536 = vector.shape_cast %get3A_530 : vector<16xf32> to vector<1x16xf32>
        tpu.vector_store %arg6[%swap3A_532, %swap3A_533], %swap3A_536 {add = true, strides = array<i32>} : memref<16x1024xf32, #tpu.memory_space<vmem>>, vector<1x16xf32>,
        %swap3A_537 = arith.constant 1 : i32
        %swap3A_538 = arith.index_cast %swap3A_537 : i32 to index
        %swap3A_539 = arith.index_cast %add3A_525 : i32 to index
        %swap3A_540 = tpu.vector_load %arg7[%swap3A_538, %swap3A_539] {strides = array<i32>} : memref<16x1024xf32, #tpu.memory_space<vmem>>, vector<1x16xf32>,
        %swap3A_541 = vector.shape_cast %swap3A_540 : vector<1x16xf32> to vector<16xf32>
        %swap3A_542 = vector.shape_cast %get3A_530 : vector<16xf32> to vector<1x16xf32>
        tpu.vector_store %arg7[%swap3A_538, %swap3A_539], %swap3A_542 {add = true, strides = array<i32>} : memref<16x1024xf32, #tpu.memory_space<vmem>>, vector<1x16xf32>,
        %swap3A_543 = arith.constant 1 : i32
        %swap3A_544 = arith.index_cast %swap3A_543 : i32 to index
        %swap3A_545 = arith.index_cast %add3A_525 : i32 to index
        %swap3A_546 = tpu.vector_load %arg8[%swap3A_544, %swap3A_545] {strides = array<i32>} : memref<16x1024xf32, #tpu.memory_space<vmem>>, vector<1x16xf32>,
        %swap3A_547 = vector.shape_cast %swap3A_546 : vector<1x16xf32> to vector<16xf32>
        %swap3A_548 = vector.shape_cast %get3A_530 : vector<16xf32> to vector<1x16xf32>
        tpu.vector_store %arg8[%swap3A_544, %swap3A_545], %swap3A_548 {add = true, strides = array<i32>} : memref<16x1024xf32, #tpu.memory_space<vmem>>, vector<1x16xf32>,
        %swap3A_549 = arith.constant 1 : i32
        %swap3A_550 = arith.index_cast %swap3A_549 : i32 to index
        %swap3A_551 = arith.index_cast %add3A_525 : i32 to index
        %swap3A_552 = tpu.vector_load %arg9[%swap3A_550, %swap3A_551] {strides = array<i32>} : memref<16x1024xf32, #tpu.memory_space<vmem>>, vector<1x16xf32>,
        %swap3A_553 = vector.shape_cast %swap3A_552 : vector<1x16xf32> to vector<16xf32>
        %swap3A_554 = vector.shape_cast %get3A_530 : vector<16xf32> to vector<1x16xf32>
        tpu.vector_store %arg9[%swap3A_550, %swap3A_551], %swap3A_554 {add = true, strides = array<i32>} : memref<16x1024xf32, #tpu.memory_space<vmem>>, vector<1x16xf32>,
        %add3A_555 = arith.constant 80 : i32
        %add3A_556 = arith.addi %mul3A_153, %add3A_555 : i32
        %get3A_557 = arith.constant 1 : i32
        %get3A_558 = arith.index_cast %get3A_557 : i32 to index
        %get3A_559 = arith.index_cast %add3A_556 : i32 to index
        %get3A_560 = tpu.vector_load %arg5[%get3A_558, %get3A_559] {strides = array<i32>} : memref<16x1024xf32, #tpu.memory_space<vmem>>, vector<1x16xf32>,
        %get3A_561 = vector.shape_cast %get3A_560 : vector<1x16xf32> to vector<16xf32>
        %swap3A_562 = arith.constant 1 : i32
        %swap3A_563 = arith.index_cast %swap3A_562 : i32 to index
        %swap3A_564 = arith.index_cast %add3A_556 : i32 to index
        %swap3A_565 = tpu.vector_load %arg6[%swap3A_563, %swap3A_564] {strides = array<i32>} : memref<16x1024xf32, #tpu.memory_space<vmem>>, vector<1x16xf32>,
        %swap3A_566 = vector.shape_cast %swap3A_565 : vector<1x16xf32> to vector<16xf32>
        %swap3A_567 = vector.shape_cast %get3A_561 : vector<16xf32> to vector<1x16xf32>
        tpu.vector_store %arg6[%swap3A_563, %swap3A_564], %swap3A_567 {add = true, strides = array<i32>} : memref<16x1024xf32, #tpu.memory_space<vmem>>, vector<1x16xf32>,
        %swap3A_568 = arith.constant 1 : i32
        %swap3A_569 = arith.index_cast %swap3A_568 : i32 to index
        %swap3A_570 = arith.index_cast %add3A_556 : i32 to index
        %swap3A_571 = tpu.vector_load %arg7[%swap3A_569, %swap3A_570] {strides = array<i32>} : memref<16x1024xf32, #tpu.memory_space<vmem>>, vector<1x16xf32>,
        %swap3A_572 = vector.shape_cast %swap3A_571 : vector<1x16xf32> to vector<16xf32>
        %swap3A_573 = vector.shape_cast %get3A_561 : vector<16xf32> to vector<1x16xf32>
        tpu.vector_store %arg7[%swap3A_569, %swap3A_570], %swap3A_573 {add = true, strides = array<i32>} : memref<16x1024xf32, #tpu.memory_space<vmem>>, vector<1x16xf32>,
        %swap3A_574 = arith.constant 1 : i32
        %swap3A_575 = arith.index_cast %swap3A_574 : i32 to index
        %swap3A_576 = arith.index_cast %add3A_556 : i32 to index
        %swap3A_577 = tpu.vector_load %arg8[%swap3A_575, %swap3A_576] {strides = array<i32>} : memref<16x1024xf32, #tpu.memory_space<vmem>>, vector<1x16xf32>,
        %swap3A_578 = vector.shape_cast %swap3A_577 : vector<1x16xf32> to vector<16xf32>
        %swap3A_579 = vector.shape_cast %get3A_561 : vector<16xf32> to vector<1x16xf32>
        tpu.vector_store %arg8[%swap3A_575, %swap3A_576], %swap3A_579 {add = true, strides = array<i32>} : memref<16x1024xf32, #tpu.memory_space<vmem>>, vector<1x16xf32>,
        %swap3A_580 = arith.constant 1 : i32
        %swap3A_581 = arith.index_cast %swap3A_580 : i32 to index
        %swap3A_582 = arith.index_cast %add3A_556 : i32 to index
        %swap3A_583 = tpu.vector_load %arg9[%swap3A_581, %swap3A_582] {strides = array<i32>} : memref<16x1024xf32, #tpu.memory_space<vmem>>, vector<1x16xf32>,
        %swap3A_584 = vector.shape_cast %swap3A_583 : vector<1x16xf32> to vector<16xf32>
        %swap3A_585 = vector.shape_cast %get3A_561 : vector<16xf32> to vector<1x16xf32>
        tpu.vector_store %arg9[%swap3A_581, %swap3A_582], %swap3A_585 {add = true, strides = array<i32>} : memref<16x1024xf32, #tpu.memory_space<vmem>>, vector<1x16xf32>,
        %add3A_586 = arith.constant 96 : i32
        %add3A_587 = arith.addi %mul3A_153, %add3A_586 : i32
        %get3A_588 = arith.constant 1 : i32
        %get3A_589 = arith.index_cast %get3A_588 : i32 to index
        %get3A_590 = arith.index_cast %add3A_587 : i32 to index
        %get3A_591 = tpu.vector_load %arg5[%get3A_589, %get3A_590] {strides = array<i32>} : memref<16x1024xf32, #tpu.memory_space<vmem>>, vector<1x16xf32>,
        %get3A_592 = vector.shape_cast %get3A_591 : vector<1x16xf32> to vector<16xf32>
        %swap3A_593 = arith.constant 1 : i32
        %swap3A_594 = arith.index_cast %swap3A_593 : i32 to index
        %swap3A_595 = arith.index_cast %add3A_587 : i32 to index
        %swap3A_596 = tpu.vector_load %arg6[%swap3A_594, %swap3A_595] {strides = array<i32>} : memref<16x1024xf32, #tpu.memory_space<vmem>>, vector<1x16xf32>,
        %swap3A_597 = vector.shape_cast %swap3A_596 : vector<1x16xf32> to vector<16xf32>
        %swap3A_598 = vector.shape_cast %get3A_592 : vector<16xf32> to vector<1x16xf32>
        tpu.vector_store %arg6[%swap3A_594, %swap3A_595], %swap3A_598 {add = true, strides = array<i32>} : memref<16x1024xf32, #tpu.memory_space<vmem>>, vector<1x16xf32>,
        %swap3A_599 = arith.constant 1 : i32
        %swap3A_600 = arith.index_cast %swap3A_599 : i32 to index
        %swap3A_601 = arith.index_cast %add3A_587 : i32 to index
        %swap3A_602 = tpu.vector_load %arg7[%swap3A_600, %swap3A_601] {strides = array<i32>} : memref<16x1024xf32, #tpu.memory_space<vmem>>, vector<1x16xf32>,
        %swap3A_603 = vector.shape_cast %swap3A_602 : vector<1x16xf32> to vector<16xf32>
        %swap3A_604 = vector.shape_cast %get3A_592 : vector<16xf32> to vector<1x16xf32>
        tpu.vector_store %arg7[%swap3A_600, %swap3A_601], %swap3A_604 {add = true, strides = array<i32>} : memref<16x1024xf32, #tpu.memory_space<vmem>>, vector<1x16xf32>,
        %swap3A_605 = arith.constant 1 : i32
        %swap3A_606 = arith.index_cast %swap3A_605 : i32 to index
        %swap3A_607 = arith.index_cast %add3A_587 : i32 to index
        %swap3A_608 = tpu.vector_load %arg8[%swap3A_606, %swap3A_607] {strides = array<i32>} : memref<16x1024xf32, #tpu.memory_space<vmem>>, vector<1x16xf32>,
        %swap3A_609 = vector.shape_cast %swap3A_608 : vector<1x16xf32> to vector<16xf32>
        %swap3A_610 = vector.shape_cast %get3A_592 : vector<16xf32> to vector<1x16xf32>
        tpu.vector_store %arg8[%swap3A_606, %swap3A_607], %swap3A_610 {add = true, strides = array<i32>} : memref<16x1024xf32, #tpu.memory_space<vmem>>, vector<1x16xf32>,
        %swap3A_611 = arith.constant 1 : i32
        %swap3A_612 = arith.index_cast %swap3A_611 : i32 to index
        %swap3A_613 = arith.index_cast %add3A_587 : i32 to index
        %swap3A_614 = tpu.vector_load %arg9[%swap3A_612, %swap3A_613] {strides = array<i32>} : memref<16x1024xf32, #tpu.memory_space<vmem>>, vector<1x16xf32>,
        %swap3A_615 = vector.shape_cast %swap3A_614 : vector<1x16xf32> to vector<16xf32>
        %swap3A_616 = vector.shape_cast %get3A_592 : vector<16xf32> to vector<1x16xf32>
        tpu.vector_store %arg9[%swap3A_612, %swap3A_613], %swap3A_616 {add = true, strides = array<i32>} : memref<16x1024xf32, #tpu.memory_space<vmem>>, vector<1x16xf32>,
        %add3A_617 = arith.constant 112 : i32
        %add3A_618 = arith.addi %mul3A_153, %add3A_617 : i32
        %get3A_619 = arith.constant 1 : i32
        %get3A_620 = arith.index_cast %get3A_619 : i32 to index
        %get3A_621 = arith.index_cast %add3A_618 : i32 to index
        %get3A_622 = tpu.vector_load %arg5[%get3A_620, %get3A_621] {strides = array<i32>} : memref<16x1024xf32, #tpu.memory_space<vmem>>, vector<1x16xf32>,
        %get3A_623 = vector.shape_cast %get3A_622 : vector<1x16xf32> to vector<16xf32>
        %swap3A_624 = arith.constant 1 : i32
        %swap3A_625 = arith.index_cast %swap3A_624 : i32 to index
        %swap3A_626 = arith.index_cast %add3A_618 : i32 to index
        %swap3A_627 = tpu.vector_load %arg6[%swap3A_625, %swap3A_626] {strides = array<i32>} : memref<16x1024xf32, #tpu.memory_space<vmem>>, vector<1x16xf32>,
        %swap3A_628 = vector.shape_cast %swap3A_627 : vector<1x16xf32> to vector<16xf32>
        %swap3A_629 = vector.shape_cast %get3A_623 : vector<16xf32> to vector<1x16xf32>
        tpu.vector_store %arg6[%swap3A_625, %swap3A_626], %swap3A_629 {add = true, strides = array<i32>} : memref<16x1024xf32, #tpu.memory_space<vmem>>, vector<1x16xf32>,
        %swap3A_630 = arith.constant 1 : i32
        %swap3A_631 = arith.index_cast %swap3A_630 : i32 to index
        %swap3A_632 = arith.index_cast %add3A_618 : i32 to index
        %swap3A_633 = tpu.vector_load %arg7[%swap3A_631, %swap3A_632] {strides = array<i32>} : memref<16x1024xf32, #tpu.memory_space<vmem>>, vector<1x16xf32>,
        %swap3A_634 = vector.shape_cast %swap3A_633 : vector<1x16xf32> to vector<16xf32>
        %swap3A_635 = vector.shape_cast %get3A_623 : vector<16xf32> to vector<1x16xf32>
        tpu.vector_store %arg7[%swap3A_631, %swap3A_632], %swap3A_635 {add = true, strides = array<i32>} : memref<16x1024xf32, #tpu.memory_space<vmem>>, vector<1x16xf32>,
        %swap3A_636 = arith.constant 1 : i32
        %swap3A_637 = arith.index_cast %swap3A_636 : i32 to index
        %swap3A_638 = arith.index_cast %add3A_618 : i32 to index
        %swap3A_639 = tpu.vector_load %arg8[%swap3A_637, %swap3A_638] {strides = array<i32>} : memref<16x1024xf32, #tpu.memory_space<vmem>>, vector<1x16xf32>,
        %swap3A_640 = vector.shape_cast %swap3A_639 : vector<1x16xf32> to vector<16xf32>
        %swap3A_641 = vector.shape_cast %get3A_623 : vector<16xf32> to vector<1x16xf32>
        tpu.vector_store %arg8[%swap3A_637, %swap3A_638], %swap3A_641 {add = true, strides = array<i32>} : memref<16x1024xf32, #tpu.memory_space<vmem>>, vector<1x16xf32>,
        %swap3A_642 = arith.constant 1 : i32
        %swap3A_643 = arith.index_cast %swap3A_642 : i32 to index
        %swap3A_644 = arith.index_cast %add3A_618 : i32 to index
        %swap3A_645 = tpu.vector_load %arg9[%swap3A_643, %swap3A_644] {strides = array<i32>} : memref<16x1024xf32, #tpu.memory_space<vmem>>, vector<1x16xf32>,
        %swap3A_646 = vector.shape_cast %swap3A_645 : vector<1x16xf32> to vector<16xf32>
        %swap3A_647 = vector.shape_cast %get3A_623 : vector<16xf32> to vector<1x16xf32>
        tpu.vector_store %arg9[%swap3A_643, %swap3A_644], %swap3A_647 {add = true, strides = array<i32>} : memref<16x1024xf32, #tpu.memory_space<vmem>>, vector<1x16xf32>,
        %add3A_648 = arith.constant 0 : i32
        %add3A_649 = arith.addi %mul3A_153, %add3A_648 : i32
        %get3A_650 = arith.constant 2 : i32
        %get3A_651 = arith.index_cast %get3A_650 : i32 to index
        %get3A_652 = arith.index_cast %add3A_649 : i32 to index
        %get3A_653 = tpu.vector_load %arg5[%get3A_651, %get3A_652] {strides = array<i32>} : memref<16x1024xf32, #tpu.memory_space<vmem>>, vector<1x16xf32>,
        %get3A_654 = vector.shape_cast %get3A_653 : vector<1x16xf32> to vector<16xf32>
        %swap3A_655 = arith.constant 2 : i32
        %swap3A_656 = arith.index_cast %swap3A_655 : i32 to index
        %swap3A_657 = arith.index_cast %add3A_649 : i32 to index
        %swap3A_658 = tpu.vector_load %arg6[%swap3A_656, %swap3A_657] {strides = array<i32>} : memref<16x1024xf32, #tpu.memory_space<vmem>>, vector<1x16xf32>,
        %swap3A_659 = vector.shape_cast %swap3A_658 : vector<1x16xf32> to vector<16xf32>
        %swap3A_660 = vector.shape_cast %get3A_654 : vector<16xf32> to vector<1x16xf32>
        tpu.vector_store %arg6[%swap3A_656, %swap3A_657], %swap3A_660 {add = true, strides = array<i32>} : memref<16x1024xf32, #tpu.memory_space<vmem>>, vector<1x16xf32>,
        %swap3A_661 = arith.constant 2 : i32
        %swap3A_662 = arith.index_cast %swap3A_661 : i32 to index
        %swap3A_663 = arith.index_cast %add3A_649 : i32 to index
        %swap3A_664 = tpu.vector_load %arg7[%swap3A_662, %swap3A_663] {strides = array<i32>} : memref<16x1024xf32, #tpu.memory_space<vmem>>, vector<1x16xf32>,
        %swap3A_665 = vector.shape_cast %swap3A_664 : vector<1x16xf32> to vector<16xf32>
        %swap3A_666 = vector.shape_cast %get3A_654 : vector<16xf32> to vector<1x16xf32>
        tpu.vector_store %arg7[%swap3A_662, %swap3A_663], %swap3A_666 {add = true, strides = array<i32>} : memref<16x1024xf32, #tpu.memory_space<vmem>>, vector<1x16xf32>,
        %swap3A_667 = arith.constant 2 : i32
        %swap3A_668 = arith.index_cast %swap3A_667 : i32 to index
        %swap3A_669 = arith.index_cast %add3A_649 : i32 to index
        %swap3A_670 = tpu.vector_load %arg8[%swap3A_668, %swap3A_669] {strides = array<i32>} : memref<16x1024xf32, #tpu.memory_space<vmem>>, vector<1x16xf32>,
        %swap3A_671 = vector.shape_cast %swap3A_670 : vector<1x16xf32> to vector<16xf32>
        %swap3A_672 = vector.shape_cast %get3A_654 : vector<16xf32> to vector<1x16xf32>
        tpu.vector_store %arg8[%swap3A_668, %swap3A_669], %swap3A_672 {add = true, strides = array<i32>} : memref<16x1024xf32, #tpu.memory_space<vmem>>, vector<1x16xf32>,
        %swap3A_673 = arith.constant 2 : i32
        %swap3A_674 = arith.index_cast %swap3A_673 : i32 to index
        %swap3A_675 = arith.index_cast %add3A_649 : i32 to index
        %swap3A_676 = tpu.vector_load %arg9[%swap3A_674, %swap3A_675] {strides = array<i32>} : memref<16x1024xf32, #tpu.memory_space<vmem>>, vector<1x16xf32>,
        %swap3A_677 = vector.shape_cast %swap3A_676 : vector<1x16xf32> to vector<16xf32>
        %swap3A_678 = vector.shape_cast %get3A_654 : vector<16xf32> to vector<1x16xf32>
        tpu.vector_store %arg9[%swap3A_674, %swap3A_675], %swap3A_678 {add = true, strides = array<i32>} : memref<16x1024xf32, #tpu.memory_space<vmem>>, vector<1x16xf32>,
        %add3A_679 = arith.constant 16 : i32
        %add3A_680 = arith.addi %mul3A_153, %add3A_679 : i32
        %get3A_681 = arith.constant 2 : i32
        %get3A_682 = arith.index_cast %get3A_681 : i32 to index
        %get3A_683 = arith.index_cast %add3A_680 : i32 to index
        %get3A_684 = tpu.vector_load %arg5[%get3A_682, %get3A_683] {strides = array<i32>} : memref<16x1024xf32, #tpu.memory_space<vmem>>, vector<1x16xf32>,
        %get3A_685 = vector.shape_cast %get3A_684 : vector<1x16xf32> to vector<16xf32>
        %swap3A_686 = arith.constant 2 : i32
        %swap3A_687 = arith.index_cast %swap3A_686 : i32 to index
        %swap3A_688 = arith.index_cast %add3A_680 : i32 to index
        %swap3A_689 = tpu.vector_load %arg6[%swap3A_687, %swap3A_688] {strides = array<i32>} : memref<16x1024xf32, #tpu.memory_space<vmem>>, vector<1x16xf32>,
        %swap3A_690 = vector.shape_cast %swap3A_689 : vector<1x16xf32> to vector<16xf32>
        %swap3A_691 = vector.shape_cast %get3A_685 : vector<16xf32> to vector<1x16xf32>
        tpu.vector_store %arg6[%swap3A_687, %swap3A_688], %swap3A_691 {add = true, strides = array<i32>} : memref<16x1024xf32, #tpu.memory_space<vmem>>, vector<1x16xf32>,
        %swap3A_692 = arith.constant 2 : i32
        %swap3A_693 = arith.index_cast %swap3A_692 : i32 to index
        %swap3A_694 = arith.index_cast %add3A_680 : i32 to index
        %swap3A_695 = tpu.vector_load %arg7[%swap3A_693, %swap3A_694] {strides = array<i32>} : memref<16x1024xf32, #tpu.memory_space<vmem>>, vector<1x16xf32>,
        %swap3A_696 = vector.shape_cast %swap3A_695 : vector<1x16xf32> to vector<16xf32>
        %swap3A_697 = vector.shape_cast %get3A_685 : vector<16xf32> to vector<1x16xf32>
        tpu.vector_store %arg7[%swap3A_693, %swap3A_694], %swap3A_697 {add = true, strides = array<i32>} : memref<16x1024xf32, #tpu.memory_space<vmem>>, vector<1x16xf32>,
        %swap3A_698 = arith.constant 2 : i32
        %swap3A_699 = arith.index_cast %swap3A_698 : i32 to index
        %swap3A_700 = arith.index_cast %add3A_680 : i32 to index
        %swap3A_701 = tpu.vector_load %arg8[%swap3A_699, %swap3A_700] {strides = array<i32>} : memref<16x1024xf32, #tpu.memory_space<vmem>>, vector<1x16xf32>,
        %swap3A_702 = vector.shape_cast %swap3A_701 : vector<1x16xf32> to vector<16xf32>
        %swap3A_703 = vector.shape_cast %get3A_685 : vector<16xf32> to vector<1x16xf32>
        tpu.vector_store %arg8[%swap3A_699, %swap3A_700], %swap3A_703 {add = true, strides = array<i32>} : memref<16x1024xf32, #tpu.memory_space<vmem>>, vector<1x16xf32>,
        %swap3A_704 = arith.constant 2 : i32
        %swap3A_705 = arith.index_cast %swap3A_704 : i32 to index
        %swap3A_706 = arith.index_cast %add3A_680 : i32 to index
        %swap3A_707 = tpu.vector_load %arg9[%swap3A_705, %swap3A_706] {strides = array<i32>} : memref<16x1024xf32, #tpu.memory_space<vmem>>, vector<1x16xf32>,
        %swap3A_708 = vector.shape_cast %swap3A_707 : vector<1x16xf32> to vector<16xf32>
        %swap3A_709 = vector.shape_cast %get3A_685 : vector<16xf32> to vector<1x16xf32>
        tpu.vector_store %arg9[%swap3A_705, %swap3A_706], %swap3A_709 {add = true, strides = array<i32>} : memref<16x1024xf32, #tpu.memory_space<vmem>>, vector<1x16xf32>,
        %add3A_710 = arith.constant 32 : i32
        %add3A_711 = arith.addi %mul3A_153, %add3A_710 : i32
        %get3A_712 = arith.constant 2 : i32
        %get3A_713 = arith.index_cast %get3A_712 : i32 to index
        %get3A_714 = arith.index_cast %add3A_711 : i32 to index
        %get3A_715 = tpu.vector_load %arg5[%get3A_713, %get3A_714] {strides = array<i32>} : memref<16x1024xf32, #tpu.memory_space<vmem>>, vector<1x16xf32>,
        %get3A_716 = vector.shape_cast %get3A_715 : vector<1x16xf32> to vector<16xf32>
        %swap3A_717 = arith.constant 2 : i32
        %swap3A_718 = arith.index_cast %swap3A_717 : i32 to index
        %swap3A_719 = arith.index_cast %add3A_711 : i32 to index
        %swap3A_720 = tpu.vector_load %arg6[%swap3A_718, %swap3A_719] {strides = array<i32>} : memref<16x1024xf32, #tpu.memory_space<vmem>>, vector<1x16xf32>,
        %swap3A_721 = vector.shape_cast %swap3A_720 : vector<1x16xf32> to vector<16xf32>
        %swap3A_722 = vector.shape_cast %get3A_716 : vector<16xf32> to vector<1x16xf32>
        tpu.vector_store %arg6[%swap3A_718, %swap3A_719], %swap3A_722 {add = true, strides = array<i32>} : memref<16x1024xf32, #tpu.memory_space<vmem>>, vector<1x16xf32>,
        %swap3A_723 = arith.constant 2 : i32
        %swap3A_724 = arith.index_cast %swap3A_723 : i32 to index
        %swap3A_725 = arith.index_cast %add3A_711 : i32 to index
        %swap3A_726 = tpu.vector_load %arg7[%swap3A_724, %swap3A_725] {strides = array<i32>} : memref<16x1024xf32, #tpu.memory_space<vmem>>, vector<1x16xf32>,
        %swap3A_727 = vector.shape_cast %swap3A_726 : vector<1x16xf32> to vector<16xf32>
        %swap3A_728 = vector.shape_cast %get3A_716 : vector<16xf32> to vector<1x16xf32>
        tpu.vector_store %arg7[%swap3A_724, %swap3A_725], %swap3A_728 {add = true, strides = array<i32>} : memref<16x1024xf32, #tpu.memory_space<vmem>>, vector<1x16xf32>,
        %swap3A_729 = arith.constant 2 : i32
        %swap3A_730 = arith.index_cast %swap3A_729 : i32 to index
        %swap3A_731 = arith.index_cast %add3A_711 : i32 to index
        %swap3A_732 = tpu.vector_load %arg8[%swap3A_730, %swap3A_731] {strides = array<i32>} : memref<16x1024xf32, #tpu.memory_space<vmem>>, vector<1x16xf32>,
        %swap3A_733 = vector.shape_cast %swap3A_732 : vector<1x16xf32> to vector<16xf32>
        %swap3A_734 = vector.shape_cast %get3A_716 : vector<16xf32> to vector<1x16xf32>
        tpu.vector_store %arg8[%swap3A_730, %swap3A_731], %swap3A_734 {add = true, strides = array<i32>} : memref<16x1024xf32, #tpu.memory_space<vmem>>, vector<1x16xf32>,
        %swap3A_735 = arith.constant 2 : i32
        %swap3A_736 = arith.index_cast %swap3A_735 : i32 to index
        %swap3A_737 = arith.index_cast %add3A_711 : i32 to index
        %swap3A_738 = tpu.vector_load %arg9[%swap3A_736, %swap3A_737] {strides = array<i32>} : memref<16x1024xf32, #tpu.memory_space<vmem>>, vector<1x16xf32>,
        %swap3A_739 = vector.shape_cast %swap3A_738 : vector<1x16xf32> to vector<16xf32>
        %swap3A_740 = vector.shape_cast %get3A_716 : vector<16xf32> to vector<1x16xf32>
        tpu.vector_store %arg9[%swap3A_736, %swap3A_737], %swap3A_740 {add = true, strides = array<i32>} : memref<16x1024xf32, #tpu.memory_space<vmem>>, vector<1x16xf32>,
        %add3A_741 = arith.constant 48 : i32
        %add3A_742 = arith.addi %mul3A_153, %add3A_741 : i32
        %get3A_743 = arith.constant 2 : i32
        %get3A_744 = arith.index_cast %get3A_743 : i32 to index
        %get3A_745 = arith.index_cast %add3A_742 : i32 to index
        %get3A_746 = tpu.vector_load %arg5[%get3A_744, %get3A_745] {strides = array<i32>} : memref<16x1024xf32, #tpu.memory_space<vmem>>, vector<1x16xf32>,
        %get3A_747 = vector.shape_cast %get3A_746 : vector<1x16xf32> to vector<16xf32>
        %swap3A_748 = arith.constant 2 : i32
        %swap3A_749 = arith.index_cast %swap3A_748 : i32 to index
        %swap3A_750 = arith.index_cast %add3A_742 : i32 to index
        %swap3A_751 = tpu.vector_load %arg6[%swap3A_749, %swap3A_750] {strides = array<i32>} : memref<16x1024xf32, #tpu.memory_space<vmem>>, vector<1x16xf32>,
        %swap3A_752 = vector.shape_cast %swap3A_751 : vector<1x16xf32> to vector<16xf32>
        %swap3A_753 = vector.shape_cast %get3A_747 : vector<16xf32> to vector<1x16xf32>
        tpu.vector_store %arg6[%swap3A_749, %swap3A_750], %swap3A_753 {add = true, strides = array<i32>} : memref<16x1024xf32, #tpu.memory_space<vmem>>, vector<1x16xf32>,
        %swap3A_754 = arith.constant 2 : i32
        %swap3A_755 = arith.index_cast %swap3A_754 : i32 to index
        %swap3A_756 = arith.index_cast %add3A_742 : i32 to index
        %swap3A_757 = tpu.vector_load %arg7[%swap3A_755, %swap3A_756] {strides = array<i32>} : memref<16x1024xf32, #tpu.memory_space<vmem>>, vector<1x16xf32>,
        %swap3A_758 = vector.shape_cast %swap3A_757 : vector<1x16xf32> to vector<16xf32>
        %swap3A_759 = vector.shape_cast %get3A_747 : vector<16xf32> to vector<1x16xf32>
        tpu.vector_store %arg7[%swap3A_755, %swap3A_756], %swap3A_759 {add = true, strides = array<i32>} : memref<16x1024xf32, #tpu.memory_space<vmem>>, vector<1x16xf32>,
        %swap3A_760 = arith.constant 2 : i32
        %swap3A_761 = arith.index_cast %swap3A_760 : i32 to index
        %swap3A_762 = arith.index_cast %add3A_742 : i32 to index
        %swap3A_763 = tpu.vector_load %arg8[%swap3A_761, %swap3A_762] {strides = array<i32>} : memref<16x1024xf32, #tpu.memory_space<vmem>>, vector<1x16xf32>,
        %swap3A_764 = vector.shape_cast %swap3A_763 : vector<1x16xf32> to vector<16xf32>
        %swap3A_765 = vector.shape_cast %get3A_747 : vector<16xf32> to vector<1x16xf32>
        tpu.vector_store %arg8[%swap3A_761, %swap3A_762], %swap3A_765 {add = true, strides = array<i32>} : memref<16x1024xf32, #tpu.memory_space<vmem>>, vector<1x16xf32>,
        %swap3A_766 = arith.constant 2 : i32
        %swap3A_767 = arith.index_cast %swap3A_766 : i32 to index
        %swap3A_768 = arith.index_cast %add3A_742 : i32 to index
        %swap3A_769 = tpu.vector_load %arg9[%swap3A_767, %swap3A_768] {strides = array<i32>} : memref<16x1024xf32, #tpu.memory_space<vmem>>, vector<1x16xf32>,
        %swap3A_770 = vector.shape_cast %swap3A_769 : vector<1x16xf32> to vector<16xf32>
        %swap3A_771 = vector.shape_cast %get3A_747 : vector<16xf32> to vector<1x16xf32>
        tpu.vector_store %arg9[%swap3A_767, %swap3A_768], %swap3A_771 {add = true, strides = array<i32>} : memref<16x1024xf32, #tpu.memory_space<vmem>>, vector<1x16xf32>,
        %add3A_772 = arith.constant 64 : i32
        %add3A_773 = arith.addi %mul3A_153, %add3A_772 : i32
        %get3A_774 = arith.constant 2 : i32
        %get3A_775 = arith.index_cast %get3A_774 : i32 to index
        %get3A_776 = arith.index_cast %add3A_773 : i32 to index
        %get3A_777 = tpu.vector_load %arg5[%get3A_775, %get3A_776] {strides = array<i32>} : memref<16x1024xf32, #tpu.memory_space<vmem>>, vector<1x16xf32>,
        %get3A_778 = vector.shape_cast %get3A_777 : vector<1x16xf32> to vector<16xf32>
        %swap3A_779 = arith.constant 2 : i32
        %swap3A_780 = arith.index_cast %swap3A_779 : i32 to index
        %swap3A_781 = arith.index_cast %add3A_773 : i32 to index
        %swap3A_782 = tpu.vector_load %arg6[%swap3A_780, %swap3A_781] {strides = array<i32>} : memref<16x1024xf32, #tpu.memory_space<vmem>>, vector<1x16xf32>,
        %swap3A_783 = vector.shape_cast %swap3A_782 : vector<1x16xf32> to vector<16xf32>
        %swap3A_784 = vector.shape_cast %get3A_778 : vector<16xf32> to vector<1x16xf32>
        tpu.vector_store %arg6[%swap3A_780, %swap3A_781], %swap3A_784 {add = true, strides = array<i32>} : memref<16x1024xf32, #tpu.memory_space<vmem>>, vector<1x16xf32>,
        %swap3A_785 = arith.constant 2 : i32
        %swap3A_786 = arith.index_cast %swap3A_785 : i32 to index
        %swap3A_787 = arith.index_cast %add3A_773 : i32 to index
        %swap3A_788 = tpu.vector_load %arg7[%swap3A_786, %swap3A_787] {strides = array<i32>} : memref<16x1024xf32, #tpu.memory_space<vmem>>, vector<1x16xf32>,
        %swap3A_789 = vector.shape_cast %swap3A_788 : vector<1x16xf32> to vector<16xf32>
        %swap3A_790 = vector.shape_cast %get3A_778 : vector<16xf32> to vector<1x16xf32>
        tpu.vector_store %arg7[%swap3A_786, %swap3A_787], %swap3A_790 {add = true, strides = array<i32>} : memref<16x1024xf32, #tpu.memory_space<vmem>>, vector<1x16xf32>,
        %swap3A_791 = arith.constant 2 : i32
        %swap3A_792 = arith.index_cast %swap3A_791 : i32 to index
        %swap3A_793 = arith.index_cast %add3A_773 : i32 to index
        %swap3A_794 = tpu.vector_load %arg8[%swap3A_792, %swap3A_793] {strides = array<i32>} : memref<16x1024xf32, #tpu.memory_space<vmem>>, vector<1x16xf32>,
        %swap3A_795 = vector.shape_cast %swap3A_794 : vector<1x16xf32> to vector<16xf32>
        %swap3A_796 = vector.shape_cast %get3A_778 : vector<16xf32> to vector<1x16xf32>
        tpu.vector_store %arg8[%swap3A_792, %swap3A_793], %swap3A_796 {add = true, strides = array<i32>} : memref<16x1024xf32, #tpu.memory_space<vmem>>, vector<1x16xf32>,
        %swap3A_797 = arith.constant 2 : i32
        %swap3A_798 = arith.index_cast %swap3A_797 : i32 to index
        %swap3A_799 = arith.index_cast %add3A_773 : i32 to index
        %swap3A_800 = tpu.vector_load %arg9[%swap3A_798, %swap3A_799] {strides = array<i32>} : memref<16x1024xf32, #tpu.memory_space<vmem>>, vector<1x16xf32>,
        %swap3A_801 = vector.shape_cast %swap3A_800 : vector<1x16xf32> to vector<16xf32>
        %swap3A_802 = vector.shape_cast %get3A_778 : vector<16xf32> to vector<1x16xf32>
        tpu.vector_store %arg9[%swap3A_798, %swap3A_799], %swap3A_802 {add = true, strides = array<i32>} : memref<16x1024xf32, #tpu.memory_space<vmem>>, vector<1x16xf32>,
        %add3A_803 = arith.constant 80 : i32
        %add3A_804 = arith.addi %mul3A_153, %add3A_803 : i32
        %get3A_805 = arith.constant 2 : i32
        %get3A_806 = arith.index_cast %get3A_805 : i32 to index
        %get3A_807 = arith.index_cast %add3A_804 : i32 to index
        %get3A_808 = tpu.vector_load %arg5[%get3A_806, %get3A_807] {strides = array<i32>} : memref<16x1024xf32, #tpu.memory_space<vmem>>, vector<1x16xf32>,
        %get3A_809 = vector.shape_cast %get3A_808 : vector<1x16xf32> to vector<16xf32>
        %swap3A_810 = arith.constant 2 : i32
        %swap3A_811 = arith.index_cast %swap3A_810 : i32 to index
        %swap3A_812 = arith.index_cast %add3A_804 : i32 to index
        %swap3A_813 = tpu.vector_load %arg6[%swap3A_811, %swap3A_812] {strides = array<i32>} : memref<16x1024xf32, #tpu.memory_space<vmem>>, vector<1x16xf32>,
        %swap3A_814 = vector.shape_cast %swap3A_813 : vector<1x16xf32> to vector<16xf32>
        %swap3A_815 = vector.shape_cast %get3A_809 : vector<16xf32> to vector<1x16xf32>
        tpu.vector_store %arg6[%swap3A_811, %swap3A_812], %swap3A_815 {add = true, strides = array<i32>} : memref<16x1024xf32, #tpu.memory_space<vmem>>, vector<1x16xf32>,
        %swap3A_816 = arith.constant 2 : i32
        %swap3A_817 = arith.index_cast %swap3A_816 : i32 to index
        %swap3A_818 = arith.index_cast %add3A_804 : i32 to index
        %swap3A_819 = tpu.vector_load %arg7[%swap3A_817, %swap3A_818] {strides = array<i32>} : memref<16x1024xf32, #tpu.memory_space<vmem>>, vector<1x16xf32>,
        %swap3A_820 = vector.shape_cast %swap3A_819 : vector<1x16xf32> to vector<16xf32>
        %swap3A_821 = vector.shape_cast %get3A_809 : vector<16xf32> to vector<1x16xf32>
        tpu.vector_store %arg7[%swap3A_817, %swap3A_818], %swap3A_821 {add = true, strides = array<i32>} : memref<16x1024xf32, #tpu.memory_space<vmem>>, vector<1x16xf32>,
        %swap3A_822 = arith.constant 2 : i32
        %swap3A_823 = arith.index_cast %swap3A_822 : i32 to index
        %swap3A_824 = arith.index_cast %add3A_804 : i32 to index
        %swap3A_825 = tpu.vector_load %arg8[%swap3A_823, %swap3A_824] {strides = array<i32>} : memref<16x1024xf32, #tpu.memory_space<vmem>>, vector<1x16xf32>,
        %swap3A_826 = vector.shape_cast %swap3A_825 : vector<1x16xf32> to vector<16xf32>
        %swap3A_827 = vector.shape_cast %get3A_809 : vector<16xf32> to vector<1x16xf32>
        tpu.vector_store %arg8[%swap3A_823, %swap3A_824], %swap3A_827 {add = true, strides = array<i32>} : memref<16x1024xf32, #tpu.memory_space<vmem>>, vector<1x16xf32>,
        %swap3A_828 = arith.constant 2 : i32
        %swap3A_829 = arith.index_cast %swap3A_828 : i32 to index
        %swap3A_830 = arith.index_cast %add3A_804 : i32 to index
        %swap3A_831 = tpu.vector_load %arg9[%swap3A_829, %swap3A_830] {strides = array<i32>} : memref<16x1024xf32, #tpu.memory_space<vmem>>, vector<1x16xf32>,
        %swap3A_832 = vector.shape_cast %swap3A_831 : vector<1x16xf32> to vector<16xf32>
        %swap3A_833 = vector.shape_cast %get3A_809 : vector<16xf32> to vector<1x16xf32>
        tpu.vector_store %arg9[%swap3A_829, %swap3A_830], %swap3A_833 {add = true, strides = array<i32>} : memref<16x1024xf32, #tpu.memory_space<vmem>>, vector<1x16xf32>,
        %add3A_834 = arith.constant 96 : i32
        %add3A_835 = arith.addi %mul3A_153, %add3A_834 : i32
        %get3A_836 = arith.constant 2 : i32
        %get3A_837 = arith.index_cast %get3A_836 : i32 to index
        %get3A_838 = arith.index_cast %add3A_835 : i32 to index
        %get3A_839 = tpu.vector_load %arg5[%get3A_837, %get3A_838] {strides = array<i32>} : memref<16x1024xf32, #tpu.memory_space<vmem>>, vector<1x16xf32>,
        %get3A_840 = vector.shape_cast %get3A_839 : vector<1x16xf32> to vector<16xf32>
        %swap3A_841 = arith.constant 2 : i32
        %swap3A_842 = arith.index_cast %swap3A_841 : i32 to index
        %swap3A_843 = arith.index_cast %add3A_835 : i32 to index
        %swap3A_844 = tpu.vector_load %arg6[%swap3A_842, %swap3A_843] {strides = array<i32>} : memref<16x1024xf32, #tpu.memory_space<vmem>>, vector<1x16xf32>,
        %swap3A_845 = vector.shape_cast %swap3A_844 : vector<1x16xf32> to vector<16xf32>
        %swap3A_846 = vector.shape_cast %get3A_840 : vector<16xf32> to vector<1x16xf32>
        tpu.vector_store %arg6[%swap3A_842, %swap3A_843], %swap3A_846 {add = true, strides = array<i32>} : memref<16x1024xf32, #tpu.memory_space<vmem>>, vector<1x16xf32>,
        %swap3A_847 = arith.constant 2 : i32
        %swap3A_848 = arith.index_cast %swap3A_847 : i32 to index
        %swap3A_849 = arith.index_cast %add3A_835 : i32 to index
        %swap3A_850 = tpu.vector_load %arg7[%swap3A_848, %swap3A_849] {strides = array<i32>} : memref<16x1024xf32, #tpu.memory_space<vmem>>, vector<1x16xf32>,
        %swap3A_851 = vector.shape_cast %swap3A_850 : vector<1x16xf32> to vector<16xf32>
        %swap3A_852 = vector.shape_cast %get3A_840 : vector<16xf32> to vector<1x16xf32>
        tpu.vector_store %arg7[%swap3A_848, %swap3A_849], %swap3A_852 {add = true, strides = array<i32>} : memref<16x1024xf32, #tpu.memory_space<vmem>>, vector<1x16xf32>,
        %swap3A_853 = arith.constant 2 : i32
        %swap3A_854 = arith.index_cast %swap3A_853 : i32 to index
        %swap3A_855 = arith.index_cast %add3A_835 : i32 to index
        %swap3A_856 = tpu.vector_load %arg8[%swap3A_854, %swap3A_855] {strides = array<i32>} : memref<16x1024xf32, #tpu.memory_space<vmem>>, vector<1x16xf32>,
        %swap3A_857 = vector.shape_cast %swap3A_856 : vector<1x16xf32> to vector<16xf32>
        %swap3A_858 = vector.shape_cast %get3A_840 : vector<16xf32> to vector<1x16xf32>
        tpu.vector_store %arg8[%swap3A_854, %swap3A_855], %swap3A_858 {add = true, strides = array<i32>} : memref<16x1024xf32, #tpu.memory_space<vmem>>, vector<1x16xf32>,
        %swap3A_859 = arith.constant 2 : i32
        %swap3A_860 = arith.index_cast %swap3A_859 : i32 to index
        %swap3A_861 = arith.index_cast %add3A_835 : i32 to index
        %swap3A_862 = tpu.vector_load %arg9[%swap3A_860, %swap3A_861] {strides = array<i32>} : memref<16x1024xf32, #tpu.memory_space<vmem>>, vector<1x16xf32>,
        %swap3A_863 = vector.shape_cast %swap3A_862 : vector<1x16xf32> to vector<16xf32>
        %swap3A_864 = vector.shape_cast %get3A_840 : vector<16xf32> to vector<1x16xf32>
        tpu.vector_store %arg9[%swap3A_860, %swap3A_861], %swap3A_864 {add = true, strides = array<i32>} : memref<16x1024xf32, #tpu.memory_space<vmem>>, vector<1x16xf32>,
        %add3A_865 = arith.constant 112 : i32
        %add3A_866 = arith.addi %mul3A_153, %add3A_865 : i32
        %get3A_867 = arith.constant 2 : i32
        %get3A_868 = arith.index_cast %get3A_867 : i32 to index
        %get3A_869 = arith.index_cast %add3A_866 : i32 to index
        %get3A_870 = tpu.vector_load %arg5[%get3A_868, %get3A_869] {strides = array<i32>} : memref<16x1024xf32, #tpu.memory_space<vmem>>, vector<1x16xf32>,
        %get3A_871 = vector.shape_cast %get3A_870 : vector<1x16xf32> to vector<16xf32>
        %swap3A_872 = arith.constant 2 : i32
        %swap3A_873 = arith.index_cast %swap3A_872 : i32 to index
        %swap3A_874 = arith.index_cast %add3A_866 : i32 to index
        %swap3A_875 = tpu.vector_load %arg6[%swap3A_873, %swap3A_874] {strides = array<i32>} : memref<16x1024xf32, #tpu.memory_space<vmem>>, vector<1x16xf32>,
        %swap3A_876 = vector.shape_cast %swap3A_875 : vector<1x16xf32> to vector<16xf32>
        %swap3A_877 = vector.shape_cast %get3A_871 : vector<16xf32> to vector<1x16xf32>
        tpu.vector_store %arg6[%swap3A_873, %swap3A_874], %swap3A_877 {add = true, strides = array<i32>} : memref<16x1024xf32, #tpu.memory_space<vmem>>, vector<1x16xf32>,
        %swap3A_878 = arith.constant 2 : i32
        %swap3A_879 = arith.index_cast %swap3A_878 : i32 to index
        %swap3A_880 = arith.index_cast %add3A_866 : i32 to index
        %swap3A_881 = tpu.vector_load %arg7[%swap3A_879, %swap3A_880] {strides = array<i32>} : memref<16x1024xf32, #tpu.memory_space<vmem>>, vector<1x16xf32>,
        %swap3A_882 = vector.shape_cast %swap3A_881 : vector<1x16xf32> to vector<16xf32>
        %swap3A_883 = vector.shape_cast %get3A_871 : vector<16xf32> to vector<1x16xf32>
        tpu.vector_store %arg7[%swap3A_879, %swap3A_880], %swap3A_883 {add = true, strides = array<i32>} : memref<16x1024xf32, #tpu.memory_space<vmem>>, vector<1x16xf32>,
        %swap3A_884 = arith.constant 2 : i32
        %swap3A_885 = arith.index_cast %swap3A_884 : i32 to index
        %swap3A_886 = arith.index_cast %add3A_866 : i32 to index
        %swap3A_887 = tpu.vector_load %arg8[%swap3A_885, %swap3A_886] {strides = array<i32>} : memref<16x1024xf32, #tpu.memory_space<vmem>>, vector<1x16xf32>,
        %swap3A_888 = vector.shape_cast %swap3A_887 : vector<1x16xf32> to vector<16xf32>
        %swap3A_889 = vector.shape_cast %get3A_871 : vector<16xf32> to vector<1x16xf32>
        tpu.vector_store %arg8[%swap3A_885, %swap3A_886], %swap3A_889 {add = true, strides = array<i32>} : memref<16x1024xf32, #tpu.memory_space<vmem>>, vector<1x16xf32>,
        %swap3A_890 = arith.constant 2 : i32
        %swap3A_891 = arith.index_cast %swap3A_890 : i32 to index
        %swap3A_892 = arith.index_cast %add3A_866 : i32 to index
        %swap3A_893 = tpu.vector_load %arg9[%swap3A_891, %swap3A_892] {strides = array<i32>} : memref<16x1024xf32, #tpu.memory_space<vmem>>, vector<1x16xf32>,
        %swap3A_894 = vector.shape_cast %swap3A_893 : vector<1x16xf32> to vector<16xf32>
        %swap3A_895 = vector.shape_cast %get3A_871 : vector<16xf32> to vector<1x16xf32>
        tpu.vector_store %arg9[%swap3A_891, %swap3A_892], %swap3A_895 {add = true, strides = array<i32>} : memref<16x1024xf32, #tpu.memory_space<vmem>>, vector<1x16xf32>,
        %add3A_896 = arith.constant 0 : i32
        %add3A_897 = arith.addi %mul3A_153, %add3A_896 : i32
        %get3A_898 = arith.constant 3 : i32
        %get3A_899 = arith.index_cast %get3A_898 : i32 to index
        %get3A_900 = arith.index_cast %add3A_897 : i32 to index
        %get3A_901 = tpu.vector_load %arg5[%get3A_899, %get3A_900] {strides = array<i32>} : memref<16x1024xf32, #tpu.memory_space<vmem>>, vector<1x16xf32>,
        %get3A_902 = vector.shape_cast %get3A_901 : vector<1x16xf32> to vector<16xf32>
        %swap3A_903 = arith.constant 3 : i32
        %swap3A_904 = arith.index_cast %swap3A_903 : i32 to index
        %swap3A_905 = arith.index_cast %add3A_897 : i32 to index
        %swap3A_906 = tpu.vector_load %arg6[%swap3A_904, %swap3A_905] {strides = array<i32>} : memref<16x1024xf32, #tpu.memory_space<vmem>>, vector<1x16xf32>,
        %swap3A_907 = vector.shape_cast %swap3A_906 : vector<1x16xf32> to vector<16xf32>
        %swap3A_908 = vector.shape_cast %get3A_902 : vector<16xf32> to vector<1x16xf32>
        tpu.vector_store %arg6[%swap3A_904, %swap3A_905], %swap3A_908 {add = true, strides = array<i32>} : memref<16x1024xf32, #tpu.memory_space<vmem>>, vector<1x16xf32>,
        %swap3A_909 = arith.constant 3 : i32
        %swap3A_910 = arith.index_cast %swap3A_909 : i32 to index
        %swap3A_911 = arith.index_cast %add3A_897 : i32 to index
        %swap3A_912 = tpu.vector_load %arg7[%swap3A_910, %swap3A_911] {strides = array<i32>} : memref<16x1024xf32, #tpu.memory_space<vmem>>, vector<1x16xf32>,
        %swap3A_913 = vector.shape_cast %swap3A_912 : vector<1x16xf32> to vector<16xf32>
        %swap3A_914 = vector.shape_cast %get3A_902 : vector<16xf32> to vector<1x16xf32>
        tpu.vector_store %arg7[%swap3A_910, %swap3A_911], %swap3A_914 {add = true, strides = array<i32>} : memref<16x1024xf32, #tpu.memory_space<vmem>>, vector<1x16xf32>,
        %swap3A_915 = arith.constant 3 : i32
        %swap3A_916 = arith.index_cast %swap3A_915 : i32 to index
        %swap3A_917 = arith.index_cast %add3A_897 : i32 to index
        %swap3A_918 = tpu.vector_load %arg8[%swap3A_916, %swap3A_917] {strides = array<i32>} : memref<16x1024xf32, #tpu.memory_space<vmem>>, vector<1x16xf32>,
        %swap3A_919 = vector.shape_cast %swap3A_918 : vector<1x16xf32> to vector<16xf32>
        %swap3A_920 = vector.shape_cast %get3A_902 : vector<16xf32> to vector<1x16xf32>
        tpu.vector_store %arg8[%swap3A_916, %swap3A_917], %swap3A_920 {add = true, strides = array<i32>} : memref<16x1024xf32, #tpu.memory_space<vmem>>, vector<1x16xf32>,
        %swap3A_921 = arith.constant 3 : i32
        %swap3A_922 = arith.index_cast %swap3A_921 : i32 to index
        %swap3A_923 = arith.index_cast %add3A_897 : i32 to index
        %swap3A_924 = tpu.vector_load %arg9[%swap3A_922, %swap3A_923] {strides = array<i32>} : memref<16x1024xf32, #tpu.memory_space<vmem>>, vector<1x16xf32>,
        %swap3A_925 = vector.shape_cast %swap3A_924 : vector<1x16xf32> to vector<16xf32>
        %swap3A_926 = vector.shape_cast %get3A_902 : vector<16xf32> to vector<1x16xf32>
        tpu.vector_store %arg9[%swap3A_922, %swap3A_923], %swap3A_926 {add = true, strides = array<i32>} : memref<16x1024xf32, #tpu.memory_space<vmem>>, vector<1x16xf32>,
        %add3A_927 = arith.constant 16 : i32
        %add3A_928 = arith.addi %mul3A_153, %add3A_927 : i32
        %get3A_929 = arith.constant 3 : i32
        %get3A_930 = arith.index_cast %get3A_929 : i32 to index
        %get3A_931 = arith.index_cast %add3A_928 : i32 to index
        %get3A_932 = tpu.vector_load %arg5[%get3A_930, %get3A_931] {strides = array<i32>} : memref<16x1024xf32, #tpu.memory_space<vmem>>, vector<1x16xf32>,
        %get3A_933 = vector.shape_cast %get3A_932 : vector<1x16xf32> to vector<16xf32>
        %swap3A_934 = arith.constant 3 : i32
        %swap3A_935 = arith.index_cast %swap3A_934 : i32 to index
        %swap3A_936 = arith.index_cast %add3A_928 : i32 to index
        %swap3A_937 = tpu.vector_load %arg6[%swap3A_935, %swap3A_936] {strides = array<i32>} : memref<16x1024xf32, #tpu.memory_space<vmem>>, vector<1x16xf32>,
        %swap3A_938 = vector.shape_cast %swap3A_937 : vector<1x16xf32> to vector<16xf32>
        %swap3A_939 = vector.shape_cast %get3A_933 : vector<16xf32> to vector<1x16xf32>
        tpu.vector_store %arg6[%swap3A_935, %swap3A_936], %swap3A_939 {add = true, strides = array<i32>} : memref<16x1024xf32, #tpu.memory_space<vmem>>, vector<1x16xf32>,
        %swap3A_940 = arith.constant 3 : i32
        %swap3A_941 = arith.index_cast %swap3A_940 : i32 to index
        %swap3A_942 = arith.index_cast %add3A_928 : i32 to index
        %swap3A_943 = tpu.vector_load %arg7[%swap3A_941, %swap3A_942] {strides = array<i32>} : memref<16x1024xf32, #tpu.memory_space<vmem>>, vector<1x16xf32>,
        %swap3A_944 = vector.shape_cast %swap3A_943 : vector<1x16xf32> to vector<16xf32>
        %swap3A_945 = vector.shape_cast %get3A_933 : vector<16xf32> to vector<1x16xf32>
        tpu.vector_store %arg7[%swap3A_941, %swap3A_942], %swap3A_945 {add = true, strides = array<i32>} : memref<16x1024xf32, #tpu.memory_space<vmem>>, vector<1x16xf32>,
        %swap3A_946 = arith.constant 3 : i32
        %swap3A_947 = arith.index_cast %swap3A_946 : i32 to index
        %swap3A_948 = arith.index_cast %add3A_928 : i32 to index
        %swap3A_949 = tpu.vector_load %arg8[%swap3A_947, %swap3A_948] {strides = array<i32>} : memref<16x1024xf32, #tpu.memory_space<vmem>>, vector<1x16xf32>,
        %swap3A_950 = vector.shape_cast %swap3A_949 : vector<1x16xf32> to vector<16xf32>
        %swap3A_951 = vector.shape_cast %get3A_933 : vector<16xf32> to vector<1x16xf32>
        tpu.vector_store %arg8[%swap3A_947, %swap3A_948], %swap3A_951 {add = true, strides = array<i32>} : memref<16x1024xf32, #tpu.memory_space<vmem>>, vector<1x16xf32>,
        %swap3A_952 = arith.constant 3 : i32
        %swap3A_953 = arith.index_cast %swap3A_952 : i32 to index
        %swap3A_954 = arith.index_cast %add3A_928 : i32 to index
        %swap3A_955 = tpu.vector_load %arg9[%swap3A_953, %swap3A_954] {strides = array<i32>} : memref<16x1024xf32, #tpu.memory_space<vmem>>, vector<1x16xf32>,
        %swap3A_956 = vector.shape_cast %swap3A_955 : vector<1x16xf32> to vector<16xf32>
        %swap3A_957 = vector.shape_cast %get3A_933 : vector<16xf32> to vector<1x16xf32>
        tpu.vector_store %arg9[%swap3A_953, %swap3A_954], %swap3A_957 {add = true, strides = array<i32>} : memref<16x1024xf32, #tpu.memory_space<vmem>>, vector<1x16xf32>,
        %add3A_958 = arith.constant 32 : i32
        %add3A_959 = arith.addi %mul3A_153, %add3A_958 : i32
        %get3A_960 = arith.constant 3 : i32
        %get3A_961 = arith.index_cast %get3A_960 : i32 to index
        %get3A_962 = arith.index_cast %add3A_959 : i32 to index
        %get3A_963 = tpu.vector_load %arg5[%get3A_961, %get3A_962] {strides = array<i32>} : memref<16x1024xf32, #tpu.memory_space<vmem>>, vector<1x16xf32>,
        %get3A_964 = vector.shape_cast %get3A_963 : vector<1x16xf32> to vector<16xf32>
        %swap3A_965 = arith.constant 3 : i32
        %swap3A_966 = arith.index_cast %swap3A_965 : i32 to index
        %swap3A_967 = arith.index_cast %add3A_959 : i32 to index
        %swap3A_968 = tpu.vector_load %arg6[%swap3A_966, %swap3A_967] {strides = array<i32>} : memref<16x1024xf32, #tpu.memory_space<vmem>>, vector<1x16xf32>,
        %swap3A_969 = vector.shape_cast %swap3A_968 : vector<1x16xf32> to vector<16xf32>
        %swap3A_970 = vector.shape_cast %get3A_964 : vector<16xf32> to vector<1x16xf32>
        tpu.vector_store %arg6[%swap3A_966, %swap3A_967], %swap3A_970 {add = true, strides = array<i32>} : memref<16x1024xf32, #tpu.memory_space<vmem>>, vector<1x16xf32>,
        %swap3A_971 = arith.constant 3 : i32
        %swap3A_972 = arith.index_cast %swap3A_971 : i32 to index
        %swap3A_973 = arith.index_cast %add3A_959 : i32 to index
        %swap3A_974 = tpu.vector_load %arg7[%swap3A_972, %swap3A_973] {strides = array<i32>} : memref<16x1024xf32, #tpu.memory_space<vmem>>, vector<1x16xf32>,
        %swap3A_975 = vector.shape_cast %swap3A_974 : vector<1x16xf32> to vector<16xf32>
        %swap3A_976 = vector.shape_cast %get3A_964 : vector<16xf32> to vector<1x16xf32>
        tpu.vector_store %arg7[%swap3A_972, %swap3A_973], %swap3A_976 {add = true, strides = array<i32>} : memref<16x1024xf32, #tpu.memory_space<vmem>>, vector<1x16xf32>,
        %swap3A_977 = arith.constant 3 : i32
        %swap3A_978 = arith.index_cast %swap3A_977 : i32 to index
        %swap3A_979 = arith.index_cast %add3A_959 : i32 to index
        %swap3A_980 = tpu.vector_load %arg8[%swap3A_978, %swap3A_979] {strides = array<i32>} : memref<16x1024xf32, #tpu.memory_space<vmem>>, vector<1x16xf32>,
        %swap3A_981 = vector.shape_cast %swap3A_980 : vector<1x16xf32> to vector<16xf32>
        %swap3A_982 = vector.shape_cast %get3A_964 : vector<16xf32> to vector<1x16xf32>
        tpu.vector_store %arg8[%swap3A_978, %swap3A_979], %swap3A_982 {add = true, strides = array<i32>} : memref<16x1024xf32, #tpu.memory_space<vmem>>, vector<1x16xf32>,
        %swap3A_983 = arith.constant 3 : i32
        %swap3A_984 = arith.index_cast %swap3A_983 : i32 to index
        %swap3A_985 = arith.index_cast %add3A_959 : i32 to index
        %swap3A_986 = tpu.vector_load %arg9[%swap3A_984, %swap3A_985] {strides = array<i32>} : memref<16x1024xf32, #tpu.memory_space<vmem>>, vector<1x16xf32>,
        %swap3A_987 = vector.shape_cast %swap3A_986 : vector<1x16xf32> to vector<16xf32>
        %swap3A_988 = vector.shape_cast %get3A_964 : vector<16xf32> to vector<1x16xf32>
        tpu.vector_store %arg9[%swap3A_984, %swap3A_985], %swap3A_988 {add = true, strides = array<i32>} : memref<16x1024xf32, #tpu.memory_space<vmem>>, vector<1x16xf32>,
        %add3A_989 = arith.constant 48 : i32
        %add3A_990 = arith.addi %mul3A_153, %add3A_989 : i32
        %get3A_991 = arith.constant 3 : i32
        %get3A_992 = arith.index_cast %get3A_991 : i32 to index
        %get3A_993 = arith.index_cast %add3A_990 : i32 to index
        %get3A_994 = tpu.vector_load %arg5[%get3A_992, %get3A_993] {strides = array<i32>} : memref<16x1024xf32, #tpu.memory_space<vmem>>, vector<1x16xf32>,
        %get3A_995 = vector.shape_cast %get3A_994 : vector<1x16xf32> to vector<16xf32>
        %swap3A_996 = arith.constant 3 : i32
        %swap3A_997 = arith.index_cast %swap3A_996 : i32 to index
        %swap3A_998 = arith.index_cast %add3A_990 : i32 to index
        %swap3A_999 = tpu.vector_load %arg6[%swap3A_997, %swap3A_998] {strides = array<i32>} : memref<16x1024xf32, #tpu.memory_space<vmem>>, vector<1x16xf32>,
        %swap3A_1000 = vector.shape_cast %swap3A_999 : vector<1x16xf32> to vector<16xf32>
        %swap3A_1001 = vector.shape_cast %get3A_995 : vector<16xf32> to vector<1x16xf32>
        tpu.vector_store %arg6[%swap3A_997, %swap3A_998], %swap3A_1001 {add = true, strides = array<i32>} : memref<16x1024xf32, #tpu.memory_space<vmem>>, vector<1x16xf32>,
        %swap3A_1002 = arith.constant 3 : i32
        %swap3A_1003 = arith.index_cast %swap3A_1002 : i32 to index
        %swap3A_1004 = arith.index_cast %add3A_990 : i32 to index
        %swap3A_1005 = tpu.vector_load %arg7[%swap3A_1003, %swap3A_1004] {strides = array<i32>} : memref<16x1024xf32, #tpu.memory_space<vmem>>, vector<1x16xf32>,
        %swap3A_1006 = vector.shape_cast %swap3A_1005 : vector<1x16xf32> to vector<16xf32>
        %swap3A_1007 = vector.shape_cast %get3A_995 : vector<16xf32> to vector<1x16xf32>
        tpu.vector_store %arg7[%swap3A_1003, %swap3A_1004], %swap3A_1007 {add = true, strides = array<i32>} : memref<16x1024xf32, #tpu.memory_space<vmem>>, vector<1x16xf32>,
        %swap3A_1008 = arith.constant 3 : i32
        %swap3A_1009 = arith.index_cast %swap3A_1008 : i32 to index
        %swap3A_1010 = arith.index_cast %add3A_990 : i32 to index
        %swap3A_1011 = tpu.vector_load %arg8[%swap3A_1009, %swap3A_1010] {strides = array<i32>} : memref<16x1024xf32, #tpu.memory_space<vmem>>, vector<1x16xf32>,
        %swap3A_1012 = vector.shape_cast %swap3A_1011 : vector<1x16xf32> to vector<16xf32>
        %swap3A_1013 = vector.shape_cast %get3A_995 : vector<16xf32> to vector<1x16xf32>
        tpu.vector_store %arg8[%swap3A_1009, %swap3A_1010], %swap3A_1013 {add = true, strides = array<i32>} : memref<16x1024xf32, #tpu.memory_space<vmem>>, vector<1x16xf32>,
        %swap3A_1014 = arith.constant 3 : i32
        %swap3A_1015 = arith.index_cast %swap3A_1014 : i32 to index
        %swap3A_1016 = arith.index_cast %add3A_990 : i32 to index
        %swap3A_1017 = tpu.vector_load %arg9[%swap3A_1015, %swap3A_1016] {strides = array<i32>} : memref<16x1024xf32, #tpu.memory_space<vmem>>, vector<1x16xf32>,
        %swap3A_1018 = vector.shape_cast %swap3A_1017 : vector<1x16xf32> to vector<16xf32>
        %swap3A_1019 = vector.shape_cast %get3A_995 : vector<16xf32> to vector<1x16xf32>
        tpu.vector_store %arg9[%swap3A_1015, %swap3A_1016], %swap3A_1019 {add = true, strides = array<i32>} : memref<16x1024xf32, #tpu.memory_space<vmem>>, vector<1x16xf32>,
        %add3A_1020 = arith.constant 64 : i32
        %add3A_1021 = arith.addi %mul3A_153, %add3A_1020 : i32
        %get3A_1022 = arith.constant 3 : i32
        %get3A_1023 = arith.index_cast %get3A_1022 : i32 to index
        %get3A_1024 = arith.index_cast %add3A_1021 : i32 to index
        %get3A_1025 = tpu.vector_load %arg5[%get3A_1023, %get3A_1024] {strides = array<i32>} : memref<16x1024xf32, #tpu.memory_space<vmem>>, vector<1x16xf32>,
        %get3A_1026 = vector.shape_cast %get3A_1025 : vector<1x16xf32> to vector<16xf32>
        %swap3A_1027 = arith.constant 3 : i32
        %swap3A_1028 = arith.index_cast %swap3A_1027 : i32 to index
        %swap3A_1029 = arith.index_cast %add3A_1021 : i32 to index
        %swap3A_1030 = tpu.vector_load %arg6[%swap3A_1028, %swap3A_1029] {strides = array<i32>} : memref<16x1024xf32, #tpu.memory_space<vmem>>, vector<1x16xf32>,
        %swap3A_1031 = vector.shape_cast %swap3A_1030 : vector<1x16xf32> to vector<16xf32>
        %swap3A_1032 = vector.shape_cast %get3A_1026 : vector<16xf32> to vector<1x16xf32>
        tpu.vector_store %arg6[%swap3A_1028, %swap3A_1029], %swap3A_1032 {add = true, strides = array<i32>} : memref<16x1024xf32, #tpu.memory_space<vmem>>, vector<1x16xf32>,
        %swap3A_1033 = arith.constant 3 : i32
        %swap3A_1034 = arith.index_cast %swap3A_1033 : i32 to index
        %swap3A_1035 = arith.index_cast %add3A_1021 : i32 to index
        %swap3A_1036 = tpu.vector_load %arg7[%swap3A_1034, %swap3A_1035] {strides = array<i32>} : memref<16x1024xf32, #tpu.memory_space<vmem>>, vector<1x16xf32>,
        %swap3A_1037 = vector.shape_cast %swap3A_1036 : vector<1x16xf32> to vector<16xf32>
        %swap3A_1038 = vector.shape_cast %get3A_1026 : vector<16xf32> to vector<1x16xf32>
        tpu.vector_store %arg7[%swap3A_1034, %swap3A_1035], %swap3A_1038 {add = true, strides = array<i32>} : memref<16x1024xf32, #tpu.memory_space<vmem>>, vector<1x16xf32>,
        %swap3A_1039 = arith.constant 3 : i32
        %swap3A_1040 = arith.index_cast %swap3A_1039 : i32 to index
        %swap3A_1041 = arith.index_cast %add3A_1021 : i32 to index
        %swap3A_1042 = tpu.vector_load %arg8[%swap3A_1040, %swap3A_1041] {strides = array<i32>} : memref<16x1024xf32, #tpu.memory_space<vmem>>, vector<1x16xf32>,
        %swap3A_1043 = vector.shape_cast %swap3A_1042 : vector<1x16xf32> to vector<16xf32>
        %swap3A_1044 = vector.shape_cast %get3A_1026 : vector<16xf32> to vector<1x16xf32>
        tpu.vector_store %arg8[%swap3A_1040, %swap3A_1041], %swap3A_1044 {add = true, strides = array<i32>} : memref<16x1024xf32, #tpu.memory_space<vmem>>, vector<1x16xf32>,
        %swap3A_1045 = arith.constant 3 : i32
        %swap3A_1046 = arith.index_cast %swap3A_1045 : i32 to index
        %swap3A_1047 = arith.index_cast %add3A_1021 : i32 to index
        %swap3A_1048 = tpu.vector_load %arg9[%swap3A_1046, %swap3A_1047] {strides = array<i32>} : memref<16x1024xf32, #tpu.memory_space<vmem>>, vector<1x16xf32>,
        %swap3A_1049 = vector.shape_cast %swap3A_1048 : vector<1x16xf32> to vector<16xf32>
        %swap3A_1050 = vector.shape_cast %get3A_1026 : vector<16xf32> to vector<1x16xf32>
        tpu.vector_store %arg9[%swap3A_1046, %swap3A_1047], %swap3A_1050 {add = true, strides = array<i32>} : memref<16x1024xf32, #tpu.memory_space<vmem>>, vector<1x16xf32>,
        %add3A_1051 = arith.constant 80 : i32
        %add3A_1052 = arith.addi %mul3A_153, %add3A_1051 : i32
        %get3A_1053 = arith.constant 3 : i32
        %get3A_1054 = arith.index_cast %get3A_1053 : i32 to index
        %get3A_1055 = arith.index_cast %add3A_1052 : i32 to index
        %get3A_1056 = tpu.vector_load %arg5[%get3A_1054, %get3A_1055] {strides = array<i32>} : memref<16x1024xf32, #tpu.memory_space<vmem>>, vector<1x16xf32>,
        %get3A_1057 = vector.shape_cast %get3A_1056 : vector<1x16xf32> to vector<16xf32>
        %swap3A_1058 = arith.constant 3 : i32
        %swap3A_1059 = arith.index_cast %swap3A_1058 : i32 to index
        %swap3A_1060 = arith.index_cast %add3A_1052 : i32 to index
        %swap3A_1061 = tpu.vector_load %arg6[%swap3A_1059, %swap3A_1060] {strides = array<i32>} : memref<16x1024xf32, #tpu.memory_space<vmem>>, vector<1x16xf32>,
        %swap3A_1062 = vector.shape_cast %swap3A_1061 : vector<1x16xf32> to vector<16xf32>
        %swap3A_1063 = vector.shape_cast %get3A_1057 : vector<16xf32> to vector<1x16xf32>
        tpu.vector_store %arg6[%swap3A_1059, %swap3A_1060], %swap3A_1063 {add = true, strides = array<i32>} : memref<16x1024xf32, #tpu.memory_space<vmem>>, vector<1x16xf32>,
        %swap3A_1064 = arith.constant 3 : i32
        %swap3A_1065 = arith.index_cast %swap3A_1064 : i32 to index
        %swap3A_1066 = arith.index_cast %add3A_1052 : i32 to index
        %swap3A_1067 = tpu.vector_load %arg7[%swap3A_1065, %swap3A_1066] {strides = array<i32>} : memref<16x1024xf32, #tpu.memory_space<vmem>>, vector<1x16xf32>,
        %swap3A_1068 = vector.shape_cast %swap3A_1067 : vector<1x16xf32> to vector<16xf32>
        %swap3A_1069 = vector.shape_cast %get3A_1057 : vector<16xf32> to vector<1x16xf32>
        tpu.vector_store %arg7[%swap3A_1065, %swap3A_1066], %swap3A_1069 {add = true, strides = array<i32>} : memref<16x1024xf32, #tpu.memory_space<vmem>>, vector<1x16xf32>,
        %swap3A_1070 = arith.constant 3 : i32
        %swap3A_1071 = arith.index_cast %swap3A_1070 : i32 to index
        %swap3A_1072 = arith.index_cast %add3A_1052 : i32 to index
        %swap3A_1073 = tpu.vector_load %arg8[%swap3A_1071, %swap3A_1072] {strides = array<i32>} : memref<16x1024xf32, #tpu.memory_space<vmem>>, vector<1x16xf32>,
        %swap3A_1074 = vector.shape_cast %swap3A_1073 : vector<1x16xf32> to vector<16xf32>
        %swap3A_1075 = vector.shape_cast %get3A_1057 : vector<16xf32> to vector<1x16xf32>
        tpu.vector_store %arg8[%swap3A_1071, %swap3A_1072], %swap3A_1075 {add = true, strides = array<i32>} : memref<16x1024xf32, #tpu.memory_space<vmem>>, vector<1x16xf32>,
        %swap3A_1076 = arith.constant 3 : i32
        %swap3A_1077 = arith.index_cast %swap3A_1076 : i32 to index
        %swap3A_1078 = arith.index_cast %add3A_1052 : i32 to index
        %swap3A_1079 = tpu.vector_load %arg9[%swap3A_1077, %swap3A_1078] {strides = array<i32>} : memref<16x1024xf32, #tpu.memory_space<vmem>>, vector<1x16xf32>,
        %swap3A_1080 = vector.shape_cast %swap3A_1079 : vector<1x16xf32> to vector<16xf32>
        %swap3A_1081 = vector.shape_cast %get3A_1057 : vector<16xf32> to vector<1x16xf32>
        tpu.vector_store %arg9[%swap3A_1077, %swap3A_1078], %swap3A_1081 {add = true, strides = array<i32>} : memref<16x1024xf32, #tpu.memory_space<vmem>>, vector<1x16xf32>,
        %add3A_1082 = arith.constant 96 : i32
        %add3A_1083 = arith.addi %mul3A_153, %add3A_1082 : i32
        %get3A_1084 = arith.constant 3 : i32
        %get3A_1085 = arith.index_cast %get3A_1084 : i32 to index
        %get3A_1086 = arith.index_cast %add3A_1083 : i32 to index
        %get3A_1087 = tpu.vector_load %arg5[%get3A_1085, %get3A_1086] {strides = array<i32>} : memref<16x1024xf32, #tpu.memory_space<vmem>>, vector<1x16xf32>,
        %get3A_1088 = vector.shape_cast %get3A_1087 : vector<1x16xf32> to vector<16xf32>
        %swap3A_1089 = arith.constant 3 : i32
        %swap3A_1090 = arith.index_cast %swap3A_1089 : i32 to index
        %swap3A_1091 = arith.index_cast %add3A_1083 : i32 to index
        %swap3A_1092 = tpu.vector_load %arg6[%swap3A_1090, %swap3A_1091] {strides = array<i32>} : memref<16x1024xf32, #tpu.memory_space<vmem>>, vector<1x16xf32>,
        %swap3A_1093 = vector.shape_cast %swap3A_1092 : vector<1x16xf32> to vector<16xf32>
        %swap3A_1094 = vector.shape_cast %get3A_1088 : vector<16xf32> to vector<1x16xf32>
        tpu.vector_store %arg6[%swap3A_1090, %swap3A_1091], %swap3A_1094 {add = true, strides = array<i32>} : memref<16x1024xf32, #tpu.memory_space<vmem>>, vector<1x16xf32>,
        %swap3A_1095 = arith.constant 3 : i32
        %swap3A_1096 = arith.index_cast %swap3A_1095 : i32 to index
        %swap3A_1097 = arith.index_cast %add3A_1083 : i32 to index
        %swap3A_1098 = tpu.vector_load %arg7[%swap3A_1096, %swap3A_1097] {strides = array<i32>} : memref<16x1024xf32, #tpu.memory_space<vmem>>, vector<1x16xf32>,
        %swap3A_1099 = vector.shape_cast %swap3A_1098 : vector<1x16xf32> to vector<16xf32>
        %swap3A_1100 = vector.shape_cast %get3A_1088 : vector<16xf32> to vector<1x16xf32>
        tpu.vector_store %arg7[%swap3A_1096, %swap3A_1097], %swap3A_1100 {add = true, strides = array<i32>} : memref<16x1024xf32, #tpu.memory_space<vmem>>, vector<1x16xf32>,
        %swap3A_1101 = arith.constant 3 : i32
        %swap3A_1102 = arith.index_cast %swap3A_1101 : i32 to index
        %swap3A_1103 = arith.index_cast %add3A_1083 : i32 to index
        %swap3A_1104 = tpu.vector_load %arg8[%swap3A_1102, %swap3A_1103] {strides = array<i32>} : memref<16x1024xf32, #tpu.memory_space<vmem>>, vector<1x16xf32>,
        %swap3A_1105 = vector.shape_cast %swap3A_1104 : vector<1x16xf32> to vector<16xf32>
        %swap3A_1106 = vector.shape_cast %get3A_1088 : vector<16xf32> to vector<1x16xf32>
        tpu.vector_store %arg8[%swap3A_1102, %swap3A_1103], %swap3A_1106 {add = true, strides = array<i32>} : memref<16x1024xf32, #tpu.memory_space<vmem>>, vector<1x16xf32>,
        %swap3A_1107 = arith.constant 3 : i32
        %swap3A_1108 = arith.index_cast %swap3A_1107 : i32 to index
        %swap3A_1109 = arith.index_cast %add3A_1083 : i32 to index
        %swap3A_1110 = tpu.vector_load %arg9[%swap3A_1108, %swap3A_1109] {strides = array<i32>} : memref<16x1024xf32, #tpu.memory_space<vmem>>, vector<1x16xf32>,
        %swap3A_1111 = vector.shape_cast %swap3A_1110 : vector<1x16xf32> to vector<16xf32>
        %swap3A_1112 = vector.shape_cast %get3A_1088 : vector<16xf32> to vector<1x16xf32>
        tpu.vector_store %arg9[%swap3A_1108, %swap3A_1109], %swap3A_1112 {add = true, strides = array<i32>} : memref<16x1024xf32, #tpu.memory_space<vmem>>, vector<1x16xf32>,
        %add3A_1113 = arith.constant 112 : i32
        %add3A_1114 = arith.addi %mul3A_153, %add3A_1113 : i32
        %get3A_1115 = arith.constant 3 : i32
        %get3A_1116 = arith.index_cast %get3A_1115 : i32 to index
        %get3A_1117 = arith.index_cast %add3A_1114 : i32 to index
        %get3A_1118 = tpu.vector_load %arg5[%get3A_1116, %get3A_1117] {strides = array<i32>} : memref<16x1024xf32, #tpu.memory_space<vmem>>, vector<1x16xf32>,
        %get3A_1119 = vector.shape_cast %get3A_1118 : vector<1x16xf32> to vector<16xf32>
        %swap3A_1120 = arith.constant 3 : i32
        %swap3A_1121 = arith.index_cast %swap3A_1120 : i32 to index
        %swap3A_1122 = arith.index_cast %add3A_1114 : i32 to index
        %swap3A_1123 = tpu.vector_load %arg6[%swap3A_1121, %swap3A_1122] {strides = array<i32>} : memref<16x1024xf32, #tpu.memory_space<vmem>>, vector<1x16xf32>,
        %swap3A_1124 = vector.shape_cast %swap3A_1123 : vector<1x16xf32> to vector<16xf32>
        %swap3A_1125 = vector.shape_cast %get3A_1119 : vector<16xf32> to vector<1x16xf32>
        tpu.vector_store %arg6[%swap3A_1121, %swap3A_1122], %swap3A_1125 {add = true, strides = array<i32>} : memref<16x1024xf32, #tpu.memory_space<vmem>>, vector<1x16xf32>,
        %swap3A_1126 = arith.constant 3 : i32
        %swap3A_1127 = arith.index_cast %swap3A_1126 : i32 to index
        %swap3A_1128 = arith.index_cast %add3A_1114 : i32 to index
        %swap3A_1129 = tpu.vector_load %arg7[%swap3A_1127, %swap3A_1128] {strides = array<i32>} : memref<16x1024xf32, #tpu.memory_space<vmem>>, vector<1x16xf32>,
        %swap3A_1130 = vector.shape_cast %swap3A_1129 : vector<1x16xf32> to vector<16xf32>
        %swap3A_1131 = vector.shape_cast %get3A_1119 : vector<16xf32> to vector<1x16xf32>
        tpu.vector_store %arg7[%swap3A_1127, %swap3A_1128], %swap3A_1131 {add = true, strides = array<i32>} : memref<16x1024xf32, #tpu.memory_space<vmem>>, vector<1x16xf32>,
        %swap3A_1132 = arith.constant 3 : i32
        %swap3A_1133 = arith.index_cast %swap3A_1132 : i32 to index
        %swap3A_1134 = arith.index_cast %add3A_1114 : i32 to index
        %swap3A_1135 = tpu.vector_load %arg8[%swap3A_1133, %swap3A_1134] {strides = array<i32>} : memref<16x1024xf32, #tpu.memory_space<vmem>>, vector<1x16xf32>,
        %swap3A_1136 = vector.shape_cast %swap3A_1135 : vector<1x16xf32> to vector<16xf32>
        %swap3A_1137 = vector.shape_cast %get3A_1119 : vector<16xf32> to vector<1x16xf32>
        tpu.vector_store %arg8[%swap3A_1133, %swap3A_1134], %swap3A_1137 {add = true, strides = array<i32>} : memref<16x1024xf32, #tpu.memory_space<vmem>>, vector<1x16xf32>,
        %swap3A_1138 = arith.constant 3 : i32
        %swap3A_1139 = arith.index_cast %swap3A_1138 : i32 to index
        %swap3A_1140 = arith.index_cast %add3A_1114 : i32 to index
        %swap3A_1141 = tpu.vector_load %arg9[%swap3A_1139, %swap3A_1140] {strides = array<i32>} : memref<16x1024xf32, #tpu.memory_space<vmem>>, vector<1x16xf32>,
        %swap3A_1142 = vector.shape_cast %swap3A_1141 : vector<1x16xf32> to vector<16xf32>
        %swap3A_1143 = vector.shape_cast %get3A_1119 : vector<16xf32> to vector<1x16xf32>
        tpu.vector_store %arg9[%swap3A_1139, %swap3A_1140], %swap3A_1143 {add = true, strides = array<i32>} : memref<16x1024xf32, #tpu.memory_space<vmem>>, vector<1x16xf32>,
        %add3A_1144 = arith.constant 0 : i32
        %add3A_1145 = arith.addi %mul3A_153, %add3A_1144 : i32
        %get3A_1146 = arith.constant 4 : i32
        %get3A_1147 = arith.index_cast %get3A_1146 : i32 to index
        %get3A_1148 = arith.index_cast %add3A_1145 : i32 to index
        %get3A_1149 = tpu.vector_load %arg5[%get3A_1147, %get3A_1148] {strides = array<i32>} : memref<16x1024xf32, #tpu.memory_space<vmem>>, vector<1x16xf32>,
        %get3A_1150 = vector.shape_cast %get3A_1149 : vector<1x16xf32> to vector<16xf32>
        %swap3A_1151 = arith.constant 4 : i32
        %swap3A_1152 = arith.index_cast %swap3A_1151 : i32 to index
        %swap3A_1153 = arith.index_cast %add3A_1145 : i32 to index
        %swap3A_1154 = tpu.vector_load %arg6[%swap3A_1152, %swap3A_1153] {strides = array<i32>} : memref<16x1024xf32, #tpu.memory_space<vmem>>, vector<1x16xf32>,
        %swap3A_1155 = vector.shape_cast %swap3A_1154 : vector<1x16xf32> to vector<16xf32>
        %swap3A_1156 = vector.shape_cast %get3A_1150 : vector<16xf32> to vector<1x16xf32>
        tpu.vector_store %arg6[%swap3A_1152, %swap3A_1153], %swap3A_1156 {add = true, strides = array<i32>} : memref<16x1024xf32, #tpu.memory_space<vmem>>, vector<1x16xf32>,
        %swap3A_1157 = arith.constant 4 : i32
        %swap3A_1158 = arith.index_cast %swap3A_1157 : i32 to index
        %swap3A_1159 = arith.index_cast %add3A_1145 : i32 to index
        %swap3A_1160 = tpu.vector_load %arg7[%swap3A_1158, %swap3A_1159] {strides = array<i32>} : memref<16x1024xf32, #tpu.memory_space<vmem>>, vector<1x16xf32>,
        %swap3A_1161 = vector.shape_cast %swap3A_1160 : vector<1x16xf32> to vector<16xf32>
        %swap3A_1162 = vector.shape_cast %get3A_1150 : vector<16xf32> to vector<1x16xf32>
        tpu.vector_store %arg7[%swap3A_1158, %swap3A_1159], %swap3A_1162 {add = true, strides = array<i32>} : memref<16x1024xf32, #tpu.memory_space<vmem>>, vector<1x16xf32>,
        %swap3A_1163 = arith.constant 4 : i32
        %swap3A_1164 = arith.index_cast %swap3A_1163 : i32 to index
        %swap3A_1165 = arith.index_cast %add3A_1145 : i32 to index
        %swap3A_1166 = tpu.vector_load %arg8[%swap3A_1164, %swap3A_1165] {strides = array<i32>} : memref<16x1024xf32, #tpu.memory_space<vmem>>, vector<1x16xf32>,
        %swap3A_1167 = vector.shape_cast %swap3A_1166 : vector<1x16xf32> to vector<16xf32>
        %swap3A_1168 = vector.shape_cast %get3A_1150 : vector<16xf32> to vector<1x16xf32>
        tpu.vector_store %arg8[%swap3A_1164, %swap3A_1165], %swap3A_1168 {add = true, strides = array<i32>} : memref<16x1024xf32, #tpu.memory_space<vmem>>, vector<1x16xf32>,
        %swap3A_1169 = arith.constant 4 : i32
        %swap3A_1170 = arith.index_cast %swap3A_1169 : i32 to index
        %swap3A_1171 = arith.index_cast %add3A_1145 : i32 to index
        %swap3A_1172 = tpu.vector_load %arg9[%swap3A_1170, %swap3A_1171] {strides = array<i32>} : memref<16x1024xf32, #tpu.memory_space<vmem>>, vector<1x16xf32>,
        %swap3A_1173 = vector.shape_cast %swap3A_1172 : vector<1x16xf32> to vector<16xf32>
        %swap3A_1174 = vector.shape_cast %get3A_1150 : vector<16xf32> to vector<1x16xf32>
        tpu.vector_store %arg9[%swap3A_1170, %swap3A_1171], %swap3A_1174 {add = true, strides = array<i32>} : memref<16x1024xf32, #tpu.memory_space<vmem>>, vector<1x16xf32>,
        %add3A_1175 = arith.constant 16 : i32
        %add3A_1176 = arith.addi %mul3A_153, %add3A_1175 : i32
        %get3A_1177 = arith.constant 4 : i32
        %get3A_1178 = arith.index_cast %get3A_1177 : i32 to index
        %get3A_1179 = arith.index_cast %add3A_1176 : i32 to index
        %get3A_1180 = tpu.vector_load %arg5[%get3A_1178, %get3A_1179] {strides = array<i32>} : memref<16x1024xf32, #tpu.memory_space<vmem>>, vector<1x16xf32>,
        %get3A_1181 = vector.shape_cast %get3A_1180 : vector<1x16xf32> to vector<16xf32>
        %swap3A_1182 = arith.constant 4 : i32
        %swap3A_1183 = arith.index_cast %swap3A_1182 : i32 to index
        %swap3A_1184 = arith.index_cast %add3A_1176 : i32 to index
        %swap3A_1185 = tpu.vector_load %arg6[%swap3A_1183, %swap3A_1184] {strides = array<i32>} : memref<16x1024xf32, #tpu.memory_space<vmem>>, vector<1x16xf32>,
        %swap3A_1186 = vector.shape_cast %swap3A_1185 : vector<1x16xf32> to vector<16xf32>
        %swap3A_1187 = vector.shape_cast %get3A_1181 : vector<16xf32> to vector<1x16xf32>
        tpu.vector_store %arg6[%swap3A_1183, %swap3A_1184], %swap3A_1187 {add = true, strides = array<i32>} : memref<16x1024xf32, #tpu.memory_space<vmem>>, vector<1x16xf32>,
        %swap3A_1188 = arith.constant 4 : i32
        %swap3A_1189 = arith.index_cast %swap3A_1188 : i32 to index
        %swap3A_1190 = arith.index_cast %add3A_1176 : i32 to index
        %swap3A_1191 = tpu.vector_load %arg7[%swap3A_1189, %swap3A_1190] {strides = array<i32>} : memref<16x1024xf32, #tpu.memory_space<vmem>>, vector<1x16xf32>,
        %swap3A_1192 = vector.shape_cast %swap3A_1191 : vector<1x16xf32> to vector<16xf32>
        %swap3A_1193 = vector.shape_cast %get3A_1181 : vector<16xf32> to vector<1x16xf32>
        tpu.vector_store %arg7[%swap3A_1189, %swap3A_1190], %swap3A_1193 {add = true, strides = array<i32>} : memref<16x1024xf32, #tpu.memory_space<vmem>>, vector<1x16xf32>,
        %swap3A_1194 = arith.constant 4 : i32
        %swap3A_1195 = arith.index_cast %swap3A_1194 : i32 to index
        %swap3A_1196 = arith.index_cast %add3A_1176 : i32 to index
        %swap3A_1197 = tpu.vector_load %arg8[%swap3A_1195, %swap3A_1196] {strides = array<i32>} : memref<16x1024xf32, #tpu.memory_space<vmem>>, vector<1x16xf32>,
        %swap3A_1198 = vector.shape_cast %swap3A_1197 : vector<1x16xf32> to vector<16xf32>
        %swap3A_1199 = vector.shape_cast %get3A_1181 : vector<16xf32> to vector<1x16xf32>
        tpu.vector_store %arg8[%swap3A_1195, %swap3A_1196], %swap3A_1199 {add = true, strides = array<i32>} : memref<16x1024xf32, #tpu.memory_space<vmem>>, vector<1x16xf32>,
        %swap3A_1200 = arith.constant 4 : i32
        %swap3A_1201 = arith.index_cast %swap3A_1200 : i32 to index
        %swap3A_1202 = arith.index_cast %add3A_1176 : i32 to index
        %swap3A_1203 = tpu.vector_load %arg9[%swap3A_1201, %swap3A_1202] {strides = array<i32>} : memref<16x1024xf32, #tpu.memory_space<vmem>>, vector<1x16xf32>,
        %swap3A_1204 = vector.shape_cast %swap3A_1203 : vector<1x16xf32> to vector<16xf32>
        %swap3A_1205 = vector.shape_cast %get3A_1181 : vector<16xf32> to vector<1x16xf32>
        tpu.vector_store %arg9[%swap3A_1201, %swap3A_1202], %swap3A_1205 {add = true, strides = array<i32>} : memref<16x1024xf32, #tpu.memory_space<vmem>>, vector<1x16xf32>,
        %add3A_1206 = arith.constant 32 : i32
        %add3A_1207 = arith.addi %mul3A_153, %add3A_1206 : i32
        %get3A_1208 = arith.constant 4 : i32
        %get3A_1209 = arith.index_cast %get3A_1208 : i32 to index
        %get3A_1210 = arith.index_cast %add3A_1207 : i32 to index
        %get3A_1211 = tpu.vector_load %arg5[%get3A_1209, %get3A_1210] {strides = array<i32>} : memref<16x1024xf32, #tpu.memory_space<vmem>>, vector<1x16xf32>,
        %get3A_1212 = vector.shape_cast %get3A_1211 : vector<1x16xf32> to vector<16xf32>
        %swap3A_1213 = arith.constant 4 : i32
        %swap3A_1214 = arith.index_cast %swap3A_1213 : i32 to index
        %swap3A_1215 = arith.index_cast %add3A_1207 : i32 to index
        %swap3A_1216 = tpu.vector_load %arg6[%swap3A_1214, %swap3A_1215] {strides = array<i32>} : memref<16x1024xf32, #tpu.memory_space<vmem>>, vector<1x16xf32>,
        %swap3A_1217 = vector.shape_cast %swap3A_1216 : vector<1x16xf32> to vector<16xf32>
        %swap3A_1218 = vector.shape_cast %get3A_1212 : vector<16xf32> to vector<1x16xf32>
        tpu.vector_store %arg6[%swap3A_1214, %swap3A_1215], %swap3A_1218 {add = true, strides = array<i32>} : memref<16x1024xf32, #tpu.memory_space<vmem>>, vector<1x16xf32>,
        %swap3A_1219 = arith.constant 4 : i32
        %swap3A_1220 = arith.index_cast %swap3A_1219 : i32 to index
        %swap3A_1221 = arith.index_cast %add3A_1207 : i32 to index
        %swap3A_1222 = tpu.vector_load %arg7[%swap3A_1220, %swap3A_1221] {strides = array<i32>} : memref<16x1024xf32, #tpu.memory_space<vmem>>, vector<1x16xf32>,
        %swap3A_1223 = vector.shape_cast %swap3A_1222 : vector<1x16xf32> to vector<16xf32>
        %swap3A_1224 = vector.shape_cast %get3A_1212 : vector<16xf32> to vector<1x16xf32>
        tpu.vector_store %arg7[%swap3A_1220, %swap3A_1221], %swap3A_1224 {add = true, strides = array<i32>} : memref<16x1024xf32, #tpu.memory_space<vmem>>, vector<1x16xf32>,
        %swap3A_1225 = arith.constant 4 : i32
        %swap3A_1226 = arith.index_cast %swap3A_1225 : i32 to index
        %swap3A_1227 = arith.index_cast %add3A_1207 : i32 to index
        %swap3A_1228 = tpu.vector_load %arg8[%swap3A_1226, %swap3A_1227] {strides = array<i32>} : memref<16x1024xf32, #tpu.memory_space<vmem>>, vector<1x16xf32>,
        %swap3A_1229 = vector.shape_cast %swap3A_1228 : vector<1x16xf32> to vector<16xf32>
        %swap3A_1230 = vector.shape_cast %get3A_1212 : vector<16xf32> to vector<1x16xf32>
        tpu.vector_store %arg8[%swap3A_1226, %swap3A_1227], %swap3A_1230 {add = true, strides = array<i32>} : memref<16x1024xf32, #tpu.memory_space<vmem>>, vector<1x16xf32>,
        %swap3A_1231 = arith.constant 4 : i32
        %swap3A_1232 = arith.index_cast %swap3A_1231 : i32 to index
        %swap3A_1233 = arith.index_cast %add3A_1207 : i32 to index
        %swap3A_1234 = tpu.vector_load %arg9[%swap3A_1232, %swap3A_1233] {strides = array<i32>} : memref<16x1024xf32, #tpu.memory_space<vmem>>, vector<1x16xf32>,
        %swap3A_1235 = vector.shape_cast %swap3A_1234 : vector<1x16xf32> to vector<16xf32>
        %swap3A_1236 = vector.shape_cast %get3A_1212 : vector<16xf32> to vector<1x16xf32>
        tpu.vector_store %arg9[%swap3A_1232, %swap3A_1233], %swap3A_1236 {add = true, strides = array<i32>} : memref<16x1024xf32, #tpu.memory_space<vmem>>, vector<1x16xf32>,
        %add3A_1237 = arith.constant 48 : i32
        %add3A_1238 = arith.addi %mul3A_153, %add3A_1237 : i32
        %get3A_1239 = arith.constant 4 : i32
        %get3A_1240 = arith.index_cast %get3A_1239 : i32 to index
        %get3A_1241 = arith.index_cast %add3A_1238 : i32 to index
        %get3A_1242 = tpu.vector_load %arg5[%get3A_1240, %get3A_1241] {strides = array<i32>} : memref<16x1024xf32, #tpu.memory_space<vmem>>, vector<1x16xf32>,
        %get3A_1243 = vector.shape_cast %get3A_1242 : vector<1x16xf32> to vector<16xf32>
        %swap3A_1244 = arith.constant 4 : i32
        %swap3A_1245 = arith.index_cast %swap3A_1244 : i32 to index
        %swap3A_1246 = arith.index_cast %add3A_1238 : i32 to index
        %swap3A_1247 = tpu.vector_load %arg6[%swap3A_1245, %swap3A_1246] {strides = array<i32>} : memref<16x1024xf32, #tpu.memory_space<vmem>>, vector<1x16xf32>,
        %swap3A_1248 = vector.shape_cast %swap3A_1247 : vector<1x16xf32> to vector<16xf32>
        %swap3A_1249 = vector.shape_cast %get3A_1243 : vector<16xf32> to vector<1x16xf32>
        tpu.vector_store %arg6[%swap3A_1245, %swap3A_1246], %swap3A_1249 {add = true, strides = array<i32>} : memref<16x1024xf32, #tpu.memory_space<vmem>>, vector<1x16xf32>,
        %swap3A_1250 = arith.constant 4 : i32
        %swap3A_1251 = arith.index_cast %swap3A_1250 : i32 to index
        %swap3A_1252 = arith.index_cast %add3A_1238 : i32 to index
        %swap3A_1253 = tpu.vector_load %arg7[%swap3A_1251, %swap3A_1252] {strides = array<i32>} : memref<16x1024xf32, #tpu.memory_space<vmem>>, vector<1x16xf32>,
        %swap3A_1254 = vector.shape_cast %swap3A_1253 : vector<1x16xf32> to vector<16xf32>
        %swap3A_1255 = vector.shape_cast %get3A_1243 : vector<16xf32> to vector<1x16xf32>
        tpu.vector_store %arg7[%swap3A_1251, %swap3A_1252], %swap3A_1255 {add = true, strides = array<i32>} : memref<16x1024xf32, #tpu.memory_space<vmem>>, vector<1x16xf32>,
        %swap3A_1256 = arith.constant 4 : i32
        %swap3A_1257 = arith.index_cast %swap3A_1256 : i32 to index
        %swap3A_1258 = arith.index_cast %add3A_1238 : i32 to index
        %swap3A_1259 = tpu.vector_load %arg8[%swap3A_1257, %swap3A_1258] {strides = array<i32>} : memref<16x1024xf32, #tpu.memory_space<vmem>>, vector<1x16xf32>,
        %swap3A_1260 = vector.shape_cast %swap3A_1259 : vector<1x16xf32> to vector<16xf32>
        %swap3A_1261 = vector.shape_cast %get3A_1243 : vector<16xf32> to vector<1x16xf32>
        tpu.vector_store %arg8[%swap3A_1257, %swap3A_1258], %swap3A_1261 {add = true, strides = array<i32>} : memref<16x1024xf32, #tpu.memory_space<vmem>>, vector<1x16xf32>,
        %swap3A_1262 = arith.constant 4 : i32
        %swap3A_1263 = arith.index_cast %swap3A_1262 : i32 to index
        %swap3A_1264 = arith.index_cast %add3A_1238 : i32 to index
        %swap3A_1265 = tpu.vector_load %arg9[%swap3A_1263, %swap3A_1264] {strides = array<i32>} : memref<16x1024xf32, #tpu.memory_space<vmem>>, vector<1x16xf32>,
        %swap3A_1266 = vector.shape_cast %swap3A_1265 : vector<1x16xf32> to vector<16xf32>
        %swap3A_1267 = vector.shape_cast %get3A_1243 : vector<16xf32> to vector<1x16xf32>
        tpu.vector_store %arg9[%swap3A_1263, %swap3A_1264], %swap3A_1267 {add = true, strides = array<i32>} : memref<16x1024xf32, #tpu.memory_space<vmem>>, vector<1x16xf32>,
        %add3A_1268 = arith.constant 64 : i32
        %add3A_1269 = arith.addi %mul3A_153, %add3A_1268 : i32
        %get3A_1270 = arith.constant 4 : i32
        %get3A_1271 = arith.index_cast %get3A_1270 : i32 to index
        %get3A_1272 = arith.index_cast %add3A_1269 : i32 to index
        %get3A_1273 = tpu.vector_load %arg5[%get3A_1271, %get3A_1272] {strides = array<i32>} : memref<16x1024xf32, #tpu.memory_space<vmem>>, vector<1x16xf32>,
        %get3A_1274 = vector.shape_cast %get3A_1273 : vector<1x16xf32> to vector<16xf32>
        %swap3A_1275 = arith.constant 4 : i32
        %swap3A_1276 = arith.index_cast %swap3A_1275 : i32 to index
        %swap3A_1277 = arith.index_cast %add3A_1269 : i32 to index
        %swap3A_1278 = tpu.vector_load %arg6[%swap3A_1276, %swap3A_1277] {strides = array<i32>} : memref<16x1024xf32, #tpu.memory_space<vmem>>, vector<1x16xf32>,
        %swap3A_1279 = vector.shape_cast %swap3A_1278 : vector<1x16xf32> to vector<16xf32>
        %swap3A_1280 = vector.shape_cast %get3A_1274 : vector<16xf32> to vector<1x16xf32>
        tpu.vector_store %arg6[%swap3A_1276, %swap3A_1277], %swap3A_1280 {add = true, strides = array<i32>} : memref<16x1024xf32, #tpu.memory_space<vmem>>, vector<1x16xf32>,
        %swap3A_1281 = arith.constant 4 : i32
        %swap3A_1282 = arith.index_cast %swap3A_1281 : i32 to index
        %swap3A_1283 = arith.index_cast %add3A_1269 : i32 to index
        %swap3A_1284 = tpu.vector_load %arg7[%swap3A_1282, %swap3A_1283] {strides = array<i32>} : memref<16x1024xf32, #tpu.memory_space<vmem>>, vector<1x16xf32>,
        %swap3A_1285 = vector.shape_cast %swap3A_1284 : vector<1x16xf32> to vector<16xf32>
        %swap3A_1286 = vector.shape_cast %get3A_1274 : vector<16xf32> to vector<1x16xf32>
        tpu.vector_store %arg7[%swap3A_1282, %swap3A_1283], %swap3A_1286 {add = true, strides = array<i32>} : memref<16x1024xf32, #tpu.memory_space<vmem>>, vector<1x16xf32>,
        %swap3A_1287 = arith.constant 4 : i32
        %swap3A_1288 = arith.index_cast %swap3A_1287 : i32 to index
        %swap3A_1289 = arith.index_cast %add3A_1269 : i32 to index
        %swap3A_1290 = tpu.vector_load %arg8[%swap3A_1288, %swap3A_1289] {strides = array<i32>} : memref<16x1024xf32, #tpu.memory_space<vmem>>, vector<1x16xf32>,
        %swap3A_1291 = vector.shape_cast %swap3A_1290 : vector<1x16xf32> to vector<16xf32>
        %swap3A_1292 = vector.shape_cast %get3A_1274 : vector<16xf32> to vector<1x16xf32>
        tpu.vector_store %arg8[%swap3A_1288, %swap3A_1289], %swap3A_1292 {add = true, strides = array<i32>} : memref<16x1024xf32, #tpu.memory_space<vmem>>, vector<1x16xf32>,
        %swap3A_1293 = arith.constant 4 : i32
        %swap3A_1294 = arith.index_cast %swap3A_1293 : i32 to index
        %swap3A_1295 = arith.index_cast %add3A_1269 : i32 to index
        %swap3A_1296 = tpu.vector_load %arg9[%swap3A_1294, %swap3A_1295] {strides = array<i32>} : memref<16x1024xf32, #tpu.memory_space<vmem>>, vector<1x16xf32>,
        %swap3A_1297 = vector.shape_cast %swap3A_1296 : vector<1x16xf32> to vector<16xf32>
        %swap3A_1298 = vector.shape_cast %get3A_1274 : vector<16xf32> to vector<1x16xf32>
        tpu.vector_store %arg9[%swap3A_1294, %swap3A_1295], %swap3A_1298 {add = true, strides = array<i32>} : memref<16x1024xf32, #tpu.memory_space<vmem>>, vector<1x16xf32>,
        %add3A_1299 = arith.constant 80 : i32
        %add3A_1300 = arith.addi %mul3A_153, %add3A_1299 : i32
        %get3A_1301 = arith.constant 4 : i32
        %get3A_1302 = arith.index_cast %get3A_1301 : i32 to index
        %get3A_1303 = arith.index_cast %add3A_1300 : i32 to index
        %get3A_1304 = tpu.vector_load %arg5[%get3A_1302, %get3A_1303] {strides = array<i32>} : memref<16x1024xf32, #tpu.memory_space<vmem>>, vector<1x16xf32>,
        %get3A_1305 = vector.shape_cast %get3A_1304 : vector<1x16xf32> to vector<16xf32>
        %swap3A_1306 = arith.constant 4 : i32
        %swap3A_1307 = arith.index_cast %swap3A_1306 : i32 to index
        %swap3A_1308 = arith.index_cast %add3A_1300 : i32 to index
        %swap3A_1309 = tpu.vector_load %arg6[%swap3A_1307, %swap3A_1308] {strides = array<i32>} : memref<16x1024xf32, #tpu.memory_space<vmem>>, vector<1x16xf32>,
        %swap3A_1310 = vector.shape_cast %swap3A_1309 : vector<1x16xf32> to vector<16xf32>
        %swap3A_1311 = vector.shape_cast %get3A_1305 : vector<16xf32> to vector<1x16xf32>
        tpu.vector_store %arg6[%swap3A_1307, %swap3A_1308], %swap3A_1311 {add = true, strides = array<i32>} : memref<16x1024xf32, #tpu.memory_space<vmem>>, vector<1x16xf32>,
        %swap3A_1312 = arith.constant 4 : i32
        %swap3A_1313 = arith.index_cast %swap3A_1312 : i32 to index
        %swap3A_1314 = arith.index_cast %add3A_1300 : i32 to index
        %swap3A_1315 = tpu.vector_load %arg7[%swap3A_1313, %swap3A_1314] {strides = array<i32>} : memref<16x1024xf32, #tpu.memory_space<vmem>>, vector<1x16xf32>,
        %swap3A_1316 = vector.shape_cast %swap3A_1315 : vector<1x16xf32> to vector<16xf32>
        %swap3A_1317 = vector.shape_cast %get3A_1305 : vector<16xf32> to vector<1x16xf32>
        tpu.vector_store %arg7[%swap3A_1313, %swap3A_1314], %swap3A_1317 {add = true, strides = array<i32>} : memref<16x1024xf32, #tpu.memory_space<vmem>>, vector<1x16xf32>,
        %swap3A_1318 = arith.constant 4 : i32
        %swap3A_1319 = arith.index_cast %swap3A_1318 : i32 to index
        %swap3A_1320 = arith.index_cast %add3A_1300 : i32 to index
        %swap3A_1321 = tpu.vector_load %arg8[%swap3A_1319, %swap3A_1320] {strides = array<i32>} : memref<16x1024xf32, #tpu.memory_space<vmem>>, vector<1x16xf32>,
        %swap3A_1322 = vector.shape_cast %swap3A_1321 : vector<1x16xf32> to vector<16xf32>
        %swap3A_1323 = vector.shape_cast %get3A_1305 : vector<16xf32> to vector<1x16xf32>
        tpu.vector_store %arg8[%swap3A_1319, %swap3A_1320], %swap3A_1323 {add = true, strides = array<i32>} : memref<16x1024xf32, #tpu.memory_space<vmem>>, vector<1x16xf32>,
        %swap3A_1324 = arith.constant 4 : i32
        %swap3A_1325 = arith.index_cast %swap3A_1324 : i32 to index
        %swap3A_1326 = arith.index_cast %add3A_1300 : i32 to index
        %swap3A_1327 = tpu.vector_load %arg9[%swap3A_1325, %swap3A_1326] {strides = array<i32>} : memref<16x1024xf32, #tpu.memory_space<vmem>>, vector<1x16xf32>,
        %swap3A_1328 = vector.shape_cast %swap3A_1327 : vector<1x16xf32> to vector<16xf32>
        %swap3A_1329 = vector.shape_cast %get3A_1305 : vector<16xf32> to vector<1x16xf32>
        tpu.vector_store %arg9[%swap3A_1325, %swap3A_1326], %swap3A_1329 {add = true, strides = array<i32>} : memref<16x1024xf32, #tpu.memory_space<vmem>>, vector<1x16xf32>,
        %add3A_1330 = arith.constant 96 : i32
        %add3A_1331 = arith.addi %mul3A_153, %add3A_1330 : i32
        %get3A_1332 = arith.constant 4 : i32
        %get3A_1333 = arith.index_cast %get3A_1332 : i32 to index
        %get3A_1334 = arith.index_cast %add3A_1331 : i32 to index
        %get3A_1335 = tpu.vector_load %arg5[%get3A_1333, %get3A_1334] {strides = array<i32>} : memref<16x1024xf32, #tpu.memory_space<vmem>>, vector<1x16xf32>,
        %get3A_1336 = vector.shape_cast %get3A_1335 : vector<1x16xf32> to vector<16xf32>
        %swap3A_1337 = arith.constant 4 : i32
        %swap3A_1338 = arith.index_cast %swap3A_1337 : i32 to index
        %swap3A_1339 = arith.index_cast %add3A_1331 : i32 to index
        %swap3A_1340 = tpu.vector_load %arg6[%swap3A_1338, %swap3A_1339] {strides = array<i32>} : memref<16x1024xf32, #tpu.memory_space<vmem>>, vector<1x16xf32>,
        %swap3A_1341 = vector.shape_cast %swap3A_1340 : vector<1x16xf32> to vector<16xf32>
        %swap3A_1342 = vector.shape_cast %get3A_1336 : vector<16xf32> to vector<1x16xf32>
        tpu.vector_store %arg6[%swap3A_1338, %swap3A_1339], %swap3A_1342 {add = true, strides = array<i32>} : memref<16x1024xf32, #tpu.memory_space<vmem>>, vector<1x16xf32>,
        %swap3A_1343 = arith.constant 4 : i32
        %swap3A_1344 = arith.index_cast %swap3A_1343 : i32 to index
        %swap3A_1345 = arith.index_cast %add3A_1331 : i32 to index
        %swap3A_1346 = tpu.vector_load %arg7[%swap3A_1344, %swap3A_1345] {strides = array<i32>} : memref<16x1024xf32, #tpu.memory_space<vmem>>, vector<1x16xf32>,
        %swap3A_1347 = vector.shape_cast %swap3A_1346 : vector<1x16xf32> to vector<16xf32>
        %swap3A_1348 = vector.shape_cast %get3A_1336 : vector<16xf32> to vector<1x16xf32>
        tpu.vector_store %arg7[%swap3A_1344, %swap3A_1345], %swap3A_1348 {add = true, strides = array<i32>} : memref<16x1024xf32, #tpu.memory_space<vmem>>, vector<1x16xf32>,
        %swap3A_1349 = arith.constant 4 : i32
        %swap3A_1350 = arith.index_cast %swap3A_1349 : i32 to index
        %swap3A_1351 = arith.index_cast %add3A_1331 : i32 to index
        %swap3A_1352 = tpu.vector_load %arg8[%swap3A_1350, %swap3A_1351] {strides = array<i32>} : memref<16x1024xf32, #tpu.memory_space<vmem>>, vector<1x16xf32>,
        %swap3A_1353 = vector.shape_cast %swap3A_1352 : vector<1x16xf32> to vector<16xf32>
        %swap3A_1354 = vector.shape_cast %get3A_1336 : vector<16xf32> to vector<1x16xf32>
        tpu.vector_store %arg8[%swap3A_1350, %swap3A_1351], %swap3A_1354 {add = true, strides = array<i32>} : memref<16x1024xf32, #tpu.memory_space<vmem>>, vector<1x16xf32>,
        %swap3A_1355 = arith.constant 4 : i32
        %swap3A_1356 = arith.index_cast %swap3A_1355 : i32 to index
        %swap3A_1357 = arith.index_cast %add3A_1331 : i32 to index
        %swap3A_1358 = tpu.vector_load %arg9[%swap3A_1356, %swap3A_1357] {strides = array<i32>} : memref<16x1024xf32, #tpu.memory_space<vmem>>, vector<1x16xf32>,
        %swap3A_1359 = vector.shape_cast %swap3A_1358 : vector<1x16xf32> to vector<16xf32>
        %swap3A_1360 = vector.shape_cast %get3A_1336 : vector<16xf32> to vector<1x16xf32>
        tpu.vector_store %arg9[%swap3A_1356, %swap3A_1357], %swap3A_1360 {add = true, strides = array<i32>} : memref<16x1024xf32, #tpu.memory_space<vmem>>, vector<1x16xf32>,
        %add3A_1361 = arith.constant 112 : i32
        %add3A_1362 = arith.addi %mul3A_153, %add3A_1361 : i32
        %get3A_1363 = arith.constant 4 : i32
        %get3A_1364 = arith.index_cast %get3A_1363 : i32 to index
        %get3A_1365 = arith.index_cast %add3A_1362 : i32 to index
        %get3A_1366 = tpu.vector_load %arg5[%get3A_1364, %get3A_1365] {strides = array<i32>} : memref<16x1024xf32, #tpu.memory_space<vmem>>, vector<1x16xf32>,
        %get3A_1367 = vector.shape_cast %get3A_1366 : vector<1x16xf32> to vector<16xf32>
        %swap3A_1368 = arith.constant 4 : i32
        %swap3A_1369 = arith.index_cast %swap3A_1368 : i32 to index
        %swap3A_1370 = arith.index_cast %add3A_1362 : i32 to index
        %swap3A_1371 = tpu.vector_load %arg6[%swap3A_1369, %swap3A_1370] {strides = array<i32>} : memref<16x1024xf32, #tpu.memory_space<vmem>>, vector<1x16xf32>,
        %swap3A_1372 = vector.shape_cast %swap3A_1371 : vector<1x16xf32> to vector<16xf32>
        %swap3A_1373 = vector.shape_cast %get3A_1367 : vector<16xf32> to vector<1x16xf32>
        tpu.vector_store %arg6[%swap3A_1369, %swap3A_1370], %swap3A_1373 {add = true, strides = array<i32>} : memref<16x1024xf32, #tpu.memory_space<vmem>>, vector<1x16xf32>,
        %swap3A_1374 = arith.constant 4 : i32
        %swap3A_1375 = arith.index_cast %swap3A_1374 : i32 to index
        %swap3A_1376 = arith.index_cast %add3A_1362 : i32 to index
        %swap3A_1377 = tpu.vector_load %arg7[%swap3A_1375, %swap3A_1376] {strides = array<i32>} : memref<16x1024xf32, #tpu.memory_space<vmem>>, vector<1x16xf32>,
        %swap3A_1378 = vector.shape_cast %swap3A_1377 : vector<1x16xf32> to vector<16xf32>
        %swap3A_1379 = vector.shape_cast %get3A_1367 : vector<16xf32> to vector<1x16xf32>
        tpu.vector_store %arg7[%swap3A_1375, %swap3A_1376], %swap3A_1379 {add = true, strides = array<i32>} : memref<16x1024xf32, #tpu.memory_space<vmem>>, vector<1x16xf32>,
        %swap3A_1380 = arith.constant 4 : i32
        %swap3A_1381 = arith.index_cast %swap3A_1380 : i32 to index
        %swap3A_1382 = arith.index_cast %add3A_1362 : i32 to index
        %swap3A_1383 = tpu.vector_load %arg8[%swap3A_1381, %swap3A_1382] {strides = array<i32>} : memref<16x1024xf32, #tpu.memory_space<vmem>>, vector<1x16xf32>,
        %swap3A_1384 = vector.shape_cast %swap3A_1383 : vector<1x16xf32> to vector<16xf32>
        %swap3A_1385 = vector.shape_cast %get3A_1367 : vector<16xf32> to vector<1x16xf32>
        tpu.vector_store %arg8[%swap3A_1381, %swap3A_1382], %swap3A_1385 {add = true, strides = array<i32>} : memref<16x1024xf32, #tpu.memory_space<vmem>>, vector<1x16xf32>,
        %swap3A_1386 = arith.constant 4 : i32
        %swap3A_1387 = arith.index_cast %swap3A_1386 : i32 to index
        %swap3A_1388 = arith.index_cast %add3A_1362 : i32 to index
        %swap3A_1389 = tpu.vector_load %arg9[%swap3A_1387, %swap3A_1388] {strides = array<i32>} : memref<16x1024xf32, #tpu.memory_space<vmem>>, vector<1x16xf32>,
        %swap3A_1390 = vector.shape_cast %swap3A_1389 : vector<1x16xf32> to vector<16xf32>
        %swap3A_1391 = vector.shape_cast %get3A_1367 : vector<16xf32> to vector<1x16xf32>
        tpu.vector_store %arg9[%swap3A_1387, %swap3A_1388], %swap3A_1391 {add = true, strides = array<i32>} : memref<16x1024xf32, #tpu.memory_space<vmem>>, vector<1x16xf32>,
        %add3A_1392 = arith.constant 0 : i32
        %add3A_1393 = arith.addi %mul3A_153, %add3A_1392 : i32
        %get3A_1394 = arith.constant 5 : i32
        %get3A_1395 = arith.index_cast %get3A_1394 : i32 to index
        %get3A_1396 = arith.index_cast %add3A_1393 : i32 to index
        %get3A_1397 = tpu.vector_load %arg5[%get3A_1395, %get3A_1396] {strides = array<i32>} : memref<16x1024xf32, #tpu.memory_space<vmem>>, vector<1x16xf32>,
        %get3A_1398 = vector.shape_cast %get3A_1397 : vector<1x16xf32> to vector<16xf32>
        %swap3A_1399 = arith.constant 5 : i32
        %swap3A_1400 = arith.index_cast %swap3A_1399 : i32 to index
        %swap3A_1401 = arith.index_cast %add3A_1393 : i32 to index
        %swap3A_1402 = tpu.vector_load %arg6[%swap3A_1400, %swap3A_1401] {strides = array<i32>} : memref<16x1024xf32, #tpu.memory_space<vmem>>, vector<1x16xf32>,
        %swap3A_1403 = vector.shape_cast %swap3A_1402 : vector<1x16xf32> to vector<16xf32>
        %swap3A_1404 = vector.shape_cast %get3A_1398 : vector<16xf32> to vector<1x16xf32>
        tpu.vector_store %arg6[%swap3A_1400, %swap3A_1401], %swap3A_1404 {add = true, strides = array<i32>} : memref<16x1024xf32, #tpu.memory_space<vmem>>, vector<1x16xf32>,
        %swap3A_1405 = arith.constant 5 : i32
        %swap3A_1406 = arith.index_cast %swap3A_1405 : i32 to index
        %swap3A_1407 = arith.index_cast %add3A_1393 : i32 to index
        %swap3A_1408 = tpu.vector_load %arg7[%swap3A_1406, %swap3A_1407] {strides = array<i32>} : memref<16x1024xf32, #tpu.memory_space<vmem>>, vector<1x16xf32>,
        %swap3A_1409 = vector.shape_cast %swap3A_1408 : vector<1x16xf32> to vector<16xf32>
        %swap3A_1410 = vector.shape_cast %get3A_1398 : vector<16xf32> to vector<1x16xf32>
        tpu.vector_store %arg7[%swap3A_1406, %swap3A_1407], %swap3A_1410 {add = true, strides = array<i32>} : memref<16x1024xf32, #tpu.memory_space<vmem>>, vector<1x16xf32>,
        %swap3A_1411 = arith.constant 5 : i32
        %swap3A_1412 = arith.index_cast %swap3A_1411 : i32 to index
        %swap3A_1413 = arith.index_cast %add3A_1393 : i32 to index
        %swap3A_1414 = tpu.vector_load %arg8[%swap3A_1412, %swap3A_1413] {strides = array<i32>} : memref<16x1024xf32, #tpu.memory_space<vmem>>, vector<1x16xf32>,
        %swap3A_1415 = vector.shape_cast %swap3A_1414 : vector<1x16xf32> to vector<16xf32>
        %swap3A_1416 = vector.shape_cast %get3A_1398 : vector<16xf32> to vector<1x16xf32>
        tpu.vector_store %arg8[%swap3A_1412, %swap3A_1413], %swap3A_1416 {add = true, strides = array<i32>} : memref<16x1024xf32, #tpu.memory_space<vmem>>, vector<1x16xf32>,
        %swap3A_1417 = arith.constant 5 : i32
        %swap3A_1418 = arith.index_cast %swap3A_1417 : i32 to index
        %swap3A_1419 = arith.index_cast %add3A_1393 : i32 to index
        %swap3A_1420 = tpu.vector_load %arg9[%swap3A_1418, %swap3A_1419] {strides = array<i32>} : memref<16x1024xf32, #tpu.memory_space<vmem>>, vector<1x16xf32>,
        %swap3A_1421 = vector.shape_cast %swap3A_1420 : vector<1x16xf32> to vector<16xf32>
        %swap3A_1422 = vector.shape_cast %get3A_1398 : vector<16xf32> to vector<1x16xf32>
        tpu.vector_store %arg9[%swap3A_1418, %swap3A_1419], %swap3A_1422 {add = true, strides = array<i32>} : memref<16x1024xf32, #tpu.memory_space<vmem>>, vector<1x16xf32>,
        %add3A_1423 = arith.constant 16 : i32
        %add3A_1424 = arith.addi %mul3A_153, %add3A_1423 : i32
        %get3A_1425 = arith.constant 5 : i32
        %get3A_1426 = arith.index_cast %get3A_1425 : i32 to index
        %get3A_1427 = arith.index_cast %add3A_1424 : i32 to index
        %get3A_1428 = tpu.vector_load %arg5[%get3A_1426, %get3A_1427] {strides = array<i32>} : memref<16x1024xf32, #tpu.memory_space<vmem>>, vector<1x16xf32>,
        %get3A_1429 = vector.shape_cast %get3A_1428 : vector<1x16xf32> to vector<16xf32>
        %swap3A_1430 = arith.constant 5 : i32
        %swap3A_1431 = arith.index_cast %swap3A_1430 : i32 to index
        %swap3A_1432 = arith.index_cast %add3A_1424 : i32 to index
        %swap3A_1433 = tpu.vector_load %arg6[%swap3A_1431, %swap3A_1432] {strides = array<i32>} : memref<16x1024xf32, #tpu.memory_space<vmem>>, vector<1x16xf32>,
        %swap3A_1434 = vector.shape_cast %swap3A_1433 : vector<1x16xf32> to vector<16xf32>
        %swap3A_1435 = vector.shape_cast %get3A_1429 : vector<16xf32> to vector<1x16xf32>
        tpu.vector_store %arg6[%swap3A_1431, %swap3A_1432], %swap3A_1435 {add = true, strides = array<i32>} : memref<16x1024xf32, #tpu.memory_space<vmem>>, vector<1x16xf32>,
        %swap3A_1436 = arith.constant 5 : i32
        %swap3A_1437 = arith.index_cast %swap3A_1436 : i32 to index
        %swap3A_1438 = arith.index_cast %add3A_1424 : i32 to index
        %swap3A_1439 = tpu.vector_load %arg7[%swap3A_1437, %swap3A_1438] {strides = array<i32>} : memref<16x1024xf32, #tpu.memory_space<vmem>>, vector<1x16xf32>,
        %swap3A_1440 = vector.shape_cast %swap3A_1439 : vector<1x16xf32> to vector<16xf32>
        %swap3A_1441 = vector.shape_cast %get3A_1429 : vector<16xf32> to vector<1x16xf32>
        tpu.vector_store %arg7[%swap3A_1437, %swap3A_1438], %swap3A_1441 {add = true, strides = array<i32>} : memref<16x1024xf32, #tpu.memory_space<vmem>>, vector<1x16xf32>,
        %swap3A_1442 = arith.constant 5 : i32
        %swap3A_1443 = arith.index_cast %swap3A_1442 : i32 to index
        %swap3A_1444 = arith.index_cast %add3A_1424 : i32 to index
        %swap3A_1445 = tpu.vector_load %arg8[%swap3A_1443, %swap3A_1444] {strides = array<i32>} : memref<16x1024xf32, #tpu.memory_space<vmem>>, vector<1x16xf32>,
        %swap3A_1446 = vector.shape_cast %swap3A_1445 : vector<1x16xf32> to vector<16xf32>
        %swap3A_1447 = vector.shape_cast %get3A_1429 : vector<16xf32> to vector<1x16xf32>
        tpu.vector_store %arg8[%swap3A_1443, %swap3A_1444], %swap3A_1447 {add = true, strides = array<i32>} : memref<16x1024xf32, #tpu.memory_space<vmem>>, vector<1x16xf32>,
        %swap3A_1448 = arith.constant 5 : i32
        %swap3A_1449 = arith.index_cast %swap3A_1448 : i32 to index
        %swap3A_1450 = arith.index_cast %add3A_1424 : i32 to index
        %swap3A_1451 = tpu.vector_load %arg9[%swap3A_1449, %swap3A_1450] {strides = array<i32>} : memref<16x1024xf32, #tpu.memory_space<vmem>>, vector<1x16xf32>,
        %swap3A_1452 = vector.shape_cast %swap3A_1451 : vector<1x16xf32> to vector<16xf32>
        %swap3A_1453 = vector.shape_cast %get3A_1429 : vector<16xf32> to vector<1x16xf32>
        tpu.vector_store %arg9[%swap3A_1449, %swap3A_1450], %swap3A_1453 {add = true, strides = array<i32>} : memref<16x1024xf32, #tpu.memory_space<vmem>>, vector<1x16xf32>,
        %add3A_1454 = arith.constant 32 : i32
        %add3A_1455 = arith.addi %mul3A_153, %add3A_1454 : i32
        %get3A_1456 = arith.constant 5 : i32
        %get3A_1457 = arith.index_cast %get3A_1456 : i32 to index
        %get3A_1458 = arith.index_cast %add3A_1455 : i32 to index
        %get3A_1459 = tpu.vector_load %arg5[%get3A_1457, %get3A_1458] {strides = array<i32>} : memref<16x1024xf32, #tpu.memory_space<vmem>>, vector<1x16xf32>,
        %get3A_1460 = vector.shape_cast %get3A_1459 : vector<1x16xf32> to vector<16xf32>
        %swap3A_1461 = arith.constant 5 : i32
        %swap3A_1462 = arith.index_cast %swap3A_1461 : i32 to index
        %swap3A_1463 = arith.index_cast %add3A_1455 : i32 to index
        %swap3A_1464 = tpu.vector_load %arg6[%swap3A_1462, %swap3A_1463] {strides = array<i32>} : memref<16x1024xf32, #tpu.memory_space<vmem>>, vector<1x16xf32>,
        %swap3A_1465 = vector.shape_cast %swap3A_1464 : vector<1x16xf32> to vector<16xf32>
        %swap3A_1466 = vector.shape_cast %get3A_1460 : vector<16xf32> to vector<1x16xf32>
        tpu.vector_store %arg6[%swap3A_1462, %swap3A_1463], %swap3A_1466 {add = true, strides = array<i32>} : memref<16x1024xf32, #tpu.memory_space<vmem>>, vector<1x16xf32>,
        %swap3A_1467 = arith.constant 5 : i32
        %swap3A_1468 = arith.index_cast %swap3A_1467 : i32 to index
        %swap3A_1469 = arith.index_cast %add3A_1455 : i32 to index
        %swap3A_1470 = tpu.vector_load %arg7[%swap3A_1468, %swap3A_1469] {strides = array<i32>} : memref<16x1024xf32, #tpu.memory_space<vmem>>, vector<1x16xf32>,
        %swap3A_1471 = vector.shape_cast %swap3A_1470 : vector<1x16xf32> to vector<16xf32>
        %swap3A_1472 = vector.shape_cast %get3A_1460 : vector<16xf32> to vector<1x16xf32>
        tpu.vector_store %arg7[%swap3A_1468, %swap3A_1469], %swap3A_1472 {add = true, strides = array<i32>} : memref<16x1024xf32, #tpu.memory_space<vmem>>, vector<1x16xf32>,
        %swap3A_1473 = arith.constant 5 : i32
        %swap3A_1474 = arith.index_cast %swap3A_1473 : i32 to index
        %swap3A_1475 = arith.index_cast %add3A_1455 : i32 to index
        %swap3A_1476 = tpu.vector_load %arg8[%swap3A_1474, %swap3A_1475] {strides = array<i32>} : memref<16x1024xf32, #tpu.memory_space<vmem>>, vector<1x16xf32>,
        %swap3A_1477 = vector.shape_cast %swap3A_1476 : vector<1x16xf32> to vector<16xf32>
        %swap3A_1478 = vector.shape_cast %get3A_1460 : vector<16xf32> to vector<1x16xf32>
        tpu.vector_store %arg8[%swap3A_1474, %swap3A_1475], %swap3A_1478 {add = true, strides = array<i32>} : memref<16x1024xf32, #tpu.memory_space<vmem>>, vector<1x16xf32>,
        %swap3A_1479 = arith.constant 5 : i32
        %swap3A_1480 = arith.index_cast %swap3A_1479 : i32 to index
        %swap3A_1481 = arith.index_cast %add3A_1455 : i32 to index
        %swap3A_1482 = tpu.vector_load %arg9[%swap3A_1480, %swap3A_1481] {strides = array<i32>} : memref<16x1024xf32, #tpu.memory_space<vmem>>, vector<1x16xf32>,
        %swap3A_1483 = vector.shape_cast %swap3A_1482 : vector<1x16xf32> to vector<16xf32>
        %swap3A_1484 = vector.shape_cast %get3A_1460 : vector<16xf32> to vector<1x16xf32>
        tpu.vector_store %arg9[%swap3A_1480, %swap3A_1481], %swap3A_1484 {add = true, strides = array<i32>} : memref<16x1024xf32, #tpu.memory_space<vmem>>, vector<1x16xf32>,
        %add3A_1485 = arith.constant 48 : i32
        %add3A_1486 = arith.addi %mul3A_153, %add3A_1485 : i32
        %get3A_1487 = arith.constant 5 : i32
        %get3A_1488 = arith.index_cast %get3A_1487 : i32 to index
        %get3A_1489 = arith.index_cast %add3A_1486 : i32 to index
        %get3A_1490 = tpu.vector_load %arg5[%get3A_1488, %get3A_1489] {strides = array<i32>} : memref<16x1024xf32, #tpu.memory_space<vmem>>, vector<1x16xf32>,
        %get3A_1491 = vector.shape_cast %get3A_1490 : vector<1x16xf32> to vector<16xf32>
        %swap3A_1492 = arith.constant 5 : i32
        %swap3A_1493 = arith.index_cast %swap3A_1492 : i32 to index
        %swap3A_1494 = arith.index_cast %add3A_1486 : i32 to index
        %swap3A_1495 = tpu.vector_load %arg6[%swap3A_1493, %swap3A_1494] {strides = array<i32>} : memref<16x1024xf32, #tpu.memory_space<vmem>>, vector<1x16xf32>,
        %swap3A_1496 = vector.shape_cast %swap3A_1495 : vector<1x16xf32> to vector<16xf32>
        %swap3A_1497 = vector.shape_cast %get3A_1491 : vector<16xf32> to vector<1x16xf32>
        tpu.vector_store %arg6[%swap3A_1493, %swap3A_1494], %swap3A_1497 {add = true, strides = array<i32>} : memref<16x1024xf32, #tpu.memory_space<vmem>>, vector<1x16xf32>,
        %swap3A_1498 = arith.constant 5 : i32
        %swap3A_1499 = arith.index_cast %swap3A_1498 : i32 to index
        %swap3A_1500 = arith.index_cast %add3A_1486 : i32 to index
        %swap3A_1501 = tpu.vector_load %arg7[%swap3A_1499, %swap3A_1500] {strides = array<i32>} : memref<16x1024xf32, #tpu.memory_space<vmem>>, vector<1x16xf32>,
        %swap3A_1502 = vector.shape_cast %swap3A_1501 : vector<1x16xf32> to vector<16xf32>
        %swap3A_1503 = vector.shape_cast %get3A_1491 : vector<16xf32> to vector<1x16xf32>
        tpu.vector_store %arg7[%swap3A_1499, %swap3A_1500], %swap3A_1503 {add = true, strides = array<i32>} : memref<16x1024xf32, #tpu.memory_space<vmem>>, vector<1x16xf32>,
        %swap3A_1504 = arith.constant 5 : i32
        %swap3A_1505 = arith.index_cast %swap3A_1504 : i32 to index
        %swap3A_1506 = arith.index_cast %add3A_1486 : i32 to index
        %swap3A_1507 = tpu.vector_load %arg8[%swap3A_1505, %swap3A_1506] {strides = array<i32>} : memref<16x1024xf32, #tpu.memory_space<vmem>>, vector<1x16xf32>,
        %swap3A_1508 = vector.shape_cast %swap3A_1507 : vector<1x16xf32> to vector<16xf32>
        %swap3A_1509 = vector.shape_cast %get3A_1491 : vector<16xf32> to vector<1x16xf32>
        tpu.vector_store %arg8[%swap3A_1505, %swap3A_1506], %swap3A_1509 {add = true, strides = array<i32>} : memref<16x1024xf32, #tpu.memory_space<vmem>>, vector<1x16xf32>,
        %swap3A_1510 = arith.constant 5 : i32
        %swap3A_1511 = arith.index_cast %swap3A_1510 : i32 to index
        %swap3A_1512 = arith.index_cast %add3A_1486 : i32 to index
        %swap3A_1513 = tpu.vector_load %arg9[%swap3A_1511, %swap3A_1512] {strides = array<i32>} : memref<16x1024xf32, #tpu.memory_space<vmem>>, vector<1x16xf32>,
        %swap3A_1514 = vector.shape_cast %swap3A_1513 : vector<1x16xf32> to vector<16xf32>
        %swap3A_1515 = vector.shape_cast %get3A_1491 : vector<16xf32> to vector<1x16xf32>
        tpu.vector_store %arg9[%swap3A_1511, %swap3A_1512], %swap3A_1515 {add = true, strides = array<i32>} : memref<16x1024xf32, #tpu.memory_space<vmem>>, vector<1x16xf32>,
        %add3A_1516 = arith.constant 64 : i32
        %add3A_1517 = arith.addi %mul3A_153, %add3A_1516 : i32
        %get3A_1518 = arith.constant 5 : i32
        %get3A_1519 = arith.index_cast %get3A_1518 : i32 to index
        %get3A_1520 = arith.index_cast %add3A_1517 : i32 to index
        %get3A_1521 = tpu.vector_load %arg5[%get3A_1519, %get3A_1520] {strides = array<i32>} : memref<16x1024xf32, #tpu.memory_space<vmem>>, vector<1x16xf32>,
        %get3A_1522 = vector.shape_cast %get3A_1521 : vector<1x16xf32> to vector<16xf32>
        %swap3A_1523 = arith.constant 5 : i32
        %swap3A_1524 = arith.index_cast %swap3A_1523 : i32 to index
        %swap3A_1525 = arith.index_cast %add3A_1517 : i32 to index
        %swap3A_1526 = tpu.vector_load %arg6[%swap3A_1524, %swap3A_1525] {strides = array<i32>} : memref<16x1024xf32, #tpu.memory_space<vmem>>, vector<1x16xf32>,
        %swap3A_1527 = vector.shape_cast %swap3A_1526 : vector<1x16xf32> to vector<16xf32>
        %swap3A_1528 = vector.shape_cast %get3A_1522 : vector<16xf32> to vector<1x16xf32>
        tpu.vector_store %arg6[%swap3A_1524, %swap3A_1525], %swap3A_1528 {add = true, strides = array<i32>} : memref<16x1024xf32, #tpu.memory_space<vmem>>, vector<1x16xf32>,
        %swap3A_1529 = arith.constant 5 : i32
        %swap3A_1530 = arith.index_cast %swap3A_1529 : i32 to index
        %swap3A_1531 = arith.index_cast %add3A_1517 : i32 to index
        %swap3A_1532 = tpu.vector_load %arg7[%swap3A_1530, %swap3A_1531] {strides = array<i32>} : memref<16x1024xf32, #tpu.memory_space<vmem>>, vector<1x16xf32>,
        %swap3A_1533 = vector.shape_cast %swap3A_1532 : vector<1x16xf32> to vector<16xf32>
        %swap3A_1534 = vector.shape_cast %get3A_1522 : vector<16xf32> to vector<1x16xf32>
        tpu.vector_store %arg7[%swap3A_1530, %swap3A_1531], %swap3A_1534 {add = true, strides = array<i32>} : memref<16x1024xf32, #tpu.memory_space<vmem>>, vector<1x16xf32>,
        %swap3A_1535 = arith.constant 5 : i32
        %swap3A_1536 = arith.index_cast %swap3A_1535 : i32 to index
        %swap3A_1537 = arith.index_cast %add3A_1517 : i32 to index
        %swap3A_1538 = tpu.vector_load %arg8[%swap3A_1536, %swap3A_1537] {strides = array<i32>} : memref<16x1024xf32, #tpu.memory_space<vmem>>, vector<1x16xf32>,
        %swap3A_1539 = vector.shape_cast %swap3A_1538 : vector<1x16xf32> to vector<16xf32>
        %swap3A_1540 = vector.shape_cast %get3A_1522 : vector<16xf32> to vector<1x16xf32>
        tpu.vector_store %arg8[%swap3A_1536, %swap3A_1537], %swap3A_1540 {add = true, strides = array<i32>} : memref<16x1024xf32, #tpu.memory_space<vmem>>, vector<1x16xf32>,
        %swap3A_1541 = arith.constant 5 : i32
        %swap3A_1542 = arith.index_cast %swap3A_1541 : i32 to index
        %swap3A_1543 = arith.index_cast %add3A_1517 : i32 to index
        %swap3A_1544 = tpu.vector_load %arg9[%swap3A_1542, %swap3A_1543] {strides = array<i32>} : memref<16x1024xf32, #tpu.memory_space<vmem>>, vector<1x16xf32>,
        %swap3A_1545 = vector.shape_cast %swap3A_1544 : vector<1x16xf32> to vector<16xf32>
        %swap3A_1546 = vector.shape_cast %get3A_1522 : vector<16xf32> to vector<1x16xf32>
        tpu.vector_store %arg9[%swap3A_1542, %swap3A_1543], %swap3A_1546 {add = true, strides = array<i32>} : memref<16x1024xf32, #tpu.memory_space<vmem>>, vector<1x16xf32>,
        %add3A_1547 = arith.constant 80 : i32
        %add3A_1548 = arith.addi %mul3A_153, %add3A_1547 : i32
        %get3A_1549 = arith.constant 5 : i32
        %get3A_1550 = arith.index_cast %get3A_1549 : i32 to index
        %get3A_1551 = arith.index_cast %add3A_1548 : i32 to index
        %get3A_1552 = tpu.vector_load %arg5[%get3A_1550, %get3A_1551] {strides = array<i32>} : memref<16x1024xf32, #tpu.memory_space<vmem>>, vector<1x16xf32>,
        %get3A_1553 = vector.shape_cast %get3A_1552 : vector<1x16xf32> to vector<16xf32>
        %swap3A_1554 = arith.constant 5 : i32
        %swap3A_1555 = arith.index_cast %swap3A_1554 : i32 to index
        %swap3A_1556 = arith.index_cast %add3A_1548 : i32 to index
        %swap3A_1557 = tpu.vector_load %arg6[%swap3A_1555, %swap3A_1556] {strides = array<i32>} : memref<16x1024xf32, #tpu.memory_space<vmem>>, vector<1x16xf32>,
        %swap3A_1558 = vector.shape_cast %swap3A_1557 : vector<1x16xf32> to vector<16xf32>
        %swap3A_1559 = vector.shape_cast %get3A_1553 : vector<16xf32> to vector<1x16xf32>
        tpu.vector_store %arg6[%swap3A_1555, %swap3A_1556], %swap3A_1559 {add = true, strides = array<i32>} : memref<16x1024xf32, #tpu.memory_space<vmem>>, vector<1x16xf32>,
        %swap3A_1560 = arith.constant 5 : i32
        %swap3A_1561 = arith.index_cast %swap3A_1560 : i32 to index
        %swap3A_1562 = arith.index_cast %add3A_1548 : i32 to index
        %swap3A_1563 = tpu.vector_load %arg7[%swap3A_1561, %swap3A_1562] {strides = array<i32>} : memref<16x1024xf32, #tpu.memory_space<vmem>>, vector<1x16xf32>,
        %swap3A_1564 = vector.shape_cast %swap3A_1563 : vector<1x16xf32> to vector<16xf32>
        %swap3A_1565 = vector.shape_cast %get3A_1553 : vector<16xf32> to vector<1x16xf32>
        tpu.vector_store %arg7[%swap3A_1561, %swap3A_1562], %swap3A_1565 {add = true, strides = array<i32>} : memref<16x1024xf32, #tpu.memory_space<vmem>>, vector<1x16xf32>,
        %swap3A_1566 = arith.constant 5 : i32
        %swap3A_1567 = arith.index_cast %swap3A_1566 : i32 to index
        %swap3A_1568 = arith.index_cast %add3A_1548 : i32 to index
        %swap3A_1569 = tpu.vector_load %arg8[%swap3A_1567, %swap3A_1568] {strides = array<i32>} : memref<16x1024xf32, #tpu.memory_space<vmem>>, vector<1x16xf32>,
        %swap3A_1570 = vector.shape_cast %swap3A_1569 : vector<1x16xf32> to vector<16xf32>
        %swap3A_1571 = vector.shape_cast %get3A_1553 : vector<16xf32> to vector<1x16xf32>
        tpu.vector_store %arg8[%swap3A_1567, %swap3A_1568], %swap3A_1571 {add = true, strides = array<i32>} : memref<16x1024xf32, #tpu.memory_space<vmem>>, vector<1x16xf32>,
        %swap3A_1572 = arith.constant 5 : i32
        %swap3A_1573 = arith.index_cast %swap3A_1572 : i32 to index
        %swap3A_1574 = arith.index_cast %add3A_1548 : i32 to index
        %swap3A_1575 = tpu.vector_load %arg9[%swap3A_1573, %swap3A_1574] {strides = array<i32>} : memref<16x1024xf32, #tpu.memory_space<vmem>>, vector<1x16xf32>,
        %swap3A_1576 = vector.shape_cast %swap3A_1575 : vector<1x16xf32> to vector<16xf32>
        %swap3A_1577 = vector.shape_cast %get3A_1553 : vector<16xf32> to vector<1x16xf32>
        tpu.vector_store %arg9[%swap3A_1573, %swap3A_1574], %swap3A_1577 {add = true, strides = array<i32>} : memref<16x1024xf32, #tpu.memory_space<vmem>>, vector<1x16xf32>,
        %add3A_1578 = arith.constant 96 : i32
        %add3A_1579 = arith.addi %mul3A_153, %add3A_1578 : i32
        %get3A_1580 = arith.constant 5 : i32
        %get3A_1581 = arith.index_cast %get3A_1580 : i32 to index
        %get3A_1582 = arith.index_cast %add3A_1579 : i32 to index
        %get3A_1583 = tpu.vector_load %arg5[%get3A_1581, %get3A_1582] {strides = array<i32>} : memref<16x1024xf32, #tpu.memory_space<vmem>>, vector<1x16xf32>,
        %get3A_1584 = vector.shape_cast %get3A_1583 : vector<1x16xf32> to vector<16xf32>
        %swap3A_1585 = arith.constant 5 : i32
        %swap3A_1586 = arith.index_cast %swap3A_1585 : i32 to index
        %swap3A_1587 = arith.index_cast %add3A_1579 : i32 to index
        %swap3A_1588 = tpu.vector_load %arg6[%swap3A_1586, %swap3A_1587] {strides = array<i32>} : memref<16x1024xf32, #tpu.memory_space<vmem>>, vector<1x16xf32>,
        %swap3A_1589 = vector.shape_cast %swap3A_1588 : vector<1x16xf32> to vector<16xf32>
        %swap3A_1590 = vector.shape_cast %get3A_1584 : vector<16xf32> to vector<1x16xf32>
        tpu.vector_store %arg6[%swap3A_1586, %swap3A_1587], %swap3A_1590 {add = true, strides = array<i32>} : memref<16x1024xf32, #tpu.memory_space<vmem>>, vector<1x16xf32>,
        %swap3A_1591 = arith.constant 5 : i32
        %swap3A_1592 = arith.index_cast %swap3A_1591 : i32 to index
        %swap3A_1593 = arith.index_cast %add3A_1579 : i32 to index
        %swap3A_1594 = tpu.vector_load %arg7[%swap3A_1592, %swap3A_1593] {strides = array<i32>} : memref<16x1024xf32, #tpu.memory_space<vmem>>, vector<1x16xf32>,
        %swap3A_1595 = vector.shape_cast %swap3A_1594 : vector<1x16xf32> to vector<16xf32>
        %swap3A_1596 = vector.shape_cast %get3A_1584 : vector<16xf32> to vector<1x16xf32>
        tpu.vector_store %arg7[%swap3A_1592, %swap3A_1593], %swap3A_1596 {add = true, strides = array<i32>} : memref<16x1024xf32, #tpu.memory_space<vmem>>, vector<1x16xf32>,
        %swap3A_1597 = arith.constant 5 : i32
        %swap3A_1598 = arith.index_cast %swap3A_1597 : i32 to index
        %swap3A_1599 = arith.index_cast %add3A_1579 : i32 to index
        %swap3A_1600 = tpu.vector_load %arg8[%swap3A_1598, %swap3A_1599] {strides = array<i32>} : memref<16x1024xf32, #tpu.memory_space<vmem>>, vector<1x16xf32>,
        %swap3A_1601 = vector.shape_cast %swap3A_1600 : vector<1x16xf32> to vector<16xf32>
        %swap3A_1602 = vector.shape_cast %get3A_1584 : vector<16xf32> to vector<1x16xf32>
        tpu.vector_store %arg8[%swap3A_1598, %swap3A_1599], %swap3A_1602 {add = true, strides = array<i32>} : memref<16x1024xf32, #tpu.memory_space<vmem>>, vector<1x16xf32>,
        %swap3A_1603 = arith.constant 5 : i32
        %swap3A_1604 = arith.index_cast %swap3A_1603 : i32 to index
        %swap3A_1605 = arith.index_cast %add3A_1579 : i32 to index
        %swap3A_1606 = tpu.vector_load %arg9[%swap3A_1604, %swap3A_1605] {strides = array<i32>} : memref<16x1024xf32, #tpu.memory_space<vmem>>, vector<1x16xf32>,
        %swap3A_1607 = vector.shape_cast %swap3A_1606 : vector<1x16xf32> to vector<16xf32>
        %swap3A_1608 = vector.shape_cast %get3A_1584 : vector<16xf32> to vector<1x16xf32>
        tpu.vector_store %arg9[%swap3A_1604, %swap3A_1605], %swap3A_1608 {add = true, strides = array<i32>} : memref<16x1024xf32, #tpu.memory_space<vmem>>, vector<1x16xf32>,
        %add3A_1609 = arith.constant 112 : i32
        %add3A_1610 = arith.addi %mul3A_153, %add3A_1609 : i32
        %get3A_1611 = arith.constant 5 : i32
        %get3A_1612 = arith.index_cast %get3A_1611 : i32 to index
        %get3A_1613 = arith.index_cast %add3A_1610 : i32 to index
        %get3A_1614 = tpu.vector_load %arg5[%get3A_1612, %get3A_1613] {strides = array<i32>} : memref<16x1024xf32, #tpu.memory_space<vmem>>, vector<1x16xf32>,
        %get3A_1615 = vector.shape_cast %get3A_1614 : vector<1x16xf32> to vector<16xf32>
        %swap3A_1616 = arith.constant 5 : i32
        %swap3A_1617 = arith.index_cast %swap3A_1616 : i32 to index
        %swap3A_1618 = arith.index_cast %add3A_1610 : i32 to index
        %swap3A_1619 = tpu.vector_load %arg6[%swap3A_1617, %swap3A_1618] {strides = array<i32>} : memref<16x1024xf32, #tpu.memory_space<vmem>>, vector<1x16xf32>,
        %swap3A_1620 = vector.shape_cast %swap3A_1619 : vector<1x16xf32> to vector<16xf32>
        %swap3A_1621 = vector.shape_cast %get3A_1615 : vector<16xf32> to vector<1x16xf32>
        tpu.vector_store %arg6[%swap3A_1617, %swap3A_1618], %swap3A_1621 {add = true, strides = array<i32>} : memref<16x1024xf32, #tpu.memory_space<vmem>>, vector<1x16xf32>,
        %swap3A_1622 = arith.constant 5 : i32
        %swap3A_1623 = arith.index_cast %swap3A_1622 : i32 to index
        %swap3A_1624 = arith.index_cast %add3A_1610 : i32 to index
        %swap3A_1625 = tpu.vector_load %arg7[%swap3A_1623, %swap3A_1624] {strides = array<i32>} : memref<16x1024xf32, #tpu.memory_space<vmem>>, vector<1x16xf32>,
        %swap3A_1626 = vector.shape_cast %swap3A_1625 : vector<1x16xf32> to vector<16xf32>
        %swap3A_1627 = vector.shape_cast %get3A_1615 : vector<16xf32> to vector<1x16xf32>
        tpu.vector_store %arg7[%swap3A_1623, %swap3A_1624], %swap3A_1627 {add = true, strides = array<i32>} : memref<16x1024xf32, #tpu.memory_space<vmem>>, vector<1x16xf32>,
        %swap3A_1628 = arith.constant 5 : i32
        %swap3A_1629 = arith.index_cast %swap3A_1628 : i32 to index
        %swap3A_1630 = arith.index_cast %add3A_1610 : i32 to index
        %swap3A_1631 = tpu.vector_load %arg8[%swap3A_1629, %swap3A_1630] {strides = array<i32>} : memref<16x1024xf32, #tpu.memory_space<vmem>>, vector<1x16xf32>,
        %swap3A_1632 = vector.shape_cast %swap3A_1631 : vector<1x16xf32> to vector<16xf32>
        %swap3A_1633 = vector.shape_cast %get3A_1615 : vector<16xf32> to vector<1x16xf32>
        tpu.vector_store %arg8[%swap3A_1629, %swap3A_1630], %swap3A_1633 {add = true, strides = array<i32>} : memref<16x1024xf32, #tpu.memory_space<vmem>>, vector<1x16xf32>,
        %swap3A_1634 = arith.constant 5 : i32
        %swap3A_1635 = arith.index_cast %swap3A_1634 : i32 to index
        %swap3A_1636 = arith.index_cast %add3A_1610 : i32 to index
        %swap3A_1637 = tpu.vector_load %arg9[%swap3A_1635, %swap3A_1636] {strides = array<i32>} : memref<16x1024xf32, #tpu.memory_space<vmem>>, vector<1x16xf32>,
        %swap3A_1638 = vector.shape_cast %swap3A_1637 : vector<1x16xf32> to vector<16xf32>
        %swap3A_1639 = vector.shape_cast %get3A_1615 : vector<16xf32> to vector<1x16xf32>
        tpu.vector_store %arg9[%swap3A_1635, %swap3A_1636], %swap3A_1639 {add = true, strides = array<i32>} : memref<16x1024xf32, #tpu.memory_space<vmem>>, vector<1x16xf32>,
        %add3A_1640 = arith.constant 0 : i32
        %add3A_1641 = arith.addi %mul3A_153, %add3A_1640 : i32
        %get3A_1642 = arith.constant 6 : i32
        %get3A_1643 = arith.index_cast %get3A_1642 : i32 to index
        %get3A_1644 = arith.index_cast %add3A_1641 : i32 to index
        %get3A_1645 = tpu.vector_load %arg5[%get3A_1643, %get3A_1644] {strides = array<i32>} : memref<16x1024xf32, #tpu.memory_space<vmem>>, vector<1x16xf32>,
        %get3A_1646 = vector.shape_cast %get3A_1645 : vector<1x16xf32> to vector<16xf32>
        %swap3A_1647 = arith.constant 6 : i32
        %swap3A_1648 = arith.index_cast %swap3A_1647 : i32 to index
        %swap3A_1649 = arith.index_cast %add3A_1641 : i32 to index
        %swap3A_1650 = tpu.vector_load %arg6[%swap3A_1648, %swap3A_1649] {strides = array<i32>} : memref<16x1024xf32, #tpu.memory_space<vmem>>, vector<1x16xf32>,
        %swap3A_1651 = vector.shape_cast %swap3A_1650 : vector<1x16xf32> to vector<16xf32>
        %swap3A_1652 = vector.shape_cast %get3A_1646 : vector<16xf32> to vector<1x16xf32>
        tpu.vector_store %arg6[%swap3A_1648, %swap3A_1649], %swap3A_1652 {add = true, strides = array<i32>} : memref<16x1024xf32, #tpu.memory_space<vmem>>, vector<1x16xf32>,
        %swap3A_1653 = arith.constant 6 : i32
        %swap3A_1654 = arith.index_cast %swap3A_1653 : i32 to index
        %swap3A_1655 = arith.index_cast %add3A_1641 : i32 to index
        %swap3A_1656 = tpu.vector_load %arg7[%swap3A_1654, %swap3A_1655] {strides = array<i32>} : memref<16x1024xf32, #tpu.memory_space<vmem>>, vector<1x16xf32>,
        %swap3A_1657 = vector.shape_cast %swap3A_1656 : vector<1x16xf32> to vector<16xf32>
        %swap3A_1658 = vector.shape_cast %get3A_1646 : vector<16xf32> to vector<1x16xf32>
        tpu.vector_store %arg7[%swap3A_1654, %swap3A_1655], %swap3A_1658 {add = true, strides = array<i32>} : memref<16x1024xf32, #tpu.memory_space<vmem>>, vector<1x16xf32>,
        %swap3A_1659 = arith.constant 6 : i32
        %swap3A_1660 = arith.index_cast %swap3A_1659 : i32 to index
        %swap3A_1661 = arith.index_cast %add3A_1641 : i32 to index
        %swap3A_1662 = tpu.vector_load %arg8[%swap3A_1660, %swap3A_1661] {strides = array<i32>} : memref<16x1024xf32, #tpu.memory_space<vmem>>, vector<1x16xf32>,
        %swap3A_1663 = vector.shape_cast %swap3A_1662 : vector<1x16xf32> to vector<16xf32>
        %swap3A_1664 = vector.shape_cast %get3A_1646 : vector<16xf32> to vector<1x16xf32>
        tpu.vector_store %arg8[%swap3A_1660, %swap3A_1661], %swap3A_1664 {add = true, strides = array<i32>} : memref<16x1024xf32, #tpu.memory_space<vmem>>, vector<1x16xf32>,
        %swap3A_1665 = arith.constant 6 : i32
        %swap3A_1666 = arith.index_cast %swap3A_1665 : i32 to index
        %swap3A_1667 = arith.index_cast %add3A_1641 : i32 to index
        %swap3A_1668 = tpu.vector_load %arg9[%swap3A_1666, %swap3A_1667] {strides = array<i32>} : memref<16x1024xf32, #tpu.memory_space<vmem>>, vector<1x16xf32>,
        %swap3A_1669 = vector.shape_cast %swap3A_1668 : vector<1x16xf32> to vector<16xf32>
        %swap3A_1670 = vector.shape_cast %get3A_1646 : vector<16xf32> to vector<1x16xf32>
        tpu.vector_store %arg9[%swap3A_1666, %swap3A_1667], %swap3A_1670 {add = true, strides = array<i32>} : memref<16x1024xf32, #tpu.memory_space<vmem>>, vector<1x16xf32>,
        %add3A_1671 = arith.constant 16 : i32
        %add3A_1672 = arith.addi %mul3A_153, %add3A_1671 : i32
        %get3A_1673 = arith.constant 6 : i32
        %get3A_1674 = arith.index_cast %get3A_1673 : i32 to index
        %get3A_1675 = arith.index_cast %add3A_1672 : i32 to index
        %get3A_1676 = tpu.vector_load %arg5[%get3A_1674, %get3A_1675] {strides = array<i32>} : memref<16x1024xf32, #tpu.memory_space<vmem>>, vector<1x16xf32>,
        %get3A_1677 = vector.shape_cast %get3A_1676 : vector<1x16xf32> to vector<16xf32>
        %swap3A_1678 = arith.constant 6 : i32
        %swap3A_1679 = arith.index_cast %swap3A_1678 : i32 to index
        %swap3A_1680 = arith.index_cast %add3A_1672 : i32 to index
        %swap3A_1681 = tpu.vector_load %arg6[%swap3A_1679, %swap3A_1680] {strides = array<i32>} : memref<16x1024xf32, #tpu.memory_space<vmem>>, vector<1x16xf32>,
        %swap3A_1682 = vector.shape_cast %swap3A_1681 : vector<1x16xf32> to vector<16xf32>
        %swap3A_1683 = vector.shape_cast %get3A_1677 : vector<16xf32> to vector<1x16xf32>
        tpu.vector_store %arg6[%swap3A_1679, %swap3A_1680], %swap3A_1683 {add = true, strides = array<i32>} : memref<16x1024xf32, #tpu.memory_space<vmem>>, vector<1x16xf32>,
        %swap3A_1684 = arith.constant 6 : i32
        %swap3A_1685 = arith.index_cast %swap3A_1684 : i32 to index
        %swap3A_1686 = arith.index_cast %add3A_1672 : i32 to index
        %swap3A_1687 = tpu.vector_load %arg7[%swap3A_1685, %swap3A_1686] {strides = array<i32>} : memref<16x1024xf32, #tpu.memory_space<vmem>>, vector<1x16xf32>,
        %swap3A_1688 = vector.shape_cast %swap3A_1687 : vector<1x16xf32> to vector<16xf32>
        %swap3A_1689 = vector.shape_cast %get3A_1677 : vector<16xf32> to vector<1x16xf32>
        tpu.vector_store %arg7[%swap3A_1685, %swap3A_1686], %swap3A_1689 {add = true, strides = array<i32>} : memref<16x1024xf32, #tpu.memory_space<vmem>>, vector<1x16xf32>,
        %swap3A_1690 = arith.constant 6 : i32
        %swap3A_1691 = arith.index_cast %swap3A_1690 : i32 to index
        %swap3A_1692 = arith.index_cast %add3A_1672 : i32 to index
        %swap3A_1693 = tpu.vector_load %arg8[%swap3A_1691, %swap3A_1692] {strides = array<i32>} : memref<16x1024xf32, #tpu.memory_space<vmem>>, vector<1x16xf32>,
        %swap3A_1694 = vector.shape_cast %swap3A_1693 : vector<1x16xf32> to vector<16xf32>
        %swap3A_1695 = vector.shape_cast %get3A_1677 : vector<16xf32> to vector<1x16xf32>
        tpu.vector_store %arg8[%swap3A_1691, %swap3A_1692], %swap3A_1695 {add = true, strides = array<i32>} : memref<16x1024xf32, #tpu.memory_space<vmem>>, vector<1x16xf32>,
        %swap3A_1696 = arith.constant 6 : i32
        %swap3A_1697 = arith.index_cast %swap3A_1696 : i32 to index
        %swap3A_1698 = arith.index_cast %add3A_1672 : i32 to index
        %swap3A_1699 = tpu.vector_load %arg9[%swap3A_1697, %swap3A_1698] {strides = array<i32>} : memref<16x1024xf32, #tpu.memory_space<vmem>>, vector<1x16xf32>,
        %swap3A_1700 = vector.shape_cast %swap3A_1699 : vector<1x16xf32> to vector<16xf32>
        %swap3A_1701 = vector.shape_cast %get3A_1677 : vector<16xf32> to vector<1x16xf32>
        tpu.vector_store %arg9[%swap3A_1697, %swap3A_1698], %swap3A_1701 {add = true, strides = array<i32>} : memref<16x1024xf32, #tpu.memory_space<vmem>>, vector<1x16xf32>,
        %add3A_1702 = arith.constant 32 : i32
        %add3A_1703 = arith.addi %mul3A_153, %add3A_1702 : i32
        %get3A_1704 = arith.constant 6 : i32
        %get3A_1705 = arith.index_cast %get3A_1704 : i32 to index
        %get3A_1706 = arith.index_cast %add3A_1703 : i32 to index
        %get3A_1707 = tpu.vector_load %arg5[%get3A_1705, %get3A_1706] {strides = array<i32>} : memref<16x1024xf32, #tpu.memory_space<vmem>>, vector<1x16xf32>,
        %get3A_1708 = vector.shape_cast %get3A_1707 : vector<1x16xf32> to vector<16xf32>
        %swap3A_1709 = arith.constant 6 : i32
        %swap3A_1710 = arith.index_cast %swap3A_1709 : i32 to index
        %swap3A_1711 = arith.index_cast %add3A_1703 : i32 to index
        %swap3A_1712 = tpu.vector_load %arg6[%swap3A_1710, %swap3A_1711] {strides = array<i32>} : memref<16x1024xf32, #tpu.memory_space<vmem>>, vector<1x16xf32>,
        %swap3A_1713 = vector.shape_cast %swap3A_1712 : vector<1x16xf32> to vector<16xf32>
        %swap3A_1714 = vector.shape_cast %get3A_1708 : vector<16xf32> to vector<1x16xf32>
        tpu.vector_store %arg6[%swap3A_1710, %swap3A_1711], %swap3A_1714 {add = true, strides = array<i32>} : memref<16x1024xf32, #tpu.memory_space<vmem>>, vector<1x16xf32>,
        %swap3A_1715 = arith.constant 6 : i32
        %swap3A_1716 = arith.index_cast %swap3A_1715 : i32 to index
        %swap3A_1717 = arith.index_cast %add3A_1703 : i32 to index
        %swap3A_1718 = tpu.vector_load %arg7[%swap3A_1716, %swap3A_1717] {strides = array<i32>} : memref<16x1024xf32, #tpu.memory_space<vmem>>, vector<1x16xf32>,
        %swap3A_1719 = vector.shape_cast %swap3A_1718 : vector<1x16xf32> to vector<16xf32>
        %swap3A_1720 = vector.shape_cast %get3A_1708 : vector<16xf32> to vector<1x16xf32>
        tpu.vector_store %arg7[%swap3A_1716, %swap3A_1717], %swap3A_1720 {add = true, strides = array<i32>} : memref<16x1024xf32, #tpu.memory_space<vmem>>, vector<1x16xf32>,
        %swap3A_1721 = arith.constant 6 : i32
        %swap3A_1722 = arith.index_cast %swap3A_1721 : i32 to index
        %swap3A_1723 = arith.index_cast %add3A_1703 : i32 to index
        %swap3A_1724 = tpu.vector_load %arg8[%swap3A_1722, %swap3A_1723] {strides = array<i32>} : memref<16x1024xf32, #tpu.memory_space<vmem>>, vector<1x16xf32>,
        %swap3A_1725 = vector.shape_cast %swap3A_1724 : vector<1x16xf32> to vector<16xf32>
        %swap3A_1726 = vector.shape_cast %get3A_1708 : vector<16xf32> to vector<1x16xf32>
        tpu.vector_store %arg8[%swap3A_1722, %swap3A_1723], %swap3A_1726 {add = true, strides = array<i32>} : memref<16x1024xf32, #tpu.memory_space<vmem>>, vector<1x16xf32>,
        %swap3A_1727 = arith.constant 6 : i32
        %swap3A_1728 = arith.index_cast %swap3A_1727 : i32 to index
        %swap3A_1729 = arith.index_cast %add3A_1703 : i32 to index
        %swap3A_1730 = tpu.vector_load %arg9[%swap3A_1728, %swap3A_1729] {strides = array<i32>} : memref<16x1024xf32, #tpu.memory_space<vmem>>, vector<1x16xf32>,
        %swap3A_1731 = vector.shape_cast %swap3A_1730 : vector<1x16xf32> to vector<16xf32>
        %swap3A_1732 = vector.shape_cast %get3A_1708 : vector<16xf32> to vector<1x16xf32>
        tpu.vector_store %arg9[%swap3A_1728, %swap3A_1729], %swap3A_1732 {add = true, strides = array<i32>} : memref<16x1024xf32, #tpu.memory_space<vmem>>, vector<1x16xf32>,
        %add3A_1733 = arith.constant 48 : i32
        %add3A_1734 = arith.addi %mul3A_153, %add3A_1733 : i32
        %get3A_1735 = arith.constant 6 : i32
        %get3A_1736 = arith.index_cast %get3A_1735 : i32 to index
        %get3A_1737 = arith.index_cast %add3A_1734 : i32 to index
        %get3A_1738 = tpu.vector_load %arg5[%get3A_1736, %get3A_1737] {strides = array<i32>} : memref<16x1024xf32, #tpu.memory_space<vmem>>, vector<1x16xf32>,
        %get3A_1739 = vector.shape_cast %get3A_1738 : vector<1x16xf32> to vector<16xf32>
        %swap3A_1740 = arith.constant 6 : i32
        %swap3A_1741 = arith.index_cast %swap3A_1740 : i32 to index
        %swap3A_1742 = arith.index_cast %add3A_1734 : i32 to index
        %swap3A_1743 = tpu.vector_load %arg6[%swap3A_1741, %swap3A_1742] {strides = array<i32>} : memref<16x1024xf32, #tpu.memory_space<vmem>>, vector<1x16xf32>,
        %swap3A_1744 = vector.shape_cast %swap3A_1743 : vector<1x16xf32> to vector<16xf32>
        %swap3A_1745 = vector.shape_cast %get3A_1739 : vector<16xf32> to vector<1x16xf32>
        tpu.vector_store %arg6[%swap3A_1741, %swap3A_1742], %swap3A_1745 {add = true, strides = array<i32>} : memref<16x1024xf32, #tpu.memory_space<vmem>>, vector<1x16xf32>,
        %swap3A_1746 = arith.constant 6 : i32
        %swap3A_1747 = arith.index_cast %swap3A_1746 : i32 to index
        %swap3A_1748 = arith.index_cast %add3A_1734 : i32 to index
        %swap3A_1749 = tpu.vector_load %arg7[%swap3A_1747, %swap3A_1748] {strides = array<i32>} : memref<16x1024xf32, #tpu.memory_space<vmem>>, vector<1x16xf32>,
        %swap3A_1750 = vector.shape_cast %swap3A_1749 : vector<1x16xf32> to vector<16xf32>
        %swap3A_1751 = vector.shape_cast %get3A_1739 : vector<16xf32> to vector<1x16xf32>
        tpu.vector_store %arg7[%swap3A_1747, %swap3A_1748], %swap3A_1751 {add = true, strides = array<i32>} : memref<16x1024xf32, #tpu.memory_space<vmem>>, vector<1x16xf32>,
        %swap3A_1752 = arith.constant 6 : i32
        %swap3A_1753 = arith.index_cast %swap3A_1752 : i32 to index
        %swap3A_1754 = arith.index_cast %add3A_1734 : i32 to index
        %swap3A_1755 = tpu.vector_load %arg8[%swap3A_1753, %swap3A_1754] {strides = array<i32>} : memref<16x1024xf32, #tpu.memory_space<vmem>>, vector<1x16xf32>,
        %swap3A_1756 = vector.shape_cast %swap3A_1755 : vector<1x16xf32> to vector<16xf32>
        %swap3A_1757 = vector.shape_cast %get3A_1739 : vector<16xf32> to vector<1x16xf32>
        tpu.vector_store %arg8[%swap3A_1753, %swap3A_1754], %swap3A_1757 {add = true, strides = array<i32>} : memref<16x1024xf32, #tpu.memory_space<vmem>>, vector<1x16xf32>,
        %swap3A_1758 = arith.constant 6 : i32
        %swap3A_1759 = arith.index_cast %swap3A_1758 : i32 to index
        %swap3A_1760 = arith.index_cast %add3A_1734 : i32 to index
        %swap3A_1761 = tpu.vector_load %arg9[%swap3A_1759, %swap3A_1760] {strides = array<i32>} : memref<16x1024xf32, #tpu.memory_space<vmem>>, vector<1x16xf32>,
        %swap3A_1762 = vector.shape_cast %swap3A_1761 : vector<1x16xf32> to vector<16xf32>
        %swap3A_1763 = vector.shape_cast %get3A_1739 : vector<16xf32> to vector<1x16xf32>
        tpu.vector_store %arg9[%swap3A_1759, %swap3A_1760], %swap3A_1763 {add = true, strides = array<i32>} : memref<16x1024xf32, #tpu.memory_space<vmem>>, vector<1x16xf32>,
        %add3A_1764 = arith.constant 64 : i32
        %add3A_1765 = arith.addi %mul3A_153, %add3A_1764 : i32
        %get3A_1766 = arith.constant 6 : i32
        %get3A_1767 = arith.index_cast %get3A_1766 : i32 to index
        %get3A_1768 = arith.index_cast %add3A_1765 : i32 to index
        %get3A_1769 = tpu.vector_load %arg5[%get3A_1767, %get3A_1768] {strides = array<i32>} : memref<16x1024xf32, #tpu.memory_space<vmem>>, vector<1x16xf32>,
        %get3A_1770 = vector.shape_cast %get3A_1769 : vector<1x16xf32> to vector<16xf32>
        %swap3A_1771 = arith.constant 6 : i32
        %swap3A_1772 = arith.index_cast %swap3A_1771 : i32 to index
        %swap3A_1773 = arith.index_cast %add3A_1765 : i32 to index
        %swap3A_1774 = tpu.vector_load %arg6[%swap3A_1772, %swap3A_1773] {strides = array<i32>} : memref<16x1024xf32, #tpu.memory_space<vmem>>, vector<1x16xf32>,
        %swap3A_1775 = vector.shape_cast %swap3A_1774 : vector<1x16xf32> to vector<16xf32>
        %swap3A_1776 = vector.shape_cast %get3A_1770 : vector<16xf32> to vector<1x16xf32>
        tpu.vector_store %arg6[%swap3A_1772, %swap3A_1773], %swap3A_1776 {add = true, strides = array<i32>} : memref<16x1024xf32, #tpu.memory_space<vmem>>, vector<1x16xf32>,
        %swap3A_1777 = arith.constant 6 : i32
        %swap3A_1778 = arith.index_cast %swap3A_1777 : i32 to index
        %swap3A_1779 = arith.index_cast %add3A_1765 : i32 to index
        %swap3A_1780 = tpu.vector_load %arg7[%swap3A_1778, %swap3A_1779] {strides = array<i32>} : memref<16x1024xf32, #tpu.memory_space<vmem>>, vector<1x16xf32>,
        %swap3A_1781 = vector.shape_cast %swap3A_1780 : vector<1x16xf32> to vector<16xf32>
        %swap3A_1782 = vector.shape_cast %get3A_1770 : vector<16xf32> to vector<1x16xf32>
        tpu.vector_store %arg7[%swap3A_1778, %swap3A_1779], %swap3A_1782 {add = true, strides = array<i32>} : memref<16x1024xf32, #tpu.memory_space<vmem>>, vector<1x16xf32>,
        %swap3A_1783 = arith.constant 6 : i32
        %swap3A_1784 = arith.index_cast %swap3A_1783 : i32 to index
        %swap3A_1785 = arith.index_cast %add3A_1765 : i32 to index
        %swap3A_1786 = tpu.vector_load %arg8[%swap3A_1784, %swap3A_1785] {strides = array<i32>} : memref<16x1024xf32, #tpu.memory_space<vmem>>, vector<1x16xf32>,
        %swap3A_1787 = vector.shape_cast %swap3A_1786 : vector<1x16xf32> to vector<16xf32>
        %swap3A_1788 = vector.shape_cast %get3A_1770 : vector<16xf32> to vector<1x16xf32>
        tpu.vector_store %arg8[%swap3A_1784, %swap3A_1785], %swap3A_1788 {add = true, strides = array<i32>} : memref<16x1024xf32, #tpu.memory_space<vmem>>, vector<1x16xf32>,
        %swap3A_1789 = arith.constant 6 : i32
        %swap3A_1790 = arith.index_cast %swap3A_1789 : i32 to index
        %swap3A_1791 = arith.index_cast %add3A_1765 : i32 to index
        %swap3A_1792 = tpu.vector_load %arg9[%swap3A_1790, %swap3A_1791] {strides = array<i32>} : memref<16x1024xf32, #tpu.memory_space<vmem>>, vector<1x16xf32>,
        %swap3A_1793 = vector.shape_cast %swap3A_1792 : vector<1x16xf32> to vector<16xf32>
        %swap3A_1794 = vector.shape_cast %get3A_1770 : vector<16xf32> to vector<1x16xf32>
        tpu.vector_store %arg9[%swap3A_1790, %swap3A_1791], %swap3A_1794 {add = true, strides = array<i32>} : memref<16x1024xf32, #tpu.memory_space<vmem>>, vector<1x16xf32>,
        %add3A_1795 = arith.constant 80 : i32
        %add3A_1796 = arith.addi %mul3A_153, %add3A_1795 : i32
        %get3A_1797 = arith.constant 6 : i32
        %get3A_1798 = arith.index_cast %get3A_1797 : i32 to index
        %get3A_1799 = arith.index_cast %add3A_1796 : i32 to index
        %get3A_1800 = tpu.vector_load %arg5[%get3A_1798, %get3A_1799] {strides = array<i32>} : memref<16x1024xf32, #tpu.memory_space<vmem>>, vector<1x16xf32>,
        %get3A_1801 = vector.shape_cast %get3A_1800 : vector<1x16xf32> to vector<16xf32>
        %swap3A_1802 = arith.constant 6 : i32
        %swap3A_1803 = arith.index_cast %swap3A_1802 : i32 to index
        %swap3A_1804 = arith.index_cast %add3A_1796 : i32 to index
        %swap3A_1805 = tpu.vector_load %arg6[%swap3A_1803, %swap3A_1804] {strides = array<i32>} : memref<16x1024xf32, #tpu.memory_space<vmem>>, vector<1x16xf32>,
        %swap3A_1806 = vector.shape_cast %swap3A_1805 : vector<1x16xf32> to vector<16xf32>
        %swap3A_1807 = vector.shape_cast %get3A_1801 : vector<16xf32> to vector<1x16xf32>
        tpu.vector_store %arg6[%swap3A_1803, %swap3A_1804], %swap3A_1807 {add = true, strides = array<i32>} : memref<16x1024xf32, #tpu.memory_space<vmem>>, vector<1x16xf32>,
        %swap3A_1808 = arith.constant 6 : i32
        %swap3A_1809 = arith.index_cast %swap3A_1808 : i32 to index
        %swap3A_1810 = arith.index_cast %add3A_1796 : i32 to index
        %swap3A_1811 = tpu.vector_load %arg7[%swap3A_1809, %swap3A_1810] {strides = array<i32>} : memref<16x1024xf32, #tpu.memory_space<vmem>>, vector<1x16xf32>,
        %swap3A_1812 = vector.shape_cast %swap3A_1811 : vector<1x16xf32> to vector<16xf32>
        %swap3A_1813 = vector.shape_cast %get3A_1801 : vector<16xf32> to vector<1x16xf32>
        tpu.vector_store %arg7[%swap3A_1809, %swap3A_1810], %swap3A_1813 {add = true, strides = array<i32>} : memref<16x1024xf32, #tpu.memory_space<vmem>>, vector<1x16xf32>,
        %swap3A_1814 = arith.constant 6 : i32
        %swap3A_1815 = arith.index_cast %swap3A_1814 : i32 to index
        %swap3A_1816 = arith.index_cast %add3A_1796 : i32 to index
        %swap3A_1817 = tpu.vector_load %arg8[%swap3A_1815, %swap3A_1816] {strides = array<i32>} : memref<16x1024xf32, #tpu.memory_space<vmem>>, vector<1x16xf32>,
        %swap3A_1818 = vector.shape_cast %swap3A_1817 : vector<1x16xf32> to vector<16xf32>
        %swap3A_1819 = vector.shape_cast %get3A_1801 : vector<16xf32> to vector<1x16xf32>
        tpu.vector_store %arg8[%swap3A_1815, %swap3A_1816], %swap3A_1819 {add = true, strides = array<i32>} : memref<16x1024xf32, #tpu.memory_space<vmem>>, vector<1x16xf32>,
        %swap3A_1820 = arith.constant 6 : i32
        %swap3A_1821 = arith.index_cast %swap3A_1820 : i32 to index
        %swap3A_1822 = arith.index_cast %add3A_1796 : i32 to index
        %swap3A_1823 = tpu.vector_load %arg9[%swap3A_1821, %swap3A_1822] {strides = array<i32>} : memref<16x1024xf32, #tpu.memory_space<vmem>>, vector<1x16xf32>,
        %swap3A_1824 = vector.shape_cast %swap3A_1823 : vector<1x16xf32> to vector<16xf32>
        %swap3A_1825 = vector.shape_cast %get3A_1801 : vector<16xf32> to vector<1x16xf32>
        tpu.vector_store %arg9[%swap3A_1821, %swap3A_1822], %swap3A_1825 {add = true, strides = array<i32>} : memref<16x1024xf32, #tpu.memory_space<vmem>>, vector<1x16xf32>,
        %add3A_1826 = arith.constant 96 : i32
        %add3A_1827 = arith.addi %mul3A_153, %add3A_1826 : i32
        %get3A_1828 = arith.constant 6 : i32
        %get3A_1829 = arith.index_cast %get3A_1828 : i32 to index
        %get3A_1830 = arith.index_cast %add3A_1827 : i32 to index
        %get3A_1831 = tpu.vector_load %arg5[%get3A_1829, %get3A_1830] {strides = array<i32>} : memref<16x1024xf32, #tpu.memory_space<vmem>>, vector<1x16xf32>,
        %get3A_1832 = vector.shape_cast %get3A_1831 : vector<1x16xf32> to vector<16xf32>
        %swap3A_1833 = arith.constant 6 : i32
        %swap3A_1834 = arith.index_cast %swap3A_1833 : i32 to index
        %swap3A_1835 = arith.index_cast %add3A_1827 : i32 to index
        %swap3A_1836 = tpu.vector_load %arg6[%swap3A_1834, %swap3A_1835] {strides = array<i32>} : memref<16x1024xf32, #tpu.memory_space<vmem>>, vector<1x16xf32>,
        %swap3A_1837 = vector.shape_cast %swap3A_1836 : vector<1x16xf32> to vector<16xf32>
        %swap3A_1838 = vector.shape_cast %get3A_1832 : vector<16xf32> to vector<1x16xf32>
        tpu.vector_store %arg6[%swap3A_1834, %swap3A_1835], %swap3A_1838 {add = true, strides = array<i32>} : memref<16x1024xf32, #tpu.memory_space<vmem>>, vector<1x16xf32>,
        %swap3A_1839 = arith.constant 6 : i32
        %swap3A_1840 = arith.index_cast %swap3A_1839 : i32 to index
        %swap3A_1841 = arith.index_cast %add3A_1827 : i32 to index
        %swap3A_1842 = tpu.vector_load %arg7[%swap3A_1840, %swap3A_1841] {strides = array<i32>} : memref<16x1024xf32, #tpu.memory_space<vmem>>, vector<1x16xf32>,
        %swap3A_1843 = vector.shape_cast %swap3A_1842 : vector<1x16xf32> to vector<16xf32>
        %swap3A_1844 = vector.shape_cast %get3A_1832 : vector<16xf32> to vector<1x16xf32>
        tpu.vector_store %arg7[%swap3A_1840, %swap3A_1841], %swap3A_1844 {add = true, strides = array<i32>} : memref<16x1024xf32, #tpu.memory_space<vmem>>, vector<1x16xf32>,
        %swap3A_1845 = arith.constant 6 : i32
        %swap3A_1846 = arith.index_cast %swap3A_1845 : i32 to index
        %swap3A_1847 = arith.index_cast %add3A_1827 : i32 to index
        %swap3A_1848 = tpu.vector_load %arg8[%swap3A_1846, %swap3A_1847] {strides = array<i32>} : memref<16x1024xf32, #tpu.memory_space<vmem>>, vector<1x16xf32>,
        %swap3A_1849 = vector.shape_cast %swap3A_1848 : vector<1x16xf32> to vector<16xf32>
        %swap3A_1850 = vector.shape_cast %get3A_1832 : vector<16xf32> to vector<1x16xf32>
        tpu.vector_store %arg8[%swap3A_1846, %swap3A_1847], %swap3A_1850 {add = true, strides = array<i32>} : memref<16x1024xf32, #tpu.memory_space<vmem>>, vector<1x16xf32>,
        %swap3A_1851 = arith.constant 6 : i32
        %swap3A_1852 = arith.index_cast %swap3A_1851 : i32 to index
        %swap3A_1853 = arith.index_cast %add3A_1827 : i32 to index
        %swap3A_1854 = tpu.vector_load %arg9[%swap3A_1852, %swap3A_1853] {strides = array<i32>} : memref<16x1024xf32, #tpu.memory_space<vmem>>, vector<1x16xf32>,
        %swap3A_1855 = vector.shape_cast %swap3A_1854 : vector<1x16xf32> to vector<16xf32>
        %swap3A_1856 = vector.shape_cast %get3A_1832 : vector<16xf32> to vector<1x16xf32>
        tpu.vector_store %arg9[%swap3A_1852, %swap3A_1853], %swap3A_1856 {add = true, strides = array<i32>} : memref<16x1024xf32, #tpu.memory_space<vmem>>, vector<1x16xf32>,
        %add3A_1857 = arith.constant 112 : i32
        %add3A_1858 = arith.addi %mul3A_153, %add3A_1857 : i32
        %get3A_1859 = arith.constant 6 : i32
        %get3A_1860 = arith.index_cast %get3A_1859 : i32 to index
        %get3A_1861 = arith.index_cast %add3A_1858 : i32 to index
        %get3A_1862 = tpu.vector_load %arg5[%get3A_1860, %get3A_1861] {strides = array<i32>} : memref<16x1024xf32, #tpu.memory_space<vmem>>, vector<1x16xf32>,
        %get3A_1863 = vector.shape_cast %get3A_1862 : vector<1x16xf32> to vector<16xf32>
        %swap3A_1864 = arith.constant 6 : i32
        %swap3A_1865 = arith.index_cast %swap3A_1864 : i32 to index
        %swap3A_1866 = arith.index_cast %add3A_1858 : i32 to index
        %swap3A_1867 = tpu.vector_load %arg6[%swap3A_1865, %swap3A_1866] {strides = array<i32>} : memref<16x1024xf32, #tpu.memory_space<vmem>>, vector<1x16xf32>,
        %swap3A_1868 = vector.shape_cast %swap3A_1867 : vector<1x16xf32> to vector<16xf32>
        %swap3A_1869 = vector.shape_cast %get3A_1863 : vector<16xf32> to vector<1x16xf32>
        tpu.vector_store %arg6[%swap3A_1865, %swap3A_1866], %swap3A_1869 {add = true, strides = array<i32>} : memref<16x1024xf32, #tpu.memory_space<vmem>>, vector<1x16xf32>,
        %swap3A_1870 = arith.constant 6 : i32
        %swap3A_1871 = arith.index_cast %swap3A_1870 : i32 to index
        %swap3A_1872 = arith.index_cast %add3A_1858 : i32 to index
        %swap3A_1873 = tpu.vector_load %arg7[%swap3A_1871, %swap3A_1872] {strides = array<i32>} : memref<16x1024xf32, #tpu.memory_space<vmem>>, vector<1x16xf32>,
        %swap3A_1874 = vector.shape_cast %swap3A_1873 : vector<1x16xf32> to vector<16xf32>
        %swap3A_1875 = vector.shape_cast %get3A_1863 : vector<16xf32> to vector<1x16xf32>
        tpu.vector_store %arg7[%swap3A_1871, %swap3A_1872], %swap3A_1875 {add = true, strides = array<i32>} : memref<16x1024xf32, #tpu.memory_space<vmem>>, vector<1x16xf32>,
        %swap3A_1876 = arith.constant 6 : i32
        %swap3A_1877 = arith.index_cast %swap3A_1876 : i32 to index
        %swap3A_1878 = arith.index_cast %add3A_1858 : i32 to index
        %swap3A_1879 = tpu.vector_load %arg8[%swap3A_1877, %swap3A_1878] {strides = array<i32>} : memref<16x1024xf32, #tpu.memory_space<vmem>>, vector<1x16xf32>,
        %swap3A_1880 = vector.shape_cast %swap3A_1879 : vector<1x16xf32> to vector<16xf32>
        %swap3A_1881 = vector.shape_cast %get3A_1863 : vector<16xf32> to vector<1x16xf32>
        tpu.vector_store %arg8[%swap3A_1877, %swap3A_1878], %swap3A_1881 {add = true, strides = array<i32>} : memref<16x1024xf32, #tpu.memory_space<vmem>>, vector<1x16xf32>,
        %swap3A_1882 = arith.constant 6 : i32
        %swap3A_1883 = arith.index_cast %swap3A_1882 : i32 to index
        %swap3A_1884 = arith.index_cast %add3A_1858 : i32 to index
        %swap3A_1885 = tpu.vector_load %arg9[%swap3A_1883, %swap3A_1884] {strides = array<i32>} : memref<16x1024xf32, #tpu.memory_space<vmem>>, vector<1x16xf32>,
        %swap3A_1886 = vector.shape_cast %swap3A_1885 : vector<1x16xf32> to vector<16xf32>
        %swap3A_1887 = vector.shape_cast %get3A_1863 : vector<16xf32> to vector<1x16xf32>
        tpu.vector_store %arg9[%swap3A_1883, %swap3A_1884], %swap3A_1887 {add = true, strides = array<i32>} : memref<16x1024xf32, #tpu.memory_space<vmem>>, vector<1x16xf32>,
        %add3A_1888 = arith.constant 0 : i32
        %add3A_1889 = arith.addi %mul3A_153, %add3A_1888 : i32
        %get3A_1890 = arith.constant 7 : i32
        %get3A_1891 = arith.index_cast %get3A_1890 : i32 to index
        %get3A_1892 = arith.index_cast %add3A_1889 : i32 to index
        %get3A_1893 = tpu.vector_load %arg5[%get3A_1891, %get3A_1892] {strides = array<i32>} : memref<16x1024xf32, #tpu.memory_space<vmem>>, vector<1x16xf32>,
        %get3A_1894 = vector.shape_cast %get3A_1893 : vector<1x16xf32> to vector<16xf32>
        %swap3A_1895 = arith.constant 7 : i32
        %swap3A_1896 = arith.index_cast %swap3A_1895 : i32 to index
        %swap3A_1897 = arith.index_cast %add3A_1889 : i32 to index
        %swap3A_1898 = tpu.vector_load %arg6[%swap3A_1896, %swap3A_1897] {strides = array<i32>} : memref<16x1024xf32, #tpu.memory_space<vmem>>, vector<1x16xf32>,
        %swap3A_1899 = vector.shape_cast %swap3A_1898 : vector<1x16xf32> to vector<16xf32>
        %swap3A_1900 = vector.shape_cast %get3A_1894 : vector<16xf32> to vector<1x16xf32>
        tpu.vector_store %arg6[%swap3A_1896, %swap3A_1897], %swap3A_1900 {add = true, strides = array<i32>} : memref<16x1024xf32, #tpu.memory_space<vmem>>, vector<1x16xf32>,
        %swap3A_1901 = arith.constant 7 : i32
        %swap3A_1902 = arith.index_cast %swap3A_1901 : i32 to index
        %swap3A_1903 = arith.index_cast %add3A_1889 : i32 to index
        %swap3A_1904 = tpu.vector_load %arg7[%swap3A_1902, %swap3A_1903] {strides = array<i32>} : memref<16x1024xf32, #tpu.memory_space<vmem>>, vector<1x16xf32>,
        %swap3A_1905 = vector.shape_cast %swap3A_1904 : vector<1x16xf32> to vector<16xf32>
        %swap3A_1906 = vector.shape_cast %get3A_1894 : vector<16xf32> to vector<1x16xf32>
        tpu.vector_store %arg7[%swap3A_1902, %swap3A_1903], %swap3A_1906 {add = true, strides = array<i32>} : memref<16x1024xf32, #tpu.memory_space<vmem>>, vector<1x16xf32>,
        %swap3A_1907 = arith.constant 7 : i32
        %swap3A_1908 = arith.index_cast %swap3A_1907 : i32 to index
        %swap3A_1909 = arith.index_cast %add3A_1889 : i32 to index
        %swap3A_1910 = tpu.vector_load %arg8[%swap3A_1908, %swap3A_1909] {strides = array<i32>} : memref<16x1024xf32, #tpu.memory_space<vmem>>, vector<1x16xf32>,
        %swap3A_1911 = vector.shape_cast %swap3A_1910 : vector<1x16xf32> to vector<16xf32>
        %swap3A_1912 = vector.shape_cast %get3A_1894 : vector<16xf32> to vector<1x16xf32>
        tpu.vector_store %arg8[%swap3A_1908, %swap3A_1909], %swap3A_1912 {add = true, strides = array<i32>} : memref<16x1024xf32, #tpu.memory_space<vmem>>, vector<1x16xf32>,
        %swap3A_1913 = arith.constant 7 : i32
        %swap3A_1914 = arith.index_cast %swap3A_1913 : i32 to index
        %swap3A_1915 = arith.index_cast %add3A_1889 : i32 to index
        %swap3A_1916 = tpu.vector_load %arg9[%swap3A_1914, %swap3A_1915] {strides = array<i32>} : memref<16x1024xf32, #tpu.memory_space<vmem>>, vector<1x16xf32>,
        %swap3A_1917 = vector.shape_cast %swap3A_1916 : vector<1x16xf32> to vector<16xf32>
        %swap3A_1918 = vector.shape_cast %get3A_1894 : vector<16xf32> to vector<1x16xf32>
        tpu.vector_store %arg9[%swap3A_1914, %swap3A_1915], %swap3A_1918 {add = true, strides = array<i32>} : memref<16x1024xf32, #tpu.memory_space<vmem>>, vector<1x16xf32>,
        %add3A_1919 = arith.constant 16 : i32
        %add3A_1920 = arith.addi %mul3A_153, %add3A_1919 : i32
        %get3A_1921 = arith.constant 7 : i32
        %get3A_1922 = arith.index_cast %get3A_1921 : i32 to index
        %get3A_1923 = arith.index_cast %add3A_1920 : i32 to index
        %get3A_1924 = tpu.vector_load %arg5[%get3A_1922, %get3A_1923] {strides = array<i32>} : memref<16x1024xf32, #tpu.memory_space<vmem>>, vector<1x16xf32>,
        %get3A_1925 = vector.shape_cast %get3A_1924 : vector<1x16xf32> to vector<16xf32>
        %swap3A_1926 = arith.constant 7 : i32
        %swap3A_1927 = arith.index_cast %swap3A_1926 : i32 to index
        %swap3A_1928 = arith.index_cast %add3A_1920 : i32 to index
        %swap3A_1929 = tpu.vector_load %arg6[%swap3A_1927, %swap3A_1928] {strides = array<i32>} : memref<16x1024xf32, #tpu.memory_space<vmem>>, vector<1x16xf32>,
        %swap3A_1930 = vector.shape_cast %swap3A_1929 : vector<1x16xf32> to vector<16xf32>
        %swap3A_1931 = vector.shape_cast %get3A_1925 : vector<16xf32> to vector<1x16xf32>
        tpu.vector_store %arg6[%swap3A_1927, %swap3A_1928], %swap3A_1931 {add = true, strides = array<i32>} : memref<16x1024xf32, #tpu.memory_space<vmem>>, vector<1x16xf32>,
        %swap3A_1932 = arith.constant 7 : i32
        %swap3A_1933 = arith.index_cast %swap3A_1932 : i32 to index
        %swap3A_1934 = arith.index_cast %add3A_1920 : i32 to index
        %swap3A_1935 = tpu.vector_load %arg7[%swap3A_1933, %swap3A_1934] {strides = array<i32>} : memref<16x1024xf32, #tpu.memory_space<vmem>>, vector<1x16xf32>,
        %swap3A_1936 = vector.shape_cast %swap3A_1935 : vector<1x16xf32> to vector<16xf32>
        %swap3A_1937 = vector.shape_cast %get3A_1925 : vector<16xf32> to vector<1x16xf32>
        tpu.vector_store %arg7[%swap3A_1933, %swap3A_1934], %swap3A_1937 {add = true, strides = array<i32>} : memref<16x1024xf32, #tpu.memory_space<vmem>>, vector<1x16xf32>,
        %swap3A_1938 = arith.constant 7 : i32
        %swap3A_1939 = arith.index_cast %swap3A_1938 : i32 to index
        %swap3A_1940 = arith.index_cast %add3A_1920 : i32 to index
        %swap3A_1941 = tpu.vector_load %arg8[%swap3A_1939, %swap3A_1940] {strides = array<i32>} : memref<16x1024xf32, #tpu.memory_space<vmem>>, vector<1x16xf32>,
        %swap3A_1942 = vector.shape_cast %swap3A_1941 : vector<1x16xf32> to vector<16xf32>
        %swap3A_1943 = vector.shape_cast %get3A_1925 : vector<16xf32> to vector<1x16xf32>
        tpu.vector_store %arg8[%swap3A_1939, %swap3A_1940], %swap3A_1943 {add = true, strides = array<i32>} : memref<16x1024xf32, #tpu.memory_space<vmem>>, vector<1x16xf32>,
        %swap3A_1944 = arith.constant 7 : i32
        %swap3A_1945 = arith.index_cast %swap3A_1944 : i32 to index
        %swap3A_1946 = arith.index_cast %add3A_1920 : i32 to index
        %swap3A_1947 = tpu.vector_load %arg9[%swap3A_1945, %swap3A_1946] {strides = array<i32>} : memref<16x1024xf32, #tpu.memory_space<vmem>>, vector<1x16xf32>,
        %swap3A_1948 = vector.shape_cast %swap3A_1947 : vector<1x16xf32> to vector<16xf32>
        %swap3A_1949 = vector.shape_cast %get3A_1925 : vector<16xf32> to vector<1x16xf32>
        tpu.vector_store %arg9[%swap3A_1945, %swap3A_1946], %swap3A_1949 {add = true, strides = array<i32>} : memref<16x1024xf32, #tpu.memory_space<vmem>>, vector<1x16xf32>,
        %add3A_1950 = arith.constant 32 : i32
        %add3A_1951 = arith.addi %mul3A_153, %add3A_1950 : i32
        %get3A_1952 = arith.constant 7 : i32
        %get3A_1953 = arith.index_cast %get3A_1952 : i32 to index
        %get3A_1954 = arith.index_cast %add3A_1951 : i32 to index
        %get3A_1955 = tpu.vector_load %arg5[%get3A_1953, %get3A_1954] {strides = array<i32>} : memref<16x1024xf32, #tpu.memory_space<vmem>>, vector<1x16xf32>,
        %get3A_1956 = vector.shape_cast %get3A_1955 : vector<1x16xf32> to vector<16xf32>
        %swap3A_1957 = arith.constant 7 : i32
        %swap3A_1958 = arith.index_cast %swap3A_1957 : i32 to index
        %swap3A_1959 = arith.index_cast %add3A_1951 : i32 to index
        %swap3A_1960 = tpu.vector_load %arg6[%swap3A_1958, %swap3A_1959] {strides = array<i32>} : memref<16x1024xf32, #tpu.memory_space<vmem>>, vector<1x16xf32>,
        %swap3A_1961 = vector.shape_cast %swap3A_1960 : vector<1x16xf32> to vector<16xf32>
        %swap3A_1962 = vector.shape_cast %get3A_1956 : vector<16xf32> to vector<1x16xf32>
        tpu.vector_store %arg6[%swap3A_1958, %swap3A_1959], %swap3A_1962 {add = true, strides = array<i32>} : memref<16x1024xf32, #tpu.memory_space<vmem>>, vector<1x16xf32>,
        %swap3A_1963 = arith.constant 7 : i32
        %swap3A_1964 = arith.index_cast %swap3A_1963 : i32 to index
        %swap3A_1965 = arith.index_cast %add3A_1951 : i32 to index
        %swap3A_1966 = tpu.vector_load %arg7[%swap3A_1964, %swap3A_1965] {strides = array<i32>} : memref<16x1024xf32, #tpu.memory_space<vmem>>, vector<1x16xf32>,
        %swap3A_1967 = vector.shape_cast %swap3A_1966 : vector<1x16xf32> to vector<16xf32>
        %swap3A_1968 = vector.shape_cast %get3A_1956 : vector<16xf32> to vector<1x16xf32>
        tpu.vector_store %arg7[%swap3A_1964, %swap3A_1965], %swap3A_1968 {add = true, strides = array<i32>} : memref<16x1024xf32, #tpu.memory_space<vmem>>, vector<1x16xf32>,
        %swap3A_1969 = arith.constant 7 : i32
        %swap3A_1970 = arith.index_cast %swap3A_1969 : i32 to index
        %swap3A_1971 = arith.index_cast %add3A_1951 : i32 to index
        %swap3A_1972 = tpu.vector_load %arg8[%swap3A_1970, %swap3A_1971] {strides = array<i32>} : memref<16x1024xf32, #tpu.memory_space<vmem>>, vector<1x16xf32>,
        %swap3A_1973 = vector.shape_cast %swap3A_1972 : vector<1x16xf32> to vector<16xf32>
        %swap3A_1974 = vector.shape_cast %get3A_1956 : vector<16xf32> to vector<1x16xf32>
        tpu.vector_store %arg8[%swap3A_1970, %swap3A_1971], %swap3A_1974 {add = true, strides = array<i32>} : memref<16x1024xf32, #tpu.memory_space<vmem>>, vector<1x16xf32>,
        %swap3A_1975 = arith.constant 7 : i32
        %swap3A_1976 = arith.index_cast %swap3A_1975 : i32 to index
        %swap3A_1977 = arith.index_cast %add3A_1951 : i32 to index
        %swap3A_1978 = tpu.vector_load %arg9[%swap3A_1976, %swap3A_1977] {strides = array<i32>} : memref<16x1024xf32, #tpu.memory_space<vmem>>, vector<1x16xf32>,
        %swap3A_1979 = vector.shape_cast %swap3A_1978 : vector<1x16xf32> to vector<16xf32>
        %swap3A_1980 = vector.shape_cast %get3A_1956 : vector<16xf32> to vector<1x16xf32>
        tpu.vector_store %arg9[%swap3A_1976, %swap3A_1977], %swap3A_1980 {add = true, strides = array<i32>} : memref<16x1024xf32, #tpu.memory_space<vmem>>, vector<1x16xf32>,
        %add3A_1981 = arith.constant 48 : i32
        %add3A_1982 = arith.addi %mul3A_153, %add3A_1981 : i32
        %get3A_1983 = arith.constant 7 : i32
        %get3A_1984 = arith.index_cast %get3A_1983 : i32 to index
        %get3A_1985 = arith.index_cast %add3A_1982 : i32 to index
        %get3A_1986 = tpu.vector_load %arg5[%get3A_1984, %get3A_1985] {strides = array<i32>} : memref<16x1024xf32, #tpu.memory_space<vmem>>, vector<1x16xf32>,
        %get3A_1987 = vector.shape_cast %get3A_1986 : vector<1x16xf32> to vector<16xf32>
        %swap3A_1988 = arith.constant 7 : i32
        %swap3A_1989 = arith.index_cast %swap3A_1988 : i32 to index
        %swap3A_1990 = arith.index_cast %add3A_1982 : i32 to index
        %swap3A_1991 = tpu.vector_load %arg6[%swap3A_1989, %swap3A_1990] {strides = array<i32>} : memref<16x1024xf32, #tpu.memory_space<vmem>>, vector<1x16xf32>,
        %swap3A_1992 = vector.shape_cast %swap3A_1991 : vector<1x16xf32> to vector<16xf32>
        %swap3A_1993 = vector.shape_cast %get3A_1987 : vector<16xf32> to vector<1x16xf32>
        tpu.vector_store %arg6[%swap3A_1989, %swap3A_1990], %swap3A_1993 {add = true, strides = array<i32>} : memref<16x1024xf32, #tpu.memory_space<vmem>>, vector<1x16xf32>,
        %swap3A_1994 = arith.constant 7 : i32
        %swap3A_1995 = arith.index_cast %swap3A_1994 : i32 to index
        %swap3A_1996 = arith.index_cast %add3A_1982 : i32 to index
        %swap3A_1997 = tpu.vector_load %arg7[%swap3A_1995, %swap3A_1996] {strides = array<i32>} : memref<16x1024xf32, #tpu.memory_space<vmem>>, vector<1x16xf32>,
        %swap3A_1998 = vector.shape_cast %swap3A_1997 : vector<1x16xf32> to vector<16xf32>
        %swap3A_1999 = vector.shape_cast %get3A_1987 : vector<16xf32> to vector<1x16xf32>
        tpu.vector_store %arg7[%swap3A_1995, %swap3A_1996], %swap3A_1999 {add = true, strides = array<i32>} : memref<16x1024xf32, #tpu.memory_space<vmem>>, vector<1x16xf32>,
        %swap3A_2000 = arith.constant 7 : i32
        %swap3A_2001 = arith.index_cast %swap3A_2000 : i32 to index
        %swap3A_2002 = arith.index_cast %add3A_1982 : i32 to index
        %swap3A_2003 = tpu.vector_load %arg8[%swap3A_2001, %swap3A_2002] {strides = array<i32>} : memref<16x1024xf32, #tpu.memory_space<vmem>>, vector<1x16xf32>,
        %swap3A_2004 = vector.shape_cast %swap3A_2003 : vector<1x16xf32> to vector<16xf32>
        %swap3A_2005 = vector.shape_cast %get3A_1987 : vector<16xf32> to vector<1x16xf32>
        tpu.vector_store %arg8[%swap3A_2001, %swap3A_2002], %swap3A_2005 {add = true, strides = array<i32>} : memref<16x1024xf32, #tpu.memory_space<vmem>>, vector<1x16xf32>,
        %swap3A_2006 = arith.constant 7 : i32
        %swap3A_2007 = arith.index_cast %swap3A_2006 : i32 to index
        %swap3A_2008 = arith.index_cast %add3A_1982 : i32 to index
        %swap3A_2009 = tpu.vector_load %arg9[%swap3A_2007, %swap3A_2008] {strides = array<i32>} : memref<16x1024xf32, #tpu.memory_space<vmem>>, vector<1x16xf32>,
        %swap3A_2010 = vector.shape_cast %swap3A_2009 : vector<1x16xf32> to vector<16xf32>
        %swap3A_2011 = vector.shape_cast %get3A_1987 : vector<16xf32> to vector<1x16xf32>
        tpu.vector_store %arg9[%swap3A_2007, %swap3A_2008], %swap3A_2011 {add = true, strides = array<i32>} : memref<16x1024xf32, #tpu.memory_space<vmem>>, vector<1x16xf32>,
        %add3A_2012 = arith.constant 64 : i32
        %add3A_2013 = arith.addi %mul3A_153, %add3A_2012 : i32
        %get3A_2014 = arith.constant 7 : i32
        %get3A_2015 = arith.index_cast %get3A_2014 : i32 to index
        %get3A_2016 = arith.index_cast %add3A_2013 : i32 to index
        %get3A_2017 = tpu.vector_load %arg5[%get3A_2015, %get3A_2016] {strides = array<i32>} : memref<16x1024xf32, #tpu.memory_space<vmem>>, vector<1x16xf32>,
        %get3A_2018 = vector.shape_cast %get3A_2017 : vector<1x16xf32> to vector<16xf32>
        %swap3A_2019 = arith.constant 7 : i32
        %swap3A_2020 = arith.index_cast %swap3A_2019 : i32 to index
        %swap3A_2021 = arith.index_cast %add3A_2013 : i32 to index
        %swap3A_2022 = tpu.vector_load %arg6[%swap3A_2020, %swap3A_2021] {strides = array<i32>} : memref<16x1024xf32, #tpu.memory_space<vmem>>, vector<1x16xf32>,
        %swap3A_2023 = vector.shape_cast %swap3A_2022 : vector<1x16xf32> to vector<16xf32>
        %swap3A_2024 = vector.shape_cast %get3A_2018 : vector<16xf32> to vector<1x16xf32>
        tpu.vector_store %arg6[%swap3A_2020, %swap3A_2021], %swap3A_2024 {add = true, strides = array<i32>} : memref<16x1024xf32, #tpu.memory_space<vmem>>, vector<1x16xf32>,
        %swap3A_2025 = arith.constant 7 : i32
        %swap3A_2026 = arith.index_cast %swap3A_2025 : i32 to index
        %swap3A_2027 = arith.index_cast %add3A_2013 : i32 to index
        %swap3A_2028 = tpu.vector_load %arg7[%swap3A_2026, %swap3A_2027] {strides = array<i32>} : memref<16x1024xf32, #tpu.memory_space<vmem>>, vector<1x16xf32>,
        %swap3A_2029 = vector.shape_cast %swap3A_2028 : vector<1x16xf32> to vector<16xf32>
        %swap3A_2030 = vector.shape_cast %get3A_2018 : vector<16xf32> to vector<1x16xf32>
        tpu.vector_store %arg7[%swap3A_2026, %swap3A_2027], %swap3A_2030 {add = true, strides = array<i32>} : memref<16x1024xf32, #tpu.memory_space<vmem>>, vector<1x16xf32>,
        %swap3A_2031 = arith.constant 7 : i32
        %swap3A_2032 = arith.index_cast %swap3A_2031 : i32 to index
        %swap3A_2033 = arith.index_cast %add3A_2013 : i32 to index
        %swap3A_2034 = tpu.vector_load %arg8[%swap3A_2032, %swap3A_2033] {strides = array<i32>} : memref<16x1024xf32, #tpu.memory_space<vmem>>, vector<1x16xf32>,
        %swap3A_2035 = vector.shape_cast %swap3A_2034 : vector<1x16xf32> to vector<16xf32>
        %swap3A_2036 = vector.shape_cast %get3A_2018 : vector<16xf32> to vector<1x16xf32>
        tpu.vector_store %arg8[%swap3A_2032, %swap3A_2033], %swap3A_2036 {add = true, strides = array<i32>} : memref<16x1024xf32, #tpu.memory_space<vmem>>, vector<1x16xf32>,
        %swap3A_2037 = arith.constant 7 : i32
        %swap3A_2038 = arith.index_cast %swap3A_2037 : i32 to index
        %swap3A_2039 = arith.index_cast %add3A_2013 : i32 to index
        %swap3A_2040 = tpu.vector_load %arg9[%swap3A_2038, %swap3A_2039] {strides = array<i32>} : memref<16x1024xf32, #tpu.memory_space<vmem>>, vector<1x16xf32>,
        %swap3A_2041 = vector.shape_cast %swap3A_2040 : vector<1x16xf32> to vector<16xf32>
        %swap3A_2042 = vector.shape_cast %get3A_2018 : vector<16xf32> to vector<1x16xf32>
        tpu.vector_store %arg9[%swap3A_2038, %swap3A_2039], %swap3A_2042 {add = true, strides = array<i32>} : memref<16x1024xf32, #tpu.memory_space<vmem>>, vector<1x16xf32>,
        %add3A_2043 = arith.constant 80 : i32
        %add3A_2044 = arith.addi %mul3A_153, %add3A_2043 : i32
        %get3A_2045 = arith.constant 7 : i32
        %get3A_2046 = arith.index_cast %get3A_2045 : i32 to index
        %get3A_2047 = arith.index_cast %add3A_2044 : i32 to index
        %get3A_2048 = tpu.vector_load %arg5[%get3A_2046, %get3A_2047] {strides = array<i32>} : memref<16x1024xf32, #tpu.memory_space<vmem>>, vector<1x16xf32>,
        %get3A_2049 = vector.shape_cast %get3A_2048 : vector<1x16xf32> to vector<16xf32>
        %swap3A_2050 = arith.constant 7 : i32
        %swap3A_2051 = arith.index_cast %swap3A_2050 : i32 to index
        %swap3A_2052 = arith.index_cast %add3A_2044 : i32 to index
        %swap3A_2053 = tpu.vector_load %arg6[%swap3A_2051, %swap3A_2052] {strides = array<i32>} : memref<16x1024xf32, #tpu.memory_space<vmem>>, vector<1x16xf32>,
        %swap3A_2054 = vector.shape_cast %swap3A_2053 : vector<1x16xf32> to vector<16xf32>
        %swap3A_2055 = vector.shape_cast %get3A_2049 : vector<16xf32> to vector<1x16xf32>
        tpu.vector_store %arg6[%swap3A_2051, %swap3A_2052], %swap3A_2055 {add = true, strides = array<i32>} : memref<16x1024xf32, #tpu.memory_space<vmem>>, vector<1x16xf32>,
        %swap3A_2056 = arith.constant 7 : i32
        %swap3A_2057 = arith.index_cast %swap3A_2056 : i32 to index
        %swap3A_2058 = arith.index_cast %add3A_2044 : i32 to index
        %swap3A_2059 = tpu.vector_load %arg7[%swap3A_2057, %swap3A_2058] {strides = array<i32>} : memref<16x1024xf32, #tpu.memory_space<vmem>>, vector<1x16xf32>,
        %swap3A_2060 = vector.shape_cast %swap3A_2059 : vector<1x16xf32> to vector<16xf32>
        %swap3A_2061 = vector.shape_cast %get3A_2049 : vector<16xf32> to vector<1x16xf32>
        tpu.vector_store %arg7[%swap3A_2057, %swap3A_2058], %swap3A_2061 {add = true, strides = array<i32>} : memref<16x1024xf32, #tpu.memory_space<vmem>>, vector<1x16xf32>,
        %swap3A_2062 = arith.constant 7 : i32
        %swap3A_2063 = arith.index_cast %swap3A_2062 : i32 to index
        %swap3A_2064 = arith.index_cast %add3A_2044 : i32 to index
        %swap3A_2065 = tpu.vector_load %arg8[%swap3A_2063, %swap3A_2064] {strides = array<i32>} : memref<16x1024xf32, #tpu.memory_space<vmem>>, vector<1x16xf32>,
        %swap3A_2066 = vector.shape_cast %swap3A_2065 : vector<1x16xf32> to vector<16xf32>
        %swap3A_2067 = vector.shape_cast %get3A_2049 : vector<16xf32> to vector<1x16xf32>
        tpu.vector_store %arg8[%swap3A_2063, %swap3A_2064], %swap3A_2067 {add = true, strides = array<i32>} : memref<16x1024xf32, #tpu.memory_space<vmem>>, vector<1x16xf32>,
        %swap3A_2068 = arith.constant 7 : i32
        %swap3A_2069 = arith.index_cast %swap3A_2068 : i32 to index
        %swap3A_2070 = arith.index_cast %add3A_2044 : i32 to index
        %swap3A_2071 = tpu.vector_load %arg9[%swap3A_2069, %swap3A_2070] {strides = array<i32>} : memref<16x1024xf32, #tpu.memory_space<vmem>>, vector<1x16xf32>,
        %swap3A_2072 = vector.shape_cast %swap3A_2071 : vector<1x16xf32> to vector<16xf32>
        %swap3A_2073 = vector.shape_cast %get3A_2049 : vector<16xf32> to vector<1x16xf32>
        tpu.vector_store %arg9[%swap3A_2069, %swap3A_2070], %swap3A_2073 {add = true, strides = array<i32>} : memref<16x1024xf32, #tpu.memory_space<vmem>>, vector<1x16xf32>,
        %add3A_2074 = arith.constant 96 : i32
        %add3A_2075 = arith.addi %mul3A_153, %add3A_2074 : i32
        %get3A_2076 = arith.constant 7 : i32
        %get3A_2077 = arith.index_cast %get3A_2076 : i32 to index
        %get3A_2078 = arith.index_cast %add3A_2075 : i32 to index
        %get3A_2079 = tpu.vector_load %arg5[%get3A_2077, %get3A_2078] {strides = array<i32>} : memref<16x1024xf32, #tpu.memory_space<vmem>>, vector<1x16xf32>,
        %get3A_2080 = vector.shape_cast %get3A_2079 : vector<1x16xf32> to vector<16xf32>
        %swap3A_2081 = arith.constant 7 : i32
        %swap3A_2082 = arith.index_cast %swap3A_2081 : i32 to index
        %swap3A_2083 = arith.index_cast %add3A_2075 : i32 to index
        %swap3A_2084 = tpu.vector_load %arg6[%swap3A_2082, %swap3A_2083] {strides = array<i32>} : memref<16x1024xf32, #tpu.memory_space<vmem>>, vector<1x16xf32>,
        %swap3A_2085 = vector.shape_cast %swap3A_2084 : vector<1x16xf32> to vector<16xf32>
        %swap3A_2086 = vector.shape_cast %get3A_2080 : vector<16xf32> to vector<1x16xf32>
        tpu.vector_store %arg6[%swap3A_2082, %swap3A_2083], %swap3A_2086 {add = true, strides = array<i32>} : memref<16x1024xf32, #tpu.memory_space<vmem>>, vector<1x16xf32>,
        %swap3A_2087 = arith.constant 7 : i32
        %swap3A_2088 = arith.index_cast %swap3A_2087 : i32 to index
        %swap3A_2089 = arith.index_cast %add3A_2075 : i32 to index
        %swap3A_2090 = tpu.vector_load %arg7[%swap3A_2088, %swap3A_2089] {strides = array<i32>} : memref<16x1024xf32, #tpu.memory_space<vmem>>, vector<1x16xf32>,
        %swap3A_2091 = vector.shape_cast %swap3A_2090 : vector<1x16xf32> to vector<16xf32>
        %swap3A_2092 = vector.shape_cast %get3A_2080 : vector<16xf32> to vector<1x16xf32>
        tpu.vector_store %arg7[%swap3A_2088, %swap3A_2089], %swap3A_2092 {add = true, strides = array<i32>} : memref<16x1024xf32, #tpu.memory_space<vmem>>, vector<1x16xf32>,
        %swap3A_2093 = arith.constant 7 : i32
        %swap3A_2094 = arith.index_cast %swap3A_2093 : i32 to index
        %swap3A_2095 = arith.index_cast %add3A_2075 : i32 to index
        %swap3A_2096 = tpu.vector_load %arg8[%swap3A_2094, %swap3A_2095] {strides = array<i32>} : memref<16x1024xf32, #tpu.memory_space<vmem>>, vector<1x16xf32>,
        %swap3A_2097 = vector.shape_cast %swap3A_2096 : vector<1x16xf32> to vector<16xf32>
        %swap3A_2098 = vector.shape_cast %get3A_2080 : vector<16xf32> to vector<1x16xf32>
        tpu.vector_store %arg8[%swap3A_2094, %swap3A_2095], %swap3A_2098 {add = true, strides = array<i32>} : memref<16x1024xf32, #tpu.memory_space<vmem>>, vector<1x16xf32>,
        %swap3A_2099 = arith.constant 7 : i32
        %swap3A_2100 = arith.index_cast %swap3A_2099 : i32 to index
        %swap3A_2101 = arith.index_cast %add3A_2075 : i32 to index
        %swap3A_2102 = tpu.vector_load %arg9[%swap3A_2100, %swap3A_2101] {strides = array<i32>} : memref<16x1024xf32, #tpu.memory_space<vmem>>, vector<1x16xf32>,
        %swap3A_2103 = vector.shape_cast %swap3A_2102 : vector<1x16xf32> to vector<16xf32>
        %swap3A_2104 = vector.shape_cast %get3A_2080 : vector<16xf32> to vector<1x16xf32>
        tpu.vector_store %arg9[%swap3A_2100, %swap3A_2101], %swap3A_2104 {add = true, strides = array<i32>} : memref<16x1024xf32, #tpu.memory_space<vmem>>, vector<1x16xf32>,
        %add3A_2105 = arith.constant 112 : i32
        %add3A_2106 = arith.addi %mul3A_153, %add3A_2105 : i32
        %get3A_2107 = arith.constant 7 : i32
        %get3A_2108 = arith.index_cast %get3A_2107 : i32 to index
        %get3A_2109 = arith.index_cast %add3A_2106 : i32 to index
        %get3A_2110 = tpu.vector_load %arg5[%get3A_2108, %get3A_2109] {strides = array<i32>} : memref<16x1024xf32, #tpu.memory_space<vmem>>, vector<1x16xf32>,
        %get3A_2111 = vector.shape_cast %get3A_2110 : vector<1x16xf32> to vector<16xf32>
        %swap3A_2112 = arith.constant 7 : i32
        %swap3A_2113 = arith.index_cast %swap3A_2112 : i32 to index
        %swap3A_2114 = arith.index_cast %add3A_2106 : i32 to index
        %swap3A_2115 = tpu.vector_load %arg6[%swap3A_2113, %swap3A_2114] {strides = array<i32>} : memref<16x1024xf32, #tpu.memory_space<vmem>>, vector<1x16xf32>,
        %swap3A_2116 = vector.shape_cast %swap3A_2115 : vector<1x16xf32> to vector<16xf32>
        %swap3A_2117 = vector.shape_cast %get3A_2111 : vector<16xf32> to vector<1x16xf32>
        tpu.vector_store %arg6[%swap3A_2113, %swap3A_2114], %swap3A_2117 {add = true, strides = array<i32>} : memref<16x1024xf32, #tpu.memory_space<vmem>>, vector<1x16xf32>,
        %swap3A_2118 = arith.constant 7 : i32
        %swap3A_2119 = arith.index_cast %swap3A_2118 : i32 to index
        %swap3A_2120 = arith.index_cast %add3A_2106 : i32 to index
        %swap3A_2121 = tpu.vector_load %arg7[%swap3A_2119, %swap3A_2120] {strides = array<i32>} : memref<16x1024xf32, #tpu.memory_space<vmem>>, vector<1x16xf32>,
        %swap3A_2122 = vector.shape_cast %swap3A_2121 : vector<1x16xf32> to vector<16xf32>
        %swap3A_2123 = vector.shape_cast %get3A_2111 : vector<16xf32> to vector<1x16xf32>
        tpu.vector_store %arg7[%swap3A_2119, %swap3A_2120], %swap3A_2123 {add = true, strides = array<i32>} : memref<16x1024xf32, #tpu.memory_space<vmem>>, vector<1x16xf32>,
        %swap3A_2124 = arith.constant 7 : i32
        %swap3A_2125 = arith.index_cast %swap3A_2124 : i32 to index
        %swap3A_2126 = arith.index_cast %add3A_2106 : i32 to index
        %swap3A_2127 = tpu.vector_load %arg8[%swap3A_2125, %swap3A_2126] {strides = array<i32>} : memref<16x1024xf32, #tpu.memory_space<vmem>>, vector<1x16xf32>,
        %swap3A_2128 = vector.shape_cast %swap3A_2127 : vector<1x16xf32> to vector<16xf32>
        %swap3A_2129 = vector.shape_cast %get3A_2111 : vector<16xf32> to vector<1x16xf32>
        tpu.vector_store %arg8[%swap3A_2125, %swap3A_2126], %swap3A_2129 {add = true, strides = array<i32>} : memref<16x1024xf32, #tpu.memory_space<vmem>>, vector<1x16xf32>,
        %swap3A_2130 = arith.constant 7 : i32
        %swap3A_2131 = arith.index_cast %swap3A_2130 : i32 to index
        %swap3A_2132 = arith.index_cast %add3A_2106 : i32 to index
        %swap3A_2133 = tpu.vector_load %arg9[%swap3A_2131, %swap3A_2132] {strides = array<i32>} : memref<16x1024xf32, #tpu.memory_space<vmem>>, vector<1x16xf32>,
        %swap3A_2134 = vector.shape_cast %swap3A_2133 : vector<1x16xf32> to vector<16xf32>
        %swap3A_2135 = vector.shape_cast %get3A_2111 : vector<16xf32> to vector<1x16xf32>
        tpu.vector_store %arg9[%swap3A_2131, %swap3A_2132], %swap3A_2135 {add = true, strides = array<i32>} : memref<16x1024xf32, #tpu.memory_space<vmem>>, vector<1x16xf32>,
        %add3A_2136 = arith.constant 0 : i32
        %add3A_2137 = arith.addi %mul3A_153, %add3A_2136 : i32
        %get3A_2138 = arith.constant 8 : i32
        %get3A_2139 = arith.index_cast %get3A_2138 : i32 to index
        %get3A_2140 = arith.index_cast %add3A_2137 : i32 to index
        %get3A_2141 = tpu.vector_load %arg5[%get3A_2139, %get3A_2140] {strides = array<i32>} : memref<16x1024xf32, #tpu.memory_space<vmem>>, vector<1x16xf32>,
        %get3A_2142 = vector.shape_cast %get3A_2141 : vector<1x16xf32> to vector<16xf32>
        %swap3A_2143 = arith.constant 8 : i32
        %swap3A_2144 = arith.index_cast %swap3A_2143 : i32 to index
        %swap3A_2145 = arith.index_cast %add3A_2137 : i32 to index
        %swap3A_2146 = tpu.vector_load %arg6[%swap3A_2144, %swap3A_2145] {strides = array<i32>} : memref<16x1024xf32, #tpu.memory_space<vmem>>, vector<1x16xf32>,
        %swap3A_2147 = vector.shape_cast %swap3A_2146 : vector<1x16xf32> to vector<16xf32>
        %swap3A_2148 = vector.shape_cast %get3A_2142 : vector<16xf32> to vector<1x16xf32>
        tpu.vector_store %arg6[%swap3A_2144, %swap3A_2145], %swap3A_2148 {add = true, strides = array<i32>} : memref<16x1024xf32, #tpu.memory_space<vmem>>, vector<1x16xf32>,
        %swap3A_2149 = arith.constant 8 : i32
        %swap3A_2150 = arith.index_cast %swap3A_2149 : i32 to index
        %swap3A_2151 = arith.index_cast %add3A_2137 : i32 to index
        %swap3A_2152 = tpu.vector_load %arg7[%swap3A_2150, %swap3A_2151] {strides = array<i32>} : memref<16x1024xf32, #tpu.memory_space<vmem>>, vector<1x16xf32>,
        %swap3A_2153 = vector.shape_cast %swap3A_2152 : vector<1x16xf32> to vector<16xf32>
        %swap3A_2154 = vector.shape_cast %get3A_2142 : vector<16xf32> to vector<1x16xf32>
        tpu.vector_store %arg7[%swap3A_2150, %swap3A_2151], %swap3A_2154 {add = true, strides = array<i32>} : memref<16x1024xf32, #tpu.memory_space<vmem>>, vector<1x16xf32>,
        %swap3A_2155 = arith.constant 8 : i32
        %swap3A_2156 = arith.index_cast %swap3A_2155 : i32 to index
        %swap3A_2157 = arith.index_cast %add3A_2137 : i32 to index
        %swap3A_2158 = tpu.vector_load %arg8[%swap3A_2156, %swap3A_2157] {strides = array<i32>} : memref<16x1024xf32, #tpu.memory_space<vmem>>, vector<1x16xf32>,
        %swap3A_2159 = vector.shape_cast %swap3A_2158 : vector<1x16xf32> to vector<16xf32>
        %swap3A_2160 = vector.shape_cast %get3A_2142 : vector<16xf32> to vector<1x16xf32>
        tpu.vector_store %arg8[%swap3A_2156, %swap3A_2157], %swap3A_2160 {add = true, strides = array<i32>} : memref<16x1024xf32, #tpu.memory_space<vmem>>, vector<1x16xf32>,
        %swap3A_2161 = arith.constant 8 : i32
        %swap3A_2162 = arith.index_cast %swap3A_2161 : i32 to index
        %swap3A_2163 = arith.index_cast %add3A_2137 : i32 to index
        %swap3A_2164 = tpu.vector_load %arg9[%swap3A_2162, %swap3A_2163] {strides = array<i32>} : memref<16x1024xf32, #tpu.memory_space<vmem>>, vector<1x16xf32>,
        %swap3A_2165 = vector.shape_cast %swap3A_2164 : vector<1x16xf32> to vector<16xf32>
        %swap3A_2166 = vector.shape_cast %get3A_2142 : vector<16xf32> to vector<1x16xf32>
        tpu.vector_store %arg9[%swap3A_2162, %swap3A_2163], %swap3A_2166 {add = true, strides = array<i32>} : memref<16x1024xf32, #tpu.memory_space<vmem>>, vector<1x16xf32>,
        %add3A_2167 = arith.constant 16 : i32
        %add3A_2168 = arith.addi %mul3A_153, %add3A_2167 : i32
        %get3A_2169 = arith.constant 8 : i32
        %get3A_2170 = arith.index_cast %get3A_2169 : i32 to index
        %get3A_2171 = arith.index_cast %add3A_2168 : i32 to index
        %get3A_2172 = tpu.vector_load %arg5[%get3A_2170, %get3A_2171] {strides = array<i32>} : memref<16x1024xf32, #tpu.memory_space<vmem>>, vector<1x16xf32>,
        %get3A_2173 = vector.shape_cast %get3A_2172 : vector<1x16xf32> to vector<16xf32>
        %swap3A_2174 = arith.constant 8 : i32
        %swap3A_2175 = arith.index_cast %swap3A_2174 : i32 to index
        %swap3A_2176 = arith.index_cast %add3A_2168 : i32 to index
        %swap3A_2177 = tpu.vector_load %arg6[%swap3A_2175, %swap3A_2176] {strides = array<i32>} : memref<16x1024xf32, #tpu.memory_space<vmem>>, vector<1x16xf32>,
        %swap3A_2178 = vector.shape_cast %swap3A_2177 : vector<1x16xf32> to vector<16xf32>
        %swap3A_2179 = vector.shape_cast %get3A_2173 : vector<16xf32> to vector<1x16xf32>
        tpu.vector_store %arg6[%swap3A_2175, %swap3A_2176], %swap3A_2179 {add = true, strides = array<i32>} : memref<16x1024xf32, #tpu.memory_space<vmem>>, vector<1x16xf32>,
        %swap3A_2180 = arith.constant 8 : i32
        %swap3A_2181 = arith.index_cast %swap3A_2180 : i32 to index
        %swap3A_2182 = arith.index_cast %add3A_2168 : i32 to index
        %swap3A_2183 = tpu.vector_load %arg7[%swap3A_2181, %swap3A_2182] {strides = array<i32>} : memref<16x1024xf32, #tpu.memory_space<vmem>>, vector<1x16xf32>,
        %swap3A_2184 = vector.shape_cast %swap3A_2183 : vector<1x16xf32> to vector<16xf32>
        %swap3A_2185 = vector.shape_cast %get3A_2173 : vector<16xf32> to vector<1x16xf32>
        tpu.vector_store %arg7[%swap3A_2181, %swap3A_2182], %swap3A_2185 {add = true, strides = array<i32>} : memref<16x1024xf32, #tpu.memory_space<vmem>>, vector<1x16xf32>,
        %swap3A_2186 = arith.constant 8 : i32
        %swap3A_2187 = arith.index_cast %swap3A_2186 : i32 to index
        %swap3A_2188 = arith.index_cast %add3A_2168 : i32 to index
        %swap3A_2189 = tpu.vector_load %arg8[%swap3A_2187, %swap3A_2188] {strides = array<i32>} : memref<16x1024xf32, #tpu.memory_space<vmem>>, vector<1x16xf32>,
        %swap3A_2190 = vector.shape_cast %swap3A_2189 : vector<1x16xf32> to vector<16xf32>
        %swap3A_2191 = vector.shape_cast %get3A_2173 : vector<16xf32> to vector<1x16xf32>
        tpu.vector_store %arg8[%swap3A_2187, %swap3A_2188], %swap3A_2191 {add = true, strides = array<i32>} : memref<16x1024xf32, #tpu.memory_space<vmem>>, vector<1x16xf32>,
        %swap3A_2192 = arith.constant 8 : i32
        %swap3A_2193 = arith.index_cast %swap3A_2192 : i32 to index
        %swap3A_2194 = arith.index_cast %add3A_2168 : i32 to index
        %swap3A_2195 = tpu.vector_load %arg9[%swap3A_2193, %swap3A_2194] {strides = array<i32>} : memref<16x1024xf32, #tpu.memory_space<vmem>>, vector<1x16xf32>,
        %swap3A_2196 = vector.shape_cast %swap3A_2195 : vector<1x16xf32> to vector<16xf32>
        %swap3A_2197 = vector.shape_cast %get3A_2173 : vector<16xf32> to vector<1x16xf32>
        tpu.vector_store %arg9[%swap3A_2193, %swap3A_2194], %swap3A_2197 {add = true, strides = array<i32>} : memref<16x1024xf32, #tpu.memory_space<vmem>>, vector<1x16xf32>,
        %add3A_2198 = arith.constant 32 : i32
        %add3A_2199 = arith.addi %mul3A_153, %add3A_2198 : i32
        %get3A_2200 = arith.constant 8 : i32
        %get3A_2201 = arith.index_cast %get3A_2200 : i32 to index
        %get3A_2202 = arith.index_cast %add3A_2199 : i32 to index
        %get3A_2203 = tpu.vector_load %arg5[%get3A_2201, %get3A_2202] {strides = array<i32>} : memref<16x1024xf32, #tpu.memory_space<vmem>>, vector<1x16xf32>,
        %get3A_2204 = vector.shape_cast %get3A_2203 : vector<1x16xf32> to vector<16xf32>
        %swap3A_2205 = arith.constant 8 : i32
        %swap3A_2206 = arith.index_cast %swap3A_2205 : i32 to index
        %swap3A_2207 = arith.index_cast %add3A_2199 : i32 to index
        %swap3A_2208 = tpu.vector_load %arg6[%swap3A_2206, %swap3A_2207] {strides = array<i32>} : memref<16x1024xf32, #tpu.memory_space<vmem>>, vector<1x16xf32>,
        %swap3A_2209 = vector.shape_cast %swap3A_2208 : vector<1x16xf32> to vector<16xf32>
        %swap3A_2210 = vector.shape_cast %get3A_2204 : vector<16xf32> to vector<1x16xf32>
        tpu.vector_store %arg6[%swap3A_2206, %swap3A_2207], %swap3A_2210 {add = true, strides = array<i32>} : memref<16x1024xf32, #tpu.memory_space<vmem>>, vector<1x16xf32>,
        %swap3A_2211 = arith.constant 8 : i32
        %swap3A_2212 = arith.index_cast %swap3A_2211 : i32 to index
        %swap3A_2213 = arith.index_cast %add3A_2199 : i32 to index
        %swap3A_2214 = tpu.vector_load %arg7[%swap3A_2212, %swap3A_2213] {strides = array<i32>} : memref<16x1024xf32, #tpu.memory_space<vmem>>, vector<1x16xf32>,
        %swap3A_2215 = vector.shape_cast %swap3A_2214 : vector<1x16xf32> to vector<16xf32>
        %swap3A_2216 = vector.shape_cast %get3A_2204 : vector<16xf32> to vector<1x16xf32>
        tpu.vector_store %arg7[%swap3A_2212, %swap3A_2213], %swap3A_2216 {add = true, strides = array<i32>} : memref<16x1024xf32, #tpu.memory_space<vmem>>, vector<1x16xf32>,
        %swap3A_2217 = arith.constant 8 : i32
        %swap3A_2218 = arith.index_cast %swap3A_2217 : i32 to index
        %swap3A_2219 = arith.index_cast %add3A_2199 : i32 to index
        %swap3A_2220 = tpu.vector_load %arg8[%swap3A_2218, %swap3A_2219] {strides = array<i32>} : memref<16x1024xf32, #tpu.memory_space<vmem>>, vector<1x16xf32>,
        %swap3A_2221 = vector.shape_cast %swap3A_2220 : vector<1x16xf32> to vector<16xf32>
        %swap3A_2222 = vector.shape_cast %get3A_2204 : vector<16xf32> to vector<1x16xf32>
        tpu.vector_store %arg8[%swap3A_2218, %swap3A_2219], %swap3A_2222 {add = true, strides = array<i32>} : memref<16x1024xf32, #tpu.memory_space<vmem>>, vector<1x16xf32>,
        %swap3A_2223 = arith.constant 8 : i32
        %swap3A_2224 = arith.index_cast %swap3A_2223 : i32 to index
        %swap3A_2225 = arith.index_cast %add3A_2199 : i32 to index
        %swap3A_2226 = tpu.vector_load %arg9[%swap3A_2224, %swap3A_2225] {strides = array<i32>} : memref<16x1024xf32, #tpu.memory_space<vmem>>, vector<1x16xf32>,
        %swap3A_2227 = vector.shape_cast %swap3A_2226 : vector<1x16xf32> to vector<16xf32>
        %swap3A_2228 = vector.shape_cast %get3A_2204 : vector<16xf32> to vector<1x16xf32>
        tpu.vector_store %arg9[%swap3A_2224, %swap3A_2225], %swap3A_2228 {add = true, strides = array<i32>} : memref<16x1024xf32, #tpu.memory_space<vmem>>, vector<1x16xf32>,
        %add3A_2229 = arith.constant 48 : i32
        %add3A_2230 = arith.addi %mul3A_153, %add3A_2229 : i32
        %get3A_2231 = arith.constant 8 : i32
        %get3A_2232 = arith.index_cast %get3A_2231 : i32 to index
        %get3A_2233 = arith.index_cast %add3A_2230 : i32 to index
        %get3A_2234 = tpu.vector_load %arg5[%get3A_2232, %get3A_2233] {strides = array<i32>} : memref<16x1024xf32, #tpu.memory_space<vmem>>, vector<1x16xf32>,
        %get3A_2235 = vector.shape_cast %get3A_2234 : vector<1x16xf32> to vector<16xf32>
        %swap3A_2236 = arith.constant 8 : i32
        %swap3A_2237 = arith.index_cast %swap3A_2236 : i32 to index
        %swap3A_2238 = arith.index_cast %add3A_2230 : i32 to index
        %swap3A_2239 = tpu.vector_load %arg6[%swap3A_2237, %swap3A_2238] {strides = array<i32>} : memref<16x1024xf32, #tpu.memory_space<vmem>>, vector<1x16xf32>,
        %swap3A_2240 = vector.shape_cast %swap3A_2239 : vector<1x16xf32> to vector<16xf32>
        %swap3A_2241 = vector.shape_cast %get3A_2235 : vector<16xf32> to vector<1x16xf32>
        tpu.vector_store %arg6[%swap3A_2237, %swap3A_2238], %swap3A_2241 {add = true, strides = array<i32>} : memref<16x1024xf32, #tpu.memory_space<vmem>>, vector<1x16xf32>,
        %swap3A_2242 = arith.constant 8 : i32
        %swap3A_2243 = arith.index_cast %swap3A_2242 : i32 to index
        %swap3A_2244 = arith.index_cast %add3A_2230 : i32 to index
        %swap3A_2245 = tpu.vector_load %arg7[%swap3A_2243, %swap3A_2244] {strides = array<i32>} : memref<16x1024xf32, #tpu.memory_space<vmem>>, vector<1x16xf32>,
        %swap3A_2246 = vector.shape_cast %swap3A_2245 : vector<1x16xf32> to vector<16xf32>
        %swap3A_2247 = vector.shape_cast %get3A_2235 : vector<16xf32> to vector<1x16xf32>
        tpu.vector_store %arg7[%swap3A_2243, %swap3A_2244], %swap3A_2247 {add = true, strides = array<i32>} : memref<16x1024xf32, #tpu.memory_space<vmem>>, vector<1x16xf32>,
        %swap3A_2248 = arith.constant 8 : i32
        %swap3A_2249 = arith.index_cast %swap3A_2248 : i32 to index
        %swap3A_2250 = arith.index_cast %add3A_2230 : i32 to index
        %swap3A_2251 = tpu.vector_load %arg8[%swap3A_2249, %swap3A_2250] {strides = array<i32>} : memref<16x1024xf32, #tpu.memory_space<vmem>>, vector<1x16xf32>,
        %swap3A_2252 = vector.shape_cast %swap3A_2251 : vector<1x16xf32> to vector<16xf32>
        %swap3A_2253 = vector.shape_cast %get3A_2235 : vector<16xf32> to vector<1x16xf32>
        tpu.vector_store %arg8[%swap3A_2249, %swap3A_2250], %swap3A_2253 {add = true, strides = array<i32>} : memref<16x1024xf32, #tpu.memory_space<vmem>>, vector<1x16xf32>,
        %swap3A_2254 = arith.constant 8 : i32
        %swap3A_2255 = arith.index_cast %swap3A_2254 : i32 to index
        %swap3A_2256 = arith.index_cast %add3A_2230 : i32 to index
        %swap3A_2257 = tpu.vector_load %arg9[%swap3A_2255, %swap3A_2256] {strides = array<i32>} : memref<16x1024xf32, #tpu.memory_space<vmem>>, vector<1x16xf32>,
        %swap3A_2258 = vector.shape_cast %swap3A_2257 : vector<1x16xf32> to vector<16xf32>
        %swap3A_2259 = vector.shape_cast %get3A_2235 : vector<16xf32> to vector<1x16xf32>
        tpu.vector_store %arg9[%swap3A_2255, %swap3A_2256], %swap3A_2259 {add = true, strides = array<i32>} : memref<16x1024xf32, #tpu.memory_space<vmem>>, vector<1x16xf32>,
        %add3A_2260 = arith.constant 64 : i32
        %add3A_2261 = arith.addi %mul3A_153, %add3A_2260 : i32
        %get3A_2262 = arith.constant 8 : i32
        %get3A_2263 = arith.index_cast %get3A_2262 : i32 to index
        %get3A_2264 = arith.index_cast %add3A_2261 : i32 to index
        %get3A_2265 = tpu.vector_load %arg5[%get3A_2263, %get3A_2264] {strides = array<i32>} : memref<16x1024xf32, #tpu.memory_space<vmem>>, vector<1x16xf32>,
        %get3A_2266 = vector.shape_cast %get3A_2265 : vector<1x16xf32> to vector<16xf32>
        %swap3A_2267 = arith.constant 8 : i32
        %swap3A_2268 = arith.index_cast %swap3A_2267 : i32 to index
        %swap3A_2269 = arith.index_cast %add3A_2261 : i32 to index
        %swap3A_2270 = tpu.vector_load %arg6[%swap3A_2268, %swap3A_2269] {strides = array<i32>} : memref<16x1024xf32, #tpu.memory_space<vmem>>, vector<1x16xf32>,
        %swap3A_2271 = vector.shape_cast %swap3A_2270 : vector<1x16xf32> to vector<16xf32>
        %swap3A_2272 = vector.shape_cast %get3A_2266 : vector<16xf32> to vector<1x16xf32>
        tpu.vector_store %arg6[%swap3A_2268, %swap3A_2269], %swap3A_2272 {add = true, strides = array<i32>} : memref<16x1024xf32, #tpu.memory_space<vmem>>, vector<1x16xf32>,
        %swap3A_2273 = arith.constant 8 : i32
        %swap3A_2274 = arith.index_cast %swap3A_2273 : i32 to index
        %swap3A_2275 = arith.index_cast %add3A_2261 : i32 to index
        %swap3A_2276 = tpu.vector_load %arg7[%swap3A_2274, %swap3A_2275] {strides = array<i32>} : memref<16x1024xf32, #tpu.memory_space<vmem>>, vector<1x16xf32>,
        %swap3A_2277 = vector.shape_cast %swap3A_2276 : vector<1x16xf32> to vector<16xf32>
        %swap3A_2278 = vector.shape_cast %get3A_2266 : vector<16xf32> to vector<1x16xf32>
        tpu.vector_store %arg7[%swap3A_2274, %swap3A_2275], %swap3A_2278 {add = true, strides = array<i32>} : memref<16x1024xf32, #tpu.memory_space<vmem>>, vector<1x16xf32>,
        %swap3A_2279 = arith.constant 8 : i32
        %swap3A_2280 = arith.index_cast %swap3A_2279 : i32 to index
        %swap3A_2281 = arith.index_cast %add3A_2261 : i32 to index
        %swap3A_2282 = tpu.vector_load %arg8[%swap3A_2280, %swap3A_2281] {strides = array<i32>} : memref<16x1024xf32, #tpu.memory_space<vmem>>, vector<1x16xf32>,
        %swap3A_2283 = vector.shape_cast %swap3A_2282 : vector<1x16xf32> to vector<16xf32>
        %swap3A_2284 = vector.shape_cast %get3A_2266 : vector<16xf32> to vector<1x16xf32>
        tpu.vector_store %arg8[%swap3A_2280, %swap3A_2281], %swap3A_2284 {add = true, strides = array<i32>} : memref<16x1024xf32, #tpu.memory_space<vmem>>, vector<1x16xf32>,
        %swap3A_2285 = arith.constant 8 : i32
        %swap3A_2286 = arith.index_cast %swap3A_2285 : i32 to index
        %swap3A_2287 = arith.index_cast %add3A_2261 : i32 to index
        %swap3A_2288 = tpu.vector_load %arg9[%swap3A_2286, %swap3A_2287] {strides = array<i32>} : memref<16x1024xf32, #tpu.memory_space<vmem>>, vector<1x16xf32>,
        %swap3A_2289 = vector.shape_cast %swap3A_2288 : vector<1x16xf32> to vector<16xf32>
        %swap3A_2290 = vector.shape_cast %get3A_2266 : vector<16xf32> to vector<1x16xf32>
        tpu.vector_store %arg9[%swap3A_2286, %swap3A_2287], %swap3A_2290 {add = true, strides = array<i32>} : memref<16x1024xf32, #tpu.memory_space<vmem>>, vector<1x16xf32>,
        %add3A_2291 = arith.constant 80 : i32
        %add3A_2292 = arith.addi %mul3A_153, %add3A_2291 : i32
        %get3A_2293 = arith.constant 8 : i32
        %get3A_2294 = arith.index_cast %get3A_2293 : i32 to index
        %get3A_2295 = arith.index_cast %add3A_2292 : i32 to index
        %get3A_2296 = tpu.vector_load %arg5[%get3A_2294, %get3A_2295] {strides = array<i32>} : memref<16x1024xf32, #tpu.memory_space<vmem>>, vector<1x16xf32>,
        %get3A_2297 = vector.shape_cast %get3A_2296 : vector<1x16xf32> to vector<16xf32>
        %swap3A_2298 = arith.constant 8 : i32
        %swap3A_2299 = arith.index_cast %swap3A_2298 : i32 to index
        %swap3A_2300 = arith.index_cast %add3A_2292 : i32 to index
        %swap3A_2301 = tpu.vector_load %arg6[%swap3A_2299, %swap3A_2300] {strides = array<i32>} : memref<16x1024xf32, #tpu.memory_space<vmem>>, vector<1x16xf32>,
        %swap3A_2302 = vector.shape_cast %swap3A_2301 : vector<1x16xf32> to vector<16xf32>
        %swap3A_2303 = vector.shape_cast %get3A_2297 : vector<16xf32> to vector<1x16xf32>
        tpu.vector_store %arg6[%swap3A_2299, %swap3A_2300], %swap3A_2303 {add = true, strides = array<i32>} : memref<16x1024xf32, #tpu.memory_space<vmem>>, vector<1x16xf32>,
        %swap3A_2304 = arith.constant 8 : i32
        %swap3A_2305 = arith.index_cast %swap3A_2304 : i32 to index
        %swap3A_2306 = arith.index_cast %add3A_2292 : i32 to index
        %swap3A_2307 = tpu.vector_load %arg7[%swap3A_2305, %swap3A_2306] {strides = array<i32>} : memref<16x1024xf32, #tpu.memory_space<vmem>>, vector<1x16xf32>,
        %swap3A_2308 = vector.shape_cast %swap3A_2307 : vector<1x16xf32> to vector<16xf32>
        %swap3A_2309 = vector.shape_cast %get3A_2297 : vector<16xf32> to vector<1x16xf32>
        tpu.vector_store %arg7[%swap3A_2305, %swap3A_2306], %swap3A_2309 {add = true, strides = array<i32>} : memref<16x1024xf32, #tpu.memory_space<vmem>>, vector<1x16xf32>,
        %swap3A_2310 = arith.constant 8 : i32
        %swap3A_2311 = arith.index_cast %swap3A_2310 : i32 to index
        %swap3A_2312 = arith.index_cast %add3A_2292 : i32 to index
        %swap3A_2313 = tpu.vector_load %arg8[%swap3A_2311, %swap3A_2312] {strides = array<i32>} : memref<16x1024xf32, #tpu.memory_space<vmem>>, vector<1x16xf32>,
        %swap3A_2314 = vector.shape_cast %swap3A_2313 : vector<1x16xf32> to vector<16xf32>
        %swap3A_2315 = vector.shape_cast %get3A_2297 : vector<16xf32> to vector<1x16xf32>
        tpu.vector_store %arg8[%swap3A_2311, %swap3A_2312], %swap3A_2315 {add = true, strides = array<i32>} : memref<16x1024xf32, #tpu.memory_space<vmem>>, vector<1x16xf32>,
        %swap3A_2316 = arith.constant 8 : i32
        %swap3A_2317 = arith.index_cast %swap3A_2316 : i32 to index
        %swap3A_2318 = arith.index_cast %add3A_2292 : i32 to index
        %swap3A_2319 = tpu.vector_load %arg9[%swap3A_2317, %swap3A_2318] {strides = array<i32>} : memref<16x1024xf32, #tpu.memory_space<vmem>>, vector<1x16xf32>,
        %swap3A_2320 = vector.shape_cast %swap3A_2319 : vector<1x16xf32> to vector<16xf32>
        %swap3A_2321 = vector.shape_cast %get3A_2297 : vector<16xf32> to vector<1x16xf32>
        tpu.vector_store %arg9[%swap3A_2317, %swap3A_2318], %swap3A_2321 {add = true, strides = array<i32>} : memref<16x1024xf32, #tpu.memory_space<vmem>>, vector<1x16xf32>,
        %add3A_2322 = arith.constant 96 : i32
        %add3A_2323 = arith.addi %mul3A_153, %add3A_2322 : i32
        %get3A_2324 = arith.constant 8 : i32
        %get3A_2325 = arith.index_cast %get3A_2324 : i32 to index
        %get3A_2326 = arith.index_cast %add3A_2323 : i32 to index
        %get3A_2327 = tpu.vector_load %arg5[%get3A_2325, %get3A_2326] {strides = array<i32>} : memref<16x1024xf32, #tpu.memory_space<vmem>>, vector<1x16xf32>,
        %get3A_2328 = vector.shape_cast %get3A_2327 : vector<1x16xf32> to vector<16xf32>
        %swap3A_2329 = arith.constant 8 : i32
        %swap3A_2330 = arith.index_cast %swap3A_2329 : i32 to index
        %swap3A_2331 = arith.index_cast %add3A_2323 : i32 to index
        %swap3A_2332 = tpu.vector_load %arg6[%swap3A_2330, %swap3A_2331] {strides = array<i32>} : memref<16x1024xf32, #tpu.memory_space<vmem>>, vector<1x16xf32>,
        %swap3A_2333 = vector.shape_cast %swap3A_2332 : vector<1x16xf32> to vector<16xf32>
        %swap3A_2334 = vector.shape_cast %get3A_2328 : vector<16xf32> to vector<1x16xf32>
        tpu.vector_store %arg6[%swap3A_2330, %swap3A_2331], %swap3A_2334 {add = true, strides = array<i32>} : memref<16x1024xf32, #tpu.memory_space<vmem>>, vector<1x16xf32>,
        %swap3A_2335 = arith.constant 8 : i32
        %swap3A_2336 = arith.index_cast %swap3A_2335 : i32 to index
        %swap3A_2337 = arith.index_cast %add3A_2323 : i32 to index
        %swap3A_2338 = tpu.vector_load %arg7[%swap3A_2336, %swap3A_2337] {strides = array<i32>} : memref<16x1024xf32, #tpu.memory_space<vmem>>, vector<1x16xf32>,
        %swap3A_2339 = vector.shape_cast %swap3A_2338 : vector<1x16xf32> to vector<16xf32>
        %swap3A_2340 = vector.shape_cast %get3A_2328 : vector<16xf32> to vector<1x16xf32>
        tpu.vector_store %arg7[%swap3A_2336, %swap3A_2337], %swap3A_2340 {add = true, strides = array<i32>} : memref<16x1024xf32, #tpu.memory_space<vmem>>, vector<1x16xf32>,
        %swap3A_2341 = arith.constant 8 : i32
        %swap3A_2342 = arith.index_cast %swap3A_2341 : i32 to index
        %swap3A_2343 = arith.index_cast %add3A_2323 : i32 to index
        %swap3A_2344 = tpu.vector_load %arg8[%swap3A_2342, %swap3A_2343] {strides = array<i32>} : memref<16x1024xf32, #tpu.memory_space<vmem>>, vector<1x16xf32>,
        %swap3A_2345 = vector.shape_cast %swap3A_2344 : vector<1x16xf32> to vector<16xf32>
        %swap3A_2346 = vector.shape_cast %get3A_2328 : vector<16xf32> to vector<1x16xf32>
        tpu.vector_store %arg8[%swap3A_2342, %swap3A_2343], %swap3A_2346 {add = true, strides = array<i32>} : memref<16x1024xf32, #tpu.memory_space<vmem>>, vector<1x16xf32>,
        %swap3A_2347 = arith.constant 8 : i32
        %swap3A_2348 = arith.index_cast %swap3A_2347 : i32 to index
        %swap3A_2349 = arith.index_cast %add3A_2323 : i32 to index
        %swap3A_2350 = tpu.vector_load %arg9[%swap3A_2348, %swap3A_2349] {strides = array<i32>} : memref<16x1024xf32, #tpu.memory_space<vmem>>, vector<1x16xf32>,
        %swap3A_2351 = vector.shape_cast %swap3A_2350 : vector<1x16xf32> to vector<16xf32>
        %swap3A_2352 = vector.shape_cast %get3A_2328 : vector<16xf32> to vector<1x16xf32>
        tpu.vector_store %arg9[%swap3A_2348, %swap3A_2349], %swap3A_2352 {add = true, strides = array<i32>} : memref<16x1024xf32, #tpu.memory_space<vmem>>, vector<1x16xf32>,
        %add3A_2353 = arith.constant 112 : i32
        %add3A_2354 = arith.addi %mul3A_153, %add3A_2353 : i32
        %get3A_2355 = arith.constant 8 : i32
        %get3A_2356 = arith.index_cast %get3A_2355 : i32 to index
        %get3A_2357 = arith.index_cast %add3A_2354 : i32 to index
        %get3A_2358 = tpu.vector_load %arg5[%get3A_2356, %get3A_2357] {strides = array<i32>} : memref<16x1024xf32, #tpu.memory_space<vmem>>, vector<1x16xf32>,
        %get3A_2359 = vector.shape_cast %get3A_2358 : vector<1x16xf32> to vector<16xf32>
        %swap3A_2360 = arith.constant 8 : i32
        %swap3A_2361 = arith.index_cast %swap3A_2360 : i32 to index
        %swap3A_2362 = arith.index_cast %add3A_2354 : i32 to index
        %swap3A_2363 = tpu.vector_load %arg6[%swap3A_2361, %swap3A_2362] {strides = array<i32>} : memref<16x1024xf32, #tpu.memory_space<vmem>>, vector<1x16xf32>,
        %swap3A_2364 = vector.shape_cast %swap3A_2363 : vector<1x16xf32> to vector<16xf32>
        %swap3A_2365 = vector.shape_cast %get3A_2359 : vector<16xf32> to vector<1x16xf32>
        tpu.vector_store %arg6[%swap3A_2361, %swap3A_2362], %swap3A_2365 {add = true, strides = array<i32>} : memref<16x1024xf32, #tpu.memory_space<vmem>>, vector<1x16xf32>,
        %swap3A_2366 = arith.constant 8 : i32
        %swap3A_2367 = arith.index_cast %swap3A_2366 : i32 to index
        %swap3A_2368 = arith.index_cast %add3A_2354 : i32 to index
        %swap3A_2369 = tpu.vector_load %arg7[%swap3A_2367, %swap3A_2368] {strides = array<i32>} : memref<16x1024xf32, #tpu.memory_space<vmem>>, vector<1x16xf32>,
        %swap3A_2370 = vector.shape_cast %swap3A_2369 : vector<1x16xf32> to vector<16xf32>
        %swap3A_2371 = vector.shape_cast %get3A_2359 : vector<16xf32> to vector<1x16xf32>
        tpu.vector_store %arg7[%swap3A_2367, %swap3A_2368], %swap3A_2371 {add = true, strides = array<i32>} : memref<16x1024xf32, #tpu.memory_space<vmem>>, vector<1x16xf32>,
        %swap3A_2372 = arith.constant 8 : i32
        %swap3A_2373 = arith.index_cast %swap3A_2372 : i32 to index
        %swap3A_2374 = arith.index_cast %add3A_2354 : i32 to index
        %swap3A_2375 = tpu.vector_load %arg8[%swap3A_2373, %swap3A_2374] {strides = array<i32>} : memref<16x1024xf32, #tpu.memory_space<vmem>>, vector<1x16xf32>,
        %swap3A_2376 = vector.shape_cast %swap3A_2375 : vector<1x16xf32> to vector<16xf32>
        %swap3A_2377 = vector.shape_cast %get3A_2359 : vector<16xf32> to vector<1x16xf32>
        tpu.vector_store %arg8[%swap3A_2373, %swap3A_2374], %swap3A_2377 {add = true, strides = array<i32>} : memref<16x1024xf32, #tpu.memory_space<vmem>>, vector<1x16xf32>,
        %swap3A_2378 = arith.constant 8 : i32
        %swap3A_2379 = arith.index_cast %swap3A_2378 : i32 to index
        %swap3A_2380 = arith.index_cast %add3A_2354 : i32 to index
        %swap3A_2381 = tpu.vector_load %arg9[%swap3A_2379, %swap3A_2380] {strides = array<i32>} : memref<16x1024xf32, #tpu.memory_space<vmem>>, vector<1x16xf32>,
        %swap3A_2382 = vector.shape_cast %swap3A_2381 : vector<1x16xf32> to vector<16xf32>
        %swap3A_2383 = vector.shape_cast %get3A_2359 : vector<16xf32> to vector<1x16xf32>
        tpu.vector_store %arg9[%swap3A_2379, %swap3A_2380], %swap3A_2383 {add = true, strides = array<i32>} : memref<16x1024xf32, #tpu.memory_space<vmem>>, vector<1x16xf32>,
        %add3A_2384 = arith.constant 0 : i32
        %add3A_2385 = arith.addi %mul3A_153, %add3A_2384 : i32
        %get3A_2386 = arith.constant 9 : i32
        %get3A_2387 = arith.index_cast %get3A_2386 : i32 to index
        %get3A_2388 = arith.index_cast %add3A_2385 : i32 to index
        %get3A_2389 = tpu.vector_load %arg5[%get3A_2387, %get3A_2388] {strides = array<i32>} : memref<16x1024xf32, #tpu.memory_space<vmem>>, vector<1x16xf32>,
        %get3A_2390 = vector.shape_cast %get3A_2389 : vector<1x16xf32> to vector<16xf32>
        %swap3A_2391 = arith.constant 9 : i32
        %swap3A_2392 = arith.index_cast %swap3A_2391 : i32 to index
        %swap3A_2393 = arith.index_cast %add3A_2385 : i32 to index
        %swap3A_2394 = tpu.vector_load %arg6[%swap3A_2392, %swap3A_2393] {strides = array<i32>} : memref<16x1024xf32, #tpu.memory_space<vmem>>, vector<1x16xf32>,
        %swap3A_2395 = vector.shape_cast %swap3A_2394 : vector<1x16xf32> to vector<16xf32>
        %swap3A_2396 = vector.shape_cast %get3A_2390 : vector<16xf32> to vector<1x16xf32>
        tpu.vector_store %arg6[%swap3A_2392, %swap3A_2393], %swap3A_2396 {add = true, strides = array<i32>} : memref<16x1024xf32, #tpu.memory_space<vmem>>, vector<1x16xf32>,
        %swap3A_2397 = arith.constant 9 : i32
        %swap3A_2398 = arith.index_cast %swap3A_2397 : i32 to index
        %swap3A_2399 = arith.index_cast %add3A_2385 : i32 to index
        %swap3A_2400 = tpu.vector_load %arg7[%swap3A_2398, %swap3A_2399] {strides = array<i32>} : memref<16x1024xf32, #tpu.memory_space<vmem>>, vector<1x16xf32>,
        %swap3A_2401 = vector.shape_cast %swap3A_2400 : vector<1x16xf32> to vector<16xf32>
        %swap3A_2402 = vector.shape_cast %get3A_2390 : vector<16xf32> to vector<1x16xf32>
        tpu.vector_store %arg7[%swap3A_2398, %swap3A_2399], %swap3A_2402 {add = true, strides = array<i32>} : memref<16x1024xf32, #tpu.memory_space<vmem>>, vector<1x16xf32>,
        %swap3A_2403 = arith.constant 9 : i32
        %swap3A_2404 = arith.index_cast %swap3A_2403 : i32 to index
        %swap3A_2405 = arith.index_cast %add3A_2385 : i32 to index
        %swap3A_2406 = tpu.vector_load %arg8[%swap3A_2404, %swap3A_2405] {strides = array<i32>} : memref<16x1024xf32, #tpu.memory_space<vmem>>, vector<1x16xf32>,
        %swap3A_2407 = vector.shape_cast %swap3A_2406 : vector<1x16xf32> to vector<16xf32>
        %swap3A_2408 = vector.shape_cast %get3A_2390 : vector<16xf32> to vector<1x16xf32>
        tpu.vector_store %arg8[%swap3A_2404, %swap3A_2405], %swap3A_2408 {add = true, strides = array<i32>} : memref<16x1024xf32, #tpu.memory_space<vmem>>, vector<1x16xf32>,
        %swap3A_2409 = arith.constant 9 : i32
        %swap3A_2410 = arith.index_cast %swap3A_2409 : i32 to index
        %swap3A_2411 = arith.index_cast %add3A_2385 : i32 to index
        %swap3A_2412 = tpu.vector_load %arg9[%swap3A_2410, %swap3A_2411] {strides = array<i32>} : memref<16x1024xf32, #tpu.memory_space<vmem>>, vector<1x16xf32>,
        %swap3A_2413 = vector.shape_cast %swap3A_2412 : vector<1x16xf32> to vector<16xf32>
        %swap3A_2414 = vector.shape_cast %get3A_2390 : vector<16xf32> to vector<1x16xf32>
        tpu.vector_store %arg9[%swap3A_2410, %swap3A_2411], %swap3A_2414 {add = true, strides = array<i32>} : memref<16x1024xf32, #tpu.memory_space<vmem>>, vector<1x16xf32>,
        %add3A_2415 = arith.constant 16 : i32
        %add3A_2416 = arith.addi %mul3A_153, %add3A_2415 : i32
        %get3A_2417 = arith.constant 9 : i32
        %get3A_2418 = arith.index_cast %get3A_2417 : i32 to index
        %get3A_2419 = arith.index_cast %add3A_2416 : i32 to index
        %get3A_2420 = tpu.vector_load %arg5[%get3A_2418, %get3A_2419] {strides = array<i32>} : memref<16x1024xf32, #tpu.memory_space<vmem>>, vector<1x16xf32>,
        %get3A_2421 = vector.shape_cast %get3A_2420 : vector<1x16xf32> to vector<16xf32>
        %swap3A_2422 = arith.constant 9 : i32
        %swap3A_2423 = arith.index_cast %swap3A_2422 : i32 to index
        %swap3A_2424 = arith.index_cast %add3A_2416 : i32 to index
        %swap3A_2425 = tpu.vector_load %arg6[%swap3A_2423, %swap3A_2424] {strides = array<i32>} : memref<16x1024xf32, #tpu.memory_space<vmem>>, vector<1x16xf32>,
        %swap3A_2426 = vector.shape_cast %swap3A_2425 : vector<1x16xf32> to vector<16xf32>
        %swap3A_2427 = vector.shape_cast %get3A_2421 : vector<16xf32> to vector<1x16xf32>
        tpu.vector_store %arg6[%swap3A_2423, %swap3A_2424], %swap3A_2427 {add = true, strides = array<i32>} : memref<16x1024xf32, #tpu.memory_space<vmem>>, vector<1x16xf32>,
        %swap3A_2428 = arith.constant 9 : i32
        %swap3A_2429 = arith.index_cast %swap3A_2428 : i32 to index
        %swap3A_2430 = arith.index_cast %add3A_2416 : i32 to index
        %swap3A_2431 = tpu.vector_load %arg7[%swap3A_2429, %swap3A_2430] {strides = array<i32>} : memref<16x1024xf32, #tpu.memory_space<vmem>>, vector<1x16xf32>,
        %swap3A_2432 = vector.shape_cast %swap3A_2431 : vector<1x16xf32> to vector<16xf32>
        %swap3A_2433 = vector.shape_cast %get3A_2421 : vector<16xf32> to vector<1x16xf32>
        tpu.vector_store %arg7[%swap3A_2429, %swap3A_2430], %swap3A_2433 {add = true, strides = array<i32>} : memref<16x1024xf32, #tpu.memory_space<vmem>>, vector<1x16xf32>,
        %swap3A_2434 = arith.constant 9 : i32
        %swap3A_2435 = arith.index_cast %swap3A_2434 : i32 to index
        %swap3A_2436 = arith.index_cast %add3A_2416 : i32 to index
        %swap3A_2437 = tpu.vector_load %arg8[%swap3A_2435, %swap3A_2436] {strides = array<i32>} : memref<16x1024xf32, #tpu.memory_space<vmem>>, vector<1x16xf32>,
        %swap3A_2438 = vector.shape_cast %swap3A_2437 : vector<1x16xf32> to vector<16xf32>
        %swap3A_2439 = vector.shape_cast %get3A_2421 : vector<16xf32> to vector<1x16xf32>
        tpu.vector_store %arg8[%swap3A_2435, %swap3A_2436], %swap3A_2439 {add = true, strides = array<i32>} : memref<16x1024xf32, #tpu.memory_space<vmem>>, vector<1x16xf32>,
        %swap3A_2440 = arith.constant 9 : i32
        %swap3A_2441 = arith.index_cast %swap3A_2440 : i32 to index
        %swap3A_2442 = arith.index_cast %add3A_2416 : i32 to index
        %swap3A_2443 = tpu.vector_load %arg9[%swap3A_2441, %swap3A_2442] {strides = array<i32>} : memref<16x1024xf32, #tpu.memory_space<vmem>>, vector<1x16xf32>,
        %swap3A_2444 = vector.shape_cast %swap3A_2443 : vector<1x16xf32> to vector<16xf32>
        %swap3A_2445 = vector.shape_cast %get3A_2421 : vector<16xf32> to vector<1x16xf32>
        tpu.vector_store %arg9[%swap3A_2441, %swap3A_2442], %swap3A_2445 {add = true, strides = array<i32>} : memref<16x1024xf32, #tpu.memory_space<vmem>>, vector<1x16xf32>,
        %add3A_2446 = arith.constant 32 : i32
        %add3A_2447 = arith.addi %mul3A_153, %add3A_2446 : i32
        %get3A_2448 = arith.constant 9 : i32
        %get3A_2449 = arith.index_cast %get3A_2448 : i32 to index
        %get3A_2450 = arith.index_cast %add3A_2447 : i32 to index
        %get3A_2451 = tpu.vector_load %arg5[%get3A_2449, %get3A_2450] {strides = array<i32>} : memref<16x1024xf32, #tpu.memory_space<vmem>>, vector<1x16xf32>,
        %get3A_2452 = vector.shape_cast %get3A_2451 : vector<1x16xf32> to vector<16xf32>
        %swap3A_2453 = arith.constant 9 : i32
        %swap3A_2454 = arith.index_cast %swap3A_2453 : i32 to index
        %swap3A_2455 = arith.index_cast %add3A_2447 : i32 to index
        %swap3A_2456 = tpu.vector_load %arg6[%swap3A_2454, %swap3A_2455] {strides = array<i32>} : memref<16x1024xf32, #tpu.memory_space<vmem>>, vector<1x16xf32>,
        %swap3A_2457 = vector.shape_cast %swap3A_2456 : vector<1x16xf32> to vector<16xf32>
        %swap3A_2458 = vector.shape_cast %get3A_2452 : vector<16xf32> to vector<1x16xf32>
        tpu.vector_store %arg6[%swap3A_2454, %swap3A_2455], %swap3A_2458 {add = true, strides = array<i32>} : memref<16x1024xf32, #tpu.memory_space<vmem>>, vector<1x16xf32>,
        %swap3A_2459 = arith.constant 9 : i32
        %swap3A_2460 = arith.index_cast %swap3A_2459 : i32 to index
        %swap3A_2461 = arith.index_cast %add3A_2447 : i32 to index
        %swap3A_2462 = tpu.vector_load %arg7[%swap3A_2460, %swap3A_2461] {strides = array<i32>} : memref<16x1024xf32, #tpu.memory_space<vmem>>, vector<1x16xf32>,
        %swap3A_2463 = vector.shape_cast %swap3A_2462 : vector<1x16xf32> to vector<16xf32>
        %swap3A_2464 = vector.shape_cast %get3A_2452 : vector<16xf32> to vector<1x16xf32>
        tpu.vector_store %arg7[%swap3A_2460, %swap3A_2461], %swap3A_2464 {add = true, strides = array<i32>} : memref<16x1024xf32, #tpu.memory_space<vmem>>, vector<1x16xf32>,
        %swap3A_2465 = arith.constant 9 : i32
        %swap3A_2466 = arith.index_cast %swap3A_2465 : i32 to index
        %swap3A_2467 = arith.index_cast %add3A_2447 : i32 to index
        %swap3A_2468 = tpu.vector_load %arg8[%swap3A_2466, %swap3A_2467] {strides = array<i32>} : memref<16x1024xf32, #tpu.memory_space<vmem>>, vector<1x16xf32>,
        %swap3A_2469 = vector.shape_cast %swap3A_2468 : vector<1x16xf32> to vector<16xf32>
        %swap3A_2470 = vector.shape_cast %get3A_2452 : vector<16xf32> to vector<1x16xf32>
        tpu.vector_store %arg8[%swap3A_2466, %swap3A_2467], %swap3A_2470 {add = true, strides = array<i32>} : memref<16x1024xf32, #tpu.memory_space<vmem>>, vector<1x16xf32>,
        %swap3A_2471 = arith.constant 9 : i32
        %swap3A_2472 = arith.index_cast %swap3A_2471 : i32 to index
        %swap3A_2473 = arith.index_cast %add3A_2447 : i32 to index
        %swap3A_2474 = tpu.vector_load %arg9[%swap3A_2472, %swap3A_2473] {strides = array<i32>} : memref<16x1024xf32, #tpu.memory_space<vmem>>, vector<1x16xf32>,
        %swap3A_2475 = vector.shape_cast %swap3A_2474 : vector<1x16xf32> to vector<16xf32>
        %swap3A_2476 = vector.shape_cast %get3A_2452 : vector<16xf32> to vector<1x16xf32>
        tpu.vector_store %arg9[%swap3A_2472, %swap3A_2473], %swap3A_2476 {add = true, strides = array<i32>} : memref<16x1024xf32, #tpu.memory_space<vmem>>, vector<1x16xf32>,
        %add3A_2477 = arith.constant 48 : i32
        %add3A_2478 = arith.addi %mul3A_153, %add3A_2477 : i32
        %get3A_2479 = arith.constant 9 : i32
        %get3A_2480 = arith.index_cast %get3A_2479 : i32 to index
        %get3A_2481 = arith.index_cast %add3A_2478 : i32 to index
        %get3A_2482 = tpu.vector_load %arg5[%get3A_2480, %get3A_2481] {strides = array<i32>} : memref<16x1024xf32, #tpu.memory_space<vmem>>, vector<1x16xf32>,
        %get3A_2483 = vector.shape_cast %get3A_2482 : vector<1x16xf32> to vector<16xf32>
        %swap3A_2484 = arith.constant 9 : i32
        %swap3A_2485 = arith.index_cast %swap3A_2484 : i32 to index
        %swap3A_2486 = arith.index_cast %add3A_2478 : i32 to index
        %swap3A_2487 = tpu.vector_load %arg6[%swap3A_2485, %swap3A_2486] {strides = array<i32>} : memref<16x1024xf32, #tpu.memory_space<vmem>>, vector<1x16xf32>,
        %swap3A_2488 = vector.shape_cast %swap3A_2487 : vector<1x16xf32> to vector<16xf32>
        %swap3A_2489 = vector.shape_cast %get3A_2483 : vector<16xf32> to vector<1x16xf32>
        tpu.vector_store %arg6[%swap3A_2485, %swap3A_2486], %swap3A_2489 {add = true, strides = array<i32>} : memref<16x1024xf32, #tpu.memory_space<vmem>>, vector<1x16xf32>,
        %swap3A_2490 = arith.constant 9 : i32
        %swap3A_2491 = arith.index_cast %swap3A_2490 : i32 to index
        %swap3A_2492 = arith.index_cast %add3A_2478 : i32 to index
        %swap3A_2493 = tpu.vector_load %arg7[%swap3A_2491, %swap3A_2492] {strides = array<i32>} : memref<16x1024xf32, #tpu.memory_space<vmem>>, vector<1x16xf32>,
        %swap3A_2494 = vector.shape_cast %swap3A_2493 : vector<1x16xf32> to vector<16xf32>
        %swap3A_2495 = vector.shape_cast %get3A_2483 : vector<16xf32> to vector<1x16xf32>
        tpu.vector_store %arg7[%swap3A_2491, %swap3A_2492], %swap3A_2495 {add = true, strides = array<i32>} : memref<16x1024xf32, #tpu.memory_space<vmem>>, vector<1x16xf32>,
        %swap3A_2496 = arith.constant 9 : i32
        %swap3A_2497 = arith.index_cast %swap3A_2496 : i32 to index
        %swap3A_2498 = arith.index_cast %add3A_2478 : i32 to index
        %swap3A_2499 = tpu.vector_load %arg8[%swap3A_2497, %swap3A_2498] {strides = array<i32>} : memref<16x1024xf32, #tpu.memory_space<vmem>>, vector<1x16xf32>,
        %swap3A_2500 = vector.shape_cast %swap3A_2499 : vector<1x16xf32> to vector<16xf32>
        %swap3A_2501 = vector.shape_cast %get3A_2483 : vector<16xf32> to vector<1x16xf32>
        tpu.vector_store %arg8[%swap3A_2497, %swap3A_2498], %swap3A_2501 {add = true, strides = array<i32>} : memref<16x1024xf32, #tpu.memory_space<vmem>>, vector<1x16xf32>,
        %swap3A_2502 = arith.constant 9 : i32
        %swap3A_2503 = arith.index_cast %swap3A_2502 : i32 to index
        %swap3A_2504 = arith.index_cast %add3A_2478 : i32 to index
        %swap3A_2505 = tpu.vector_load %arg9[%swap3A_2503, %swap3A_2504] {strides = array<i32>} : memref<16x1024xf32, #tpu.memory_space<vmem>>, vector<1x16xf32>,
        %swap3A_2506 = vector.shape_cast %swap3A_2505 : vector<1x16xf32> to vector<16xf32>
        %swap3A_2507 = vector.shape_cast %get3A_2483 : vector<16xf32> to vector<1x16xf32>
        tpu.vector_store %arg9[%swap3A_2503, %swap3A_2504], %swap3A_2507 {add = true, strides = array<i32>} : memref<16x1024xf32, #tpu.memory_space<vmem>>, vector<1x16xf32>,
        %add3A_2508 = arith.constant 64 : i32
        %add3A_2509 = arith.addi %mul3A_153, %add3A_2508 : i32
        %get3A_2510 = arith.constant 9 : i32
        %get3A_2511 = arith.index_cast %get3A_2510 : i32 to index
        %get3A_2512 = arith.index_cast %add3A_2509 : i32 to index
        %get3A_2513 = tpu.vector_load %arg5[%get3A_2511, %get3A_2512] {strides = array<i32>} : memref<16x1024xf32, #tpu.memory_space<vmem>>, vector<1x16xf32>,
        %get3A_2514 = vector.shape_cast %get3A_2513 : vector<1x16xf32> to vector<16xf32>
        %swap3A_2515 = arith.constant 9 : i32
        %swap3A_2516 = arith.index_cast %swap3A_2515 : i32 to index
        %swap3A_2517 = arith.index_cast %add3A_2509 : i32 to index
        %swap3A_2518 = tpu.vector_load %arg6[%swap3A_2516, %swap3A_2517] {strides = array<i32>} : memref<16x1024xf32, #tpu.memory_space<vmem>>, vector<1x16xf32>,
        %swap3A_2519 = vector.shape_cast %swap3A_2518 : vector<1x16xf32> to vector<16xf32>
        %swap3A_2520 = vector.shape_cast %get3A_2514 : vector<16xf32> to vector<1x16xf32>
        tpu.vector_store %arg6[%swap3A_2516, %swap3A_2517], %swap3A_2520 {add = true, strides = array<i32>} : memref<16x1024xf32, #tpu.memory_space<vmem>>, vector<1x16xf32>,
        %swap3A_2521 = arith.constant 9 : i32
        %swap3A_2522 = arith.index_cast %swap3A_2521 : i32 to index
        %swap3A_2523 = arith.index_cast %add3A_2509 : i32 to index
        %swap3A_2524 = tpu.vector_load %arg7[%swap3A_2522, %swap3A_2523] {strides = array<i32>} : memref<16x1024xf32, #tpu.memory_space<vmem>>, vector<1x16xf32>,
        %swap3A_2525 = vector.shape_cast %swap3A_2524 : vector<1x16xf32> to vector<16xf32>
        %swap3A_2526 = vector.shape_cast %get3A_2514 : vector<16xf32> to vector<1x16xf32>
        tpu.vector_store %arg7[%swap3A_2522, %swap3A_2523], %swap3A_2526 {add = true, strides = array<i32>} : memref<16x1024xf32, #tpu.memory_space<vmem>>, vector<1x16xf32>,
        %swap3A_2527 = arith.constant 9 : i32
        %swap3A_2528 = arith.index_cast %swap3A_2527 : i32 to index
        %swap3A_2529 = arith.index_cast %add3A_2509 : i32 to index
        %swap3A_2530 = tpu.vector_load %arg8[%swap3A_2528, %swap3A_2529] {strides = array<i32>} : memref<16x1024xf32, #tpu.memory_space<vmem>>, vector<1x16xf32>,
        %swap3A_2531 = vector.shape_cast %swap3A_2530 : vector<1x16xf32> to vector<16xf32>
        %swap3A_2532 = vector.shape_cast %get3A_2514 : vector<16xf32> to vector<1x16xf32>
        tpu.vector_store %arg8[%swap3A_2528, %swap3A_2529], %swap3A_2532 {add = true, strides = array<i32>} : memref<16x1024xf32, #tpu.memory_space<vmem>>, vector<1x16xf32>,
        %swap3A_2533 = arith.constant 9 : i32
        %swap3A_2534 = arith.index_cast %swap3A_2533 : i32 to index
        %swap3A_2535 = arith.index_cast %add3A_2509 : i32 to index
        %swap3A_2536 = tpu.vector_load %arg9[%swap3A_2534, %swap3A_2535] {strides = array<i32>} : memref<16x1024xf32, #tpu.memory_space<vmem>>, vector<1x16xf32>,
        %swap3A_2537 = vector.shape_cast %swap3A_2536 : vector<1x16xf32> to vector<16xf32>
        %swap3A_2538 = vector.shape_cast %get3A_2514 : vector<16xf32> to vector<1x16xf32>
        tpu.vector_store %arg9[%swap3A_2534, %swap3A_2535], %swap3A_2538 {add = true, strides = array<i32>} : memref<16x1024xf32, #tpu.memory_space<vmem>>, vector<1x16xf32>,
        %add3A_2539 = arith.constant 80 : i32
        %add3A_2540 = arith.addi %mul3A_153, %add3A_2539 : i32
        %get3A_2541 = arith.constant 9 : i32
        %get3A_2542 = arith.index_cast %get3A_2541 : i32 to index
        %get3A_2543 = arith.index_cast %add3A_2540 : i32 to index
        %get3A_2544 = tpu.vector_load %arg5[%get3A_2542, %get3A_2543] {strides = array<i32>} : memref<16x1024xf32, #tpu.memory_space<vmem>>, vector<1x16xf32>,
        %get3A_2545 = vector.shape_cast %get3A_2544 : vector<1x16xf32> to vector<16xf32>
        %swap3A_2546 = arith.constant 9 : i32
        %swap3A_2547 = arith.index_cast %swap3A_2546 : i32 to index
        %swap3A_2548 = arith.index_cast %add3A_2540 : i32 to index
        %swap3A_2549 = tpu.vector_load %arg6[%swap3A_2547, %swap3A_2548] {strides = array<i32>} : memref<16x1024xf32, #tpu.memory_space<vmem>>, vector<1x16xf32>,
        %swap3A_2550 = vector.shape_cast %swap3A_2549 : vector<1x16xf32> to vector<16xf32>
        %swap3A_2551 = vector.shape_cast %get3A_2545 : vector<16xf32> to vector<1x16xf32>
        tpu.vector_store %arg6[%swap3A_2547, %swap3A_2548], %swap3A_2551 {add = true, strides = array<i32>} : memref<16x1024xf32, #tpu.memory_space<vmem>>, vector<1x16xf32>,
        %swap3A_2552 = arith.constant 9 : i32
        %swap3A_2553 = arith.index_cast %swap3A_2552 : i32 to index
        %swap3A_2554 = arith.index_cast %add3A_2540 : i32 to index
        %swap3A_2555 = tpu.vector_load %arg7[%swap3A_2553, %swap3A_2554] {strides = array<i32>} : memref<16x1024xf32, #tpu.memory_space<vmem>>, vector<1x16xf32>,
        %swap3A_2556 = vector.shape_cast %swap3A_2555 : vector<1x16xf32> to vector<16xf32>
        %swap3A_2557 = vector.shape_cast %get3A_2545 : vector<16xf32> to vector<1x16xf32>
        tpu.vector_store %arg7[%swap3A_2553, %swap3A_2554], %swap3A_2557 {add = true, strides = array<i32>} : memref<16x1024xf32, #tpu.memory_space<vmem>>, vector<1x16xf32>,
        %swap3A_2558 = arith.constant 9 : i32
        %swap3A_2559 = arith.index_cast %swap3A_2558 : i32 to index
        %swap3A_2560 = arith.index_cast %add3A_2540 : i32 to index
        %swap3A_2561 = tpu.vector_load %arg8[%swap3A_2559, %swap3A_2560] {strides = array<i32>} : memref<16x1024xf32, #tpu.memory_space<vmem>>, vector<1x16xf32>,
        %swap3A_2562 = vector.shape_cast %swap3A_2561 : vector<1x16xf32> to vector<16xf32>
        %swap3A_2563 = vector.shape_cast %get3A_2545 : vector<16xf32> to vector<1x16xf32>
        tpu.vector_store %arg8[%swap3A_2559, %swap3A_2560], %swap3A_2563 {add = true, strides = array<i32>} : memref<16x1024xf32, #tpu.memory_space<vmem>>, vector<1x16xf32>,
        %swap3A_2564 = arith.constant 9 : i32
        %swap3A_2565 = arith.index_cast %swap3A_2564 : i32 to index
        %swap3A_2566 = arith.index_cast %add3A_2540 : i32 to index
        %swap3A_2567 = tpu.vector_load %arg9[%swap3A_2565, %swap3A_2566] {strides = array<i32>} : memref<16x1024xf32, #tpu.memory_space<vmem>>, vector<1x16xf32>,
        %swap3A_2568 = vector.shape_cast %swap3A_2567 : vector<1x16xf32> to vector<16xf32>
        %swap3A_2569 = vector.shape_cast %get3A_2545 : vector<16xf32> to vector<1x16xf32>
        tpu.vector_store %arg9[%swap3A_2565, %swap3A_2566], %swap3A_2569 {add = true, strides = array<i32>} : memref<16x1024xf32, #tpu.memory_space<vmem>>, vector<1x16xf32>,
        %add3A_2570 = arith.constant 96 : i32
        %add3A_2571 = arith.addi %mul3A_153, %add3A_2570 : i32
        %get3A_2572 = arith.constant 9 : i32
        %get3A_2573 = arith.index_cast %get3A_2572 : i32 to index
        %get3A_2574 = arith.index_cast %add3A_2571 : i32 to index
        %get3A_2575 = tpu.vector_load %arg5[%get3A_2573, %get3A_2574] {strides = array<i32>} : memref<16x1024xf32, #tpu.memory_space<vmem>>, vector<1x16xf32>,
        %get3A_2576 = vector.shape_cast %get3A_2575 : vector<1x16xf32> to vector<16xf32>
        %swap3A_2577 = arith.constant 9 : i32
        %swap3A_2578 = arith.index_cast %swap3A_2577 : i32 to index
        %swap3A_2579 = arith.index_cast %add3A_2571 : i32 to index
        %swap3A_2580 = tpu.vector_load %arg6[%swap3A_2578, %swap3A_2579] {strides = array<i32>} : memref<16x1024xf32, #tpu.memory_space<vmem>>, vector<1x16xf32>,
        %swap3A_2581 = vector.shape_cast %swap3A_2580 : vector<1x16xf32> to vector<16xf32>
        %swap3A_2582 = vector.shape_cast %get3A_2576 : vector<16xf32> to vector<1x16xf32>
        tpu.vector_store %arg6[%swap3A_2578, %swap3A_2579], %swap3A_2582 {add = true, strides = array<i32>} : memref<16x1024xf32, #tpu.memory_space<vmem>>, vector<1x16xf32>,
        %swap3A_2583 = arith.constant 9 : i32
        %swap3A_2584 = arith.index_cast %swap3A_2583 : i32 to index
        %swap3A_2585 = arith.index_cast %add3A_2571 : i32 to index
        %swap3A_2586 = tpu.vector_load %arg7[%swap3A_2584, %swap3A_2585] {strides = array<i32>} : memref<16x1024xf32, #tpu.memory_space<vmem>>, vector<1x16xf32>,
        %swap3A_2587 = vector.shape_cast %swap3A_2586 : vector<1x16xf32> to vector<16xf32>
        %swap3A_2588 = vector.shape_cast %get3A_2576 : vector<16xf32> to vector<1x16xf32>
        tpu.vector_store %arg7[%swap3A_2584, %swap3A_2585], %swap3A_2588 {add = true, strides = array<i32>} : memref<16x1024xf32, #tpu.memory_space<vmem>>, vector<1x16xf32>,
        %swap3A_2589 = arith.constant 9 : i32
        %swap3A_2590 = arith.index_cast %swap3A_2589 : i32 to index
        %swap3A_2591 = arith.index_cast %add3A_2571 : i32 to index
        %swap3A_2592 = tpu.vector_load %arg8[%swap3A_2590, %swap3A_2591] {strides = array<i32>} : memref<16x1024xf32, #tpu.memory_space<vmem>>, vector<1x16xf32>,
        %swap3A_2593 = vector.shape_cast %swap3A_2592 : vector<1x16xf32> to vector<16xf32>
        %swap3A_2594 = vector.shape_cast %get3A_2576 : vector<16xf32> to vector<1x16xf32>
        tpu.vector_store %arg8[%swap3A_2590, %swap3A_2591], %swap3A_2594 {add = true, strides = array<i32>} : memref<16x1024xf32, #tpu.memory_space<vmem>>, vector<1x16xf32>,
        %swap3A_2595 = arith.constant 9 : i32
        %swap3A_2596 = arith.index_cast %swap3A_2595 : i32 to index
        %swap3A_2597 = arith.index_cast %add3A_2571 : i32 to index
        %swap3A_2598 = tpu.vector_load %arg9[%swap3A_2596, %swap3A_2597] {strides = array<i32>} : memref<16x1024xf32, #tpu.memory_space<vmem>>, vector<1x16xf32>,
        %swap3A_2599 = vector.shape_cast %swap3A_2598 : vector<1x16xf32> to vector<16xf32>
        %swap3A_2600 = vector.shape_cast %get3A_2576 : vector<16xf32> to vector<1x16xf32>
        tpu.vector_store %arg9[%swap3A_2596, %swap3A_2597], %swap3A_2600 {add = true, strides = array<i32>} : memref<16x1024xf32, #tpu.memory_space<vmem>>, vector<1x16xf32>,
        %add3A_2601 = arith.constant 112 : i32
        %add3A_2602 = arith.addi %mul3A_153, %add3A_2601 : i32
        %get3A_2603 = arith.constant 9 : i32
        %get3A_2604 = arith.index_cast %get3A_2603 : i32 to index
        %get3A_2605 = arith.index_cast %add3A_2602 : i32 to index
        %get3A_2606 = tpu.vector_load %arg5[%get3A_2604, %get3A_2605] {strides = array<i32>} : memref<16x1024xf32, #tpu.memory_space<vmem>>, vector<1x16xf32>,
        %get3A_2607 = vector.shape_cast %get3A_2606 : vector<1x16xf32> to vector<16xf32>
        %swap3A_2608 = arith.constant 9 : i32
        %swap3A_2609 = arith.index_cast %swap3A_2608 : i32 to index
        %swap3A_2610 = arith.index_cast %add3A_2602 : i32 to index
        %swap3A_2611 = tpu.vector_load %arg6[%swap3A_2609, %swap3A_2610] {strides = array<i32>} : memref<16x1024xf32, #tpu.memory_space<vmem>>, vector<1x16xf32>,
        %swap3A_2612 = vector.shape_cast %swap3A_2611 : vector<1x16xf32> to vector<16xf32>
        %swap3A_2613 = vector.shape_cast %get3A_2607 : vector<16xf32> to vector<1x16xf32>
        tpu.vector_store %arg6[%swap3A_2609, %swap3A_2610], %swap3A_2613 {add = true, strides = array<i32>} : memref<16x1024xf32, #tpu.memory_space<vmem>>, vector<1x16xf32>,
        %swap3A_2614 = arith.constant 9 : i32
        %swap3A_2615 = arith.index_cast %swap3A_2614 : i32 to index
        %swap3A_2616 = arith.index_cast %add3A_2602 : i32 to index
        %swap3A_2617 = tpu.vector_load %arg7[%swap3A_2615, %swap3A_2616] {strides = array<i32>} : memref<16x1024xf32, #tpu.memory_space<vmem>>, vector<1x16xf32>,
        %swap3A_2618 = vector.shape_cast %swap3A_2617 : vector<1x16xf32> to vector<16xf32>
        %swap3A_2619 = vector.shape_cast %get3A_2607 : vector<16xf32> to vector<1x16xf32>
        tpu.vector_store %arg7[%swap3A_2615, %swap3A_2616], %swap3A_2619 {add = true, strides = array<i32>} : memref<16x1024xf32, #tpu.memory_space<vmem>>, vector<1x16xf32>,
        %swap3A_2620 = arith.constant 9 : i32
        %swap3A_2621 = arith.index_cast %swap3A_2620 : i32 to index
        %swap3A_2622 = arith.index_cast %add3A_2602 : i32 to index
        %swap3A_2623 = tpu.vector_load %arg8[%swap3A_2621, %swap3A_2622] {strides = array<i32>} : memref<16x1024xf32, #tpu.memory_space<vmem>>, vector<1x16xf32>,
        %swap3A_2624 = vector.shape_cast %swap3A_2623 : vector<1x16xf32> to vector<16xf32>
        %swap3A_2625 = vector.shape_cast %get3A_2607 : vector<16xf32> to vector<1x16xf32>
        tpu.vector_store %arg8[%swap3A_2621, %swap3A_2622], %swap3A_2625 {add = true, strides = array<i32>} : memref<16x1024xf32, #tpu.memory_space<vmem>>, vector<1x16xf32>,
        %swap3A_2626 = arith.constant 9 : i32
        %swap3A_2627 = arith.index_cast %swap3A_2626 : i32 to index
        %swap3A_2628 = arith.index_cast %add3A_2602 : i32 to index
        %swap3A_2629 = tpu.vector_load %arg9[%swap3A_2627, %swap3A_2628] {strides = array<i32>} : memref<16x1024xf32, #tpu.memory_space<vmem>>, vector<1x16xf32>,
        %swap3A_2630 = vector.shape_cast %swap3A_2629 : vector<1x16xf32> to vector<16xf32>
        %swap3A_2631 = vector.shape_cast %get3A_2607 : vector<16xf32> to vector<1x16xf32>
        tpu.vector_store %arg9[%swap3A_2627, %swap3A_2628], %swap3A_2631 {add = true, strides = array<i32>} : memref<16x1024xf32, #tpu.memory_space<vmem>>, vector<1x16xf32>,
        %add3A_2632 = arith.constant 0 : i32
        %add3A_2633 = arith.addi %mul3A_153, %add3A_2632 : i32
        %get3A_2634 = arith.constant 10 : i32
        %get3A_2635 = arith.index_cast %get3A_2634 : i32 to index
        %get3A_2636 = arith.index_cast %add3A_2633 : i32 to index
        %get3A_2637 = tpu.vector_load %arg5[%get3A_2635, %get3A_2636] {strides = array<i32>} : memref<16x1024xf32, #tpu.memory_space<vmem>>, vector<1x16xf32>,
        %get3A_2638 = vector.shape_cast %get3A_2637 : vector<1x16xf32> to vector<16xf32>
        %swap3A_2639 = arith.constant 10 : i32
        %swap3A_2640 = arith.index_cast %swap3A_2639 : i32 to index
        %swap3A_2641 = arith.index_cast %add3A_2633 : i32 to index
        %swap3A_2642 = tpu.vector_load %arg6[%swap3A_2640, %swap3A_2641] {strides = array<i32>} : memref<16x1024xf32, #tpu.memory_space<vmem>>, vector<1x16xf32>,
        %swap3A_2643 = vector.shape_cast %swap3A_2642 : vector<1x16xf32> to vector<16xf32>
        %swap3A_2644 = vector.shape_cast %get3A_2638 : vector<16xf32> to vector<1x16xf32>
        tpu.vector_store %arg6[%swap3A_2640, %swap3A_2641], %swap3A_2644 {add = true, strides = array<i32>} : memref<16x1024xf32, #tpu.memory_space<vmem>>, vector<1x16xf32>,
        %swap3A_2645 = arith.constant 10 : i32
        %swap3A_2646 = arith.index_cast %swap3A_2645 : i32 to index
        %swap3A_2647 = arith.index_cast %add3A_2633 : i32 to index
        %swap3A_2648 = tpu.vector_load %arg7[%swap3A_2646, %swap3A_2647] {strides = array<i32>} : memref<16x1024xf32, #tpu.memory_space<vmem>>, vector<1x16xf32>,
        %swap3A_2649 = vector.shape_cast %swap3A_2648 : vector<1x16xf32> to vector<16xf32>
        %swap3A_2650 = vector.shape_cast %get3A_2638 : vector<16xf32> to vector<1x16xf32>
        tpu.vector_store %arg7[%swap3A_2646, %swap3A_2647], %swap3A_2650 {add = true, strides = array<i32>} : memref<16x1024xf32, #tpu.memory_space<vmem>>, vector<1x16xf32>,
        %swap3A_2651 = arith.constant 10 : i32
        %swap3A_2652 = arith.index_cast %swap3A_2651 : i32 to index
        %swap3A_2653 = arith.index_cast %add3A_2633 : i32 to index
        %swap3A_2654 = tpu.vector_load %arg8[%swap3A_2652, %swap3A_2653] {strides = array<i32>} : memref<16x1024xf32, #tpu.memory_space<vmem>>, vector<1x16xf32>,
        %swap3A_2655 = vector.shape_cast %swap3A_2654 : vector<1x16xf32> to vector<16xf32>
        %swap3A_2656 = vector.shape_cast %get3A_2638 : vector<16xf32> to vector<1x16xf32>
        tpu.vector_store %arg8[%swap3A_2652, %swap3A_2653], %swap3A_2656 {add = true, strides = array<i32>} : memref<16x1024xf32, #tpu.memory_space<vmem>>, vector<1x16xf32>,
        %swap3A_2657 = arith.constant 10 : i32
        %swap3A_2658 = arith.index_cast %swap3A_2657 : i32 to index
        %swap3A_2659 = arith.index_cast %add3A_2633 : i32 to index
        %swap3A_2660 = tpu.vector_load %arg9[%swap3A_2658, %swap3A_2659] {strides = array<i32>} : memref<16x1024xf32, #tpu.memory_space<vmem>>, vector<1x16xf32>,
        %swap3A_2661 = vector.shape_cast %swap3A_2660 : vector<1x16xf32> to vector<16xf32>
        %swap3A_2662 = vector.shape_cast %get3A_2638 : vector<16xf32> to vector<1x16xf32>
        tpu.vector_store %arg9[%swap3A_2658, %swap3A_2659], %swap3A_2662 {add = true, strides = array<i32>} : memref<16x1024xf32, #tpu.memory_space<vmem>>, vector<1x16xf32>,
        %add3A_2663 = arith.constant 16 : i32
        %add3A_2664 = arith.addi %mul3A_153, %add3A_2663 : i32
        %get3A_2665 = arith.constant 10 : i32
        %get3A_2666 = arith.index_cast %get3A_2665 : i32 to index
        %get3A_2667 = arith.index_cast %add3A_2664 : i32 to index
        %get3A_2668 = tpu.vector_load %arg5[%get3A_2666, %get3A_2667] {strides = array<i32>} : memref<16x1024xf32, #tpu.memory_space<vmem>>, vector<1x16xf32>,
        %get3A_2669 = vector.shape_cast %get3A_2668 : vector<1x16xf32> to vector<16xf32>
        %swap3A_2670 = arith.constant 10 : i32
        %swap3A_2671 = arith.index_cast %swap3A_2670 : i32 to index
        %swap3A_2672 = arith.index_cast %add3A_2664 : i32 to index
        %swap3A_2673 = tpu.vector_load %arg6[%swap3A_2671, %swap3A_2672] {strides = array<i32>} : memref<16x1024xf32, #tpu.memory_space<vmem>>, vector<1x16xf32>,
        %swap3A_2674 = vector.shape_cast %swap3A_2673 : vector<1x16xf32> to vector<16xf32>
        %swap3A_2675 = vector.shape_cast %get3A_2669 : vector<16xf32> to vector<1x16xf32>
        tpu.vector_store %arg6[%swap3A_2671, %swap3A_2672], %swap3A_2675 {add = true, strides = array<i32>} : memref<16x1024xf32, #tpu.memory_space<vmem>>, vector<1x16xf32>,
        %swap3A_2676 = arith.constant 10 : i32
        %swap3A_2677 = arith.index_cast %swap3A_2676 : i32 to index
        %swap3A_2678 = arith.index_cast %add3A_2664 : i32 to index
        %swap3A_2679 = tpu.vector_load %arg7[%swap3A_2677, %swap3A_2678] {strides = array<i32>} : memref<16x1024xf32, #tpu.memory_space<vmem>>, vector<1x16xf32>,
        %swap3A_2680 = vector.shape_cast %swap3A_2679 : vector<1x16xf32> to vector<16xf32>
        %swap3A_2681 = vector.shape_cast %get3A_2669 : vector<16xf32> to vector<1x16xf32>
        tpu.vector_store %arg7[%swap3A_2677, %swap3A_2678], %swap3A_2681 {add = true, strides = array<i32>} : memref<16x1024xf32, #tpu.memory_space<vmem>>, vector<1x16xf32>,
        %swap3A_2682 = arith.constant 10 : i32
        %swap3A_2683 = arith.index_cast %swap3A_2682 : i32 to index
        %swap3A_2684 = arith.index_cast %add3A_2664 : i32 to index
        %swap3A_2685 = tpu.vector_load %arg8[%swap3A_2683, %swap3A_2684] {strides = array<i32>} : memref<16x1024xf32, #tpu.memory_space<vmem>>, vector<1x16xf32>,
        %swap3A_2686 = vector.shape_cast %swap3A_2685 : vector<1x16xf32> to vector<16xf32>
        %swap3A_2687 = vector.shape_cast %get3A_2669 : vector<16xf32> to vector<1x16xf32>
        tpu.vector_store %arg8[%swap3A_2683, %swap3A_2684], %swap3A_2687 {add = true, strides = array<i32>} : memref<16x1024xf32, #tpu.memory_space<vmem>>, vector<1x16xf32>,
        %swap3A_2688 = arith.constant 10 : i32
        %swap3A_2689 = arith.index_cast %swap3A_2688 : i32 to index
        %swap3A_2690 = arith.index_cast %add3A_2664 : i32 to index
        %swap3A_2691 = tpu.vector_load %arg9[%swap3A_2689, %swap3A_2690] {strides = array<i32>} : memref<16x1024xf32, #tpu.memory_space<vmem>>, vector<1x16xf32>,
        %swap3A_2692 = vector.shape_cast %swap3A_2691 : vector<1x16xf32> to vector<16xf32>
        %swap3A_2693 = vector.shape_cast %get3A_2669 : vector<16xf32> to vector<1x16xf32>
        tpu.vector_store %arg9[%swap3A_2689, %swap3A_2690], %swap3A_2693 {add = true, strides = array<i32>} : memref<16x1024xf32, #tpu.memory_space<vmem>>, vector<1x16xf32>,
        %add3A_2694 = arith.constant 32 : i32
        %add3A_2695 = arith.addi %mul3A_153, %add3A_2694 : i32
        %get3A_2696 = arith.constant 10 : i32
        %get3A_2697 = arith.index_cast %get3A_2696 : i32 to index
        %get3A_2698 = arith.index_cast %add3A_2695 : i32 to index
        %get3A_2699 = tpu.vector_load %arg5[%get3A_2697, %get3A_2698] {strides = array<i32>} : memref<16x1024xf32, #tpu.memory_space<vmem>>, vector<1x16xf32>,
        %get3A_2700 = vector.shape_cast %get3A_2699 : vector<1x16xf32> to vector<16xf32>
        %swap3A_2701 = arith.constant 10 : i32
        %swap3A_2702 = arith.index_cast %swap3A_2701 : i32 to index
        %swap3A_2703 = arith.index_cast %add3A_2695 : i32 to index
        %swap3A_2704 = tpu.vector_load %arg6[%swap3A_2702, %swap3A_2703] {strides = array<i32>} : memref<16x1024xf32, #tpu.memory_space<vmem>>, vector<1x16xf32>,
        %swap3A_2705 = vector.shape_cast %swap3A_2704 : vector<1x16xf32> to vector<16xf32>
        %swap3A_2706 = vector.shape_cast %get3A_2700 : vector<16xf32> to vector<1x16xf32>
        tpu.vector_store %arg6[%swap3A_2702, %swap3A_2703], %swap3A_2706 {add = true, strides = array<i32>} : memref<16x1024xf32, #tpu.memory_space<vmem>>, vector<1x16xf32>,
        %swap3A_2707 = arith.constant 10 : i32
        %swap3A_2708 = arith.index_cast %swap3A_2707 : i32 to index
        %swap3A_2709 = arith.index_cast %add3A_2695 : i32 to index
        %swap3A_2710 = tpu.vector_load %arg7[%swap3A_2708, %swap3A_2709] {strides = array<i32>} : memref<16x1024xf32, #tpu.memory_space<vmem>>, vector<1x16xf32>,
        %swap3A_2711 = vector.shape_cast %swap3A_2710 : vector<1x16xf32> to vector<16xf32>
        %swap3A_2712 = vector.shape_cast %get3A_2700 : vector<16xf32> to vector<1x16xf32>
        tpu.vector_store %arg7[%swap3A_2708, %swap3A_2709], %swap3A_2712 {add = true, strides = array<i32>} : memref<16x1024xf32, #tpu.memory_space<vmem>>, vector<1x16xf32>,
        %swap3A_2713 = arith.constant 10 : i32
        %swap3A_2714 = arith.index_cast %swap3A_2713 : i32 to index
        %swap3A_2715 = arith.index_cast %add3A_2695 : i32 to index
        %swap3A_2716 = tpu.vector_load %arg8[%swap3A_2714, %swap3A_2715] {strides = array<i32>} : memref<16x1024xf32, #tpu.memory_space<vmem>>, vector<1x16xf32>,
        %swap3A_2717 = vector.shape_cast %swap3A_2716 : vector<1x16xf32> to vector<16xf32>
        %swap3A_2718 = vector.shape_cast %get3A_2700 : vector<16xf32> to vector<1x16xf32>
        tpu.vector_store %arg8[%swap3A_2714, %swap3A_2715], %swap3A_2718 {add = true, strides = array<i32>} : memref<16x1024xf32, #tpu.memory_space<vmem>>, vector<1x16xf32>,
        %swap3A_2719 = arith.constant 10 : i32
        %swap3A_2720 = arith.index_cast %swap3A_2719 : i32 to index
        %swap3A_2721 = arith.index_cast %add3A_2695 : i32 to index
        %swap3A_2722 = tpu.vector_load %arg9[%swap3A_2720, %swap3A_2721] {strides = array<i32>} : memref<16x1024xf32, #tpu.memory_space<vmem>>, vector<1x16xf32>,
        %swap3A_2723 = vector.shape_cast %swap3A_2722 : vector<1x16xf32> to vector<16xf32>
        %swap3A_2724 = vector.shape_cast %get3A_2700 : vector<16xf32> to vector<1x16xf32>
        tpu.vector_store %arg9[%swap3A_2720, %swap3A_2721], %swap3A_2724 {add = true, strides = array<i32>} : memref<16x1024xf32, #tpu.memory_space<vmem>>, vector<1x16xf32>,
        %add3A_2725 = arith.constant 48 : i32
        %add3A_2726 = arith.addi %mul3A_153, %add3A_2725 : i32
        %get3A_2727 = arith.constant 10 : i32
        %get3A_2728 = arith.index_cast %get3A_2727 : i32 to index
        %get3A_2729 = arith.index_cast %add3A_2726 : i32 to index
        %get3A_2730 = tpu.vector_load %arg5[%get3A_2728, %get3A_2729] {strides = array<i32>} : memref<16x1024xf32, #tpu.memory_space<vmem>>, vector<1x16xf32>,
        %get3A_2731 = vector.shape_cast %get3A_2730 : vector<1x16xf32> to vector<16xf32>
        %swap3A_2732 = arith.constant 10 : i32
        %swap3A_2733 = arith.index_cast %swap3A_2732 : i32 to index
        %swap3A_2734 = arith.index_cast %add3A_2726 : i32 to index
        %swap3A_2735 = tpu.vector_load %arg6[%swap3A_2733, %swap3A_2734] {strides = array<i32>} : memref<16x1024xf32, #tpu.memory_space<vmem>>, vector<1x16xf32>,
        %swap3A_2736 = vector.shape_cast %swap3A_2735 : vector<1x16xf32> to vector<16xf32>
        %swap3A_2737 = vector.shape_cast %get3A_2731 : vector<16xf32> to vector<1x16xf32>
        tpu.vector_store %arg6[%swap3A_2733, %swap3A_2734], %swap3A_2737 {add = true, strides = array<i32>} : memref<16x1024xf32, #tpu.memory_space<vmem>>, vector<1x16xf32>,
        %swap3A_2738 = arith.constant 10 : i32
        %swap3A_2739 = arith.index_cast %swap3A_2738 : i32 to index
        %swap3A_2740 = arith.index_cast %add3A_2726 : i32 to index
        %swap3A_2741 = tpu.vector_load %arg7[%swap3A_2739, %swap3A_2740] {strides = array<i32>} : memref<16x1024xf32, #tpu.memory_space<vmem>>, vector<1x16xf32>,
        %swap3A_2742 = vector.shape_cast %swap3A_2741 : vector<1x16xf32> to vector<16xf32>
        %swap3A_2743 = vector.shape_cast %get3A_2731 : vector<16xf32> to vector<1x16xf32>
        tpu.vector_store %arg7[%swap3A_2739, %swap3A_2740], %swap3A_2743 {add = true, strides = array<i32>} : memref<16x1024xf32, #tpu.memory_space<vmem>>, vector<1x16xf32>,
        %swap3A_2744 = arith.constant 10 : i32
        %swap3A_2745 = arith.index_cast %swap3A_2744 : i32 to index
        %swap3A_2746 = arith.index_cast %add3A_2726 : i32 to index
        %swap3A_2747 = tpu.vector_load %arg8[%swap3A_2745, %swap3A_2746] {strides = array<i32>} : memref<16x1024xf32, #tpu.memory_space<vmem>>, vector<1x16xf32>,
        %swap3A_2748 = vector.shape_cast %swap3A_2747 : vector<1x16xf32> to vector<16xf32>
        %swap3A_2749 = vector.shape_cast %get3A_2731 : vector<16xf32> to vector<1x16xf32>
        tpu.vector_store %arg8[%swap3A_2745, %swap3A_2746], %swap3A_2749 {add = true, strides = array<i32>} : memref<16x1024xf32, #tpu.memory_space<vmem>>, vector<1x16xf32>,
        %swap3A_2750 = arith.constant 10 : i32
        %swap3A_2751 = arith.index_cast %swap3A_2750 : i32 to index
        %swap3A_2752 = arith.index_cast %add3A_2726 : i32 to index
        %swap3A_2753 = tpu.vector_load %arg9[%swap3A_2751, %swap3A_2752] {strides = array<i32>} : memref<16x1024xf32, #tpu.memory_space<vmem>>, vector<1x16xf32>,
        %swap3A_2754 = vector.shape_cast %swap3A_2753 : vector<1x16xf32> to vector<16xf32>
        %swap3A_2755 = vector.shape_cast %get3A_2731 : vector<16xf32> to vector<1x16xf32>
        tpu.vector_store %arg9[%swap3A_2751, %swap3A_2752], %swap3A_2755 {add = true, strides = array<i32>} : memref<16x1024xf32, #tpu.memory_space<vmem>>, vector<1x16xf32>,
        %add3A_2756 = arith.constant 64 : i32
        %add3A_2757 = arith.addi %mul3A_153, %add3A_2756 : i32
        %get3A_2758 = arith.constant 10 : i32
        %get3A_2759 = arith.index_cast %get3A_2758 : i32 to index
        %get3A_2760 = arith.index_cast %add3A_2757 : i32 to index
        %get3A_2761 = tpu.vector_load %arg5[%get3A_2759, %get3A_2760] {strides = array<i32>} : memref<16x1024xf32, #tpu.memory_space<vmem>>, vector<1x16xf32>,
        %get3A_2762 = vector.shape_cast %get3A_2761 : vector<1x16xf32> to vector<16xf32>
        %swap3A_2763 = arith.constant 10 : i32
        %swap3A_2764 = arith.index_cast %swap3A_2763 : i32 to index
        %swap3A_2765 = arith.index_cast %add3A_2757 : i32 to index
        %swap3A_2766 = tpu.vector_load %arg6[%swap3A_2764, %swap3A_2765] {strides = array<i32>} : memref<16x1024xf32, #tpu.memory_space<vmem>>, vector<1x16xf32>,
        %swap3A_2767 = vector.shape_cast %swap3A_2766 : vector<1x16xf32> to vector<16xf32>
        %swap3A_2768 = vector.shape_cast %get3A_2762 : vector<16xf32> to vector<1x16xf32>
        tpu.vector_store %arg6[%swap3A_2764, %swap3A_2765], %swap3A_2768 {add = true, strides = array<i32>} : memref<16x1024xf32, #tpu.memory_space<vmem>>, vector<1x16xf32>,
        %swap3A_2769 = arith.constant 10 : i32
        %swap3A_2770 = arith.index_cast %swap3A_2769 : i32 to index
        %swap3A_2771 = arith.index_cast %add3A_2757 : i32 to index
        %swap3A_2772 = tpu.vector_load %arg7[%swap3A_2770, %swap3A_2771] {strides = array<i32>} : memref<16x1024xf32, #tpu.memory_space<vmem>>, vector<1x16xf32>,
        %swap3A_2773 = vector.shape_cast %swap3A_2772 : vector<1x16xf32> to vector<16xf32>
        %swap3A_2774 = vector.shape_cast %get3A_2762 : vector<16xf32> to vector<1x16xf32>
        tpu.vector_store %arg7[%swap3A_2770, %swap3A_2771], %swap3A_2774 {add = true, strides = array<i32>} : memref<16x1024xf32, #tpu.memory_space<vmem>>, vector<1x16xf32>,
        %swap3A_2775 = arith.constant 10 : i32
        %swap3A_2776 = arith.index_cast %swap3A_2775 : i32 to index
        %swap3A_2777 = arith.index_cast %add3A_2757 : i32 to index
        %swap3A_2778 = tpu.vector_load %arg8[%swap3A_2776, %swap3A_2777] {strides = array<i32>} : memref<16x1024xf32, #tpu.memory_space<vmem>>, vector<1x16xf32>,
        %swap3A_2779 = vector.shape_cast %swap3A_2778 : vector<1x16xf32> to vector<16xf32>
        %swap3A_2780 = vector.shape_cast %get3A_2762 : vector<16xf32> to vector<1x16xf32>
        tpu.vector_store %arg8[%swap3A_2776, %swap3A_2777], %swap3A_2780 {add = true, strides = array<i32>} : memref<16x1024xf32, #tpu.memory_space<vmem>>, vector<1x16xf32>,
        %swap3A_2781 = arith.constant 10 : i32
        %swap3A_2782 = arith.index_cast %swap3A_2781 : i32 to index
        %swap3A_2783 = arith.index_cast %add3A_2757 : i32 to index
        %swap3A_2784 = tpu.vector_load %arg9[%swap3A_2782, %swap3A_2783] {strides = array<i32>} : memref<16x1024xf32, #tpu.memory_space<vmem>>, vector<1x16xf32>,
        %swap3A_2785 = vector.shape_cast %swap3A_2784 : vector<1x16xf32> to vector<16xf32>
        %swap3A_2786 = vector.shape_cast %get3A_2762 : vector<16xf32> to vector<1x16xf32>
        tpu.vector_store %arg9[%swap3A_2782, %swap3A_2783], %swap3A_2786 {add = true, strides = array<i32>} : memref<16x1024xf32, #tpu.memory_space<vmem>>, vector<1x16xf32>,
        %add3A_2787 = arith.constant 80 : i32
        %add3A_2788 = arith.addi %mul3A_153, %add3A_2787 : i32
        %get3A_2789 = arith.constant 10 : i32
        %get3A_2790 = arith.index_cast %get3A_2789 : i32 to index
        %get3A_2791 = arith.index_cast %add3A_2788 : i32 to index
        %get3A_2792 = tpu.vector_load %arg5[%get3A_2790, %get3A_2791] {strides = array<i32>} : memref<16x1024xf32, #tpu.memory_space<vmem>>, vector<1x16xf32>,
        %get3A_2793 = vector.shape_cast %get3A_2792 : vector<1x16xf32> to vector<16xf32>
        %swap3A_2794 = arith.constant 10 : i32
        %swap3A_2795 = arith.index_cast %swap3A_2794 : i32 to index
        %swap3A_2796 = arith.index_cast %add3A_2788 : i32 to index
        %swap3A_2797 = tpu.vector_load %arg6[%swap3A_2795, %swap3A_2796] {strides = array<i32>} : memref<16x1024xf32, #tpu.memory_space<vmem>>, vector<1x16xf32>,
        %swap3A_2798 = vector.shape_cast %swap3A_2797 : vector<1x16xf32> to vector<16xf32>
        %swap3A_2799 = vector.shape_cast %get3A_2793 : vector<16xf32> to vector<1x16xf32>
        tpu.vector_store %arg6[%swap3A_2795, %swap3A_2796], %swap3A_2799 {add = true, strides = array<i32>} : memref<16x1024xf32, #tpu.memory_space<vmem>>, vector<1x16xf32>,
        %swap3A_2800 = arith.constant 10 : i32
        %swap3A_2801 = arith.index_cast %swap3A_2800 : i32 to index
        %swap3A_2802 = arith.index_cast %add3A_2788 : i32 to index
        %swap3A_2803 = tpu.vector_load %arg7[%swap3A_2801, %swap3A_2802] {strides = array<i32>} : memref<16x1024xf32, #tpu.memory_space<vmem>>, vector<1x16xf32>,
        %swap3A_2804 = vector.shape_cast %swap3A_2803 : vector<1x16xf32> to vector<16xf32>
        %swap3A_2805 = vector.shape_cast %get3A_2793 : vector<16xf32> to vector<1x16xf32>
        tpu.vector_store %arg7[%swap3A_2801, %swap3A_2802], %swap3A_2805 {add = true, strides = array<i32>} : memref<16x1024xf32, #tpu.memory_space<vmem>>, vector<1x16xf32>,
        %swap3A_2806 = arith.constant 10 : i32
        %swap3A_2807 = arith.index_cast %swap3A_2806 : i32 to index
        %swap3A_2808 = arith.index_cast %add3A_2788 : i32 to index
        %swap3A_2809 = tpu.vector_load %arg8[%swap3A_2807, %swap3A_2808] {strides = array<i32>} : memref<16x1024xf32, #tpu.memory_space<vmem>>, vector<1x16xf32>,
        %swap3A_2810 = vector.shape_cast %swap3A_2809 : vector<1x16xf32> to vector<16xf32>
        %swap3A_2811 = vector.shape_cast %get3A_2793 : vector<16xf32> to vector<1x16xf32>
        tpu.vector_store %arg8[%swap3A_2807, %swap3A_2808], %swap3A_2811 {add = true, strides = array<i32>} : memref<16x1024xf32, #tpu.memory_space<vmem>>, vector<1x16xf32>,
        %swap3A_2812 = arith.constant 10 : i32
        %swap3A_2813 = arith.index_cast %swap3A_2812 : i32 to index
        %swap3A_2814 = arith.index_cast %add3A_2788 : i32 to index
        %swap3A_2815 = tpu.vector_load %arg9[%swap3A_2813, %swap3A_2814] {strides = array<i32>} : memref<16x1024xf32, #tpu.memory_space<vmem>>, vector<1x16xf32>,
        %swap3A_2816 = vector.shape_cast %swap3A_2815 : vector<1x16xf32> to vector<16xf32>
        %swap3A_2817 = vector.shape_cast %get3A_2793 : vector<16xf32> to vector<1x16xf32>
        tpu.vector_store %arg9[%swap3A_2813, %swap3A_2814], %swap3A_2817 {add = true, strides = array<i32>} : memref<16x1024xf32, #tpu.memory_space<vmem>>, vector<1x16xf32>,
        %add3A_2818 = arith.constant 96 : i32
        %add3A_2819 = arith.addi %mul3A_153, %add3A_2818 : i32
        %get3A_2820 = arith.constant 10 : i32
        %get3A_2821 = arith.index_cast %get3A_2820 : i32 to index
        %get3A_2822 = arith.index_cast %add3A_2819 : i32 to index
        %get3A_2823 = tpu.vector_load %arg5[%get3A_2821, %get3A_2822] {strides = array<i32>} : memref<16x1024xf32, #tpu.memory_space<vmem>>, vector<1x16xf32>,
        %get3A_2824 = vector.shape_cast %get3A_2823 : vector<1x16xf32> to vector<16xf32>
        %swap3A_2825 = arith.constant 10 : i32
        %swap3A_2826 = arith.index_cast %swap3A_2825 : i32 to index
        %swap3A_2827 = arith.index_cast %add3A_2819 : i32 to index
        %swap3A_2828 = tpu.vector_load %arg6[%swap3A_2826, %swap3A_2827] {strides = array<i32>} : memref<16x1024xf32, #tpu.memory_space<vmem>>, vector<1x16xf32>,
        %swap3A_2829 = vector.shape_cast %swap3A_2828 : vector<1x16xf32> to vector<16xf32>
        %swap3A_2830 = vector.shape_cast %get3A_2824 : vector<16xf32> to vector<1x16xf32>
        tpu.vector_store %arg6[%swap3A_2826, %swap3A_2827], %swap3A_2830 {add = true, strides = array<i32>} : memref<16x1024xf32, #tpu.memory_space<vmem>>, vector<1x16xf32>,
        %swap3A_2831 = arith.constant 10 : i32
        %swap3A_2832 = arith.index_cast %swap3A_2831 : i32 to index
        %swap3A_2833 = arith.index_cast %add3A_2819 : i32 to index
        %swap3A_2834 = tpu.vector_load %arg7[%swap3A_2832, %swap3A_2833] {strides = array<i32>} : memref<16x1024xf32, #tpu.memory_space<vmem>>, vector<1x16xf32>,
        %swap3A_2835 = vector.shape_cast %swap3A_2834 : vector<1x16xf32> to vector<16xf32>
        %swap3A_2836 = vector.shape_cast %get3A_2824 : vector<16xf32> to vector<1x16xf32>
        tpu.vector_store %arg7[%swap3A_2832, %swap3A_2833], %swap3A_2836 {add = true, strides = array<i32>} : memref<16x1024xf32, #tpu.memory_space<vmem>>, vector<1x16xf32>,
        %swap3A_2837 = arith.constant 10 : i32
        %swap3A_2838 = arith.index_cast %swap3A_2837 : i32 to index
        %swap3A_2839 = arith.index_cast %add3A_2819 : i32 to index
        %swap3A_2840 = tpu.vector_load %arg8[%swap3A_2838, %swap3A_2839] {strides = array<i32>} : memref<16x1024xf32, #tpu.memory_space<vmem>>, vector<1x16xf32>,
        %swap3A_2841 = vector.shape_cast %swap3A_2840 : vector<1x16xf32> to vector<16xf32>
        %swap3A_2842 = vector.shape_cast %get3A_2824 : vector<16xf32> to vector<1x16xf32>
        tpu.vector_store %arg8[%swap3A_2838, %swap3A_2839], %swap3A_2842 {add = true, strides = array<i32>} : memref<16x1024xf32, #tpu.memory_space<vmem>>, vector<1x16xf32>,
        %swap3A_2843 = arith.constant 10 : i32
        %swap3A_2844 = arith.index_cast %swap3A_2843 : i32 to index
        %swap3A_2845 = arith.index_cast %add3A_2819 : i32 to index
        %swap3A_2846 = tpu.vector_load %arg9[%swap3A_2844, %swap3A_2845] {strides = array<i32>} : memref<16x1024xf32, #tpu.memory_space<vmem>>, vector<1x16xf32>,
        %swap3A_2847 = vector.shape_cast %swap3A_2846 : vector<1x16xf32> to vector<16xf32>
        %swap3A_2848 = vector.shape_cast %get3A_2824 : vector<16xf32> to vector<1x16xf32>
        tpu.vector_store %arg9[%swap3A_2844, %swap3A_2845], %swap3A_2848 {add = true, strides = array<i32>} : memref<16x1024xf32, #tpu.memory_space<vmem>>, vector<1x16xf32>,
        %add3A_2849 = arith.constant 112 : i32
        %add3A_2850 = arith.addi %mul3A_153, %add3A_2849 : i32
        %get3A_2851 = arith.constant 10 : i32
        %get3A_2852 = arith.index_cast %get3A_2851 : i32 to index
        %get3A_2853 = arith.index_cast %add3A_2850 : i32 to index
        %get3A_2854 = tpu.vector_load %arg5[%get3A_2852, %get3A_2853] {strides = array<i32>} : memref<16x1024xf32, #tpu.memory_space<vmem>>, vector<1x16xf32>,
        %get3A_2855 = vector.shape_cast %get3A_2854 : vector<1x16xf32> to vector<16xf32>
        %swap3A_2856 = arith.constant 10 : i32
        %swap3A_2857 = arith.index_cast %swap3A_2856 : i32 to index
        %swap3A_2858 = arith.index_cast %add3A_2850 : i32 to index
        %swap3A_2859 = tpu.vector_load %arg6[%swap3A_2857, %swap3A_2858] {strides = array<i32>} : memref<16x1024xf32, #tpu.memory_space<vmem>>, vector<1x16xf32>,
        %swap3A_2860 = vector.shape_cast %swap3A_2859 : vector<1x16xf32> to vector<16xf32>
        %swap3A_2861 = vector.shape_cast %get3A_2855 : vector<16xf32> to vector<1x16xf32>
        tpu.vector_store %arg6[%swap3A_2857, %swap3A_2858], %swap3A_2861 {add = true, strides = array<i32>} : memref<16x1024xf32, #tpu.memory_space<vmem>>, vector<1x16xf32>,
        %swap3A_2862 = arith.constant 10 : i32
        %swap3A_2863 = arith.index_cast %swap3A_2862 : i32 to index
        %swap3A_2864 = arith.index_cast %add3A_2850 : i32 to index
        %swap3A_2865 = tpu.vector_load %arg7[%swap3A_2863, %swap3A_2864] {strides = array<i32>} : memref<16x1024xf32, #tpu.memory_space<vmem>>, vector<1x16xf32>,
        %swap3A_2866 = vector.shape_cast %swap3A_2865 : vector<1x16xf32> to vector<16xf32>
        %swap3A_2867 = vector.shape_cast %get3A_2855 : vector<16xf32> to vector<1x16xf32>
        tpu.vector_store %arg7[%swap3A_2863, %swap3A_2864], %swap3A_2867 {add = true, strides = array<i32>} : memref<16x1024xf32, #tpu.memory_space<vmem>>, vector<1x16xf32>,
        %swap3A_2868 = arith.constant 10 : i32
        %swap3A_2869 = arith.index_cast %swap3A_2868 : i32 to index
        %swap3A_2870 = arith.index_cast %add3A_2850 : i32 to index
        %swap3A_2871 = tpu.vector_load %arg8[%swap3A_2869, %swap3A_2870] {strides = array<i32>} : memref<16x1024xf32, #tpu.memory_space<vmem>>, vector<1x16xf32>,
        %swap3A_2872 = vector.shape_cast %swap3A_2871 : vector<1x16xf32> to vector<16xf32>
        %swap3A_2873 = vector.shape_cast %get3A_2855 : vector<16xf32> to vector<1x16xf32>
        tpu.vector_store %arg8[%swap3A_2869, %swap3A_2870], %swap3A_2873 {add = true, strides = array<i32>} : memref<16x1024xf32, #tpu.memory_space<vmem>>, vector<1x16xf32>,
        %swap3A_2874 = arith.constant 10 : i32
        %swap3A_2875 = arith.index_cast %swap3A_2874 : i32 to index
        %swap3A_2876 = arith.index_cast %add3A_2850 : i32 to index
        %swap3A_2877 = tpu.vector_load %arg9[%swap3A_2875, %swap3A_2876] {strides = array<i32>} : memref<16x1024xf32, #tpu.memory_space<vmem>>, vector<1x16xf32>,
        %swap3A_2878 = vector.shape_cast %swap3A_2877 : vector<1x16xf32> to vector<16xf32>
        %swap3A_2879 = vector.shape_cast %get3A_2855 : vector<16xf32> to vector<1x16xf32>
        tpu.vector_store %arg9[%swap3A_2875, %swap3A_2876], %swap3A_2879 {add = true, strides = array<i32>} : memref<16x1024xf32, #tpu.memory_space<vmem>>, vector<1x16xf32>,
        %add3A_2880 = arith.constant 0 : i32
        %add3A_2881 = arith.addi %mul3A_153, %add3A_2880 : i32
        %get3A_2882 = arith.constant 11 : i32
        %get3A_2883 = arith.index_cast %get3A_2882 : i32 to index
        %get3A_2884 = arith.index_cast %add3A_2881 : i32 to index
        %get3A_2885 = tpu.vector_load %arg5[%get3A_2883, %get3A_2884] {strides = array<i32>} : memref<16x1024xf32, #tpu.memory_space<vmem>>, vector<1x16xf32>,
        %get3A_2886 = vector.shape_cast %get3A_2885 : vector<1x16xf32> to vector<16xf32>
        %swap3A_2887 = arith.constant 11 : i32
        %swap3A_2888 = arith.index_cast %swap3A_2887 : i32 to index
        %swap3A_2889 = arith.index_cast %add3A_2881 : i32 to index
        %swap3A_2890 = tpu.vector_load %arg6[%swap3A_2888, %swap3A_2889] {strides = array<i32>} : memref<16x1024xf32, #tpu.memory_space<vmem>>, vector<1x16xf32>,
        %swap3A_2891 = vector.shape_cast %swap3A_2890 : vector<1x16xf32> to vector<16xf32>
        %swap3A_2892 = vector.shape_cast %get3A_2886 : vector<16xf32> to vector<1x16xf32>
        tpu.vector_store %arg6[%swap3A_2888, %swap3A_2889], %swap3A_2892 {add = true, strides = array<i32>} : memref<16x1024xf32, #tpu.memory_space<vmem>>, vector<1x16xf32>,
        %swap3A_2893 = arith.constant 11 : i32
        %swap3A_2894 = arith.index_cast %swap3A_2893 : i32 to index
        %swap3A_2895 = arith.index_cast %add3A_2881 : i32 to index
        %swap3A_2896 = tpu.vector_load %arg7[%swap3A_2894, %swap3A_2895] {strides = array<i32>} : memref<16x1024xf32, #tpu.memory_space<vmem>>, vector<1x16xf32>,
        %swap3A_2897 = vector.shape_cast %swap3A_2896 : vector<1x16xf32> to vector<16xf32>
        %swap3A_2898 = vector.shape_cast %get3A_2886 : vector<16xf32> to vector<1x16xf32>
        tpu.vector_store %arg7[%swap3A_2894, %swap3A_2895], %swap3A_2898 {add = true, strides = array<i32>} : memref<16x1024xf32, #tpu.memory_space<vmem>>, vector<1x16xf32>,
        %swap3A_2899 = arith.constant 11 : i32
        %swap3A_2900 = arith.index_cast %swap3A_2899 : i32 to index
        %swap3A_2901 = arith.index_cast %add3A_2881 : i32 to index
        %swap3A_2902 = tpu.vector_load %arg8[%swap3A_2900, %swap3A_2901] {strides = array<i32>} : memref<16x1024xf32, #tpu.memory_space<vmem>>, vector<1x16xf32>,
        %swap3A_2903 = vector.shape_cast %swap3A_2902 : vector<1x16xf32> to vector<16xf32>
        %swap3A_2904 = vector.shape_cast %get3A_2886 : vector<16xf32> to vector<1x16xf32>
        tpu.vector_store %arg8[%swap3A_2900, %swap3A_2901], %swap3A_2904 {add = true, strides = array<i32>} : memref<16x1024xf32, #tpu.memory_space<vmem>>, vector<1x16xf32>,
        %swap3A_2905 = arith.constant 11 : i32
        %swap3A_2906 = arith.index_cast %swap3A_2905 : i32 to index
        %swap3A_2907 = arith.index_cast %add3A_2881 : i32 to index
        %swap3A_2908 = tpu.vector_load %arg9[%swap3A_2906, %swap3A_2907] {strides = array<i32>} : memref<16x1024xf32, #tpu.memory_space<vmem>>, vector<1x16xf32>,
        %swap3A_2909 = vector.shape_cast %swap3A_2908 : vector<1x16xf32> to vector<16xf32>
        %swap3A_2910 = vector.shape_cast %get3A_2886 : vector<16xf32> to vector<1x16xf32>
        tpu.vector_store %arg9[%swap3A_2906, %swap3A_2907], %swap3A_2910 {add = true, strides = array<i32>} : memref<16x1024xf32, #tpu.memory_space<vmem>>, vector<1x16xf32>,
        %add3A_2911 = arith.constant 16 : i32
        %add3A_2912 = arith.addi %mul3A_153, %add3A_2911 : i32
        %get3A_2913 = arith.constant 11 : i32
        %get3A_2914 = arith.index_cast %get3A_2913 : i32 to index
        %get3A_2915 = arith.index_cast %add3A_2912 : i32 to index
        %get3A_2916 = tpu.vector_load %arg5[%get3A_2914, %get3A_2915] {strides = array<i32>} : memref<16x1024xf32, #tpu.memory_space<vmem>>, vector<1x16xf32>,
        %get3A_2917 = vector.shape_cast %get3A_2916 : vector<1x16xf32> to vector<16xf32>
        %swap3A_2918 = arith.constant 11 : i32
        %swap3A_2919 = arith.index_cast %swap3A_2918 : i32 to index
        %swap3A_2920 = arith.index_cast %add3A_2912 : i32 to index
        %swap3A_2921 = tpu.vector_load %arg6[%swap3A_2919, %swap3A_2920] {strides = array<i32>} : memref<16x1024xf32, #tpu.memory_space<vmem>>, vector<1x16xf32>,
        %swap3A_2922 = vector.shape_cast %swap3A_2921 : vector<1x16xf32> to vector<16xf32>
        %swap3A_2923 = vector.shape_cast %get3A_2917 : vector<16xf32> to vector<1x16xf32>
        tpu.vector_store %arg6[%swap3A_2919, %swap3A_2920], %swap3A_2923 {add = true, strides = array<i32>} : memref<16x1024xf32, #tpu.memory_space<vmem>>, vector<1x16xf32>,
        %swap3A_2924 = arith.constant 11 : i32
        %swap3A_2925 = arith.index_cast %swap3A_2924 : i32 to index
        %swap3A_2926 = arith.index_cast %add3A_2912 : i32 to index
        %swap3A_2927 = tpu.vector_load %arg7[%swap3A_2925, %swap3A_2926] {strides = array<i32>} : memref<16x1024xf32, #tpu.memory_space<vmem>>, vector<1x16xf32>,
        %swap3A_2928 = vector.shape_cast %swap3A_2927 : vector<1x16xf32> to vector<16xf32>
        %swap3A_2929 = vector.shape_cast %get3A_2917 : vector<16xf32> to vector<1x16xf32>
        tpu.vector_store %arg7[%swap3A_2925, %swap3A_2926], %swap3A_2929 {add = true, strides = array<i32>} : memref<16x1024xf32, #tpu.memory_space<vmem>>, vector<1x16xf32>,
        %swap3A_2930 = arith.constant 11 : i32
        %swap3A_2931 = arith.index_cast %swap3A_2930 : i32 to index
        %swap3A_2932 = arith.index_cast %add3A_2912 : i32 to index
        %swap3A_2933 = tpu.vector_load %arg8[%swap3A_2931, %swap3A_2932] {strides = array<i32>} : memref<16x1024xf32, #tpu.memory_space<vmem>>, vector<1x16xf32>,
        %swap3A_2934 = vector.shape_cast %swap3A_2933 : vector<1x16xf32> to vector<16xf32>
        %swap3A_2935 = vector.shape_cast %get3A_2917 : vector<16xf32> to vector<1x16xf32>
        tpu.vector_store %arg8[%swap3A_2931, %swap3A_2932], %swap3A_2935 {add = true, strides = array<i32>} : memref<16x1024xf32, #tpu.memory_space<vmem>>, vector<1x16xf32>,
        %swap3A_2936 = arith.constant 11 : i32
        %swap3A_2937 = arith.index_cast %swap3A_2936 : i32 to index
        %swap3A_2938 = arith.index_cast %add3A_2912 : i32 to index
        %swap3A_2939 = tpu.vector_load %arg9[%swap3A_2937, %swap3A_2938] {strides = array<i32>} : memref<16x1024xf32, #tpu.memory_space<vmem>>, vector<1x16xf32>,
        %swap3A_2940 = vector.shape_cast %swap3A_2939 : vector<1x16xf32> to vector<16xf32>
        %swap3A_2941 = vector.shape_cast %get3A_2917 : vector<16xf32> to vector<1x16xf32>
        tpu.vector_store %arg9[%swap3A_2937, %swap3A_2938], %swap3A_2941 {add = true, strides = array<i32>} : memref<16x1024xf32, #tpu.memory_space<vmem>>, vector<1x16xf32>,
        %add3A_2942 = arith.constant 32 : i32
        %add3A_2943 = arith.addi %mul3A_153, %add3A_2942 : i32
        %get3A_2944 = arith.constant 11 : i32
        %get3A_2945 = arith.index_cast %get3A_2944 : i32 to index
        %get3A_2946 = arith.index_cast %add3A_2943 : i32 to index
        %get3A_2947 = tpu.vector_load %arg5[%get3A_2945, %get3A_2946] {strides = array<i32>} : memref<16x1024xf32, #tpu.memory_space<vmem>>, vector<1x16xf32>,
        %get3A_2948 = vector.shape_cast %get3A_2947 : vector<1x16xf32> to vector<16xf32>
        %swap3A_2949 = arith.constant 11 : i32
        %swap3A_2950 = arith.index_cast %swap3A_2949 : i32 to index
        %swap3A_2951 = arith.index_cast %add3A_2943 : i32 to index
        %swap3A_2952 = tpu.vector_load %arg6[%swap3A_2950, %swap3A_2951] {strides = array<i32>} : memref<16x1024xf32, #tpu.memory_space<vmem>>, vector<1x16xf32>,
        %swap3A_2953 = vector.shape_cast %swap3A_2952 : vector<1x16xf32> to vector<16xf32>
        %swap3A_2954 = vector.shape_cast %get3A_2948 : vector<16xf32> to vector<1x16xf32>
        tpu.vector_store %arg6[%swap3A_2950, %swap3A_2951], %swap3A_2954 {add = true, strides = array<i32>} : memref<16x1024xf32, #tpu.memory_space<vmem>>, vector<1x16xf32>,
        %swap3A_2955 = arith.constant 11 : i32
        %swap3A_2956 = arith.index_cast %swap3A_2955 : i32 to index
        %swap3A_2957 = arith.index_cast %add3A_2943 : i32 to index
        %swap3A_2958 = tpu.vector_load %arg7[%swap3A_2956, %swap3A_2957] {strides = array<i32>} : memref<16x1024xf32, #tpu.memory_space<vmem>>, vector<1x16xf32>,
        %swap3A_2959 = vector.shape_cast %swap3A_2958 : vector<1x16xf32> to vector<16xf32>
        %swap3A_2960 = vector.shape_cast %get3A_2948 : vector<16xf32> to vector<1x16xf32>
        tpu.vector_store %arg7[%swap3A_2956, %swap3A_2957], %swap3A_2960 {add = true, strides = array<i32>} : memref<16x1024xf32, #tpu.memory_space<vmem>>, vector<1x16xf32>,
        %swap3A_2961 = arith.constant 11 : i32
        %swap3A_2962 = arith.index_cast %swap3A_2961 : i32 to index
        %swap3A_2963 = arith.index_cast %add3A_2943 : i32 to index
        %swap3A_2964 = tpu.vector_load %arg8[%swap3A_2962, %swap3A_2963] {strides = array<i32>} : memref<16x1024xf32, #tpu.memory_space<vmem>>, vector<1x16xf32>,
        %swap3A_2965 = vector.shape_cast %swap3A_2964 : vector<1x16xf32> to vector<16xf32>
        %swap3A_2966 = vector.shape_cast %get3A_2948 : vector<16xf32> to vector<1x16xf32>
        tpu.vector_store %arg8[%swap3A_2962, %swap3A_2963], %swap3A_2966 {add = true, strides = array<i32>} : memref<16x1024xf32, #tpu.memory_space<vmem>>, vector<1x16xf32>,
        %swap3A_2967 = arith.constant 11 : i32
        %swap3A_2968 = arith.index_cast %swap3A_2967 : i32 to index
        %swap3A_2969 = arith.index_cast %add3A_2943 : i32 to index
        %swap3A_2970 = tpu.vector_load %arg9[%swap3A_2968, %swap3A_2969] {strides = array<i32>} : memref<16x1024xf32, #tpu.memory_space<vmem>>, vector<1x16xf32>,
        %swap3A_2971 = vector.shape_cast %swap3A_2970 : vector<1x16xf32> to vector<16xf32>
        %swap3A_2972 = vector.shape_cast %get3A_2948 : vector<16xf32> to vector<1x16xf32>
        tpu.vector_store %arg9[%swap3A_2968, %swap3A_2969], %swap3A_2972 {add = true, strides = array<i32>} : memref<16x1024xf32, #tpu.memory_space<vmem>>, vector<1x16xf32>,
        %add3A_2973 = arith.constant 48 : i32
        %add3A_2974 = arith.addi %mul3A_153, %add3A_2973 : i32
        %get3A_2975 = arith.constant 11 : i32
        %get3A_2976 = arith.index_cast %get3A_2975 : i32 to index
        %get3A_2977 = arith.index_cast %add3A_2974 : i32 to index
        %get3A_2978 = tpu.vector_load %arg5[%get3A_2976, %get3A_2977] {strides = array<i32>} : memref<16x1024xf32, #tpu.memory_space<vmem>>, vector<1x16xf32>,
        %get3A_2979 = vector.shape_cast %get3A_2978 : vector<1x16xf32> to vector<16xf32>
        %swap3A_2980 = arith.constant 11 : i32
        %swap3A_2981 = arith.index_cast %swap3A_2980 : i32 to index
        %swap3A_2982 = arith.index_cast %add3A_2974 : i32 to index
        %swap3A_2983 = tpu.vector_load %arg6[%swap3A_2981, %swap3A_2982] {strides = array<i32>} : memref<16x1024xf32, #tpu.memory_space<vmem>>, vector<1x16xf32>,
        %swap3A_2984 = vector.shape_cast %swap3A_2983 : vector<1x16xf32> to vector<16xf32>
        %swap3A_2985 = vector.shape_cast %get3A_2979 : vector<16xf32> to vector<1x16xf32>
        tpu.vector_store %arg6[%swap3A_2981, %swap3A_2982], %swap3A_2985 {add = true, strides = array<i32>} : memref<16x1024xf32, #tpu.memory_space<vmem>>, vector<1x16xf32>,
        %swap3A_2986 = arith.constant 11 : i32
        %swap3A_2987 = arith.index_cast %swap3A_2986 : i32 to index
        %swap3A_2988 = arith.index_cast %add3A_2974 : i32 to index
        %swap3A_2989 = tpu.vector_load %arg7[%swap3A_2987, %swap3A_2988] {strides = array<i32>} : memref<16x1024xf32, #tpu.memory_space<vmem>>, vector<1x16xf32>,
        %swap3A_2990 = vector.shape_cast %swap3A_2989 : vector<1x16xf32> to vector<16xf32>
        %swap3A_2991 = vector.shape_cast %get3A_2979 : vector<16xf32> to vector<1x16xf32>
        tpu.vector_store %arg7[%swap3A_2987, %swap3A_2988], %swap3A_2991 {add = true, strides = array<i32>} : memref<16x1024xf32, #tpu.memory_space<vmem>>, vector<1x16xf32>,
        %swap3A_2992 = arith.constant 11 : i32
        %swap3A_2993 = arith.index_cast %swap3A_2992 : i32 to index
        %swap3A_2994 = arith.index_cast %add3A_2974 : i32 to index
        %swap3A_2995 = tpu.vector_load %arg8[%swap3A_2993, %swap3A_2994] {strides = array<i32>} : memref<16x1024xf32, #tpu.memory_space<vmem>>, vector<1x16xf32>,
        %swap3A_2996 = vector.shape_cast %swap3A_2995 : vector<1x16xf32> to vector<16xf32>
        %swap3A_2997 = vector.shape_cast %get3A_2979 : vector<16xf32> to vector<1x16xf32>
        tpu.vector_store %arg8[%swap3A_2993, %swap3A_2994], %swap3A_2997 {add = true, strides = array<i32>} : memref<16x1024xf32, #tpu.memory_space<vmem>>, vector<1x16xf32>,
        %swap3A_2998 = arith.constant 11 : i32
        %swap3A_2999 = arith.index_cast %swap3A_2998 : i32 to index
        %swap3A_3000 = arith.index_cast %add3A_2974 : i32 to index
        %swap3A_3001 = tpu.vector_load %arg9[%swap3A_2999, %swap3A_3000] {strides = array<i32>} : memref<16x1024xf32, #tpu.memory_space<vmem>>, vector<1x16xf32>,
        %swap3A_3002 = vector.shape_cast %swap3A_3001 : vector<1x16xf32> to vector<16xf32>
        %swap3A_3003 = vector.shape_cast %get3A_2979 : vector<16xf32> to vector<1x16xf32>
        tpu.vector_store %arg9[%swap3A_2999, %swap3A_3000], %swap3A_3003 {add = true, strides = array<i32>} : memref<16x1024xf32, #tpu.memory_space<vmem>>, vector<1x16xf32>,
        %add3A_3004 = arith.constant 64 : i32
        %add3A_3005 = arith.addi %mul3A_153, %add3A_3004 : i32
        %get3A_3006 = arith.constant 11 : i32
        %get3A_3007 = arith.index_cast %get3A_3006 : i32 to index
        %get3A_3008 = arith.index_cast %add3A_3005 : i32 to index
        %get3A_3009 = tpu.vector_load %arg5[%get3A_3007, %get3A_3008] {strides = array<i32>} : memref<16x1024xf32, #tpu.memory_space<vmem>>, vector<1x16xf32>,
        %get3A_3010 = vector.shape_cast %get3A_3009 : vector<1x16xf32> to vector<16xf32>
        %swap3A_3011 = arith.constant 11 : i32
        %swap3A_3012 = arith.index_cast %swap3A_3011 : i32 to index
        %swap3A_3013 = arith.index_cast %add3A_3005 : i32 to index
        %swap3A_3014 = tpu.vector_load %arg6[%swap3A_3012, %swap3A_3013] {strides = array<i32>} : memref<16x1024xf32, #tpu.memory_space<vmem>>, vector<1x16xf32>,
        %swap3A_3015 = vector.shape_cast %swap3A_3014 : vector<1x16xf32> to vector<16xf32>
        %swap3A_3016 = vector.shape_cast %get3A_3010 : vector<16xf32> to vector<1x16xf32>
        tpu.vector_store %arg6[%swap3A_3012, %swap3A_3013], %swap3A_3016 {add = true, strides = array<i32>} : memref<16x1024xf32, #tpu.memory_space<vmem>>, vector<1x16xf32>,
        %swap3A_3017 = arith.constant 11 : i32
        %swap3A_3018 = arith.index_cast %swap3A_3017 : i32 to index
        %swap3A_3019 = arith.index_cast %add3A_3005 : i32 to index
        %swap3A_3020 = tpu.vector_load %arg7[%swap3A_3018, %swap3A_3019] {strides = array<i32>} : memref<16x1024xf32, #tpu.memory_space<vmem>>, vector<1x16xf32>,
        %swap3A_3021 = vector.shape_cast %swap3A_3020 : vector<1x16xf32> to vector<16xf32>
        %swap3A_3022 = vector.shape_cast %get3A_3010 : vector<16xf32> to vector<1x16xf32>
        tpu.vector_store %arg7[%swap3A_3018, %swap3A_3019], %swap3A_3022 {add = true, strides = array<i32>} : memref<16x1024xf32, #tpu.memory_space<vmem>>, vector<1x16xf32>,
        %swap3A_3023 = arith.constant 11 : i32
        %swap3A_3024 = arith.index_cast %swap3A_3023 : i32 to index
        %swap3A_3025 = arith.index_cast %add3A_3005 : i32 to index
        %swap3A_3026 = tpu.vector_load %arg8[%swap3A_3024, %swap3A_3025] {strides = array<i32>} : memref<16x1024xf32, #tpu.memory_space<vmem>>, vector<1x16xf32>,
        %swap3A_3027 = vector.shape_cast %swap3A_3026 : vector<1x16xf32> to vector<16xf32>
        %swap3A_3028 = vector.shape_cast %get3A_3010 : vector<16xf32> to vector<1x16xf32>
        tpu.vector_store %arg8[%swap3A_3024, %swap3A_3025], %swap3A_3028 {add = true, strides = array<i32>} : memref<16x1024xf32, #tpu.memory_space<vmem>>, vector<1x16xf32>,
        %swap3A_3029 = arith.constant 11 : i32
        %swap3A_3030 = arith.index_cast %swap3A_3029 : i32 to index
        %swap3A_3031 = arith.index_cast %add3A_3005 : i32 to index
        %swap3A_3032 = tpu.vector_load %arg9[%swap3A_3030, %swap3A_3031] {strides = array<i32>} : memref<16x1024xf32, #tpu.memory_space<vmem>>, vector<1x16xf32>,
        %swap3A_3033 = vector.shape_cast %swap3A_3032 : vector<1x16xf32> to vector<16xf32>
        %swap3A_3034 = vector.shape_cast %get3A_3010 : vector<16xf32> to vector<1x16xf32>
        tpu.vector_store %arg9[%swap3A_3030, %swap3A_3031], %swap3A_3034 {add = true, strides = array<i32>} : memref<16x1024xf32, #tpu.memory_space<vmem>>, vector<1x16xf32>,
        %add3A_3035 = arith.constant 80 : i32
        %add3A_3036 = arith.addi %mul3A_153, %add3A_3035 : i32
        %get3A_3037 = arith.constant 11 : i32
        %get3A_3038 = arith.index_cast %get3A_3037 : i32 to index
        %get3A_3039 = arith.index_cast %add3A_3036 : i32 to index
        %get3A_3040 = tpu.vector_load %arg5[%get3A_3038, %get3A_3039] {strides = array<i32>} : memref<16x1024xf32, #tpu.memory_space<vmem>>, vector<1x16xf32>,
        %get3A_3041 = vector.shape_cast %get3A_3040 : vector<1x16xf32> to vector<16xf32>
        %swap3A_3042 = arith.constant 11 : i32
        %swap3A_3043 = arith.index_cast %swap3A_3042 : i32 to index
        %swap3A_3044 = arith.index_cast %add3A_3036 : i32 to index
        %swap3A_3045 = tpu.vector_load %arg6[%swap3A_3043, %swap3A_3044] {strides = array<i32>} : memref<16x1024xf32, #tpu.memory_space<vmem>>, vector<1x16xf32>,
        %swap3A_3046 = vector.shape_cast %swap3A_3045 : vector<1x16xf32> to vector<16xf32>
        %swap3A_3047 = vector.shape_cast %get3A_3041 : vector<16xf32> to vector<1x16xf32>
        tpu.vector_store %arg6[%swap3A_3043, %swap3A_3044], %swap3A_3047 {add = true, strides = array<i32>} : memref<16x1024xf32, #tpu.memory_space<vmem>>, vector<1x16xf32>,
        %swap3A_3048 = arith.constant 11 : i32
        %swap3A_3049 = arith.index_cast %swap3A_3048 : i32 to index
        %swap3A_3050 = arith.index_cast %add3A_3036 : i32 to index
        %swap3A_3051 = tpu.vector_load %arg7[%swap3A_3049, %swap3A_3050] {strides = array<i32>} : memref<16x1024xf32, #tpu.memory_space<vmem>>, vector<1x16xf32>,
        %swap3A_3052 = vector.shape_cast %swap3A_3051 : vector<1x16xf32> to vector<16xf32>
        %swap3A_3053 = vector.shape_cast %get3A_3041 : vector<16xf32> to vector<1x16xf32>
        tpu.vector_store %arg7[%swap3A_3049, %swap3A_3050], %swap3A_3053 {add = true, strides = array<i32>} : memref<16x1024xf32, #tpu.memory_space<vmem>>, vector<1x16xf32>,
        %swap3A_3054 = arith.constant 11 : i32
        %swap3A_3055 = arith.index_cast %swap3A_3054 : i32 to index
        %swap3A_3056 = arith.index_cast %add3A_3036 : i32 to index
        %swap3A_3057 = tpu.vector_load %arg8[%swap3A_3055, %swap3A_3056] {strides = array<i32>} : memref<16x1024xf32, #tpu.memory_space<vmem>>, vector<1x16xf32>,
        %swap3A_3058 = vector.shape_cast %swap3A_3057 : vector<1x16xf32> to vector<16xf32>
        %swap3A_3059 = vector.shape_cast %get3A_3041 : vector<16xf32> to vector<1x16xf32>
        tpu.vector_store %arg8[%swap3A_3055, %swap3A_3056], %swap3A_3059 {add = true, strides = array<i32>} : memref<16x1024xf32, #tpu.memory_space<vmem>>, vector<1x16xf32>,
        %swap3A_3060 = arith.constant 11 : i32
        %swap3A_3061 = arith.index_cast %swap3A_3060 : i32 to index
        %swap3A_3062 = arith.index_cast %add3A_3036 : i32 to index
        %swap3A_3063 = tpu.vector_load %arg9[%swap3A_3061, %swap3A_3062] {strides = array<i32>} : memref<16x1024xf32, #tpu.memory_space<vmem>>, vector<1x16xf32>,
        %swap3A_3064 = vector.shape_cast %swap3A_3063 : vector<1x16xf32> to vector<16xf32>
        %swap3A_3065 = vector.shape_cast %get3A_3041 : vector<16xf32> to vector<1x16xf32>
        tpu.vector_store %arg9[%swap3A_3061, %swap3A_3062], %swap3A_3065 {add = true, strides = array<i32>} : memref<16x1024xf32, #tpu.memory_space<vmem>>, vector<1x16xf32>,
        %add3A_3066 = arith.constant 96 : i32
        %add3A_3067 = arith.addi %mul3A_153, %add3A_3066 : i32
        %get3A_3068 = arith.constant 11 : i32
        %get3A_3069 = arith.index_cast %get3A_3068 : i32 to index
        %get3A_3070 = arith.index_cast %add3A_3067 : i32 to index
        %get3A_3071 = tpu.vector_load %arg5[%get3A_3069, %get3A_3070] {strides = array<i32>} : memref<16x1024xf32, #tpu.memory_space<vmem>>, vector<1x16xf32>,
        %get3A_3072 = vector.shape_cast %get3A_3071 : vector<1x16xf32> to vector<16xf32>
        %swap3A_3073 = arith.constant 11 : i32
        %swap3A_3074 = arith.index_cast %swap3A_3073 : i32 to index
        %swap3A_3075 = arith.index_cast %add3A_3067 : i32 to index
        %swap3A_3076 = tpu.vector_load %arg6[%swap3A_3074, %swap3A_3075] {strides = array<i32>} : memref<16x1024xf32, #tpu.memory_space<vmem>>, vector<1x16xf32>,
        %swap3A_3077 = vector.shape_cast %swap3A_3076 : vector<1x16xf32> to vector<16xf32>
        %swap3A_3078 = vector.shape_cast %get3A_3072 : vector<16xf32> to vector<1x16xf32>
        tpu.vector_store %arg6[%swap3A_3074, %swap3A_3075], %swap3A_3078 {add = true, strides = array<i32>} : memref<16x1024xf32, #tpu.memory_space<vmem>>, vector<1x16xf32>,
        %swap3A_3079 = arith.constant 11 : i32
        %swap3A_3080 = arith.index_cast %swap3A_3079 : i32 to index
        %swap3A_3081 = arith.index_cast %add3A_3067 : i32 to index
        %swap3A_3082 = tpu.vector_load %arg7[%swap3A_3080, %swap3A_3081] {strides = array<i32>} : memref<16x1024xf32, #tpu.memory_space<vmem>>, vector<1x16xf32>,
        %swap3A_3083 = vector.shape_cast %swap3A_3082 : vector<1x16xf32> to vector<16xf32>
        %swap3A_3084 = vector.shape_cast %get3A_3072 : vector<16xf32> to vector<1x16xf32>
        tpu.vector_store %arg7[%swap3A_3080, %swap3A_3081], %swap3A_3084 {add = true, strides = array<i32>} : memref<16x1024xf32, #tpu.memory_space<vmem>>, vector<1x16xf32>,
        %swap3A_3085 = arith.constant 11 : i32
        %swap3A_3086 = arith.index_cast %swap3A_3085 : i32 to index
        %swap3A_3087 = arith.index_cast %add3A_3067 : i32 to index
        %swap3A_3088 = tpu.vector_load %arg8[%swap3A_3086, %swap3A_3087] {strides = array<i32>} : memref<16x1024xf32, #tpu.memory_space<vmem>>, vector<1x16xf32>,
        %swap3A_3089 = vector.shape_cast %swap3A_3088 : vector<1x16xf32> to vector<16xf32>
        %swap3A_3090 = vector.shape_cast %get3A_3072 : vector<16xf32> to vector<1x16xf32>
        tpu.vector_store %arg8[%swap3A_3086, %swap3A_3087], %swap3A_3090 {add = true, strides = array<i32>} : memref<16x1024xf32, #tpu.memory_space<vmem>>, vector<1x16xf32>,
        %swap3A_3091 = arith.constant 11 : i32
        %swap3A_3092 = arith.index_cast %swap3A_3091 : i32 to index
        %swap3A_3093 = arith.index_cast %add3A_3067 : i32 to index
        %swap3A_3094 = tpu.vector_load %arg9[%swap3A_3092, %swap3A_3093] {strides = array<i32>} : memref<16x1024xf32, #tpu.memory_space<vmem>>, vector<1x16xf32>,
        %swap3A_3095 = vector.shape_cast %swap3A_3094 : vector<1x16xf32> to vector<16xf32>
        %swap3A_3096 = vector.shape_cast %get3A_3072 : vector<16xf32> to vector<1x16xf32>
        tpu.vector_store %arg9[%swap3A_3092, %swap3A_3093], %swap3A_3096 {add = true, strides = array<i32>} : memref<16x1024xf32, #tpu.memory_space<vmem>>, vector<1x16xf32>,
        %add3A_3097 = arith.constant 112 : i32
        %add3A_3098 = arith.addi %mul3A_153, %add3A_3097 : i32
        %get3A_3099 = arith.constant 11 : i32
        %get3A_3100 = arith.index_cast %get3A_3099 : i32 to index
        %get3A_3101 = arith.index_cast %add3A_3098 : i32 to index
        %get3A_3102 = tpu.vector_load %arg5[%get3A_3100, %get3A_3101] {strides = array<i32>} : memref<16x1024xf32, #tpu.memory_space<vmem>>, vector<1x16xf32>,
        %get3A_3103 = vector.shape_cast %get3A_3102 : vector<1x16xf32> to vector<16xf32>
        %swap3A_3104 = arith.constant 11 : i32
        %swap3A_3105 = arith.index_cast %swap3A_3104 : i32 to index
        %swap3A_3106 = arith.index_cast %add3A_3098 : i32 to index
        %swap3A_3107 = tpu.vector_load %arg6[%swap3A_3105, %swap3A_3106] {strides = array<i32>} : memref<16x1024xf32, #tpu.memory_space<vmem>>, vector<1x16xf32>,
        %swap3A_3108 = vector.shape_cast %swap3A_3107 : vector<1x16xf32> to vector<16xf32>
        %swap3A_3109 = vector.shape_cast %get3A_3103 : vector<16xf32> to vector<1x16xf32>
        tpu.vector_store %arg6[%swap3A_3105, %swap3A_3106], %swap3A_3109 {add = true, strides = array<i32>} : memref<16x1024xf32, #tpu.memory_space<vmem>>, vector<1x16xf32>,
        %swap3A_3110 = arith.constant 11 : i32
        %swap3A_3111 = arith.index_cast %swap3A_3110 : i32 to index
        %swap3A_3112 = arith.index_cast %add3A_3098 : i32 to index
        %swap3A_3113 = tpu.vector_load %arg7[%swap3A_3111, %swap3A_3112] {strides = array<i32>} : memref<16x1024xf32, #tpu.memory_space<vmem>>, vector<1x16xf32>,
        %swap3A_3114 = vector.shape_cast %swap3A_3113 : vector<1x16xf32> to vector<16xf32>
        %swap3A_3115 = vector.shape_cast %get3A_3103 : vector<16xf32> to vector<1x16xf32>
        tpu.vector_store %arg7[%swap3A_3111, %swap3A_3112], %swap3A_3115 {add = true, strides = array<i32>} : memref<16x1024xf32, #tpu.memory_space<vmem>>, vector<1x16xf32>,
        %swap3A_3116 = arith.constant 11 : i32
        %swap3A_3117 = arith.index_cast %swap3A_3116 : i32 to index
        %swap3A_3118 = arith.index_cast %add3A_3098 : i32 to index
        %swap3A_3119 = tpu.vector_load %arg8[%swap3A_3117, %swap3A_3118] {strides = array<i32>} : memref<16x1024xf32, #tpu.memory_space<vmem>>, vector<1x16xf32>,
        %swap3A_3120 = vector.shape_cast %swap3A_3119 : vector<1x16xf32> to vector<16xf32>
        %swap3A_3121 = vector.shape_cast %get3A_3103 : vector<16xf32> to vector<1x16xf32>
        tpu.vector_store %arg8[%swap3A_3117, %swap3A_3118], %swap3A_3121 {add = true, strides = array<i32>} : memref<16x1024xf32, #tpu.memory_space<vmem>>, vector<1x16xf32>,
        %swap3A_3122 = arith.constant 11 : i32
        %swap3A_3123 = arith.index_cast %swap3A_3122 : i32 to index
        %swap3A_3124 = arith.index_cast %add3A_3098 : i32 to index
        %swap3A_3125 = tpu.vector_load %arg9[%swap3A_3123, %swap3A_3124] {strides = array<i32>} : memref<16x1024xf32, #tpu.memory_space<vmem>>, vector<1x16xf32>,
        %swap3A_3126 = vector.shape_cast %swap3A_3125 : vector<1x16xf32> to vector<16xf32>
        %swap3A_3127 = vector.shape_cast %get3A_3103 : vector<16xf32> to vector<1x16xf32>
        tpu.vector_store %arg9[%swap3A_3123, %swap3A_3124], %swap3A_3127 {add = true, strides = array<i32>} : memref<16x1024xf32, #tpu.memory_space<vmem>>, vector<1x16xf32>,
        %add3A_3128 = arith.constant 0 : i32
        %add3A_3129 = arith.addi %mul3A_153, %add3A_3128 : i32
        %get3A_3130 = arith.constant 12 : i32
        %get3A_3131 = arith.index_cast %get3A_3130 : i32 to index
        %get3A_3132 = arith.index_cast %add3A_3129 : i32 to index
        %get3A_3133 = tpu.vector_load %arg5[%get3A_3131, %get3A_3132] {strides = array<i32>} : memref<16x1024xf32, #tpu.memory_space<vmem>>, vector<1x16xf32>,
        %get3A_3134 = vector.shape_cast %get3A_3133 : vector<1x16xf32> to vector<16xf32>
        %swap3A_3135 = arith.constant 12 : i32
        %swap3A_3136 = arith.index_cast %swap3A_3135 : i32 to index
        %swap3A_3137 = arith.index_cast %add3A_3129 : i32 to index
        %swap3A_3138 = tpu.vector_load %arg6[%swap3A_3136, %swap3A_3137] {strides = array<i32>} : memref<16x1024xf32, #tpu.memory_space<vmem>>, vector<1x16xf32>,
        %swap3A_3139 = vector.shape_cast %swap3A_3138 : vector<1x16xf32> to vector<16xf32>
        %swap3A_3140 = vector.shape_cast %get3A_3134 : vector<16xf32> to vector<1x16xf32>
        tpu.vector_store %arg6[%swap3A_3136, %swap3A_3137], %swap3A_3140 {add = true, strides = array<i32>} : memref<16x1024xf32, #tpu.memory_space<vmem>>, vector<1x16xf32>,
        %swap3A_3141 = arith.constant 12 : i32
        %swap3A_3142 = arith.index_cast %swap3A_3141 : i32 to index
        %swap3A_3143 = arith.index_cast %add3A_3129 : i32 to index
        %swap3A_3144 = tpu.vector_load %arg7[%swap3A_3142, %swap3A_3143] {strides = array<i32>} : memref<16x1024xf32, #tpu.memory_space<vmem>>, vector<1x16xf32>,
        %swap3A_3145 = vector.shape_cast %swap3A_3144 : vector<1x16xf32> to vector<16xf32>
        %swap3A_3146 = vector.shape_cast %get3A_3134 : vector<16xf32> to vector<1x16xf32>
        tpu.vector_store %arg7[%swap3A_3142, %swap3A_3143], %swap3A_3146 {add = true, strides = array<i32>} : memref<16x1024xf32, #tpu.memory_space<vmem>>, vector<1x16xf32>,
        %swap3A_3147 = arith.constant 12 : i32
        %swap3A_3148 = arith.index_cast %swap3A_3147 : i32 to index
        %swap3A_3149 = arith.index_cast %add3A_3129 : i32 to index
        %swap3A_3150 = tpu.vector_load %arg8[%swap3A_3148, %swap3A_3149] {strides = array<i32>} : memref<16x1024xf32, #tpu.memory_space<vmem>>, vector<1x16xf32>,
        %swap3A_3151 = vector.shape_cast %swap3A_3150 : vector<1x16xf32> to vector<16xf32>
        %swap3A_3152 = vector.shape_cast %get3A_3134 : vector<16xf32> to vector<1x16xf32>
        tpu.vector_store %arg8[%swap3A_3148, %swap3A_3149], %swap3A_3152 {add = true, strides = array<i32>} : memref<16x1024xf32, #tpu.memory_space<vmem>>, vector<1x16xf32>,
        %swap3A_3153 = arith.constant 12 : i32
        %swap3A_3154 = arith.index_cast %swap3A_3153 : i32 to index
        %swap3A_3155 = arith.index_cast %add3A_3129 : i32 to index
        %swap3A_3156 = tpu.vector_load %arg9[%swap3A_3154, %swap3A_3155] {strides = array<i32>} : memref<16x1024xf32, #tpu.memory_space<vmem>>, vector<1x16xf32>,
        %swap3A_3157 = vector.shape_cast %swap3A_3156 : vector<1x16xf32> to vector<16xf32>
        %swap3A_3158 = vector.shape_cast %get3A_3134 : vector<16xf32> to vector<1x16xf32>
        tpu.vector_store %arg9[%swap3A_3154, %swap3A_3155], %swap3A_3158 {add = true, strides = array<i32>} : memref<16x1024xf32, #tpu.memory_space<vmem>>, vector<1x16xf32>,
        %add3A_3159 = arith.constant 16 : i32
        %add3A_3160 = arith.addi %mul3A_153, %add3A_3159 : i32
        %get3A_3161 = arith.constant 12 : i32
        %get3A_3162 = arith.index_cast %get3A_3161 : i32 to index
        %get3A_3163 = arith.index_cast %add3A_3160 : i32 to index
        %get3A_3164 = tpu.vector_load %arg5[%get3A_3162, %get3A_3163] {strides = array<i32>} : memref<16x1024xf32, #tpu.memory_space<vmem>>, vector<1x16xf32>,
        %get3A_3165 = vector.shape_cast %get3A_3164 : vector<1x16xf32> to vector<16xf32>
        %swap3A_3166 = arith.constant 12 : i32
        %swap3A_3167 = arith.index_cast %swap3A_3166 : i32 to index
        %swap3A_3168 = arith.index_cast %add3A_3160 : i32 to index
        %swap3A_3169 = tpu.vector_load %arg6[%swap3A_3167, %swap3A_3168] {strides = array<i32>} : memref<16x1024xf32, #tpu.memory_space<vmem>>, vector<1x16xf32>,
        %swap3A_3170 = vector.shape_cast %swap3A_3169 : vector<1x16xf32> to vector<16xf32>
        %swap3A_3171 = vector.shape_cast %get3A_3165 : vector<16xf32> to vector<1x16xf32>
        tpu.vector_store %arg6[%swap3A_3167, %swap3A_3168], %swap3A_3171 {add = true, strides = array<i32>} : memref<16x1024xf32, #tpu.memory_space<vmem>>, vector<1x16xf32>,
        %swap3A_3172 = arith.constant 12 : i32
        %swap3A_3173 = arith.index_cast %swap3A_3172 : i32 to index
        %swap3A_3174 = arith.index_cast %add3A_3160 : i32 to index
        %swap3A_3175 = tpu.vector_load %arg7[%swap3A_3173, %swap3A_3174] {strides = array<i32>} : memref<16x1024xf32, #tpu.memory_space<vmem>>, vector<1x16xf32>,
        %swap3A_3176 = vector.shape_cast %swap3A_3175 : vector<1x16xf32> to vector<16xf32>
        %swap3A_3177 = vector.shape_cast %get3A_3165 : vector<16xf32> to vector<1x16xf32>
        tpu.vector_store %arg7[%swap3A_3173, %swap3A_3174], %swap3A_3177 {add = true, strides = array<i32>} : memref<16x1024xf32, #tpu.memory_space<vmem>>, vector<1x16xf32>,
        %swap3A_3178 = arith.constant 12 : i32
        %swap3A_3179 = arith.index_cast %swap3A_3178 : i32 to index
        %swap3A_3180 = arith.index_cast %add3A_3160 : i32 to index
        %swap3A_3181 = tpu.vector_load %arg8[%swap3A_3179, %swap3A_3180] {strides = array<i32>} : memref<16x1024xf32, #tpu.memory_space<vmem>>, vector<1x16xf32>,
        %swap3A_3182 = vector.shape_cast %swap3A_3181 : vector<1x16xf32> to vector<16xf32>
        %swap3A_3183 = vector.shape_cast %get3A_3165 : vector<16xf32> to vector<1x16xf32>
        tpu.vector_store %arg8[%swap3A_3179, %swap3A_3180], %swap3A_3183 {add = true, strides = array<i32>} : memref<16x1024xf32, #tpu.memory_space<vmem>>, vector<1x16xf32>,
        %swap3A_3184 = arith.constant 12 : i32
        %swap3A_3185 = arith.index_cast %swap3A_3184 : i32 to index
        %swap3A_3186 = arith.index_cast %add3A_3160 : i32 to index
        %swap3A_3187 = tpu.vector_load %arg9[%swap3A_3185, %swap3A_3186] {strides = array<i32>} : memref<16x1024xf32, #tpu.memory_space<vmem>>, vector<1x16xf32>,
        %swap3A_3188 = vector.shape_cast %swap3A_3187 : vector<1x16xf32> to vector<16xf32>
        %swap3A_3189 = vector.shape_cast %get3A_3165 : vector<16xf32> to vector<1x16xf32>
        tpu.vector_store %arg9[%swap3A_3185, %swap3A_3186], %swap3A_3189 {add = true, strides = array<i32>} : memref<16x1024xf32, #tpu.memory_space<vmem>>, vector<1x16xf32>,
        %add3A_3190 = arith.constant 32 : i32
        %add3A_3191 = arith.addi %mul3A_153, %add3A_3190 : i32
        %get3A_3192 = arith.constant 12 : i32
        %get3A_3193 = arith.index_cast %get3A_3192 : i32 to index
        %get3A_3194 = arith.index_cast %add3A_3191 : i32 to index
        %get3A_3195 = tpu.vector_load %arg5[%get3A_3193, %get3A_3194] {strides = array<i32>} : memref<16x1024xf32, #tpu.memory_space<vmem>>, vector<1x16xf32>,
        %get3A_3196 = vector.shape_cast %get3A_3195 : vector<1x16xf32> to vector<16xf32>
        %swap3A_3197 = arith.constant 12 : i32
        %swap3A_3198 = arith.index_cast %swap3A_3197 : i32 to index
        %swap3A_3199 = arith.index_cast %add3A_3191 : i32 to index
        %swap3A_3200 = tpu.vector_load %arg6[%swap3A_3198, %swap3A_3199] {strides = array<i32>} : memref<16x1024xf32, #tpu.memory_space<vmem>>, vector<1x16xf32>,
        %swap3A_3201 = vector.shape_cast %swap3A_3200 : vector<1x16xf32> to vector<16xf32>
        %swap3A_3202 = vector.shape_cast %get3A_3196 : vector<16xf32> to vector<1x16xf32>
        tpu.vector_store %arg6[%swap3A_3198, %swap3A_3199], %swap3A_3202 {add = true, strides = array<i32>} : memref<16x1024xf32, #tpu.memory_space<vmem>>, vector<1x16xf32>,
        %swap3A_3203 = arith.constant 12 : i32
        %swap3A_3204 = arith.index_cast %swap3A_3203 : i32 to index
        %swap3A_3205 = arith.index_cast %add3A_3191 : i32 to index
        %swap3A_3206 = tpu.vector_load %arg7[%swap3A_3204, %swap3A_3205] {strides = array<i32>} : memref<16x1024xf32, #tpu.memory_space<vmem>>, vector<1x16xf32>,
        %swap3A_3207 = vector.shape_cast %swap3A_3206 : vector<1x16xf32> to vector<16xf32>
        %swap3A_3208 = vector.shape_cast %get3A_3196 : vector<16xf32> to vector<1x16xf32>
        tpu.vector_store %arg7[%swap3A_3204, %swap3A_3205], %swap3A_3208 {add = true, strides = array<i32>} : memref<16x1024xf32, #tpu.memory_space<vmem>>, vector<1x16xf32>,
        %swap3A_3209 = arith.constant 12 : i32
        %swap3A_3210 = arith.index_cast %swap3A_3209 : i32 to index
        %swap3A_3211 = arith.index_cast %add3A_3191 : i32 to index
        %swap3A_3212 = tpu.vector_load %arg8[%swap3A_3210, %swap3A_3211] {strides = array<i32>} : memref<16x1024xf32, #tpu.memory_space<vmem>>, vector<1x16xf32>,
        %swap3A_3213 = vector.shape_cast %swap3A_3212 : vector<1x16xf32> to vector<16xf32>
        %swap3A_3214 = vector.shape_cast %get3A_3196 : vector<16xf32> to vector<1x16xf32>
        tpu.vector_store %arg8[%swap3A_3210, %swap3A_3211], %swap3A_3214 {add = true, strides = array<i32>} : memref<16x1024xf32, #tpu.memory_space<vmem>>, vector<1x16xf32>,
        %swap3A_3215 = arith.constant 12 : i32
        %swap3A_3216 = arith.index_cast %swap3A_3215 : i32 to index
        %swap3A_3217 = arith.index_cast %add3A_3191 : i32 to index
        %swap3A_3218 = tpu.vector_load %arg9[%swap3A_3216, %swap3A_3217] {strides = array<i32>} : memref<16x1024xf32, #tpu.memory_space<vmem>>, vector<1x16xf32>,
        %swap3A_3219 = vector.shape_cast %swap3A_3218 : vector<1x16xf32> to vector<16xf32>
        %swap3A_3220 = vector.shape_cast %get3A_3196 : vector<16xf32> to vector<1x16xf32>
        tpu.vector_store %arg9[%swap3A_3216, %swap3A_3217], %swap3A_3220 {add = true, strides = array<i32>} : memref<16x1024xf32, #tpu.memory_space<vmem>>, vector<1x16xf32>,
        %add3A_3221 = arith.constant 48 : i32
        %add3A_3222 = arith.addi %mul3A_153, %add3A_3221 : i32
        %get3A_3223 = arith.constant 12 : i32
        %get3A_3224 = arith.index_cast %get3A_3223 : i32 to index
        %get3A_3225 = arith.index_cast %add3A_3222 : i32 to index
        %get3A_3226 = tpu.vector_load %arg5[%get3A_3224, %get3A_3225] {strides = array<i32>} : memref<16x1024xf32, #tpu.memory_space<vmem>>, vector<1x16xf32>,
        %get3A_3227 = vector.shape_cast %get3A_3226 : vector<1x16xf32> to vector<16xf32>
        %swap3A_3228 = arith.constant 12 : i32
        %swap3A_3229 = arith.index_cast %swap3A_3228 : i32 to index
        %swap3A_3230 = arith.index_cast %add3A_3222 : i32 to index
        %swap3A_3231 = tpu.vector_load %arg6[%swap3A_3229, %swap3A_3230] {strides = array<i32>} : memref<16x1024xf32, #tpu.memory_space<vmem>>, vector<1x16xf32>,
        %swap3A_3232 = vector.shape_cast %swap3A_3231 : vector<1x16xf32> to vector<16xf32>
        %swap3A_3233 = vector.shape_cast %get3A_3227 : vector<16xf32> to vector<1x16xf32>
        tpu.vector_store %arg6[%swap3A_3229, %swap3A_3230], %swap3A_3233 {add = true, strides = array<i32>} : memref<16x1024xf32, #tpu.memory_space<vmem>>, vector<1x16xf32>,
        %swap3A_3234 = arith.constant 12 : i32
        %swap3A_3235 = arith.index_cast %swap3A_3234 : i32 to index
        %swap3A_3236 = arith.index_cast %add3A_3222 : i32 to index
        %swap3A_3237 = tpu.vector_load %arg7[%swap3A_3235, %swap3A_3236] {strides = array<i32>} : memref<16x1024xf32, #tpu.memory_space<vmem>>, vector<1x16xf32>,
        %swap3A_3238 = vector.shape_cast %swap3A_3237 : vector<1x16xf32> to vector<16xf32>
        %swap3A_3239 = vector.shape_cast %get3A_3227 : vector<16xf32> to vector<1x16xf32>
        tpu.vector_store %arg7[%swap3A_3235, %swap3A_3236], %swap3A_3239 {add = true, strides = array<i32>} : memref<16x1024xf32, #tpu.memory_space<vmem>>, vector<1x16xf32>,
        %swap3A_3240 = arith.constant 12 : i32
        %swap3A_3241 = arith.index_cast %swap3A_3240 : i32 to index
        %swap3A_3242 = arith.index_cast %add3A_3222 : i32 to index
        %swap3A_3243 = tpu.vector_load %arg8[%swap3A_3241, %swap3A_3242] {strides = array<i32>} : memref<16x1024xf32, #tpu.memory_space<vmem>>, vector<1x16xf32>,
        %swap3A_3244 = vector.shape_cast %swap3A_3243 : vector<1x16xf32> to vector<16xf32>
        %swap3A_3245 = vector.shape_cast %get3A_3227 : vector<16xf32> to vector<1x16xf32>
        tpu.vector_store %arg8[%swap3A_3241, %swap3A_3242], %swap3A_3245 {add = true, strides = array<i32>} : memref<16x1024xf32, #tpu.memory_space<vmem>>, vector<1x16xf32>,
        %swap3A_3246 = arith.constant 12 : i32
        %swap3A_3247 = arith.index_cast %swap3A_3246 : i32 to index
        %swap3A_3248 = arith.index_cast %add3A_3222 : i32 to index
        %swap3A_3249 = tpu.vector_load %arg9[%swap3A_3247, %swap3A_3248] {strides = array<i32>} : memref<16x1024xf32, #tpu.memory_space<vmem>>, vector<1x16xf32>,
        %swap3A_3250 = vector.shape_cast %swap3A_3249 : vector<1x16xf32> to vector<16xf32>
        %swap3A_3251 = vector.shape_cast %get3A_3227 : vector<16xf32> to vector<1x16xf32>
        tpu.vector_store %arg9[%swap3A_3247, %swap3A_3248], %swap3A_3251 {add = true, strides = array<i32>} : memref<16x1024xf32, #tpu.memory_space<vmem>>, vector<1x16xf32>,
        %add3A_3252 = arith.constant 64 : i32
        %add3A_3253 = arith.addi %mul3A_153, %add3A_3252 : i32
        %get3A_3254 = arith.constant 12 : i32
        %get3A_3255 = arith.index_cast %get3A_3254 : i32 to index
        %get3A_3256 = arith.index_cast %add3A_3253 : i32 to index
        %get3A_3257 = tpu.vector_load %arg5[%get3A_3255, %get3A_3256] {strides = array<i32>} : memref<16x1024xf32, #tpu.memory_space<vmem>>, vector<1x16xf32>,
        %get3A_3258 = vector.shape_cast %get3A_3257 : vector<1x16xf32> to vector<16xf32>
        %swap3A_3259 = arith.constant 12 : i32
        %swap3A_3260 = arith.index_cast %swap3A_3259 : i32 to index
        %swap3A_3261 = arith.index_cast %add3A_3253 : i32 to index
        %swap3A_3262 = tpu.vector_load %arg6[%swap3A_3260, %swap3A_3261] {strides = array<i32>} : memref<16x1024xf32, #tpu.memory_space<vmem>>, vector<1x16xf32>,
        %swap3A_3263 = vector.shape_cast %swap3A_3262 : vector<1x16xf32> to vector<16xf32>
        %swap3A_3264 = vector.shape_cast %get3A_3258 : vector<16xf32> to vector<1x16xf32>
        tpu.vector_store %arg6[%swap3A_3260, %swap3A_3261], %swap3A_3264 {add = true, strides = array<i32>} : memref<16x1024xf32, #tpu.memory_space<vmem>>, vector<1x16xf32>,
        %swap3A_3265 = arith.constant 12 : i32
        %swap3A_3266 = arith.index_cast %swap3A_3265 : i32 to index
        %swap3A_3267 = arith.index_cast %add3A_3253 : i32 to index
        %swap3A_3268 = tpu.vector_load %arg7[%swap3A_3266, %swap3A_3267] {strides = array<i32>} : memref<16x1024xf32, #tpu.memory_space<vmem>>, vector<1x16xf32>,
        %swap3A_3269 = vector.shape_cast %swap3A_3268 : vector<1x16xf32> to vector<16xf32>
        %swap3A_3270 = vector.shape_cast %get3A_3258 : vector<16xf32> to vector<1x16xf32>
        tpu.vector_store %arg7[%swap3A_3266, %swap3A_3267], %swap3A_3270 {add = true, strides = array<i32>} : memref<16x1024xf32, #tpu.memory_space<vmem>>, vector<1x16xf32>,
        %swap3A_3271 = arith.constant 12 : i32
        %swap3A_3272 = arith.index_cast %swap3A_3271 : i32 to index
        %swap3A_3273 = arith.index_cast %add3A_3253 : i32 to index
        %swap3A_3274 = tpu.vector_load %arg8[%swap3A_3272, %swap3A_3273] {strides = array<i32>} : memref<16x1024xf32, #tpu.memory_space<vmem>>, vector<1x16xf32>,
        %swap3A_3275 = vector.shape_cast %swap3A_3274 : vector<1x16xf32> to vector<16xf32>
        %swap3A_3276 = vector.shape_cast %get3A_3258 : vector<16xf32> to vector<1x16xf32>
        tpu.vector_store %arg8[%swap3A_3272, %swap3A_3273], %swap3A_3276 {add = true, strides = array<i32>} : memref<16x1024xf32, #tpu.memory_space<vmem>>, vector<1x16xf32>,
        %swap3A_3277 = arith.constant 12 : i32
        %swap3A_3278 = arith.index_cast %swap3A_3277 : i32 to index
        %swap3A_3279 = arith.index_cast %add3A_3253 : i32 to index
        %swap3A_3280 = tpu.vector_load %arg9[%swap3A_3278, %swap3A_3279] {strides = array<i32>} : memref<16x1024xf32, #tpu.memory_space<vmem>>, vector<1x16xf32>,
        %swap3A_3281 = vector.shape_cast %swap3A_3280 : vector<1x16xf32> to vector<16xf32>
        %swap3A_3282 = vector.shape_cast %get3A_3258 : vector<16xf32> to vector<1x16xf32>
        tpu.vector_store %arg9[%swap3A_3278, %swap3A_3279], %swap3A_3282 {add = true, strides = array<i32>} : memref<16x1024xf32, #tpu.memory_space<vmem>>, vector<1x16xf32>,
        %add3A_3283 = arith.constant 80 : i32
        %add3A_3284 = arith.addi %mul3A_153, %add3A_3283 : i32
        %get3A_3285 = arith.constant 12 : i32
        %get3A_3286 = arith.index_cast %get3A_3285 : i32 to index
        %get3A_3287 = arith.index_cast %add3A_3284 : i32 to index
        %get3A_3288 = tpu.vector_load %arg5[%get3A_3286, %get3A_3287] {strides = array<i32>} : memref<16x1024xf32, #tpu.memory_space<vmem>>, vector<1x16xf32>,
        %get3A_3289 = vector.shape_cast %get3A_3288 : vector<1x16xf32> to vector<16xf32>
        %swap3A_3290 = arith.constant 12 : i32
        %swap3A_3291 = arith.index_cast %swap3A_3290 : i32 to index
        %swap3A_3292 = arith.index_cast %add3A_3284 : i32 to index
        %swap3A_3293 = tpu.vector_load %arg6[%swap3A_3291, %swap3A_3292] {strides = array<i32>} : memref<16x1024xf32, #tpu.memory_space<vmem>>, vector<1x16xf32>,
        %swap3A_3294 = vector.shape_cast %swap3A_3293 : vector<1x16xf32> to vector<16xf32>
        %swap3A_3295 = vector.shape_cast %get3A_3289 : vector<16xf32> to vector<1x16xf32>
        tpu.vector_store %arg6[%swap3A_3291, %swap3A_3292], %swap3A_3295 {add = true, strides = array<i32>} : memref<16x1024xf32, #tpu.memory_space<vmem>>, vector<1x16xf32>,
        %swap3A_3296 = arith.constant 12 : i32
        %swap3A_3297 = arith.index_cast %swap3A_3296 : i32 to index
        %swap3A_3298 = arith.index_cast %add3A_3284 : i32 to index
        %swap3A_3299 = tpu.vector_load %arg7[%swap3A_3297, %swap3A_3298] {strides = array<i32>} : memref<16x1024xf32, #tpu.memory_space<vmem>>, vector<1x16xf32>,
        %swap3A_3300 = vector.shape_cast %swap3A_3299 : vector<1x16xf32> to vector<16xf32>
        %swap3A_3301 = vector.shape_cast %get3A_3289 : vector<16xf32> to vector<1x16xf32>
        tpu.vector_store %arg7[%swap3A_3297, %swap3A_3298], %swap3A_3301 {add = true, strides = array<i32>} : memref<16x1024xf32, #tpu.memory_space<vmem>>, vector<1x16xf32>,
        %swap3A_3302 = arith.constant 12 : i32
        %swap3A_3303 = arith.index_cast %swap3A_3302 : i32 to index
        %swap3A_3304 = arith.index_cast %add3A_3284 : i32 to index
        %swap3A_3305 = tpu.vector_load %arg8[%swap3A_3303, %swap3A_3304] {strides = array<i32>} : memref<16x1024xf32, #tpu.memory_space<vmem>>, vector<1x16xf32>,
        %swap3A_3306 = vector.shape_cast %swap3A_3305 : vector<1x16xf32> to vector<16xf32>
        %swap3A_3307 = vector.shape_cast %get3A_3289 : vector<16xf32> to vector<1x16xf32>
        tpu.vector_store %arg8[%swap3A_3303, %swap3A_3304], %swap3A_3307 {add = true, strides = array<i32>} : memref<16x1024xf32, #tpu.memory_space<vmem>>, vector<1x16xf32>,
        %swap3A_3308 = arith.constant 12 : i32
        %swap3A_3309 = arith.index_cast %swap3A_3308 : i32 to index
        %swap3A_3310 = arith.index_cast %add3A_3284 : i32 to index
        %swap3A_3311 = tpu.vector_load %arg9[%swap3A_3309, %swap3A_3310] {strides = array<i32>} : memref<16x1024xf32, #tpu.memory_space<vmem>>, vector<1x16xf32>,
        %swap3A_3312 = vector.shape_cast %swap3A_3311 : vector<1x16xf32> to vector<16xf32>
        %swap3A_3313 = vector.shape_cast %get3A_3289 : vector<16xf32> to vector<1x16xf32>
        tpu.vector_store %arg9[%swap3A_3309, %swap3A_3310], %swap3A_3313 {add = true, strides = array<i32>} : memref<16x1024xf32, #tpu.memory_space<vmem>>, vector<1x16xf32>,
        %add3A_3314 = arith.constant 96 : i32
        %add3A_3315 = arith.addi %mul3A_153, %add3A_3314 : i32
        %get3A_3316 = arith.constant 12 : i32
        %get3A_3317 = arith.index_cast %get3A_3316 : i32 to index
        %get3A_3318 = arith.index_cast %add3A_3315 : i32 to index
        %get3A_3319 = tpu.vector_load %arg5[%get3A_3317, %get3A_3318] {strides = array<i32>} : memref<16x1024xf32, #tpu.memory_space<vmem>>, vector<1x16xf32>,
        %get3A_3320 = vector.shape_cast %get3A_3319 : vector<1x16xf32> to vector<16xf32>
        %swap3A_3321 = arith.constant 12 : i32
        %swap3A_3322 = arith.index_cast %swap3A_3321 : i32 to index
        %swap3A_3323 = arith.index_cast %add3A_3315 : i32 to index
        %swap3A_3324 = tpu.vector_load %arg6[%swap3A_3322, %swap3A_3323] {strides = array<i32>} : memref<16x1024xf32, #tpu.memory_space<vmem>>, vector<1x16xf32>,
        %swap3A_3325 = vector.shape_cast %swap3A_3324 : vector<1x16xf32> to vector<16xf32>
        %swap3A_3326 = vector.shape_cast %get3A_3320 : vector<16xf32> to vector<1x16xf32>
        tpu.vector_store %arg6[%swap3A_3322, %swap3A_3323], %swap3A_3326 {add = true, strides = array<i32>} : memref<16x1024xf32, #tpu.memory_space<vmem>>, vector<1x16xf32>,
        %swap3A_3327 = arith.constant 12 : i32
        %swap3A_3328 = arith.index_cast %swap3A_3327 : i32 to index
        %swap3A_3329 = arith.index_cast %add3A_3315 : i32 to index
        %swap3A_3330 = tpu.vector_load %arg7[%swap3A_3328, %swap3A_3329] {strides = array<i32>} : memref<16x1024xf32, #tpu.memory_space<vmem>>, vector<1x16xf32>,
        %swap3A_3331 = vector.shape_cast %swap3A_3330 : vector<1x16xf32> to vector<16xf32>
        %swap3A_3332 = vector.shape_cast %get3A_3320 : vector<16xf32> to vector<1x16xf32>
        tpu.vector_store %arg7[%swap3A_3328, %swap3A_3329], %swap3A_3332 {add = true, strides = array<i32>} : memref<16x1024xf32, #tpu.memory_space<vmem>>, vector<1x16xf32>,
        %swap3A_3333 = arith.constant 12 : i32
        %swap3A_3334 = arith.index_cast %swap3A_3333 : i32 to index
        %swap3A_3335 = arith.index_cast %add3A_3315 : i32 to index
        %swap3A_3336 = tpu.vector_load %arg8[%swap3A_3334, %swap3A_3335] {strides = array<i32>} : memref<16x1024xf32, #tpu.memory_space<vmem>>, vector<1x16xf32>,
        %swap3A_3337 = vector.shape_cast %swap3A_3336 : vector<1x16xf32> to vector<16xf32>
        %swap3A_3338 = vector.shape_cast %get3A_3320 : vector<16xf32> to vector<1x16xf32>
        tpu.vector_store %arg8[%swap3A_3334, %swap3A_3335], %swap3A_3338 {add = true, strides = array<i32>} : memref<16x1024xf32, #tpu.memory_space<vmem>>, vector<1x16xf32>,
        %swap3A_3339 = arith.constant 12 : i32
        %swap3A_3340 = arith.index_cast %swap3A_3339 : i32 to index
        %swap3A_3341 = arith.index_cast %add3A_3315 : i32 to index
        %swap3A_3342 = tpu.vector_load %arg9[%swap3A_3340, %swap3A_3341] {strides = array<i32>} : memref<16x1024xf32, #tpu.memory_space<vmem>>, vector<1x16xf32>,
        %swap3A_3343 = vector.shape_cast %swap3A_3342 : vector<1x16xf32> to vector<16xf32>
        %swap3A_3344 = vector.shape_cast %get3A_3320 : vector<16xf32> to vector<1x16xf32>
        tpu.vector_store %arg9[%swap3A_3340, %swap3A_3341], %swap3A_3344 {add = true, strides = array<i32>} : memref<16x1024xf32, #tpu.memory_space<vmem>>, vector<1x16xf32>,
        %add3A_3345 = arith.constant 112 : i32
        %add3A_3346 = arith.addi %mul3A_153, %add3A_3345 : i32
        %get3A_3347 = arith.constant 12 : i32
        %get3A_3348 = arith.index_cast %get3A_3347 : i32 to index
        %get3A_3349 = arith.index_cast %add3A_3346 : i32 to index
        %get3A_3350 = tpu.vector_load %arg5[%get3A_3348, %get3A_3349] {strides = array<i32>} : memref<16x1024xf32, #tpu.memory_space<vmem>>, vector<1x16xf32>,
        %get3A_3351 = vector.shape_cast %get3A_3350 : vector<1x16xf32> to vector<16xf32>
        %swap3A_3352 = arith.constant 12 : i32
        %swap3A_3353 = arith.index_cast %swap3A_3352 : i32 to index
        %swap3A_3354 = arith.index_cast %add3A_3346 : i32 to index
        %swap3A_3355 = tpu.vector_load %arg6[%swap3A_3353, %swap3A_3354] {strides = array<i32>} : memref<16x1024xf32, #tpu.memory_space<vmem>>, vector<1x16xf32>,
        %swap3A_3356 = vector.shape_cast %swap3A_3355 : vector<1x16xf32> to vector<16xf32>
        %swap3A_3357 = vector.shape_cast %get3A_3351 : vector<16xf32> to vector<1x16xf32>
        tpu.vector_store %arg6[%swap3A_3353, %swap3A_3354], %swap3A_3357 {add = true, strides = array<i32>} : memref<16x1024xf32, #tpu.memory_space<vmem>>, vector<1x16xf32>,
        %swap3A_3358 = arith.constant 12 : i32
        %swap3A_3359 = arith.index_cast %swap3A_3358 : i32 to index
        %swap3A_3360 = arith.index_cast %add3A_3346 : i32 to index
        %swap3A_3361 = tpu.vector_load %arg7[%swap3A_3359, %swap3A_3360] {strides = array<i32>} : memref<16x1024xf32, #tpu.memory_space<vmem>>, vector<1x16xf32>,
        %swap3A_3362 = vector.shape_cast %swap3A_3361 : vector<1x16xf32> to vector<16xf32>
        %swap3A_3363 = vector.shape_cast %get3A_3351 : vector<16xf32> to vector<1x16xf32>
        tpu.vector_store %arg7[%swap3A_3359, %swap3A_3360], %swap3A_3363 {add = true, strides = array<i32>} : memref<16x1024xf32, #tpu.memory_space<vmem>>, vector<1x16xf32>,
        %swap3A_3364 = arith.constant 12 : i32
        %swap3A_3365 = arith.index_cast %swap3A_3364 : i32 to index
        %swap3A_3366 = arith.index_cast %add3A_3346 : i32 to index
        %swap3A_3367 = tpu.vector_load %arg8[%swap3A_3365, %swap3A_3366] {strides = array<i32>} : memref<16x1024xf32, #tpu.memory_space<vmem>>, vector<1x16xf32>,
        %swap3A_3368 = vector.shape_cast %swap3A_3367 : vector<1x16xf32> to vector<16xf32>
        %swap3A_3369 = vector.shape_cast %get3A_3351 : vector<16xf32> to vector<1x16xf32>
        tpu.vector_store %arg8[%swap3A_3365, %swap3A_3366], %swap3A_3369 {add = true, strides = array<i32>} : memref<16x1024xf32, #tpu.memory_space<vmem>>, vector<1x16xf32>,
        %swap3A_3370 = arith.constant 12 : i32
        %swap3A_3371 = arith.index_cast %swap3A_3370 : i32 to index
        %swap3A_3372 = arith.index_cast %add3A_3346 : i32 to index
        %swap3A_3373 = tpu.vector_load %arg9[%swap3A_3371, %swap3A_3372] {strides = array<i32>} : memref<16x1024xf32, #tpu.memory_space<vmem>>, vector<1x16xf32>,
        %swap3A_3374 = vector.shape_cast %swap3A_3373 : vector<1x16xf32> to vector<16xf32>
        %swap3A_3375 = vector.shape_cast %get3A_3351 : vector<16xf32> to vector<1x16xf32>
        tpu.vector_store %arg9[%swap3A_3371, %swap3A_3372], %swap3A_3375 {add = true, strides = array<i32>} : memref<16x1024xf32, #tpu.memory_space<vmem>>, vector<1x16xf32>,
        %add3A_3376 = arith.constant 0 : i32
        %add3A_3377 = arith.addi %mul3A_153, %add3A_3376 : i32
        %get3A_3378 = arith.constant 13 : i32
        %get3A_3379 = arith.index_cast %get3A_3378 : i32 to index
        %get3A_3380 = arith.index_cast %add3A_3377 : i32 to index
        %get3A_3381 = tpu.vector_load %arg5[%get3A_3379, %get3A_3380] {strides = array<i32>} : memref<16x1024xf32, #tpu.memory_space<vmem>>, vector<1x16xf32>,
        %get3A_3382 = vector.shape_cast %get3A_3381 : vector<1x16xf32> to vector<16xf32>
        %swap3A_3383 = arith.constant 13 : i32
        %swap3A_3384 = arith.index_cast %swap3A_3383 : i32 to index
        %swap3A_3385 = arith.index_cast %add3A_3377 : i32 to index
        %swap3A_3386 = tpu.vector_load %arg6[%swap3A_3384, %swap3A_3385] {strides = array<i32>} : memref<16x1024xf32, #tpu.memory_space<vmem>>, vector<1x16xf32>,
        %swap3A_3387 = vector.shape_cast %swap3A_3386 : vector<1x16xf32> to vector<16xf32>
        %swap3A_3388 = vector.shape_cast %get3A_3382 : vector<16xf32> to vector<1x16xf32>
        tpu.vector_store %arg6[%swap3A_3384, %swap3A_3385], %swap3A_3388 {add = true, strides = array<i32>} : memref<16x1024xf32, #tpu.memory_space<vmem>>, vector<1x16xf32>,
        %swap3A_3389 = arith.constant 13 : i32
        %swap3A_3390 = arith.index_cast %swap3A_3389 : i32 to index
        %swap3A_3391 = arith.index_cast %add3A_3377 : i32 to index
        %swap3A_3392 = tpu.vector_load %arg7[%swap3A_3390, %swap3A_3391] {strides = array<i32>} : memref<16x1024xf32, #tpu.memory_space<vmem>>, vector<1x16xf32>,
        %swap3A_3393 = vector.shape_cast %swap3A_3392 : vector<1x16xf32> to vector<16xf32>
        %swap3A_3394 = vector.shape_cast %get3A_3382 : vector<16xf32> to vector<1x16xf32>
        tpu.vector_store %arg7[%swap3A_3390, %swap3A_3391], %swap3A_3394 {add = true, strides = array<i32>} : memref<16x1024xf32, #tpu.memory_space<vmem>>, vector<1x16xf32>,
        %swap3A_3395 = arith.constant 13 : i32
        %swap3A_3396 = arith.index_cast %swap3A_3395 : i32 to index
        %swap3A_3397 = arith.index_cast %add3A_3377 : i32 to index
        %swap3A_3398 = tpu.vector_load %arg8[%swap3A_3396, %swap3A_3397] {strides = array<i32>} : memref<16x1024xf32, #tpu.memory_space<vmem>>, vector<1x16xf32>,
        %swap3A_3399 = vector.shape_cast %swap3A_3398 : vector<1x16xf32> to vector<16xf32>
        %swap3A_3400 = vector.shape_cast %get3A_3382 : vector<16xf32> to vector<1x16xf32>
        tpu.vector_store %arg8[%swap3A_3396, %swap3A_3397], %swap3A_3400 {add = true, strides = array<i32>} : memref<16x1024xf32, #tpu.memory_space<vmem>>, vector<1x16xf32>,
        %swap3A_3401 = arith.constant 13 : i32
        %swap3A_3402 = arith.index_cast %swap3A_3401 : i32 to index
        %swap3A_3403 = arith.index_cast %add3A_3377 : i32 to index
        %swap3A_3404 = tpu.vector_load %arg9[%swap3A_3402, %swap3A_3403] {strides = array<i32>} : memref<16x1024xf32, #tpu.memory_space<vmem>>, vector<1x16xf32>,
        %swap3A_3405 = vector.shape_cast %swap3A_3404 : vector<1x16xf32> to vector<16xf32>
        %swap3A_3406 = vector.shape_cast %get3A_3382 : vector<16xf32> to vector<1x16xf32>
        tpu.vector_store %arg9[%swap3A_3402, %swap3A_3403], %swap3A_3406 {add = true, strides = array<i32>} : memref<16x1024xf32, #tpu.memory_space<vmem>>, vector<1x16xf32>,
        %add3A_3407 = arith.constant 16 : i32
        %add3A_3408 = arith.addi %mul3A_153, %add3A_3407 : i32
        %get3A_3409 = arith.constant 13 : i32
        %get3A_3410 = arith.index_cast %get3A_3409 : i32 to index
        %get3A_3411 = arith.index_cast %add3A_3408 : i32 to index
        %get3A_3412 = tpu.vector_load %arg5[%get3A_3410, %get3A_3411] {strides = array<i32>} : memref<16x1024xf32, #tpu.memory_space<vmem>>, vector<1x16xf32>,
        %get3A_3413 = vector.shape_cast %get3A_3412 : vector<1x16xf32> to vector<16xf32>
        %swap3A_3414 = arith.constant 13 : i32
        %swap3A_3415 = arith.index_cast %swap3A_3414 : i32 to index
        %swap3A_3416 = arith.index_cast %add3A_3408 : i32 to index
        %swap3A_3417 = tpu.vector_load %arg6[%swap3A_3415, %swap3A_3416] {strides = array<i32>} : memref<16x1024xf32, #tpu.memory_space<vmem>>, vector<1x16xf32>,
        %swap3A_3418 = vector.shape_cast %swap3A_3417 : vector<1x16xf32> to vector<16xf32>
        %swap3A_3419 = vector.shape_cast %get3A_3413 : vector<16xf32> to vector<1x16xf32>
        tpu.vector_store %arg6[%swap3A_3415, %swap3A_3416], %swap3A_3419 {add = true, strides = array<i32>} : memref<16x1024xf32, #tpu.memory_space<vmem>>, vector<1x16xf32>,
        %swap3A_3420 = arith.constant 13 : i32
        %swap3A_3421 = arith.index_cast %swap3A_3420 : i32 to index
        %swap3A_3422 = arith.index_cast %add3A_3408 : i32 to index
        %swap3A_3423 = tpu.vector_load %arg7[%swap3A_3421, %swap3A_3422] {strides = array<i32>} : memref<16x1024xf32, #tpu.memory_space<vmem>>, vector<1x16xf32>,
        %swap3A_3424 = vector.shape_cast %swap3A_3423 : vector<1x16xf32> to vector<16xf32>
        %swap3A_3425 = vector.shape_cast %get3A_3413 : vector<16xf32> to vector<1x16xf32>
        tpu.vector_store %arg7[%swap3A_3421, %swap3A_3422], %swap3A_3425 {add = true, strides = array<i32>} : memref<16x1024xf32, #tpu.memory_space<vmem>>, vector<1x16xf32>,
        %swap3A_3426 = arith.constant 13 : i32
        %swap3A_3427 = arith.index_cast %swap3A_3426 : i32 to index
        %swap3A_3428 = arith.index_cast %add3A_3408 : i32 to index
        %swap3A_3429 = tpu.vector_load %arg8[%swap3A_3427, %swap3A_3428] {strides = array<i32>} : memref<16x1024xf32, #tpu.memory_space<vmem>>, vector<1x16xf32>,
        %swap3A_3430 = vector.shape_cast %swap3A_3429 : vector<1x16xf32> to vector<16xf32>
        %swap3A_3431 = vector.shape_cast %get3A_3413 : vector<16xf32> to vector<1x16xf32>
        tpu.vector_store %arg8[%swap3A_3427, %swap3A_3428], %swap3A_3431 {add = true, strides = array<i32>} : memref<16x1024xf32, #tpu.memory_space<vmem>>, vector<1x16xf32>,
        %swap3A_3432 = arith.constant 13 : i32
        %swap3A_3433 = arith.index_cast %swap3A_3432 : i32 to index
        %swap3A_3434 = arith.index_cast %add3A_3408 : i32 to index
        %swap3A_3435 = tpu.vector_load %arg9[%swap3A_3433, %swap3A_3434] {strides = array<i32>} : memref<16x1024xf32, #tpu.memory_space<vmem>>, vector<1x16xf32>,
        %swap3A_3436 = vector.shape_cast %swap3A_3435 : vector<1x16xf32> to vector<16xf32>
        %swap3A_3437 = vector.shape_cast %get3A_3413 : vector<16xf32> to vector<1x16xf32>
        tpu.vector_store %arg9[%swap3A_3433, %swap3A_3434], %swap3A_3437 {add = true, strides = array<i32>} : memref<16x1024xf32, #tpu.memory_space<vmem>>, vector<1x16xf32>,
        %add3A_3438 = arith.constant 32 : i32
        %add3A_3439 = arith.addi %mul3A_153, %add3A_3438 : i32
        %get3A_3440 = arith.constant 13 : i32
        %get3A_3441 = arith.index_cast %get3A_3440 : i32 to index
        %get3A_3442 = arith.index_cast %add3A_3439 : i32 to index
        %get3A_3443 = tpu.vector_load %arg5[%get3A_3441, %get3A_3442] {strides = array<i32>} : memref<16x1024xf32, #tpu.memory_space<vmem>>, vector<1x16xf32>,
        %get3A_3444 = vector.shape_cast %get3A_3443 : vector<1x16xf32> to vector<16xf32>
        %swap3A_3445 = arith.constant 13 : i32
        %swap3A_3446 = arith.index_cast %swap3A_3445 : i32 to index
        %swap3A_3447 = arith.index_cast %add3A_3439 : i32 to index
        %swap3A_3448 = tpu.vector_load %arg6[%swap3A_3446, %swap3A_3447] {strides = array<i32>} : memref<16x1024xf32, #tpu.memory_space<vmem>>, vector<1x16xf32>,
        %swap3A_3449 = vector.shape_cast %swap3A_3448 : vector<1x16xf32> to vector<16xf32>
        %swap3A_3450 = vector.shape_cast %get3A_3444 : vector<16xf32> to vector<1x16xf32>
        tpu.vector_store %arg6[%swap3A_3446, %swap3A_3447], %swap3A_3450 {add = true, strides = array<i32>} : memref<16x1024xf32, #tpu.memory_space<vmem>>, vector<1x16xf32>,
        %swap3A_3451 = arith.constant 13 : i32
        %swap3A_3452 = arith.index_cast %swap3A_3451 : i32 to index
        %swap3A_3453 = arith.index_cast %add3A_3439 : i32 to index
        %swap3A_3454 = tpu.vector_load %arg7[%swap3A_3452, %swap3A_3453] {strides = array<i32>} : memref<16x1024xf32, #tpu.memory_space<vmem>>, vector<1x16xf32>,
        %swap3A_3455 = vector.shape_cast %swap3A_3454 : vector<1x16xf32> to vector<16xf32>
        %swap3A_3456 = vector.shape_cast %get3A_3444 : vector<16xf32> to vector<1x16xf32>
        tpu.vector_store %arg7[%swap3A_3452, %swap3A_3453], %swap3A_3456 {add = true, strides = array<i32>} : memref<16x1024xf32, #tpu.memory_space<vmem>>, vector<1x16xf32>,
        %swap3A_3457 = arith.constant 13 : i32
        %swap3A_3458 = arith.index_cast %swap3A_3457 : i32 to index
        %swap3A_3459 = arith.index_cast %add3A_3439 : i32 to index
        %swap3A_3460 = tpu.vector_load %arg8[%swap3A_3458, %swap3A_3459] {strides = array<i32>} : memref<16x1024xf32, #tpu.memory_space<vmem>>, vector<1x16xf32>,
        %swap3A_3461 = vector.shape_cast %swap3A_3460 : vector<1x16xf32> to vector<16xf32>
        %swap3A_3462 = vector.shape_cast %get3A_3444 : vector<16xf32> to vector<1x16xf32>
        tpu.vector_store %arg8[%swap3A_3458, %swap3A_3459], %swap3A_3462 {add = true, strides = array<i32>} : memref<16x1024xf32, #tpu.memory_space<vmem>>, vector<1x16xf32>,
        %swap3A_3463 = arith.constant 13 : i32
        %swap3A_3464 = arith.index_cast %swap3A_3463 : i32 to index
        %swap3A_3465 = arith.index_cast %add3A_3439 : i32 to index
        %swap3A_3466 = tpu.vector_load %arg9[%swap3A_3464, %swap3A_3465] {strides = array<i32>} : memref<16x1024xf32, #tpu.memory_space<vmem>>, vector<1x16xf32>,
        %swap3A_3467 = vector.shape_cast %swap3A_3466 : vector<1x16xf32> to vector<16xf32>
        %swap3A_3468 = vector.shape_cast %get3A_3444 : vector<16xf32> to vector<1x16xf32>
        tpu.vector_store %arg9[%swap3A_3464, %swap3A_3465], %swap3A_3468 {add = true, strides = array<i32>} : memref<16x1024xf32, #tpu.memory_space<vmem>>, vector<1x16xf32>,
        %add3A_3469 = arith.constant 48 : i32
        %add3A_3470 = arith.addi %mul3A_153, %add3A_3469 : i32
        %get3A_3471 = arith.constant 13 : i32
        %get3A_3472 = arith.index_cast %get3A_3471 : i32 to index
        %get3A_3473 = arith.index_cast %add3A_3470 : i32 to index
        %get3A_3474 = tpu.vector_load %arg5[%get3A_3472, %get3A_3473] {strides = array<i32>} : memref<16x1024xf32, #tpu.memory_space<vmem>>, vector<1x16xf32>,
        %get3A_3475 = vector.shape_cast %get3A_3474 : vector<1x16xf32> to vector<16xf32>
        %swap3A_3476 = arith.constant 13 : i32
        %swap3A_3477 = arith.index_cast %swap3A_3476 : i32 to index
        %swap3A_3478 = arith.index_cast %add3A_3470 : i32 to index
        %swap3A_3479 = tpu.vector_load %arg6[%swap3A_3477, %swap3A_3478] {strides = array<i32>} : memref<16x1024xf32, #tpu.memory_space<vmem>>, vector<1x16xf32>,
        %swap3A_3480 = vector.shape_cast %swap3A_3479 : vector<1x16xf32> to vector<16xf32>
        %swap3A_3481 = vector.shape_cast %get3A_3475 : vector<16xf32> to vector<1x16xf32>
        tpu.vector_store %arg6[%swap3A_3477, %swap3A_3478], %swap3A_3481 {add = true, strides = array<i32>} : memref<16x1024xf32, #tpu.memory_space<vmem>>, vector<1x16xf32>,
        %swap3A_3482 = arith.constant 13 : i32
        %swap3A_3483 = arith.index_cast %swap3A_3482 : i32 to index
        %swap3A_3484 = arith.index_cast %add3A_3470 : i32 to index
        %swap3A_3485 = tpu.vector_load %arg7[%swap3A_3483, %swap3A_3484] {strides = array<i32>} : memref<16x1024xf32, #tpu.memory_space<vmem>>, vector<1x16xf32>,
        %swap3A_3486 = vector.shape_cast %swap3A_3485 : vector<1x16xf32> to vector<16xf32>
        %swap3A_3487 = vector.shape_cast %get3A_3475 : vector<16xf32> to vector<1x16xf32>
        tpu.vector_store %arg7[%swap3A_3483, %swap3A_3484], %swap3A_3487 {add = true, strides = array<i32>} : memref<16x1024xf32, #tpu.memory_space<vmem>>, vector<1x16xf32>,
        %swap3A_3488 = arith.constant 13 : i32
        %swap3A_3489 = arith.index_cast %swap3A_3488 : i32 to index
        %swap3A_3490 = arith.index_cast %add3A_3470 : i32 to index
        %swap3A_3491 = tpu.vector_load %arg8[%swap3A_3489, %swap3A_3490] {strides = array<i32>} : memref<16x1024xf32, #tpu.memory_space<vmem>>, vector<1x16xf32>,
        %swap3A_3492 = vector.shape_cast %swap3A_3491 : vector<1x16xf32> to vector<16xf32>
        %swap3A_3493 = vector.shape_cast %get3A_3475 : vector<16xf32> to vector<1x16xf32>
        tpu.vector_store %arg8[%swap3A_3489, %swap3A_3490], %swap3A_3493 {add = true, strides = array<i32>} : memref<16x1024xf32, #tpu.memory_space<vmem>>, vector<1x16xf32>,
        %swap3A_3494 = arith.constant 13 : i32
        %swap3A_3495 = arith.index_cast %swap3A_3494 : i32 to index
        %swap3A_3496 = arith.index_cast %add3A_3470 : i32 to index
        %swap3A_3497 = tpu.vector_load %arg9[%swap3A_3495, %swap3A_3496] {strides = array<i32>} : memref<16x1024xf32, #tpu.memory_space<vmem>>, vector<1x16xf32>,
        %swap3A_3498 = vector.shape_cast %swap3A_3497 : vector<1x16xf32> to vector<16xf32>
        %swap3A_3499 = vector.shape_cast %get3A_3475 : vector<16xf32> to vector<1x16xf32>
        tpu.vector_store %arg9[%swap3A_3495, %swap3A_3496], %swap3A_3499 {add = true, strides = array<i32>} : memref<16x1024xf32, #tpu.memory_space<vmem>>, vector<1x16xf32>,
        %add3A_3500 = arith.constant 64 : i32
        %add3A_3501 = arith.addi %mul3A_153, %add3A_3500 : i32
        %get3A_3502 = arith.constant 13 : i32
        %get3A_3503 = arith.index_cast %get3A_3502 : i32 to index
        %get3A_3504 = arith.index_cast %add3A_3501 : i32 to index
        %get3A_3505 = tpu.vector_load %arg5[%get3A_3503, %get3A_3504] {strides = array<i32>} : memref<16x1024xf32, #tpu.memory_space<vmem>>, vector<1x16xf32>,
        %get3A_3506 = vector.shape_cast %get3A_3505 : vector<1x16xf32> to vector<16xf32>
        %swap3A_3507 = arith.constant 13 : i32
        %swap3A_3508 = arith.index_cast %swap3A_3507 : i32 to index
        %swap3A_3509 = arith.index_cast %add3A_3501 : i32 to index
        %swap3A_3510 = tpu.vector_load %arg6[%swap3A_3508, %swap3A_3509] {strides = array<i32>} : memref<16x1024xf32, #tpu.memory_space<vmem>>, vector<1x16xf32>,
        %swap3A_3511 = vector.shape_cast %swap3A_3510 : vector<1x16xf32> to vector<16xf32>
        %swap3A_3512 = vector.shape_cast %get3A_3506 : vector<16xf32> to vector<1x16xf32>
        tpu.vector_store %arg6[%swap3A_3508, %swap3A_3509], %swap3A_3512 {add = true, strides = array<i32>} : memref<16x1024xf32, #tpu.memory_space<vmem>>, vector<1x16xf32>,
        %swap3A_3513 = arith.constant 13 : i32
        %swap3A_3514 = arith.index_cast %swap3A_3513 : i32 to index
        %swap3A_3515 = arith.index_cast %add3A_3501 : i32 to index
        %swap3A_3516 = tpu.vector_load %arg7[%swap3A_3514, %swap3A_3515] {strides = array<i32>} : memref<16x1024xf32, #tpu.memory_space<vmem>>, vector<1x16xf32>,
        %swap3A_3517 = vector.shape_cast %swap3A_3516 : vector<1x16xf32> to vector<16xf32>
        %swap3A_3518 = vector.shape_cast %get3A_3506 : vector<16xf32> to vector<1x16xf32>
        tpu.vector_store %arg7[%swap3A_3514, %swap3A_3515], %swap3A_3518 {add = true, strides = array<i32>} : memref<16x1024xf32, #tpu.memory_space<vmem>>, vector<1x16xf32>,
        %swap3A_3519 = arith.constant 13 : i32
        %swap3A_3520 = arith.index_cast %swap3A_3519 : i32 to index
        %swap3A_3521 = arith.index_cast %add3A_3501 : i32 to index
        %swap3A_3522 = tpu.vector_load %arg8[%swap3A_3520, %swap3A_3521] {strides = array<i32>} : memref<16x1024xf32, #tpu.memory_space<vmem>>, vector<1x16xf32>,
        %swap3A_3523 = vector.shape_cast %swap3A_3522 : vector<1x16xf32> to vector<16xf32>
        %swap3A_3524 = vector.shape_cast %get3A_3506 : vector<16xf32> to vector<1x16xf32>
        tpu.vector_store %arg8[%swap3A_3520, %swap3A_3521], %swap3A_3524 {add = true, strides = array<i32>} : memref<16x1024xf32, #tpu.memory_space<vmem>>, vector<1x16xf32>,
        %swap3A_3525 = arith.constant 13 : i32
        %swap3A_3526 = arith.index_cast %swap3A_3525 : i32 to index
        %swap3A_3527 = arith.index_cast %add3A_3501 : i32 to index
        %swap3A_3528 = tpu.vector_load %arg9[%swap3A_3526, %swap3A_3527] {strides = array<i32>} : memref<16x1024xf32, #tpu.memory_space<vmem>>, vector<1x16xf32>,
        %swap3A_3529 = vector.shape_cast %swap3A_3528 : vector<1x16xf32> to vector<16xf32>
        %swap3A_3530 = vector.shape_cast %get3A_3506 : vector<16xf32> to vector<1x16xf32>
        tpu.vector_store %arg9[%swap3A_3526, %swap3A_3527], %swap3A_3530 {add = true, strides = array<i32>} : memref<16x1024xf32, #tpu.memory_space<vmem>>, vector<1x16xf32>,
        %add3A_3531 = arith.constant 80 : i32
        %add3A_3532 = arith.addi %mul3A_153, %add3A_3531 : i32
        %get3A_3533 = arith.constant 13 : i32
        %get3A_3534 = arith.index_cast %get3A_3533 : i32 to index
        %get3A_3535 = arith.index_cast %add3A_3532 : i32 to index
        %get3A_3536 = tpu.vector_load %arg5[%get3A_3534, %get3A_3535] {strides = array<i32>} : memref<16x1024xf32, #tpu.memory_space<vmem>>, vector<1x16xf32>,
        %get3A_3537 = vector.shape_cast %get3A_3536 : vector<1x16xf32> to vector<16xf32>
        %swap3A_3538 = arith.constant 13 : i32
        %swap3A_3539 = arith.index_cast %swap3A_3538 : i32 to index
        %swap3A_3540 = arith.index_cast %add3A_3532 : i32 to index
        %swap3A_3541 = tpu.vector_load %arg6[%swap3A_3539, %swap3A_3540] {strides = array<i32>} : memref<16x1024xf32, #tpu.memory_space<vmem>>, vector<1x16xf32>,
        %swap3A_3542 = vector.shape_cast %swap3A_3541 : vector<1x16xf32> to vector<16xf32>
        %swap3A_3543 = vector.shape_cast %get3A_3537 : vector<16xf32> to vector<1x16xf32>
        tpu.vector_store %arg6[%swap3A_3539, %swap3A_3540], %swap3A_3543 {add = true, strides = array<i32>} : memref<16x1024xf32, #tpu.memory_space<vmem>>, vector<1x16xf32>,
        %swap3A_3544 = arith.constant 13 : i32
        %swap3A_3545 = arith.index_cast %swap3A_3544 : i32 to index
        %swap3A_3546 = arith.index_cast %add3A_3532 : i32 to index
        %swap3A_3547 = tpu.vector_load %arg7[%swap3A_3545, %swap3A_3546] {strides = array<i32>} : memref<16x1024xf32, #tpu.memory_space<vmem>>, vector<1x16xf32>,
        %swap3A_3548 = vector.shape_cast %swap3A_3547 : vector<1x16xf32> to vector<16xf32>
        %swap3A_3549 = vector.shape_cast %get3A_3537 : vector<16xf32> to vector<1x16xf32>
        tpu.vector_store %arg7[%swap3A_3545, %swap3A_3546], %swap3A_3549 {add = true, strides = array<i32>} : memref<16x1024xf32, #tpu.memory_space<vmem>>, vector<1x16xf32>,
        %swap3A_3550 = arith.constant 13 : i32
        %swap3A_3551 = arith.index_cast %swap3A_3550 : i32 to index
        %swap3A_3552 = arith.index_cast %add3A_3532 : i32 to index
        %swap3A_3553 = tpu.vector_load %arg8[%swap3A_3551, %swap3A_3552] {strides = array<i32>} : memref<16x1024xf32, #tpu.memory_space<vmem>>, vector<1x16xf32>,
        %swap3A_3554 = vector.shape_cast %swap3A_3553 : vector<1x16xf32> to vector<16xf32>
        %swap3A_3555 = vector.shape_cast %get3A_3537 : vector<16xf32> to vector<1x16xf32>
        tpu.vector_store %arg8[%swap3A_3551, %swap3A_3552], %swap3A_3555 {add = true, strides = array<i32>} : memref<16x1024xf32, #tpu.memory_space<vmem>>, vector<1x16xf32>,
        %swap3A_3556 = arith.constant 13 : i32
        %swap3A_3557 = arith.index_cast %swap3A_3556 : i32 to index
        %swap3A_3558 = arith.index_cast %add3A_3532 : i32 to index
        %swap3A_3559 = tpu.vector_load %arg9[%swap3A_3557, %swap3A_3558] {strides = array<i32>} : memref<16x1024xf32, #tpu.memory_space<vmem>>, vector<1x16xf32>,
        %swap3A_3560 = vector.shape_cast %swap3A_3559 : vector<1x16xf32> to vector<16xf32>
        %swap3A_3561 = vector.shape_cast %get3A_3537 : vector<16xf32> to vector<1x16xf32>
        tpu.vector_store %arg9[%swap3A_3557, %swap3A_3558], %swap3A_3561 {add = true, strides = array<i32>} : memref<16x1024xf32, #tpu.memory_space<vmem>>, vector<1x16xf32>,
        %add3A_3562 = arith.constant 96 : i32
        %add3A_3563 = arith.addi %mul3A_153, %add3A_3562 : i32
        %get3A_3564 = arith.constant 13 : i32
        %get3A_3565 = arith.index_cast %get3A_3564 : i32 to index
        %get3A_3566 = arith.index_cast %add3A_3563 : i32 to index
        %get3A_3567 = tpu.vector_load %arg5[%get3A_3565, %get3A_3566] {strides = array<i32>} : memref<16x1024xf32, #tpu.memory_space<vmem>>, vector<1x16xf32>,
        %get3A_3568 = vector.shape_cast %get3A_3567 : vector<1x16xf32> to vector<16xf32>
        %swap3A_3569 = arith.constant 13 : i32
        %swap3A_3570 = arith.index_cast %swap3A_3569 : i32 to index
        %swap3A_3571 = arith.index_cast %add3A_3563 : i32 to index
        %swap3A_3572 = tpu.vector_load %arg6[%swap3A_3570, %swap3A_3571] {strides = array<i32>} : memref<16x1024xf32, #tpu.memory_space<vmem>>, vector<1x16xf32>,
        %swap3A_3573 = vector.shape_cast %swap3A_3572 : vector<1x16xf32> to vector<16xf32>
        %swap3A_3574 = vector.shape_cast %get3A_3568 : vector<16xf32> to vector<1x16xf32>
        tpu.vector_store %arg6[%swap3A_3570, %swap3A_3571], %swap3A_3574 {add = true, strides = array<i32>} : memref<16x1024xf32, #tpu.memory_space<vmem>>, vector<1x16xf32>,
        %swap3A_3575 = arith.constant 13 : i32
        %swap3A_3576 = arith.index_cast %swap3A_3575 : i32 to index
        %swap3A_3577 = arith.index_cast %add3A_3563 : i32 to index
        %swap3A_3578 = tpu.vector_load %arg7[%swap3A_3576, %swap3A_3577] {strides = array<i32>} : memref<16x1024xf32, #tpu.memory_space<vmem>>, vector<1x16xf32>,
        %swap3A_3579 = vector.shape_cast %swap3A_3578 : vector<1x16xf32> to vector<16xf32>
        %swap3A_3580 = vector.shape_cast %get3A_3568 : vector<16xf32> to vector<1x16xf32>
        tpu.vector_store %arg7[%swap3A_3576, %swap3A_3577], %swap3A_3580 {add = true, strides = array<i32>} : memref<16x1024xf32, #tpu.memory_space<vmem>>, vector<1x16xf32>,
        %swap3A_3581 = arith.constant 13 : i32
        %swap3A_3582 = arith.index_cast %swap3A_3581 : i32 to index
        %swap3A_3583 = arith.index_cast %add3A_3563 : i32 to index
        %swap3A_3584 = tpu.vector_load %arg8[%swap3A_3582, %swap3A_3583] {strides = array<i32>} : memref<16x1024xf32, #tpu.memory_space<vmem>>, vector<1x16xf32>,
        %swap3A_3585 = vector.shape_cast %swap3A_3584 : vector<1x16xf32> to vector<16xf32>
        %swap3A_3586 = vector.shape_cast %get3A_3568 : vector<16xf32> to vector<1x16xf32>
        tpu.vector_store %arg8[%swap3A_3582, %swap3A_3583], %swap3A_3586 {add = true, strides = array<i32>} : memref<16x1024xf32, #tpu.memory_space<vmem>>, vector<1x16xf32>,
        %swap3A_3587 = arith.constant 13 : i32
        %swap3A_3588 = arith.index_cast %swap3A_3587 : i32 to index
        %swap3A_3589 = arith.index_cast %add3A_3563 : i32 to index
        %swap3A_3590 = tpu.vector_load %arg9[%swap3A_3588, %swap3A_3589] {strides = array<i32>} : memref<16x1024xf32, #tpu.memory_space<vmem>>, vector<1x16xf32>,
        %swap3A_3591 = vector.shape_cast %swap3A_3590 : vector<1x16xf32> to vector<16xf32>
        %swap3A_3592 = vector.shape_cast %get3A_3568 : vector<16xf32> to vector<1x16xf32>
        tpu.vector_store %arg9[%swap3A_3588, %swap3A_3589], %swap3A_3592 {add = true, strides = array<i32>} : memref<16x1024xf32, #tpu.memory_space<vmem>>, vector<1x16xf32>,
        %add3A_3593 = arith.constant 112 : i32
        %add3A_3594 = arith.addi %mul3A_153, %add3A_3593 : i32
        %get3A_3595 = arith.constant 13 : i32
        %get3A_3596 = arith.index_cast %get3A_3595 : i32 to index
        %get3A_3597 = arith.index_cast %add3A_3594 : i32 to index
        %get3A_3598 = tpu.vector_load %arg5[%get3A_3596, %get3A_3597] {strides = array<i32>} : memref<16x1024xf32, #tpu.memory_space<vmem>>, vector<1x16xf32>,
        %get3A_3599 = vector.shape_cast %get3A_3598 : vector<1x16xf32> to vector<16xf32>
        %swap3A_3600 = arith.constant 13 : i32
        %swap3A_3601 = arith.index_cast %swap3A_3600 : i32 to index
        %swap3A_3602 = arith.index_cast %add3A_3594 : i32 to index
        %swap3A_3603 = tpu.vector_load %arg6[%swap3A_3601, %swap3A_3602] {strides = array<i32>} : memref<16x1024xf32, #tpu.memory_space<vmem>>, vector<1x16xf32>,
        %swap3A_3604 = vector.shape_cast %swap3A_3603 : vector<1x16xf32> to vector<16xf32>
        %swap3A_3605 = vector.shape_cast %get3A_3599 : vector<16xf32> to vector<1x16xf32>
        tpu.vector_store %arg6[%swap3A_3601, %swap3A_3602], %swap3A_3605 {add = true, strides = array<i32>} : memref<16x1024xf32, #tpu.memory_space<vmem>>, vector<1x16xf32>,
        %swap3A_3606 = arith.constant 13 : i32
        %swap3A_3607 = arith.index_cast %swap3A_3606 : i32 to index
        %swap3A_3608 = arith.index_cast %add3A_3594 : i32 to index
        %swap3A_3609 = tpu.vector_load %arg7[%swap3A_3607, %swap3A_3608] {strides = array<i32>} : memref<16x1024xf32, #tpu.memory_space<vmem>>, vector<1x16xf32>,
        %swap3A_3610 = vector.shape_cast %swap3A_3609 : vector<1x16xf32> to vector<16xf32>
        %swap3A_3611 = vector.shape_cast %get3A_3599 : vector<16xf32> to vector<1x16xf32>
        tpu.vector_store %arg7[%swap3A_3607, %swap3A_3608], %swap3A_3611 {add = true, strides = array<i32>} : memref<16x1024xf32, #tpu.memory_space<vmem>>, vector<1x16xf32>,
        %swap3A_3612 = arith.constant 13 : i32
        %swap3A_3613 = arith.index_cast %swap3A_3612 : i32 to index
        %swap3A_3614 = arith.index_cast %add3A_3594 : i32 to index
        %swap3A_3615 = tpu.vector_load %arg8[%swap3A_3613, %swap3A_3614] {strides = array<i32>} : memref<16x1024xf32, #tpu.memory_space<vmem>>, vector<1x16xf32>,
        %swap3A_3616 = vector.shape_cast %swap3A_3615 : vector<1x16xf32> to vector<16xf32>
        %swap3A_3617 = vector.shape_cast %get3A_3599 : vector<16xf32> to vector<1x16xf32>
        tpu.vector_store %arg8[%swap3A_3613, %swap3A_3614], %swap3A_3617 {add = true, strides = array<i32>} : memref<16x1024xf32, #tpu.memory_space<vmem>>, vector<1x16xf32>,
        %swap3A_3618 = arith.constant 13 : i32
        %swap3A_3619 = arith.index_cast %swap3A_3618 : i32 to index
        %swap3A_3620 = arith.index_cast %add3A_3594 : i32 to index
        %swap3A_3621 = tpu.vector_load %arg9[%swap3A_3619, %swap3A_3620] {strides = array<i32>} : memref<16x1024xf32, #tpu.memory_space<vmem>>, vector<1x16xf32>,
        %swap3A_3622 = vector.shape_cast %swap3A_3621 : vector<1x16xf32> to vector<16xf32>
        %swap3A_3623 = vector.shape_cast %get3A_3599 : vector<16xf32> to vector<1x16xf32>
        tpu.vector_store %arg9[%swap3A_3619, %swap3A_3620], %swap3A_3623 {add = true, strides = array<i32>} : memref<16x1024xf32, #tpu.memory_space<vmem>>, vector<1x16xf32>,
        %add3A_3624 = arith.constant 0 : i32
        %add3A_3625 = arith.addi %mul3A_153, %add3A_3624 : i32
        %get3A_3626 = arith.constant 14 : i32
        %get3A_3627 = arith.index_cast %get3A_3626 : i32 to index
        %get3A_3628 = arith.index_cast %add3A_3625 : i32 to index
        %get3A_3629 = tpu.vector_load %arg5[%get3A_3627, %get3A_3628] {strides = array<i32>} : memref<16x1024xf32, #tpu.memory_space<vmem>>, vector<1x16xf32>,
        %get3A_3630 = vector.shape_cast %get3A_3629 : vector<1x16xf32> to vector<16xf32>
        %swap3A_3631 = arith.constant 14 : i32
        %swap3A_3632 = arith.index_cast %swap3A_3631 : i32 to index
        %swap3A_3633 = arith.index_cast %add3A_3625 : i32 to index
        %swap3A_3634 = tpu.vector_load %arg6[%swap3A_3632, %swap3A_3633] {strides = array<i32>} : memref<16x1024xf32, #tpu.memory_space<vmem>>, vector<1x16xf32>,
        %swap3A_3635 = vector.shape_cast %swap3A_3634 : vector<1x16xf32> to vector<16xf32>
        %swap3A_3636 = vector.shape_cast %get3A_3630 : vector<16xf32> to vector<1x16xf32>
        tpu.vector_store %arg6[%swap3A_3632, %swap3A_3633], %swap3A_3636 {add = true, strides = array<i32>} : memref<16x1024xf32, #tpu.memory_space<vmem>>, vector<1x16xf32>,
        %swap3A_3637 = arith.constant 14 : i32
        %swap3A_3638 = arith.index_cast %swap3A_3637 : i32 to index
        %swap3A_3639 = arith.index_cast %add3A_3625 : i32 to index
        %swap3A_3640 = tpu.vector_load %arg7[%swap3A_3638, %swap3A_3639] {strides = array<i32>} : memref<16x1024xf32, #tpu.memory_space<vmem>>, vector<1x16xf32>,
        %swap3A_3641 = vector.shape_cast %swap3A_3640 : vector<1x16xf32> to vector<16xf32>
        %swap3A_3642 = vector.shape_cast %get3A_3630 : vector<16xf32> to vector<1x16xf32>
        tpu.vector_store %arg7[%swap3A_3638, %swap3A_3639], %swap3A_3642 {add = true, strides = array<i32>} : memref<16x1024xf32, #tpu.memory_space<vmem>>, vector<1x16xf32>,
        %swap3A_3643 = arith.constant 14 : i32
        %swap3A_3644 = arith.index_cast %swap3A_3643 : i32 to index
        %swap3A_3645 = arith.index_cast %add3A_3625 : i32 to index
        %swap3A_3646 = tpu.vector_load %arg8[%swap3A_3644, %swap3A_3645] {strides = array<i32>} : memref<16x1024xf32, #tpu.memory_space<vmem>>, vector<1x16xf32>,
        %swap3A_3647 = vector.shape_cast %swap3A_3646 : vector<1x16xf32> to vector<16xf32>
        %swap3A_3648 = vector.shape_cast %get3A_3630 : vector<16xf32> to vector<1x16xf32>
        tpu.vector_store %arg8[%swap3A_3644, %swap3A_3645], %swap3A_3648 {add = true, strides = array<i32>} : memref<16x1024xf32, #tpu.memory_space<vmem>>, vector<1x16xf32>,
        %swap3A_3649 = arith.constant 14 : i32
        %swap3A_3650 = arith.index_cast %swap3A_3649 : i32 to index
        %swap3A_3651 = arith.index_cast %add3A_3625 : i32 to index
        %swap3A_3652 = tpu.vector_load %arg9[%swap3A_3650, %swap3A_3651] {strides = array<i32>} : memref<16x1024xf32, #tpu.memory_space<vmem>>, vector<1x16xf32>,
        %swap3A_3653 = vector.shape_cast %swap3A_3652 : vector<1x16xf32> to vector<16xf32>
        %swap3A_3654 = vector.shape_cast %get3A_3630 : vector<16xf32> to vector<1x16xf32>
        tpu.vector_store %arg9[%swap3A_3650, %swap3A_3651], %swap3A_3654 {add = true, strides = array<i32>} : memref<16x1024xf32, #tpu.memory_space<vmem>>, vector<1x16xf32>,
        %add3A_3655 = arith.constant 16 : i32
        %add3A_3656 = arith.addi %mul3A_153, %add3A_3655 : i32
        %get3A_3657 = arith.constant 14 : i32
        %get3A_3658 = arith.index_cast %get3A_3657 : i32 to index
        %get3A_3659 = arith.index_cast %add3A_3656 : i32 to index
        %get3A_3660 = tpu.vector_load %arg5[%get3A_3658, %get3A_3659] {strides = array<i32>} : memref<16x1024xf32, #tpu.memory_space<vmem>>, vector<1x16xf32>,
        %get3A_3661 = vector.shape_cast %get3A_3660 : vector<1x16xf32> to vector<16xf32>
        %swap3A_3662 = arith.constant 14 : i32
        %swap3A_3663 = arith.index_cast %swap3A_3662 : i32 to index
        %swap3A_3664 = arith.index_cast %add3A_3656 : i32 to index
        %swap3A_3665 = tpu.vector_load %arg6[%swap3A_3663, %swap3A_3664] {strides = array<i32>} : memref<16x1024xf32, #tpu.memory_space<vmem>>, vector<1x16xf32>,
        %swap3A_3666 = vector.shape_cast %swap3A_3665 : vector<1x16xf32> to vector<16xf32>
        %swap3A_3667 = vector.shape_cast %get3A_3661 : vector<16xf32> to vector<1x16xf32>
        tpu.vector_store %arg6[%swap3A_3663, %swap3A_3664], %swap3A_3667 {add = true, strides = array<i32>} : memref<16x1024xf32, #tpu.memory_space<vmem>>, vector<1x16xf32>,
        %swap3A_3668 = arith.constant 14 : i32
        %swap3A_3669 = arith.index_cast %swap3A_3668 : i32 to index
        %swap3A_3670 = arith.index_cast %add3A_3656 : i32 to index
        %swap3A_3671 = tpu.vector_load %arg7[%swap3A_3669, %swap3A_3670] {strides = array<i32>} : memref<16x1024xf32, #tpu.memory_space<vmem>>, vector<1x16xf32>,
        %swap3A_3672 = vector.shape_cast %swap3A_3671 : vector<1x16xf32> to vector<16xf32>
        %swap3A_3673 = vector.shape_cast %get3A_3661 : vector<16xf32> to vector<1x16xf32>
        tpu.vector_store %arg7[%swap3A_3669, %swap3A_3670], %swap3A_3673 {add = true, strides = array<i32>} : memref<16x1024xf32, #tpu.memory_space<vmem>>, vector<1x16xf32>,
        %swap3A_3674 = arith.constant 14 : i32
        %swap3A_3675 = arith.index_cast %swap3A_3674 : i32 to index
        %swap3A_3676 = arith.index_cast %add3A_3656 : i32 to index
        %swap3A_3677 = tpu.vector_load %arg8[%swap3A_3675, %swap3A_3676] {strides = array<i32>} : memref<16x1024xf32, #tpu.memory_space<vmem>>, vector<1x16xf32>,
        %swap3A_3678 = vector.shape_cast %swap3A_3677 : vector<1x16xf32> to vector<16xf32>
        %swap3A_3679 = vector.shape_cast %get3A_3661 : vector<16xf32> to vector<1x16xf32>
        tpu.vector_store %arg8[%swap3A_3675, %swap3A_3676], %swap3A_3679 {add = true, strides = array<i32>} : memref<16x1024xf32, #tpu.memory_space<vmem>>, vector<1x16xf32>,
        %swap3A_3680 = arith.constant 14 : i32
        %swap3A_3681 = arith.index_cast %swap3A_3680 : i32 to index
        %swap3A_3682 = arith.index_cast %add3A_3656 : i32 to index
        %swap3A_3683 = tpu.vector_load %arg9[%swap3A_3681, %swap3A_3682] {strides = array<i32>} : memref<16x1024xf32, #tpu.memory_space<vmem>>, vector<1x16xf32>,
        %swap3A_3684 = vector.shape_cast %swap3A_3683 : vector<1x16xf32> to vector<16xf32>
        %swap3A_3685 = vector.shape_cast %get3A_3661 : vector<16xf32> to vector<1x16xf32>
        tpu.vector_store %arg9[%swap3A_3681, %swap3A_3682], %swap3A_3685 {add = true, strides = array<i32>} : memref<16x1024xf32, #tpu.memory_space<vmem>>, vector<1x16xf32>,
        %add3A_3686 = arith.constant 32 : i32
        %add3A_3687 = arith.addi %mul3A_153, %add3A_3686 : i32
        %get3A_3688 = arith.constant 14 : i32
        %get3A_3689 = arith.index_cast %get3A_3688 : i32 to index
        %get3A_3690 = arith.index_cast %add3A_3687 : i32 to index
        %get3A_3691 = tpu.vector_load %arg5[%get3A_3689, %get3A_3690] {strides = array<i32>} : memref<16x1024xf32, #tpu.memory_space<vmem>>, vector<1x16xf32>,
        %get3A_3692 = vector.shape_cast %get3A_3691 : vector<1x16xf32> to vector<16xf32>
        %swap3A_3693 = arith.constant 14 : i32
        %swap3A_3694 = arith.index_cast %swap3A_3693 : i32 to index
        %swap3A_3695 = arith.index_cast %add3A_3687 : i32 to index
        %swap3A_3696 = tpu.vector_load %arg6[%swap3A_3694, %swap3A_3695] {strides = array<i32>} : memref<16x1024xf32, #tpu.memory_space<vmem>>, vector<1x16xf32>,
        %swap3A_3697 = vector.shape_cast %swap3A_3696 : vector<1x16xf32> to vector<16xf32>
        %swap3A_3698 = vector.shape_cast %get3A_3692 : vector<16xf32> to vector<1x16xf32>
        tpu.vector_store %arg6[%swap3A_3694, %swap3A_3695], %swap3A_3698 {add = true, strides = array<i32>} : memref<16x1024xf32, #tpu.memory_space<vmem>>, vector<1x16xf32>,
        %swap3A_3699 = arith.constant 14 : i32
        %swap3A_3700 = arith.index_cast %swap3A_3699 : i32 to index
        %swap3A_3701 = arith.index_cast %add3A_3687 : i32 to index
        %swap3A_3702 = tpu.vector_load %arg7[%swap3A_3700, %swap3A_3701] {strides = array<i32>} : memref<16x1024xf32, #tpu.memory_space<vmem>>, vector<1x16xf32>,
        %swap3A_3703 = vector.shape_cast %swap3A_3702 : vector<1x16xf32> to vector<16xf32>
        %swap3A_3704 = vector.shape_cast %get3A_3692 : vector<16xf32> to vector<1x16xf32>
        tpu.vector_store %arg7[%swap3A_3700, %swap3A_3701], %swap3A_3704 {add = true, strides = array<i32>} : memref<16x1024xf32, #tpu.memory_space<vmem>>, vector<1x16xf32>,
        %swap3A_3705 = arith.constant 14 : i32
        %swap3A_3706 = arith.index_cast %swap3A_3705 : i32 to index
        %swap3A_3707 = arith.index_cast %add3A_3687 : i32 to index
        %swap3A_3708 = tpu.vector_load %arg8[%swap3A_3706, %swap3A_3707] {strides = array<i32>} : memref<16x1024xf32, #tpu.memory_space<vmem>>, vector<1x16xf32>,
        %swap3A_3709 = vector.shape_cast %swap3A_3708 : vector<1x16xf32> to vector<16xf32>
        %swap3A_3710 = vector.shape_cast %get3A_3692 : vector<16xf32> to vector<1x16xf32>
        tpu.vector_store %arg8[%swap3A_3706, %swap3A_3707], %swap3A_3710 {add = true, strides = array<i32>} : memref<16x1024xf32, #tpu.memory_space<vmem>>, vector<1x16xf32>,
        %swap3A_3711 = arith.constant 14 : i32
        %swap3A_3712 = arith.index_cast %swap3A_3711 : i32 to index
        %swap3A_3713 = arith.index_cast %add3A_3687 : i32 to index
        %swap3A_3714 = tpu.vector_load %arg9[%swap3A_3712, %swap3A_3713] {strides = array<i32>} : memref<16x1024xf32, #tpu.memory_space<vmem>>, vector<1x16xf32>,
        %swap3A_3715 = vector.shape_cast %swap3A_3714 : vector<1x16xf32> to vector<16xf32>
        %swap3A_3716 = vector.shape_cast %get3A_3692 : vector<16xf32> to vector<1x16xf32>
        tpu.vector_store %arg9[%swap3A_3712, %swap3A_3713], %swap3A_3716 {add = true, strides = array<i32>} : memref<16x1024xf32, #tpu.memory_space<vmem>>, vector<1x16xf32>,
        %add3A_3717 = arith.constant 48 : i32
        %add3A_3718 = arith.addi %mul3A_153, %add3A_3717 : i32
        %get3A_3719 = arith.constant 14 : i32
        %get3A_3720 = arith.index_cast %get3A_3719 : i32 to index
        %get3A_3721 = arith.index_cast %add3A_3718 : i32 to index
        %get3A_3722 = tpu.vector_load %arg5[%get3A_3720, %get3A_3721] {strides = array<i32>} : memref<16x1024xf32, #tpu.memory_space<vmem>>, vector<1x16xf32>,
        %get3A_3723 = vector.shape_cast %get3A_3722 : vector<1x16xf32> to vector<16xf32>
        %swap3A_3724 = arith.constant 14 : i32
        %swap3A_3725 = arith.index_cast %swap3A_3724 : i32 to index
        %swap3A_3726 = arith.index_cast %add3A_3718 : i32 to index
        %swap3A_3727 = tpu.vector_load %arg6[%swap3A_3725, %swap3A_3726] {strides = array<i32>} : memref<16x1024xf32, #tpu.memory_space<vmem>>, vector<1x16xf32>,
        %swap3A_3728 = vector.shape_cast %swap3A_3727 : vector<1x16xf32> to vector<16xf32>
        %swap3A_3729 = vector.shape_cast %get3A_3723 : vector<16xf32> to vector<1x16xf32>
        tpu.vector_store %arg6[%swap3A_3725, %swap3A_3726], %swap3A_3729 {add = true, strides = array<i32>} : memref<16x1024xf32, #tpu.memory_space<vmem>>, vector<1x16xf32>,
        %swap3A_3730 = arith.constant 14 : i32
        %swap3A_3731 = arith.index_cast %swap3A_3730 : i32 to index
        %swap3A_3732 = arith.index_cast %add3A_3718 : i32 to index
        %swap3A_3733 = tpu.vector_load %arg7[%swap3A_3731, %swap3A_3732] {strides = array<i32>} : memref<16x1024xf32, #tpu.memory_space<vmem>>, vector<1x16xf32>,
        %swap3A_3734 = vector.shape_cast %swap3A_3733 : vector<1x16xf32> to vector<16xf32>
        %swap3A_3735 = vector.shape_cast %get3A_3723 : vector<16xf32> to vector<1x16xf32>
        tpu.vector_store %arg7[%swap3A_3731, %swap3A_3732], %swap3A_3735 {add = true, strides = array<i32>} : memref<16x1024xf32, #tpu.memory_space<vmem>>, vector<1x16xf32>,
        %swap3A_3736 = arith.constant 14 : i32
        %swap3A_3737 = arith.index_cast %swap3A_3736 : i32 to index
        %swap3A_3738 = arith.index_cast %add3A_3718 : i32 to index
        %swap3A_3739 = tpu.vector_load %arg8[%swap3A_3737, %swap3A_3738] {strides = array<i32>} : memref<16x1024xf32, #tpu.memory_space<vmem>>, vector<1x16xf32>,
        %swap3A_3740 = vector.shape_cast %swap3A_3739 : vector<1x16xf32> to vector<16xf32>
        %swap3A_3741 = vector.shape_cast %get3A_3723 : vector<16xf32> to vector<1x16xf32>
        tpu.vector_store %arg8[%swap3A_3737, %swap3A_3738], %swap3A_3741 {add = true, strides = array<i32>} : memref<16x1024xf32, #tpu.memory_space<vmem>>, vector<1x16xf32>,
        %swap3A_3742 = arith.constant 14 : i32
        %swap3A_3743 = arith.index_cast %swap3A_3742 : i32 to index
        %swap3A_3744 = arith.index_cast %add3A_3718 : i32 to index
        %swap3A_3745 = tpu.vector_load %arg9[%swap3A_3743, %swap3A_3744] {strides = array<i32>} : memref<16x1024xf32, #tpu.memory_space<vmem>>, vector<1x16xf32>,
        %swap3A_3746 = vector.shape_cast %swap3A_3745 : vector<1x16xf32> to vector<16xf32>
        %swap3A_3747 = vector.shape_cast %get3A_3723 : vector<16xf32> to vector<1x16xf32>
        tpu.vector_store %arg9[%swap3A_3743, %swap3A_3744], %swap3A_3747 {add = true, strides = array<i32>} : memref<16x1024xf32, #tpu.memory_space<vmem>>, vector<1x16xf32>,
        %add3A_3748 = arith.constant 64 : i32
        %add3A_3749 = arith.addi %mul3A_153, %add3A_3748 : i32
        %get3A_3750 = arith.constant 14 : i32
        %get3A_3751 = arith.index_cast %get3A_3750 : i32 to index
        %get3A_3752 = arith.index_cast %add3A_3749 : i32 to index
        %get3A_3753 = tpu.vector_load %arg5[%get3A_3751, %get3A_3752] {strides = array<i32>} : memref<16x1024xf32, #tpu.memory_space<vmem>>, vector<1x16xf32>,
        %get3A_3754 = vector.shape_cast %get3A_3753 : vector<1x16xf32> to vector<16xf32>
        %swap3A_3755 = arith.constant 14 : i32
        %swap3A_3756 = arith.index_cast %swap3A_3755 : i32 to index
        %swap3A_3757 = arith.index_cast %add3A_3749 : i32 to index
        %swap3A_3758 = tpu.vector_load %arg6[%swap3A_3756, %swap3A_3757] {strides = array<i32>} : memref<16x1024xf32, #tpu.memory_space<vmem>>, vector<1x16xf32>,
        %swap3A_3759 = vector.shape_cast %swap3A_3758 : vector<1x16xf32> to vector<16xf32>
        %swap3A_3760 = vector.shape_cast %get3A_3754 : vector<16xf32> to vector<1x16xf32>
        tpu.vector_store %arg6[%swap3A_3756, %swap3A_3757], %swap3A_3760 {add = true, strides = array<i32>} : memref<16x1024xf32, #tpu.memory_space<vmem>>, vector<1x16xf32>,
        %swap3A_3761 = arith.constant 14 : i32
        %swap3A_3762 = arith.index_cast %swap3A_3761 : i32 to index
        %swap3A_3763 = arith.index_cast %add3A_3749 : i32 to index
        %swap3A_3764 = tpu.vector_load %arg7[%swap3A_3762, %swap3A_3763] {strides = array<i32>} : memref<16x1024xf32, #tpu.memory_space<vmem>>, vector<1x16xf32>,
        %swap3A_3765 = vector.shape_cast %swap3A_3764 : vector<1x16xf32> to vector<16xf32>
        %swap3A_3766 = vector.shape_cast %get3A_3754 : vector<16xf32> to vector<1x16xf32>
        tpu.vector_store %arg7[%swap3A_3762, %swap3A_3763], %swap3A_3766 {add = true, strides = array<i32>} : memref<16x1024xf32, #tpu.memory_space<vmem>>, vector<1x16xf32>,
        %swap3A_3767 = arith.constant 14 : i32
        %swap3A_3768 = arith.index_cast %swap3A_3767 : i32 to index
        %swap3A_3769 = arith.index_cast %add3A_3749 : i32 to index
        %swap3A_3770 = tpu.vector_load %arg8[%swap3A_3768, %swap3A_3769] {strides = array<i32>} : memref<16x1024xf32, #tpu.memory_space<vmem>>, vector<1x16xf32>,
        %swap3A_3771 = vector.shape_cast %swap3A_3770 : vector<1x16xf32> to vector<16xf32>
        %swap3A_3772 = vector.shape_cast %get3A_3754 : vector<16xf32> to vector<1x16xf32>
        tpu.vector_store %arg8[%swap3A_3768, %swap3A_3769], %swap3A_3772 {add = true, strides = array<i32>} : memref<16x1024xf32, #tpu.memory_space<vmem>>, vector<1x16xf32>,
        %swap3A_3773 = arith.constant 14 : i32
        %swap3A_3774 = arith.index_cast %swap3A_3773 : i32 to index
        %swap3A_3775 = arith.index_cast %add3A_3749 : i32 to index
        %swap3A_3776 = tpu.vector_load %arg9[%swap3A_3774, %swap3A_3775] {strides = array<i32>} : memref<16x1024xf32, #tpu.memory_space<vmem>>, vector<1x16xf32>,
        %swap3A_3777 = vector.shape_cast %swap3A_3776 : vector<1x16xf32> to vector<16xf32>
        %swap3A_3778 = vector.shape_cast %get3A_3754 : vector<16xf32> to vector<1x16xf32>
        tpu.vector_store %arg9[%swap3A_3774, %swap3A_3775], %swap3A_3778 {add = true, strides = array<i32>} : memref<16x1024xf32, #tpu.memory_space<vmem>>, vector<1x16xf32>,
        %add3A_3779 = arith.constant 80 : i32
        %add3A_3780 = arith.addi %mul3A_153, %add3A_3779 : i32
        %get3A_3781 = arith.constant 14 : i32
        %get3A_3782 = arith.index_cast %get3A_3781 : i32 to index
        %get3A_3783 = arith.index_cast %add3A_3780 : i32 to index
        %get3A_3784 = tpu.vector_load %arg5[%get3A_3782, %get3A_3783] {strides = array<i32>} : memref<16x1024xf32, #tpu.memory_space<vmem>>, vector<1x16xf32>,
        %get3A_3785 = vector.shape_cast %get3A_3784 : vector<1x16xf32> to vector<16xf32>
        %swap3A_3786 = arith.constant 14 : i32
        %swap3A_3787 = arith.index_cast %swap3A_3786 : i32 to index
        %swap3A_3788 = arith.index_cast %add3A_3780 : i32 to index
        %swap3A_3789 = tpu.vector_load %arg6[%swap3A_3787, %swap3A_3788] {strides = array<i32>} : memref<16x1024xf32, #tpu.memory_space<vmem>>, vector<1x16xf32>,
        %swap3A_3790 = vector.shape_cast %swap3A_3789 : vector<1x16xf32> to vector<16xf32>
        %swap3A_3791 = vector.shape_cast %get3A_3785 : vector<16xf32> to vector<1x16xf32>
        tpu.vector_store %arg6[%swap3A_3787, %swap3A_3788], %swap3A_3791 {add = true, strides = array<i32>} : memref<16x1024xf32, #tpu.memory_space<vmem>>, vector<1x16xf32>,
        %swap3A_3792 = arith.constant 14 : i32
        %swap3A_3793 = arith.index_cast %swap3A_3792 : i32 to index
        %swap3A_3794 = arith.index_cast %add3A_3780 : i32 to index
        %swap3A_3795 = tpu.vector_load %arg7[%swap3A_3793, %swap3A_3794] {strides = array<i32>} : memref<16x1024xf32, #tpu.memory_space<vmem>>, vector<1x16xf32>,
        %swap3A_3796 = vector.shape_cast %swap3A_3795 : vector<1x16xf32> to vector<16xf32>
        %swap3A_3797 = vector.shape_cast %get3A_3785 : vector<16xf32> to vector<1x16xf32>
        tpu.vector_store %arg7[%swap3A_3793, %swap3A_3794], %swap3A_3797 {add = true, strides = array<i32>} : memref<16x1024xf32, #tpu.memory_space<vmem>>, vector<1x16xf32>,
        %swap3A_3798 = arith.constant 14 : i32
        %swap3A_3799 = arith.index_cast %swap3A_3798 : i32 to index
        %swap3A_3800 = arith.index_cast %add3A_3780 : i32 to index
        %swap3A_3801 = tpu.vector_load %arg8[%swap3A_3799, %swap3A_3800] {strides = array<i32>} : memref<16x1024xf32, #tpu.memory_space<vmem>>, vector<1x16xf32>,
        %swap3A_3802 = vector.shape_cast %swap3A_3801 : vector<1x16xf32> to vector<16xf32>
        %swap3A_3803 = vector.shape_cast %get3A_3785 : vector<16xf32> to vector<1x16xf32>
        tpu.vector_store %arg8[%swap3A_3799, %swap3A_3800], %swap3A_3803 {add = true, strides = array<i32>} : memref<16x1024xf32, #tpu.memory_space<vmem>>, vector<1x16xf32>,
        %swap3A_3804 = arith.constant 14 : i32
        %swap3A_3805 = arith.index_cast %swap3A_3804 : i32 to index
        %swap3A_3806 = arith.index_cast %add3A_3780 : i32 to index
        %swap3A_3807 = tpu.vector_load %arg9[%swap3A_3805, %swap3A_3806] {strides = array<i32>} : memref<16x1024xf32, #tpu.memory_space<vmem>>, vector<1x16xf32>,
        %swap3A_3808 = vector.shape_cast %swap3A_3807 : vector<1x16xf32> to vector<16xf32>
        %swap3A_3809 = vector.shape_cast %get3A_3785 : vector<16xf32> to vector<1x16xf32>
        tpu.vector_store %arg9[%swap3A_3805, %swap3A_3806], %swap3A_3809 {add = true, strides = array<i32>} : memref<16x1024xf32, #tpu.memory_space<vmem>>, vector<1x16xf32>,
        %add3A_3810 = arith.constant 96 : i32
        %add3A_3811 = arith.addi %mul3A_153, %add3A_3810 : i32
        %get3A_3812 = arith.constant 14 : i32
        %get3A_3813 = arith.index_cast %get3A_3812 : i32 to index
        %get3A_3814 = arith.index_cast %add3A_3811 : i32 to index
        %get3A_3815 = tpu.vector_load %arg5[%get3A_3813, %get3A_3814] {strides = array<i32>} : memref<16x1024xf32, #tpu.memory_space<vmem>>, vector<1x16xf32>,
        %get3A_3816 = vector.shape_cast %get3A_3815 : vector<1x16xf32> to vector<16xf32>
        %swap3A_3817 = arith.constant 14 : i32
        %swap3A_3818 = arith.index_cast %swap3A_3817 : i32 to index
        %swap3A_3819 = arith.index_cast %add3A_3811 : i32 to index
        %swap3A_3820 = tpu.vector_load %arg6[%swap3A_3818, %swap3A_3819] {strides = array<i32>} : memref<16x1024xf32, #tpu.memory_space<vmem>>, vector<1x16xf32>,
        %swap3A_3821 = vector.shape_cast %swap3A_3820 : vector<1x16xf32> to vector<16xf32>
        %swap3A_3822 = vector.shape_cast %get3A_3816 : vector<16xf32> to vector<1x16xf32>
        tpu.vector_store %arg6[%swap3A_3818, %swap3A_3819], %swap3A_3822 {add = true, strides = array<i32>} : memref<16x1024xf32, #tpu.memory_space<vmem>>, vector<1x16xf32>,
        %swap3A_3823 = arith.constant 14 : i32
        %swap3A_3824 = arith.index_cast %swap3A_3823 : i32 to index
        %swap3A_3825 = arith.index_cast %add3A_3811 : i32 to index
        %swap3A_3826 = tpu.vector_load %arg7[%swap3A_3824, %swap3A_3825] {strides = array<i32>} : memref<16x1024xf32, #tpu.memory_space<vmem>>, vector<1x16xf32>,
        %swap3A_3827 = vector.shape_cast %swap3A_3826 : vector<1x16xf32> to vector<16xf32>
        %swap3A_3828 = vector.shape_cast %get3A_3816 : vector<16xf32> to vector<1x16xf32>
        tpu.vector_store %arg7[%swap3A_3824, %swap3A_3825], %swap3A_3828 {add = true, strides = array<i32>} : memref<16x1024xf32, #tpu.memory_space<vmem>>, vector<1x16xf32>,
        %swap3A_3829 = arith.constant 14 : i32
        %swap3A_3830 = arith.index_cast %swap3A_3829 : i32 to index
        %swap3A_3831 = arith.index_cast %add3A_3811 : i32 to index
        %swap3A_3832 = tpu.vector_load %arg8[%swap3A_3830, %swap3A_3831] {strides = array<i32>} : memref<16x1024xf32, #tpu.memory_space<vmem>>, vector<1x16xf32>,
        %swap3A_3833 = vector.shape_cast %swap3A_3832 : vector<1x16xf32> to vector<16xf32>
        %swap3A_3834 = vector.shape_cast %get3A_3816 : vector<16xf32> to vector<1x16xf32>
        tpu.vector_store %arg8[%swap3A_3830, %swap3A_3831], %swap3A_3834 {add = true, strides = array<i32>} : memref<16x1024xf32, #tpu.memory_space<vmem>>, vector<1x16xf32>,
        %swap3A_3835 = arith.constant 14 : i32
        %swap3A_3836 = arith.index_cast %swap3A_3835 : i32 to index
        %swap3A_3837 = arith.index_cast %add3A_3811 : i32 to index
        %swap3A_3838 = tpu.vector_load %arg9[%swap3A_3836, %swap3A_3837] {strides = array<i32>} : memref<16x1024xf32, #tpu.memory_space<vmem>>, vector<1x16xf32>,
        %swap3A_3839 = vector.shape_cast %swap3A_3838 : vector<1x16xf32> to vector<16xf32>
        %swap3A_3840 = vector.shape_cast %get3A_3816 : vector<16xf32> to vector<1x16xf32>
        tpu.vector_store %arg9[%swap3A_3836, %swap3A_3837], %swap3A_3840 {add = true, strides = array<i32>} : memref<16x1024xf32, #tpu.memory_space<vmem>>, vector<1x16xf32>,
        %add3A_3841 = arith.constant 112 : i32
        %add3A_3842 = arith.addi %mul3A_153, %add3A_3841 : i32
        %get3A_3843 = arith.constant 14 : i32
        %get3A_3844 = arith.index_cast %get3A_3843 : i32 to index
        %get3A_3845 = arith.index_cast %add3A_3842 : i32 to index
        %get3A_3846 = tpu.vector_load %arg5[%get3A_3844, %get3A_3845] {strides = array<i32>} : memref<16x1024xf32, #tpu.memory_space<vmem>>, vector<1x16xf32>,
        %get3A_3847 = vector.shape_cast %get3A_3846 : vector<1x16xf32> to vector<16xf32>
        %swap3A_3848 = arith.constant 14 : i32
        %swap3A_3849 = arith.index_cast %swap3A_3848 : i32 to index
        %swap3A_3850 = arith.index_cast %add3A_3842 : i32 to index
        %swap3A_3851 = tpu.vector_load %arg6[%swap3A_3849, %swap3A_3850] {strides = array<i32>} : memref<16x1024xf32, #tpu.memory_space<vmem>>, vector<1x16xf32>,
        %swap3A_3852 = vector.shape_cast %swap3A_3851 : vector<1x16xf32> to vector<16xf32>
        %swap3A_3853 = vector.shape_cast %get3A_3847 : vector<16xf32> to vector<1x16xf32>
        tpu.vector_store %arg6[%swap3A_3849, %swap3A_3850], %swap3A_3853 {add = true, strides = array<i32>} : memref<16x1024xf32, #tpu.memory_space<vmem>>, vector<1x16xf32>,
        %swap3A_3854 = arith.constant 14 : i32
        %swap3A_3855 = arith.index_cast %swap3A_3854 : i32 to index
        %swap3A_3856 = arith.index_cast %add3A_3842 : i32 to index
        %swap3A_3857 = tpu.vector_load %arg7[%swap3A_3855, %swap3A_3856] {strides = array<i32>} : memref<16x1024xf32, #tpu.memory_space<vmem>>, vector<1x16xf32>,
        %swap3A_3858 = vector.shape_cast %swap3A_3857 : vector<1x16xf32> to vector<16xf32>
        %swap3A_3859 = vector.shape_cast %get3A_3847 : vector<16xf32> to vector<1x16xf32>
        tpu.vector_store %arg7[%swap3A_3855, %swap3A_3856], %swap3A_3859 {add = true, strides = array<i32>} : memref<16x1024xf32, #tpu.memory_space<vmem>>, vector<1x16xf32>,
        %swap3A_3860 = arith.constant 14 : i32
        %swap3A_3861 = arith.index_cast %swap3A_3860 : i32 to index
        %swap3A_3862 = arith.index_cast %add3A_3842 : i32 to index
        %swap3A_3863 = tpu.vector_load %arg8[%swap3A_3861, %swap3A_3862] {strides = array<i32>} : memref<16x1024xf32, #tpu.memory_space<vmem>>, vector<1x16xf32>,
        %swap3A_3864 = vector.shape_cast %swap3A_3863 : vector<1x16xf32> to vector<16xf32>
        %swap3A_3865 = vector.shape_cast %get3A_3847 : vector<16xf32> to vector<1x16xf32>
        tpu.vector_store %arg8[%swap3A_3861, %swap3A_3862], %swap3A_3865 {add = true, strides = array<i32>} : memref<16x1024xf32, #tpu.memory_space<vmem>>, vector<1x16xf32>,
        %swap3A_3866 = arith.constant 14 : i32
        %swap3A_3867 = arith.index_cast %swap3A_3866 : i32 to index
        %swap3A_3868 = arith.index_cast %add3A_3842 : i32 to index
        %swap3A_3869 = tpu.vector_load %arg9[%swap3A_3867, %swap3A_3868] {strides = array<i32>} : memref<16x1024xf32, #tpu.memory_space<vmem>>, vector<1x16xf32>,
        %swap3A_3870 = vector.shape_cast %swap3A_3869 : vector<1x16xf32> to vector<16xf32>
        %swap3A_3871 = vector.shape_cast %get3A_3847 : vector<16xf32> to vector<1x16xf32>
        tpu.vector_store %arg9[%swap3A_3867, %swap3A_3868], %swap3A_3871 {add = true, strides = array<i32>} : memref<16x1024xf32, #tpu.memory_space<vmem>>, vector<1x16xf32>,
        %add3A_3872 = arith.constant 0 : i32
        %add3A_3873 = arith.addi %mul3A_153, %add3A_3872 : i32
        %get3A_3874 = arith.constant 15 : i32
        %get3A_3875 = arith.index_cast %get3A_3874 : i32 to index
        %get3A_3876 = arith.index_cast %add3A_3873 : i32 to index
        %get3A_3877 = tpu.vector_load %arg5[%get3A_3875, %get3A_3876] {strides = array<i32>} : memref<16x1024xf32, #tpu.memory_space<vmem>>, vector<1x16xf32>,
        %get3A_3878 = vector.shape_cast %get3A_3877 : vector<1x16xf32> to vector<16xf32>
        %swap3A_3879 = arith.constant 15 : i32
        %swap3A_3880 = arith.index_cast %swap3A_3879 : i32 to index
        %swap3A_3881 = arith.index_cast %add3A_3873 : i32 to index
        %swap3A_3882 = tpu.vector_load %arg6[%swap3A_3880, %swap3A_3881] {strides = array<i32>} : memref<16x1024xf32, #tpu.memory_space<vmem>>, vector<1x16xf32>,
        %swap3A_3883 = vector.shape_cast %swap3A_3882 : vector<1x16xf32> to vector<16xf32>
        %swap3A_3884 = vector.shape_cast %get3A_3878 : vector<16xf32> to vector<1x16xf32>
        tpu.vector_store %arg6[%swap3A_3880, %swap3A_3881], %swap3A_3884 {add = true, strides = array<i32>} : memref<16x1024xf32, #tpu.memory_space<vmem>>, vector<1x16xf32>,
        %swap3A_3885 = arith.constant 15 : i32
        %swap3A_3886 = arith.index_cast %swap3A_3885 : i32 to index
        %swap3A_3887 = arith.index_cast %add3A_3873 : i32 to index
        %swap3A_3888 = tpu.vector_load %arg7[%swap3A_3886, %swap3A_3887] {strides = array<i32>} : memref<16x1024xf32, #tpu.memory_space<vmem>>, vector<1x16xf32>,
        %swap3A_3889 = vector.shape_cast %swap3A_3888 : vector<1x16xf32> to vector<16xf32>
        %swap3A_3890 = vector.shape_cast %get3A_3878 : vector<16xf32> to vector<1x16xf32>
        tpu.vector_store %arg7[%swap3A_3886, %swap3A_3887], %swap3A_3890 {add = true, strides = array<i32>} : memref<16x1024xf32, #tpu.memory_space<vmem>>, vector<1x16xf32>,
        %swap3A_3891 = arith.constant 15 : i32
        %swap3A_3892 = arith.index_cast %swap3A_3891 : i32 to index
        %swap3A_3893 = arith.index_cast %add3A_3873 : i32 to index
        %swap3A_3894 = tpu.vector_load %arg8[%swap3A_3892, %swap3A_3893] {strides = array<i32>} : memref<16x1024xf32, #tpu.memory_space<vmem>>, vector<1x16xf32>,
        %swap3A_3895 = vector.shape_cast %swap3A_3894 : vector<1x16xf32> to vector<16xf32>
        %swap3A_3896 = vector.shape_cast %get3A_3878 : vector<16xf32> to vector<1x16xf32>
        tpu.vector_store %arg8[%swap3A_3892, %swap3A_3893], %swap3A_3896 {add = true, strides = array<i32>} : memref<16x1024xf32, #tpu.memory_space<vmem>>, vector<1x16xf32>,
        %swap3A_3897 = arith.constant 15 : i32
        %swap3A_3898 = arith.index_cast %swap3A_3897 : i32 to index
        %swap3A_3899 = arith.index_cast %add3A_3873 : i32 to index
        %swap3A_3900 = tpu.vector_load %arg9[%swap3A_3898, %swap3A_3899] {strides = array<i32>} : memref<16x1024xf32, #tpu.memory_space<vmem>>, vector<1x16xf32>,
        %swap3A_3901 = vector.shape_cast %swap3A_3900 : vector<1x16xf32> to vector<16xf32>
        %swap3A_3902 = vector.shape_cast %get3A_3878 : vector<16xf32> to vector<1x16xf32>
        tpu.vector_store %arg9[%swap3A_3898, %swap3A_3899], %swap3A_3902 {add = true, strides = array<i32>} : memref<16x1024xf32, #tpu.memory_space<vmem>>, vector<1x16xf32>,
        %add3A_3903 = arith.constant 16 : i32
        %add3A_3904 = arith.addi %mul3A_153, %add3A_3903 : i32
        %get3A_3905 = arith.constant 15 : i32
        %get3A_3906 = arith.index_cast %get3A_3905 : i32 to index
        %get3A_3907 = arith.index_cast %add3A_3904 : i32 to index
        %get3A_3908 = tpu.vector_load %arg5[%get3A_3906, %get3A_3907] {strides = array<i32>} : memref<16x1024xf32, #tpu.memory_space<vmem>>, vector<1x16xf32>,
        %get3A_3909 = vector.shape_cast %get3A_3908 : vector<1x16xf32> to vector<16xf32>
        %swap3A_3910 = arith.constant 15 : i32
        %swap3A_3911 = arith.index_cast %swap3A_3910 : i32 to index
        %swap3A_3912 = arith.index_cast %add3A_3904 : i32 to index
        %swap3A_3913 = tpu.vector_load %arg6[%swap3A_3911, %swap3A_3912] {strides = array<i32>} : memref<16x1024xf32, #tpu.memory_space<vmem>>, vector<1x16xf32>,
        %swap3A_3914 = vector.shape_cast %swap3A_3913 : vector<1x16xf32> to vector<16xf32>
        %swap3A_3915 = vector.shape_cast %get3A_3909 : vector<16xf32> to vector<1x16xf32>
        tpu.vector_store %arg6[%swap3A_3911, %swap3A_3912], %swap3A_3915 {add = true, strides = array<i32>} : memref<16x1024xf32, #tpu.memory_space<vmem>>, vector<1x16xf32>,
        %swap3A_3916 = arith.constant 15 : i32
        %swap3A_3917 = arith.index_cast %swap3A_3916 : i32 to index
        %swap3A_3918 = arith.index_cast %add3A_3904 : i32 to index
        %swap3A_3919 = tpu.vector_load %arg7[%swap3A_3917, %swap3A_3918] {strides = array<i32>} : memref<16x1024xf32, #tpu.memory_space<vmem>>, vector<1x16xf32>,
        %swap3A_3920 = vector.shape_cast %swap3A_3919 : vector<1x16xf32> to vector<16xf32>
        %swap3A_3921 = vector.shape_cast %get3A_3909 : vector<16xf32> to vector<1x16xf32>
        tpu.vector_store %arg7[%swap3A_3917, %swap3A_3918], %swap3A_3921 {add = true, strides = array<i32>} : memref<16x1024xf32, #tpu.memory_space<vmem>>, vector<1x16xf32>,
        %swap3A_3922 = arith.constant 15 : i32
        %swap3A_3923 = arith.index_cast %swap3A_3922 : i32 to index
        %swap3A_3924 = arith.index_cast %add3A_3904 : i32 to index
        %swap3A_3925 = tpu.vector_load %arg8[%swap3A_3923, %swap3A_3924] {strides = array<i32>} : memref<16x1024xf32, #tpu.memory_space<vmem>>, vector<1x16xf32>,
        %swap3A_3926 = vector.shape_cast %swap3A_3925 : vector<1x16xf32> to vector<16xf32>
        %swap3A_3927 = vector.shape_cast %get3A_3909 : vector<16xf32> to vector<1x16xf32>
        tpu.vector_store %arg8[%swap3A_3923, %swap3A_3924], %swap3A_3927 {add = true, strides = array<i32>} : memref<16x1024xf32, #tpu.memory_space<vmem>>, vector<1x16xf32>,
        %swap3A_3928 = arith.constant 15 : i32
        %swap3A_3929 = arith.index_cast %swap3A_3928 : i32 to index
        %swap3A_3930 = arith.index_cast %add3A_3904 : i32 to index
        %swap3A_3931 = tpu.vector_load %arg9[%swap3A_3929, %swap3A_3930] {strides = array<i32>} : memref<16x1024xf32, #tpu.memory_space<vmem>>, vector<1x16xf32>,
        %swap3A_3932 = vector.shape_cast %swap3A_3931 : vector<1x16xf32> to vector<16xf32>
        %swap3A_3933 = vector.shape_cast %get3A_3909 : vector<16xf32> to vector<1x16xf32>
        tpu.vector_store %arg9[%swap3A_3929, %swap3A_3930], %swap3A_3933 {add = true, strides = array<i32>} : memref<16x1024xf32, #tpu.memory_space<vmem>>, vector<1x16xf32>,
        %add3A_3934 = arith.constant 32 : i32
        %add3A_3935 = arith.addi %mul3A_153, %add3A_3934 : i32
        %get3A_3936 = arith.constant 15 : i32
        %get3A_3937 = arith.index_cast %get3A_3936 : i32 to index
        %get3A_3938 = arith.index_cast %add3A_3935 : i32 to index
        %get3A_3939 = tpu.vector_load %arg5[%get3A_3937, %get3A_3938] {strides = array<i32>} : memref<16x1024xf32, #tpu.memory_space<vmem>>, vector<1x16xf32>,
        %get3A_3940 = vector.shape_cast %get3A_3939 : vector<1x16xf32> to vector<16xf32>
        %swap3A_3941 = arith.constant 15 : i32
        %swap3A_3942 = arith.index_cast %swap3A_3941 : i32 to index
        %swap3A_3943 = arith.index_cast %add3A_3935 : i32 to index
        %swap3A_3944 = tpu.vector_load %arg6[%swap3A_3942, %swap3A_3943] {strides = array<i32>} : memref<16x1024xf32, #tpu.memory_space<vmem>>, vector<1x16xf32>,
        %swap3A_3945 = vector.shape_cast %swap3A_3944 : vector<1x16xf32> to vector<16xf32>
        %swap3A_3946 = vector.shape_cast %get3A_3940 : vector<16xf32> to vector<1x16xf32>
        tpu.vector_store %arg6[%swap3A_3942, %swap3A_3943], %swap3A_3946 {add = true, strides = array<i32>} : memref<16x1024xf32, #tpu.memory_space<vmem>>, vector<1x16xf32>,
        %swap3A_3947 = arith.constant 15 : i32
        %swap3A_3948 = arith.index_cast %swap3A_3947 : i32 to index
        %swap3A_3949 = arith.index_cast %add3A_3935 : i32 to index
        %swap3A_3950 = tpu.vector_load %arg7[%swap3A_3948, %swap3A_3949] {strides = array<i32>} : memref<16x1024xf32, #tpu.memory_space<vmem>>, vector<1x16xf32>,
        %swap3A_3951 = vector.shape_cast %swap3A_3950 : vector<1x16xf32> to vector<16xf32>
        %swap3A_3952 = vector.shape_cast %get3A_3940 : vector<16xf32> to vector<1x16xf32>
        tpu.vector_store %arg7[%swap3A_3948, %swap3A_3949], %swap3A_3952 {add = true, strides = array<i32>} : memref<16x1024xf32, #tpu.memory_space<vmem>>, vector<1x16xf32>,
        %swap3A_3953 = arith.constant 15 : i32
        %swap3A_3954 = arith.index_cast %swap3A_3953 : i32 to index
        %swap3A_3955 = arith.index_cast %add3A_3935 : i32 to index
        %swap3A_3956 = tpu.vector_load %arg8[%swap3A_3954, %swap3A_3955] {strides = array<i32>} : memref<16x1024xf32, #tpu.memory_space<vmem>>, vector<1x16xf32>,
        %swap3A_3957 = vector.shape_cast %swap3A_3956 : vector<1x16xf32> to vector<16xf32>
        %swap3A_3958 = vector.shape_cast %get3A_3940 : vector<16xf32> to vector<1x16xf32>
        tpu.vector_store %arg8[%swap3A_3954, %swap3A_3955], %swap3A_3958 {add = true, strides = array<i32>} : memref<16x1024xf32, #tpu.memory_space<vmem>>, vector<1x16xf32>,
        %swap3A_3959 = arith.constant 15 : i32
        %swap3A_3960 = arith.index_cast %swap3A_3959 : i32 to index
        %swap3A_3961 = arith.index_cast %add3A_3935 : i32 to index
        %swap3A_3962 = tpu.vector_load %arg9[%swap3A_3960, %swap3A_3961] {strides = array<i32>} : memref<16x1024xf32, #tpu.memory_space<vmem>>, vector<1x16xf32>,
        %swap3A_3963 = vector.shape_cast %swap3A_3962 : vector<1x16xf32> to vector<16xf32>
        %swap3A_3964 = vector.shape_cast %get3A_3940 : vector<16xf32> to vector<1x16xf32>
        tpu.vector_store %arg9[%swap3A_3960, %swap3A_3961], %swap3A_3964 {add = true, strides = array<i32>} : memref<16x1024xf32, #tpu.memory_space<vmem>>, vector<1x16xf32>,
        %add3A_3965 = arith.constant 48 : i32
        %add3A_3966 = arith.addi %mul3A_153, %add3A_3965 : i32
        %get3A_3967 = arith.constant 15 : i32
        %get3A_3968 = arith.index_cast %get3A_3967 : i32 to index
        %get3A_3969 = arith.index_cast %add3A_3966 : i32 to index
        %get3A_3970 = tpu.vector_load %arg5[%get3A_3968, %get3A_3969] {strides = array<i32>} : memref<16x1024xf32, #tpu.memory_space<vmem>>, vector<1x16xf32>,
        %get3A_3971 = vector.shape_cast %get3A_3970 : vector<1x16xf32> to vector<16xf32>
        %swap3A_3972 = arith.constant 15 : i32
        %swap3A_3973 = arith.index_cast %swap3A_3972 : i32 to index
        %swap3A_3974 = arith.index_cast %add3A_3966 : i32 to index
        %swap3A_3975 = tpu.vector_load %arg6[%swap3A_3973, %swap3A_3974] {strides = array<i32>} : memref<16x1024xf32, #tpu.memory_space<vmem>>, vector<1x16xf32>,
        %swap3A_3976 = vector.shape_cast %swap3A_3975 : vector<1x16xf32> to vector<16xf32>
        %swap3A_3977 = vector.shape_cast %get3A_3971 : vector<16xf32> to vector<1x16xf32>
        tpu.vector_store %arg6[%swap3A_3973, %swap3A_3974], %swap3A_3977 {add = true, strides = array<i32>} : memref<16x1024xf32, #tpu.memory_space<vmem>>, vector<1x16xf32>,
        %swap3A_3978 = arith.constant 15 : i32
        %swap3A_3979 = arith.index_cast %swap3A_3978 : i32 to index
        %swap3A_3980 = arith.index_cast %add3A_3966 : i32 to index
        %swap3A_3981 = tpu.vector_load %arg7[%swap3A_3979, %swap3A_3980] {strides = array<i32>} : memref<16x1024xf32, #tpu.memory_space<vmem>>, vector<1x16xf32>,
        %swap3A_3982 = vector.shape_cast %swap3A_3981 : vector<1x16xf32> to vector<16xf32>
        %swap3A_3983 = vector.shape_cast %get3A_3971 : vector<16xf32> to vector<1x16xf32>
        tpu.vector_store %arg7[%swap3A_3979, %swap3A_3980], %swap3A_3983 {add = true, strides = array<i32>} : memref<16x1024xf32, #tpu.memory_space<vmem>>, vector<1x16xf32>,
        %swap3A_3984 = arith.constant 15 : i32
        %swap3A_3985 = arith.index_cast %swap3A_3984 : i32 to index
        %swap3A_3986 = arith.index_cast %add3A_3966 : i32 to index
        %swap3A_3987 = tpu.vector_load %arg8[%swap3A_3985, %swap3A_3986] {strides = array<i32>} : memref<16x1024xf32, #tpu.memory_space<vmem>>, vector<1x16xf32>,
        %swap3A_3988 = vector.shape_cast %swap3A_3987 : vector<1x16xf32> to vector<16xf32>
        %swap3A_3989 = vector.shape_cast %get3A_3971 : vector<16xf32> to vector<1x16xf32>
        tpu.vector_store %arg8[%swap3A_3985, %swap3A_3986], %swap3A_3989 {add = true, strides = array<i32>} : memref<16x1024xf32, #tpu.memory_space<vmem>>, vector<1x16xf32>,
        %swap3A_3990 = arith.constant 15 : i32
        %swap3A_3991 = arith.index_cast %swap3A_3990 : i32 to index
        %swap3A_3992 = arith.index_cast %add3A_3966 : i32 to index
        %swap3A_3993 = tpu.vector_load %arg9[%swap3A_3991, %swap3A_3992] {strides = array<i32>} : memref<16x1024xf32, #tpu.memory_space<vmem>>, vector<1x16xf32>,
        %swap3A_3994 = vector.shape_cast %swap3A_3993 : vector<1x16xf32> to vector<16xf32>
        %swap3A_3995 = vector.shape_cast %get3A_3971 : vector<16xf32> to vector<1x16xf32>
        tpu.vector_store %arg9[%swap3A_3991, %swap3A_3992], %swap3A_3995 {add = true, strides = array<i32>} : memref<16x1024xf32, #tpu.memory_space<vmem>>, vector<1x16xf32>,
        %add3A_3996 = arith.constant 64 : i32
        %add3A_3997 = arith.addi %mul3A_153, %add3A_3996 : i32
        %get3A_3998 = arith.constant 15 : i32
        %get3A_3999 = arith.index_cast %get3A_3998 : i32 to index
        %get3A_4000 = arith.index_cast %add3A_3997 : i32 to index
        %get3A_4001 = tpu.vector_load %arg5[%get3A_3999, %get3A_4000] {strides = array<i32>} : memref<16x1024xf32, #tpu.memory_space<vmem>>, vector<1x16xf32>,
        %get3A_4002 = vector.shape_cast %get3A_4001 : vector<1x16xf32> to vector<16xf32>
        %swap3A_4003 = arith.constant 15 : i32
        %swap3A_4004 = arith.index_cast %swap3A_4003 : i32 to index
        %swap3A_4005 = arith.index_cast %add3A_3997 : i32 to index
        %swap3A_4006 = tpu.vector_load %arg6[%swap3A_4004, %swap3A_4005] {strides = array<i32>} : memref<16x1024xf32, #tpu.memory_space<vmem>>, vector<1x16xf32>,
        %swap3A_4007 = vector.shape_cast %swap3A_4006 : vector<1x16xf32> to vector<16xf32>
        %swap3A_4008 = vector.shape_cast %get3A_4002 : vector<16xf32> to vector<1x16xf32>
        tpu.vector_store %arg6[%swap3A_4004, %swap3A_4005], %swap3A_4008 {add = true, strides = array<i32>} : memref<16x1024xf32, #tpu.memory_space<vmem>>, vector<1x16xf32>,
        %swap3A_4009 = arith.constant 15 : i32
        %swap3A_4010 = arith.index_cast %swap3A_4009 : i32 to index
        %swap3A_4011 = arith.index_cast %add3A_3997 : i32 to index
        %swap3A_4012 = tpu.vector_load %arg7[%swap3A_4010, %swap3A_4011] {strides = array<i32>} : memref<16x1024xf32, #tpu.memory_space<vmem>>, vector<1x16xf32>,
        %swap3A_4013 = vector.shape_cast %swap3A_4012 : vector<1x16xf32> to vector<16xf32>
        %swap3A_4014 = vector.shape_cast %get3A_4002 : vector<16xf32> to vector<1x16xf32>
        tpu.vector_store %arg7[%swap3A_4010, %swap3A_4011], %swap3A_4014 {add = true, strides = array<i32>} : memref<16x1024xf32, #tpu.memory_space<vmem>>, vector<1x16xf32>,
        %swap3A_4015 = arith.constant 15 : i32
        %swap3A_4016 = arith.index_cast %swap3A_4015 : i32 to index
        %swap3A_4017 = arith.index_cast %add3A_3997 : i32 to index
        %swap3A_4018 = tpu.vector_load %arg8[%swap3A_4016, %swap3A_4017] {strides = array<i32>} : memref<16x1024xf32, #tpu.memory_space<vmem>>, vector<1x16xf32>,
        %swap3A_4019 = vector.shape_cast %swap3A_4018 : vector<1x16xf32> to vector<16xf32>
        %swap3A_4020 = vector.shape_cast %get3A_4002 : vector<16xf32> to vector<1x16xf32>
        tpu.vector_store %arg8[%swap3A_4016, %swap3A_4017], %swap3A_4020 {add = true, strides = array<i32>} : memref<16x1024xf32, #tpu.memory_space<vmem>>, vector<1x16xf32>,
        %swap3A_4021 = arith.constant 15 : i32
        %swap3A_4022 = arith.index_cast %swap3A_4021 : i32 to index
        %swap3A_4023 = arith.index_cast %add3A_3997 : i32 to index
        %swap3A_4024 = tpu.vector_load %arg9[%swap3A_4022, %swap3A_4023] {strides = array<i32>} : memref<16x1024xf32, #tpu.memory_space<vmem>>, vector<1x16xf32>,
        %swap3A_4025 = vector.shape_cast %swap3A_4024 : vector<1x16xf32> to vector<16xf32>
        %swap3A_4026 = vector.shape_cast %get3A_4002 : vector<16xf32> to vector<1x16xf32>
        tpu.vector_store %arg9[%swap3A_4022, %swap3A_4023], %swap3A_4026 {add = true, strides = array<i32>} : memref<16x1024xf32, #tpu.memory_space<vmem>>, vector<1x16xf32>,
        %add3A_4027 = arith.constant 80 : i32
        %add3A_4028 = arith.addi %mul3A_153, %add3A_4027 : i32
        %get3A_4029 = arith.constant 15 : i32
        %get3A_4030 = arith.index_cast %get3A_4029 : i32 to index
        %get3A_4031 = arith.index_cast %add3A_4028 : i32 to index
        %get3A_4032 = tpu.vector_load %arg5[%get3A_4030, %get3A_4031] {strides = array<i32>} : memref<16x1024xf32, #tpu.memory_space<vmem>>, vector<1x16xf32>,
        %get3A_4033 = vector.shape_cast %get3A_4032 : vector<1x16xf32> to vector<16xf32>
        %swap3A_4034 = arith.constant 15 : i32
        %swap3A_4035 = arith.index_cast %swap3A_4034 : i32 to index
        %swap3A_4036 = arith.index_cast %add3A_4028 : i32 to index
        %swap3A_4037 = tpu.vector_load %arg6[%swap3A_4035, %swap3A_4036] {strides = array<i32>} : memref<16x1024xf32, #tpu.memory_space<vmem>>, vector<1x16xf32>,
        %swap3A_4038 = vector.shape_cast %swap3A_4037 : vector<1x16xf32> to vector<16xf32>
        %swap3A_4039 = vector.shape_cast %get3A_4033 : vector<16xf32> to vector<1x16xf32>
        tpu.vector_store %arg6[%swap3A_4035, %swap3A_4036], %swap3A_4039 {add = true, strides = array<i32>} : memref<16x1024xf32, #tpu.memory_space<vmem>>, vector<1x16xf32>,
        %swap3A_4040 = arith.constant 15 : i32
        %swap3A_4041 = arith.index_cast %swap3A_4040 : i32 to index
        %swap3A_4042 = arith.index_cast %add3A_4028 : i32 to index
        %swap3A_4043 = tpu.vector_load %arg7[%swap3A_4041, %swap3A_4042] {strides = array<i32>} : memref<16x1024xf32, #tpu.memory_space<vmem>>, vector<1x16xf32>,
        %swap3A_4044 = vector.shape_cast %swap3A_4043 : vector<1x16xf32> to vector<16xf32>
        %swap3A_4045 = vector.shape_cast %get3A_4033 : vector<16xf32> to vector<1x16xf32>
        tpu.vector_store %arg7[%swap3A_4041, %swap3A_4042], %swap3A_4045 {add = true, strides = array<i32>} : memref<16x1024xf32, #tpu.memory_space<vmem>>, vector<1x16xf32>,
        %swap3A_4046 = arith.constant 15 : i32
        %swap3A_4047 = arith.index_cast %swap3A_4046 : i32 to index
        %swap3A_4048 = arith.index_cast %add3A_4028 : i32 to index
        %swap3A_4049 = tpu.vector_load %arg8[%swap3A_4047, %swap3A_4048] {strides = array<i32>} : memref<16x1024xf32, #tpu.memory_space<vmem>>, vector<1x16xf32>,
        %swap3A_4050 = vector.shape_cast %swap3A_4049 : vector<1x16xf32> to vector<16xf32>
        %swap3A_4051 = vector.shape_cast %get3A_4033 : vector<16xf32> to vector<1x16xf32>
        tpu.vector_store %arg8[%swap3A_4047, %swap3A_4048], %swap3A_4051 {add = true, strides = array<i32>} : memref<16x1024xf32, #tpu.memory_space<vmem>>, vector<1x16xf32>,
        %swap3A_4052 = arith.constant 15 : i32
        %swap3A_4053 = arith.index_cast %swap3A_4052 : i32 to index
        %swap3A_4054 = arith.index_cast %add3A_4028 : i32 to index
        %swap3A_4055 = tpu.vector_load %arg9[%swap3A_4053, %swap3A_4054] {strides = array<i32>} : memref<16x1024xf32, #tpu.memory_space<vmem>>, vector<1x16xf32>,
        %swap3A_4056 = vector.shape_cast %swap3A_4055 : vector<1x16xf32> to vector<16xf32>
        %swap3A_4057 = vector.shape_cast %get3A_4033 : vector<16xf32> to vector<1x16xf32>
        tpu.vector_store %arg9[%swap3A_4053, %swap3A_4054], %swap3A_4057 {add = true, strides = array<i32>} : memref<16x1024xf32, #tpu.memory_space<vmem>>, vector<1x16xf32>,
        %add3A_4058 = arith.constant 96 : i32
        %add3A_4059 = arith.addi %mul3A_153, %add3A_4058 : i32
        %get3A_4060 = arith.constant 15 : i32
        %get3A_4061 = arith.index_cast %get3A_4060 : i32 to index
        %get3A_4062 = arith.index_cast %add3A_4059 : i32 to index
        %get3A_4063 = tpu.vector_load %arg5[%get3A_4061, %get3A_4062] {strides = array<i32>} : memref<16x1024xf32, #tpu.memory_space<vmem>>, vector<1x16xf32>,
        %get3A_4064 = vector.shape_cast %get3A_4063 : vector<1x16xf32> to vector<16xf32>
        %swap3A_4065 = arith.constant 15 : i32
        %swap3A_4066 = arith.index_cast %swap3A_4065 : i32 to index
        %swap3A_4067 = arith.index_cast %add3A_4059 : i32 to index
        %swap3A_4068 = tpu.vector_load %arg6[%swap3A_4066, %swap3A_4067] {strides = array<i32>} : memref<16x1024xf32, #tpu.memory_space<vmem>>, vector<1x16xf32>,
        %swap3A_4069 = vector.shape_cast %swap3A_4068 : vector<1x16xf32> to vector<16xf32>
        %swap3A_4070 = vector.shape_cast %get3A_4064 : vector<16xf32> to vector<1x16xf32>
        tpu.vector_store %arg6[%swap3A_4066, %swap3A_4067], %swap3A_4070 {add = true, strides = array<i32>} : memref<16x1024xf32, #tpu.memory_space<vmem>>, vector<1x16xf32>,
        %swap3A_4071 = arith.constant 15 : i32
        %swap3A_4072 = arith.index_cast %swap3A_4071 : i32 to index
        %swap3A_4073 = arith.index_cast %add3A_4059 : i32 to index
        %swap3A_4074 = tpu.vector_load %arg7[%swap3A_4072, %swap3A_4073] {strides = array<i32>} : memref<16x1024xf32, #tpu.memory_space<vmem>>, vector<1x16xf32>,
        %swap3A_4075 = vector.shape_cast %swap3A_4074 : vector<1x16xf32> to vector<16xf32>
        %swap3A_4076 = vector.shape_cast %get3A_4064 : vector<16xf32> to vector<1x16xf32>
        tpu.vector_store %arg7[%swap3A_4072, %swap3A_4073], %swap3A_4076 {add = true, strides = array<i32>} : memref<16x1024xf32, #tpu.memory_space<vmem>>, vector<1x16xf32>,
        %swap3A_4077 = arith.constant 15 : i32
        %swap3A_4078 = arith.index_cast %swap3A_4077 : i32 to index
        %swap3A_4079 = arith.index_cast %add3A_4059 : i32 to index
        %swap3A_4080 = tpu.vector_load %arg8[%swap3A_4078, %swap3A_4079] {strides = array<i32>} : memref<16x1024xf32, #tpu.memory_space<vmem>>, vector<1x16xf32>,
        %swap3A_4081 = vector.shape_cast %swap3A_4080 : vector<1x16xf32> to vector<16xf32>
        %swap3A_4082 = vector.shape_cast %get3A_4064 : vector<16xf32> to vector<1x16xf32>
        tpu.vector_store %arg8[%swap3A_4078, %swap3A_4079], %swap3A_4082 {add = true, strides = array<i32>} : memref<16x1024xf32, #tpu.memory_space<vmem>>, vector<1x16xf32>,
        %swap3A_4083 = arith.constant 15 : i32
        %swap3A_4084 = arith.index_cast %swap3A_4083 : i32 to index
        %swap3A_4085 = arith.index_cast %add3A_4059 : i32 to index
        %swap3A_4086 = tpu.vector_load %arg9[%swap3A_4084, %swap3A_4085] {strides = array<i32>} : memref<16x1024xf32, #tpu.memory_space<vmem>>, vector<1x16xf32>,
        %swap3A_4087 = vector.shape_cast %swap3A_4086 : vector<1x16xf32> to vector<16xf32>
        %swap3A_4088 = vector.shape_cast %get3A_4064 : vector<16xf32> to vector<1x16xf32>
        tpu.vector_store %arg9[%swap3A_4084, %swap3A_4085], %swap3A_4088 {add = true, strides = array<i32>} : memref<16x1024xf32, #tpu.memory_space<vmem>>, vector<1x16xf32>,
        %add3A_4089 = arith.constant 112 : i32
        %add3A_4090 = arith.addi %mul3A_153, %add3A_4089 : i32
        %get3A_4091 = arith.constant 15 : i32
        %get3A_4092 = arith.index_cast %get3A_4091 : i32 to index
        %get3A_4093 = arith.index_cast %add3A_4090 : i32 to index
        %get3A_4094 = tpu.vector_load %arg5[%get3A_4092, %get3A_4093] {strides = array<i32>} : memref<16x1024xf32, #tpu.memory_space<vmem>>, vector<1x16xf32>,
        %get3A_4095 = vector.shape_cast %get3A_4094 : vector<1x16xf32> to vector<16xf32>
        %swap3A_4096 = arith.constant 15 : i32
        %swap3A_4097 = arith.index_cast %swap3A_4096 : i32 to index
        %swap3A_4098 = arith.index_cast %add3A_4090 : i32 to index
        %swap3A_4099 = tpu.vector_load %arg6[%swap3A_4097, %swap3A_4098] {strides = array<i32>} : memref<16x1024xf32, #tpu.memory_space<vmem>>, vector<1x16xf32>,
        %swap3A_4100 = vector.shape_cast %swap3A_4099 : vector<1x16xf32> to vector<16xf32>
        %swap3A_4101 = vector.shape_cast %get3A_4095 : vector<16xf32> to vector<1x16xf32>
        tpu.vector_store %arg6[%swap3A_4097, %swap3A_4098], %swap3A_4101 {add = true, strides = array<i32>} : memref<16x1024xf32, #tpu.memory_space<vmem>>, vector<1x16xf32>,
        %swap3A_4102 = arith.constant 15 : i32
        %swap3A_4103 = arith.index_cast %swap3A_4102 : i32 to index
        %swap3A_4104 = arith.index_cast %add3A_4090 : i32 to index
        %swap3A_4105 = tpu.vector_load %arg7[%swap3A_4103, %swap3A_4104] {strides = array<i32>} : memref<16x1024xf32, #tpu.memory_space<vmem>>, vector<1x16xf32>,
        %swap3A_4106 = vector.shape_cast %swap3A_4105 : vector<1x16xf32> to vector<16xf32>
        %swap3A_4107 = vector.shape_cast %get3A_4095 : vector<16xf32> to vector<1x16xf32>
        tpu.vector_store %arg7[%swap3A_4103, %swap3A_4104], %swap3A_4107 {add = true, strides = array<i32>} : memref<16x1024xf32, #tpu.memory_space<vmem>>, vector<1x16xf32>,
        %swap3A_4108 = arith.constant 15 : i32
        %swap3A_4109 = arith.index_cast %swap3A_4108 : i32 to index
        %swap3A_4110 = arith.index_cast %add3A_4090 : i32 to index
        %swap3A_4111 = tpu.vector_load %arg8[%swap3A_4109, %swap3A_4110] {strides = array<i32>} : memref<16x1024xf32, #tpu.memory_space<vmem>>, vector<1x16xf32>,
        %swap3A_4112 = vector.shape_cast %swap3A_4111 : vector<1x16xf32> to vector<16xf32>
        %swap3A_4113 = vector.shape_cast %get3A_4095 : vector<16xf32> to vector<1x16xf32>
        tpu.vector_store %arg8[%swap3A_4109, %swap3A_4110], %swap3A_4113 {add = true, strides = array<i32>} : memref<16x1024xf32, #tpu.memory_space<vmem>>, vector<1x16xf32>,
        %swap3A_4114 = arith.constant 15 : i32
        %swap3A_4115 = arith.index_cast %swap3A_4114 : i32 to index
        %swap3A_4116 = arith.index_cast %add3A_4090 : i32 to index
        %swap3A_4117 = tpu.vector_load %arg9[%swap3A_4115, %swap3A_4116] {strides = array<i32>} : memref<16x1024xf32, #tpu.memory_space<vmem>>, vector<1x16xf32>,
        %swap3A_4118 = vector.shape_cast %swap3A_4117 : vector<1x16xf32> to vector<16xf32>
        %swap3A_4119 = vector.shape_cast %get3A_4095 : vector<16xf32> to vector<1x16xf32>
        tpu.vector_store %arg9[%swap3A_4115, %swap3A_4116], %swap3A_4119 {add = true, strides = array<i32>} : memref<16x1024xf32, #tpu.memory_space<vmem>>, vector<1x16xf32>,
      }
      %scan3A_122 = arith.constant 8 : i32
      %dma_start3A_123 = arith.constant 0 : i32
      %dma_start3A_124 = arith.constant 0 : i32
      %dma_start3A_125 = tpu.memref_slice %arg4[%dma_start3A_123, %add3A_45, %dma_start3A_124] : memref<4x8192x1024xf32, #tpu.memory_space<hbm>> -> memref<1x16x1024xf32, #tpu.memory_space<hbm>>
      %dma_start3A_126 = tpu.memref_squeeze %dma_start3A_125 : memref<1x16x1024xf32, #tpu.memory_space<hbm>> -> memref<16x1024xf32, #tpu.memory_space<hbm>>
      %dma_start3A_127 = arith.constant 0 : i32
      %dma_start3A_128 = tpu.memref_slice %arg4[%dma_start3A_123, %add3A_45, %dma_start3A_127] : memref<4x8192x1024xf32, #tpu.memory_space<hbm>> -> memref<1x16x1024xf32, #tpu.memory_space<hbm>>
      %dma_start3A_129 = tpu.memref_squeeze %dma_start3A_128 : memref<1x16x1024xf32, #tpu.memory_space<hbm>> -> memref<16x1024xf32, #tpu.memory_space<hbm>>
      tpu.enqueue_dma source(%arg6 : memref<16x1024xf32, #tpu.memory_space<vmem>>) target(%dma_start3A_129 : memref<16x1024xf32, #tpu.memory_space<hbm>>) target_semaphore(%arg14 : memref<!tpu.dma_semaphore, #tpu.memory_space<semaphore_mem>>)
      %dma_start3A_130 = arith.constant 1 : i32
      %dma_start3A_131 = arith.constant 0 : i32
      %dma_start3A_132 = tpu.memref_slice %arg4[%dma_start3A_130, %add3A_45, %dma_start3A_131] : memref<4x8192x1024xf32, #tpu.memory_space<hbm>> -> memref<1x16x1024xf32, #tpu.memory_space<hbm>>
      %dma_start3A_133 = tpu.memref_squeeze %dma_start3A_132 : memref<1x16x1024xf32, #tpu.memory_space<hbm>> -> memref<16x1024xf32, #tpu.memory_space<hbm>>
      %dma_start3A_134 = arith.constant 0 : i32
      %dma_start3A_135 = tpu.memref_slice %arg4[%dma_start3A_130, %add3A_45, %dma_start3A_134] : memref<4x8192x1024xf32, #tpu.memory_space<hbm>> -> memref<1x16x1024xf32, #tpu.memory_space<hbm>>
      %dma_start3A_136 = tpu.memref_squeeze %dma_start3A_135 : memref<1x16x1024xf32, #tpu.memory_space<hbm>> -> memref<16x1024xf32, #tpu.memory_space<hbm>>
      tpu.enqueue_dma source(%arg7 : memref<16x1024xf32, #tpu.memory_space<vmem>>) target(%dma_start3A_136 : memref<16x1024xf32, #tpu.memory_space<hbm>>) target_semaphore(%arg15 : memref<!tpu.dma_semaphore, #tpu.memory_space<semaphore_mem>>)
      %dma_start3A_137 = arith.constant 2 : i32
      %dma_start3A_138 = arith.constant 0 : i32
      %dma_start3A_139 = tpu.memref_slice %arg4[%dma_start3A_137, %add3A_45, %dma_start3A_138] : memref<4x8192x1024xf32, #tpu.memory_space<hbm>> -> memref<1x16x1024xf32, #tpu.memory_space<hbm>>
      %dma_start3A_140 = tpu.memref_squeeze %dma_start3A_139 : memref<1x16x1024xf32, #tpu.memory_space<hbm>> -> memref<16x1024xf32, #tpu.memory_space<hbm>>
      %dma_start3A_141 = arith.constant 0 : i32
      %dma_start3A_142 = tpu.memref_slice %arg4[%dma_start3A_137, %add3A_45, %dma_start3A_141] : memref<4x8192x1024xf32, #tpu.memory_space<hbm>> -> memref<1x16x1024xf32, #tpu.memory_space<hbm>>
      %dma_start3A_143 = tpu.memref_squeeze %dma_start3A_142 : memref<1x16x1024xf32, #tpu.memory_space<hbm>> -> memref<16x1024xf32, #tpu.memory_space<hbm>>
      tpu.enqueue_dma source(%arg8 : memref<16x1024xf32, #tpu.memory_space<vmem>>) target(%dma_start3A_143 : memref<16x1024xf32, #tpu.memory_space<hbm>>) target_semaphore(%arg16 : memref<!tpu.dma_semaphore, #tpu.memory_space<semaphore_mem>>)
      %dma_start3A_144 = arith.constant 3 : i32
      %dma_start3A_145 = arith.constant 0 : i32
      %dma_start3A_146 = tpu.memref_slice %arg4[%dma_start3A_144, %add3A_45, %dma_start3A_145] : memref<4x8192x1024xf32, #tpu.memory_space<hbm>> -> memref<1x16x1024xf32, #tpu.memory_space<hbm>>
      %dma_start3A_147 = tpu.memref_squeeze %dma_start3A_146 : memref<1x16x1024xf32, #tpu.memory_space<hbm>> -> memref<16x1024xf32, #tpu.memory_space<hbm>>
      %dma_start3A_148 = arith.constant 0 : i32
      %dma_start3A_149 = tpu.memref_slice %arg4[%dma_start3A_144, %add3A_45, %dma_start3A_148] : memref<4x8192x1024xf32, #tpu.memory_space<hbm>> -> memref<1x16x1024xf32, #tpu.memory_space<hbm>>
      %dma_start3A_150 = tpu.memref_squeeze %dma_start3A_149 : memref<1x16x1024xf32, #tpu.memory_space<hbm>> -> memref<16x1024xf32, #tpu.memory_space<hbm>>
      tpu.enqueue_dma source(%arg9 : memref<16x1024xf32, #tpu.memory_space<vmem>>) target(%dma_start3A_150 : memref<16x1024xf32, #tpu.memory_space<hbm>>) target_semaphore(%arg17 : memref<!tpu.dma_semaphore, #tpu.memory_space<semaphore_mem>>)
    }
    %scan3A_6 = arith.constant 16 : i32
    %dma_wait3A = arith.constant 0 : i32
    %dma_wait3A_7 = arith.constant 0 : i32
    %dma_wait3A_8 = arith.constant 0 : i32
    %dma_wait3A_9 = tpu.memref_slice %arg4[%dma_wait3A, %dma_wait3A_7, %dma_wait3A_8] : memref<4x8192x1024xf32, #tpu.memory_space<hbm>> -> memref<1x16x1024xf32, #tpu.memory_space<hbm>>
    %dma_wait3A_10 = tpu.memref_squeeze %dma_wait3A_9 : memref<1x16x1024xf32, #tpu.memory_space<hbm>> -> memref<16x1024xf32, #tpu.memory_space<hbm>>
    %dma_wait3A_11 = arith.constant 0 : i32
    %dma_wait3A_12 = arith.constant 0 : i32
    %dma_wait3A_13 = tpu.memref_slice %arg4[%dma_wait3A, %dma_wait3A_11, %dma_wait3A_12] : memref<4x8192x1024xf32, #tpu.memory_space<hbm>> -> memref<1x16x1024xf32, #tpu.memory_space<hbm>>
    %dma_wait3A_14 = tpu.memref_squeeze %dma_wait3A_13 : memref<1x16x1024xf32, #tpu.memory_space<hbm>> -> memref<16x1024xf32, #tpu.memory_space<hbm>>
    tpu.wait_dma2 semaphore(%arg14 : memref<!tpu.dma_semaphore, #tpu.memory_space<semaphore_mem>>) src(%arg6 : memref<16x1024xf32, #tpu.memory_space<vmem>>) dst(%dma_wait3A_14 : memref<16x1024xf32, #tpu.memory_space<hbm>>)
    %dma_wait3A_15 = arith.constant 1 : i32
    %dma_wait3A_16 = arith.constant 0 : i32
    %dma_wait3A_17 = arith.constant 0 : i32
    %dma_wait3A_18 = tpu.memref_slice %arg4[%dma_wait3A_15, %dma_wait3A_16, %dma_wait3A_17] : memref<4x8192x1024xf32, #tpu.memory_space<hbm>> -> memref<1x16x1024xf32, #tpu.memory_space<hbm>>
    %dma_wait3A_19 = tpu.memref_squeeze %dma_wait3A_18 : memref<1x16x1024xf32, #tpu.memory_space<hbm>> -> memref<16x1024xf32, #tpu.memory_space<hbm>>
    %dma_wait3A_20 = arith.constant 0 : i32
    %dma_wait3A_21 = arith.constant 0 : i32
    %dma_wait3A_22 = tpu.memref_slice %arg4[%dma_wait3A_15, %dma_wait3A_20, %dma_wait3A_21] : memref<4x8192x1024xf32, #tpu.memory_space<hbm>> -> memref<1x16x1024xf32, #tpu.memory_space<hbm>>
    %dma_wait3A_23 = tpu.memref_squeeze %dma_wait3A_22 : memref<1x16x1024xf32, #tpu.memory_space<hbm>> -> memref<16x1024xf32, #tpu.memory_space<hbm>>
    tpu.wait_dma2 semaphore(%arg15 : memref<!tpu.dma_semaphore, #tpu.memory_space<semaphore_mem>>) src(%arg7 : memref<16x1024xf32, #tpu.memory_space<vmem>>) dst(%dma_wait3A_23 : memref<16x1024xf32, #tpu.memory_space<hbm>>)
    %dma_wait3A_24 = arith.constant 2 : i32
    %dma_wait3A_25 = arith.constant 0 : i32
    %dma_wait3A_26 = arith.constant 0 : i32
    %dma_wait3A_27 = tpu.memref_slice %arg4[%dma_wait3A_24, %dma_wait3A_25, %dma_wait3A_26] : memref<4x8192x1024xf32, #tpu.memory_space<hbm>> -> memref<1x16x1024xf32, #tpu.memory_space<hbm>>
    %dma_wait3A_28 = tpu.memref_squeeze %dma_wait3A_27 : memref<1x16x1024xf32, #tpu.memory_space<hbm>> -> memref<16x1024xf32, #tpu.memory_space<hbm>>
    %dma_wait3A_29 = arith.constant 0 : i32
    %dma_wait3A_30 = arith.constant 0 : i32
    %dma_wait3A_31 = tpu.memref_slice %arg4[%dma_wait3A_24, %dma_wait3A_29, %dma_wait3A_30] : memref<4x8192x1024xf32, #tpu.memory_space<hbm>> -> memref<1x16x1024xf32, #tpu.memory_space<hbm>>
    %dma_wait3A_32 = tpu.memref_squeeze %dma_wait3A_31 : memref<1x16x1024xf32, #tpu.memory_space<hbm>> -> memref<16x1024xf32, #tpu.memory_space<hbm>>
    tpu.wait_dma2 semaphore(%arg16 : memref<!tpu.dma_semaphore, #tpu.memory_space<semaphore_mem>>) src(%arg8 : memref<16x1024xf32, #tpu.memory_space<vmem>>) dst(%dma_wait3A_32 : memref<16x1024xf32, #tpu.memory_space<hbm>>)
    %dma_wait3A_33 = arith.constant 3 : i32
    %dma_wait3A_34 = arith.constant 0 : i32
    %dma_wait3A_35 = arith.constant 0 : i32
    %dma_wait3A_36 = tpu.memref_slice %arg4[%dma_wait3A_33, %dma_wait3A_34, %dma_wait3A_35] : memref<4x8192x1024xf32, #tpu.memory_space<hbm>> -> memref<1x16x1024xf32, #tpu.memory_space<hbm>>
    %dma_wait3A_37 = tpu.memref_squeeze %dma_wait3A_36 : memref<1x16x1024xf32, #tpu.memory_space<hbm>> -> memref<16x1024xf32, #tpu.memory_space<hbm>>
    %dma_wait3A_38 = arith.constant 0 : i32
    %dma_wait3A_39 = arith.constant 0 : i32
    %dma_wait3A_40 = tpu.memref_slice %arg4[%dma_wait3A_33, %dma_wait3A_38, %dma_wait3A_39] : memref<4x8192x1024xf32, #tpu.memory_space<hbm>> -> memref<1x16x1024xf32, #tpu.memory_space<hbm>>
    %dma_wait3A_41 = tpu.memref_squeeze %dma_wait3A_40 : memref<1x16x1024xf32, #tpu.memory_space<hbm>> -> memref<16x1024xf32, #tpu.memory_space<hbm>>
    tpu.wait_dma2 semaphore(%arg17 : memref<!tpu.dma_semaphore, #tpu.memory_space<semaphore_mem>>) src(%arg9 : memref<16x1024xf32, #tpu.memory_space<vmem>>) dst(%dma_wait3A_41 : memref<16x1024xf32, #tpu.memory_space<hbm>>)
    return
  }
}

</mosaic_0001>

<sc_bundles>
// kernel: _sc_add.3.cloned.1.call-start
scs
__scs_entry_jumppad:
0x0: {  	(pc) =	sbr.rel $0x88, $3  }
0x1: {  	(tag) =	ssettag $0x0;
	lr =	simm.s32 $0x1  }
0x2: {  	[smem:$0x3F9F] =	sst lr;
	_ =	strace $0xD0000000  }
0x3: {  	_ = 	snop  }
0x4: {  	_ = 	snop  }
0x5: {  	_ = 	snop  }
0x6: {  	_ = 	snop  }
0x7: {  	_ = 	snop  }
__scs_overlays_trampoline_lowered:
0x8: {  	[smem:$0x3FAE] =	sst s0  }
0x9: {  	[smem:$0x3FAF] =	sst s1  }
0xa: {  	[smem:$0x3FB0] =	sst s2  }
0xb: {  	[smem:$0x3FB1] =	sst s3  }
0xc: {  	[smem:$0x3FB2] =	sst s4  }
0xd: {  	[smem:$0x3FB3] =	sst s5  }
0xe: {  	[smem:$0x3FB4] =	sst s6  }
0xf: {  	[smem:$0x3FB5] =	sst s7  }
0x10: {  	[smem:$0x3FB6] =	sst s8  }
0x11: {  	[smem:$0x3FB7] =	sst s9;
	s0 =	simm.s32 @!p0 $0x0  }
0x12: {  	s1 =	sld [smem:$0x3F9D];
	s0 =	simm.s32 @p0 $0x1  }
0x13: {  	[smem:$0x3FB8] =	sst s0;
	s0 =	simm.s32 @!p1 $0x0  }
0x14: {  	s2 =	sld [smem:$0x3F9C];
	s0 =	simm.s32 @p1 $0x1  }
0x15: {  	[smem:$0x3FB9] =	sst s0;
	s0 =	simm.s32 @!p2 $0x0  }
0x16: {  	s3 =	sld [smem:$0x3FDB];
	s0 =	simm.s32 @p2 $0x1  }
0x17: {  	s4 =	simm.s32 $0x1BF5;
	[smem:$0x3FBB] =	sst s0  }
0x18: {  	s0 =	sld [smem:$0x3F9E];
	_ =	swait.ge [sflag:s4], $0x0  }
0x19: {  	s7 =	sld [smem:$0x3F9F]  }
0x1a: {  	s8 =	sadd.s32 $0xFFFFE003, lr  }
0x1b: {  	s9 =	sadd.s32 $0xFFFFFEF7, lr;
	s5 =	simm.s32 $0xFFFFFFFF;
	p2 =	slt.u32 s8, $0xFFFFF086  }
0x1c: {  	p1 =	slt.u32 s9, $0xF7A;
	s5 =	simm.s32 @!p2 $0x0  }
0x1d: {  	s5 =	simm.s32 @p1 $0x1;
	p0 =	seq.s32 s7, s2  }
0x1e: {  	s7 =	smul.u32 @!p0 $0xF7A, s2;
	p2 =	seq.s32 @!p0 s5, $0x0  }
0x1f: {  	s9 =	smul.u32 $0xF7A, s1;
	s8 =	simm.s32 @!p0 $0x1BF5;
	p2 =	por !p2, p0  }
0x20: {  	[sflag:s8] =	ssyncset.s32 @!p0 $0xFFFFF086;
	s6 =	sadd.s32 @!p0 s3, s7;
	s7 =	simm.s32 @!p0 $0x108  }
0x21: {  	s3 =	sadd.s32 s3, s9;
	s6 =	sadd.s32 @!p0 $0x88, s6;
	s7 =	simm.s32 @p2 $0x1082  }
0x22: {  	[simem:s7], [sflag:s8] =	dma.local @!p0 [hbm:s6], $0xF7A  }
0x23: {  	s9 =	sor.u32 $0xD0000000, s2;
	s6 =	simm.s32 $0x108;
	_ =	swait.ge @!p0 [sflag:s8], $0x0  }
0x24: {  	s3 =	sadd.s32 $0x88, s3;
	s6 =	simm.s32 @!p1 $0x1082;
	[sflag:s4] =	ssyncset.s32 $0xFFFFF086  }
0x25: {  	[simem:s6], [sflag:s4] =	dma.local [hbm:s3], $0xF7A  }
0x26: {  	[smem:$0x3F9F] =	sst s1;
	(tag) =	ssettag s2;
	_ =	strace s9  }
0x27: {  	s1 =	sld [smem:$0x3FAF]  }
0x28: {  	s2 =	sld [smem:$0x3FB0]  }
0x29: {  	s4 =	sld [smem:$0x3FB2]  }
0x2a: {  	p0 =	seq.s32 s5, $0x0;
	s5 =	sld [smem:$0x3FB3]  }
0x2b: {  	s6 =	sld [smem:$0x3FB4]  }
0x2c: {  	s7 =	sld [smem:$0x3FB5]  }
0x2d: {  	s3 =	simm.s32 $0x108;
	s8 =	sld [smem:$0x3FB6]  }
0x2e: {  	s3 =	simm.s32 @!p0 $0x1082;
	s9 =	sld [smem:$0x3FB7]  }
0x2f: {  	lr =	sadd.s32 s0, s3;
	s0 =	sld [smem:$0x3FAE]  }
0x30: {  	s3 =	sld [smem:$0x3FB1]  }
0x31: {  	[smem:$0x3FBA] =	sst s10  }
0x32: {  	s10 =	sld [smem:$0x3FB8];
	_ =	sdelay $0x3  }
0x33: {  	p0 =	seq.s32 s10, $0x1;
	s10 =	sld [smem:$0x3FBA];
	_ =	sdelay $0x3  }
0x34: {  	[smem:$0x3FBA] =	sst s10  }
0x35: {  	s10 =	sld [smem:$0x3FB9];
	_ =	sdelay $0x3  }
0x36: {  	p1 =	seq.s32 s10, $0x1;
	s10 =	sld [smem:$0x3FBA];
	_ =	sdelay $0x3  }
0x37: {  	[smem:$0x3FBA] =	sst s10  }
0x38: {  	s10 =	sld [smem:$0x3FBB]  }
0x39: {  	_ = 	snop;
	(pc) =	sbr.ind lr, $3  }
0x3a: {  	_ = 	snop  }
0x3b: {  	_ = 	snop  }
0x3c: {  	p2 =	seq.s32 s10, $0x1;
	s10 =	sld [smem:$0x3FBA]  }
0x3d: {  	_ =	shalt  }
0x3e: {  	_ =	shalt  }
0x3f: {  	_ =	shalt  }
0x40: {  	_ =	shalt  }
0x41: {  	_ =	shalt  }
0x42: {  	_ =	shalt  }
0x43: {  	_ =	shalt  }
0x44: {  	_ =	shalt  }
0x45: {  	_ =	shalt  }
0x46: {  	_ =	shalt  }
0x47: {  	_ =	shalt  }
0x48: {  	_ =	shalt  }
0x49: {  	_ =	shalt  }
0x4a: {  	_ =	shalt  }
0x4b: {  	_ =	shalt  }
0x4c: {  	_ =	shalt  }
0x4d: {  	_ =	shalt  }
0x4e: {  	_ =	shalt  }
0x4f: {  	_ =	shalt  }
0x50: {  	_ =	shalt  }
0x51: {  	_ =	shalt  }
0x52: {  	_ =	shalt  }
0x53: {  	_ =	shalt  }
0x54: {  	_ =	shalt  }
0x55: {  	_ =	shalt  }
0x56: {  	_ =	shalt  }
0x57: {  	_ =	shalt  }
0x58: {  	_ =	shalt  }
0x59: {  	_ =	shalt  }
0x5a: {  	_ =	shalt  }
0x5b: {  	_ =	shalt  }
0x5c: {  	_ =	shalt  }
0x5d: {  	_ =	shalt  }
0x5e: {  	_ =	shalt  }
0x5f: {  	_ =	shalt  }
0x60: {  	_ =	shalt  }
0x61: {  	_ =	shalt  }
0x62: {  	_ =	shalt  }
0x63: {  	_ =	shalt  }
0x64: {  	_ =	shalt  }
0x65: {  	_ =	shalt  }
0x66: {  	_ =	shalt  }
0x67: {  	_ =	shalt  }
0x68: {  	_ =	shalt  }
0x69: {  	_ =	shalt  }
0x6a: {  	_ =	shalt  }
0x6b: {  	_ =	shalt  }
0x6c: {  	_ =	shalt  }
0x6d: {  	_ =	shalt  }
0x6e: {  	_ =	shalt  }
0x6f: {  	_ =	shalt  }
0x70: {  	_ =	shalt  }
0x71: {  	_ =	shalt  }
0x72: {  	_ =	shalt  }
0x73: {  	_ =	shalt  }
0x74: {  	_ =	shalt  }
0x75: {  	_ =	shalt  }
0x76: {  	_ =	shalt  }
0x77: {  	_ =	shalt  }
0x78: {  	_ =	shalt  }
0x79: {  	_ =	shalt  }
0x7a: {  	_ =	shalt  }
0x7b: {  	_ =	shalt  }
0x7c: {  	_ =	shalt  }
0x7d: {  	_ =	shalt  }
0x7e: {  	_ =	shalt  }
0x7f: {  	_ =	shalt  }
0x80: {  	_ =	shalt  }
0x81: {  	_ =	shalt  }
0x82: {  	_ =	shalt  }
0x83: {  	_ =	shalt  }
0x84: {  	_ =	shalt  }
0x85: {  	_ =	shalt  }
0x86: {  	_ =	shalt  }
0x87: {  	_ =	shalt  }
.Lfunc_end0:
.L_simem_size_0:
called_computation_lowered:
.L_overlay_start_0:
0x88: {  	s2 =	sld [smem:$0x3FD9]  }
0x89: {  	s3 =	sld [smem:$0x3FFE];
	_ =	sdelay $0x1  }
0x8a: {  	s1 =	srdreg.scid  }
0x8b: {  	s0 =	sand.u32 $0x1, s1  }
0x8c: {  	s18 =	sshll.u32 s0, $0xA;
	s2 =	sadd.s32 s3, s2  }
0x8d: {  	s2 =	sadd.s32 s2, s18  }
0x8e: {  	[smem:$0x3FC6] =	sst s2  }
0x8f: {  	_ = 	snop  }
0x90: {  	s2 =	sld [smem:$0x3FC9]  }
0x91: {  	s19 =	sld [smem:$0x3FC8]  }
0x92: {  	s4 =	sld [smem:$0x3FD0];
	(tm) =	ssettm $0x1  }
0x93: {  	s5 =	sld [smem:$0x3FFB];
	_ =	sdelay $0x3  }
0x94: {  	_ =	strace s5  }
0x95: {  	s5 =	sld [smem:$0x3FFC];
	_ =	sdelay $0x3  }
0x96: {  	_ =	strace s5  }
0x97: {  	s5 =	sld [smem:$0x3FFD];
	_ =	sdelay $0x3  }
0x98: {  	_ =	strace s5  }
0x99: {  	_ =	strace $0x8FFFFFFF  }
0x9a: {  	s20 =	sld [smem:$0x3FDB];
	_ =	sdelay $0x1  }
0x9b: {  	s6 =	simm.s32 $_scs_section_size  }
0x9c: {  	s7 =	simm.s32 $_size__tile_overlayer_lowered;
	s8 =	simm.s32 $_tile_overlayer_lowered  }
0x9d: {  	s23 =	simm.s32 $0x1BFF;
	s22 =	sshll.u32 s8, $0x1;
	s5 =	sadd.s32 s6, s20  }
0x9e: {  	s9 =	simm.s32 $0x0;
	s21 =	sshll.u32 s7, $0x1;
	s7 =	sadd.s32 s22, s5  }
0x9f: {  	[timem:s9], [sflag:s23] =	dma.local [hbm:s7], s21  }
0xa0: {  	_ =	swait.ge [sflag:s23], s21  }
0xa1: {  	s6 =	ssub.s32 $0x0, s21;
	[sflag:s23] =	ssyncset.done $0x0  }
0xa2: {  	[sflag:s23] =	ssyncadd.s32 s6;
	_ =	sdelay $0x1  }
0xa3: {  	s24 =	simm.s32 $0x1B8B  }
0xa4: {  	_ =	swait.ge [sflag:s24], $0x1  }
0xa5: {  	[sflag:s24] =	ssyncset.done $0x0  }
0xa6: {  	s25 =	simm.s32 $0x1B8E;
	[sflag:s24] =	ssyncadd.s32 $0xFFFFFFFF  }
0xa7: {  	s26 =	simm.s32 $execute0_lowered;
	[smem:$0x3FD2] =	sst s25  }
0xa8: {  	s6 =	sshll.u32 s26, $0x1;
	_ =	strace $0x80000046;
	[dreg:$0x1] =	wrdreg $0xFFFFFFFF  }
0xa9: {  	s28 =	simm.s32 $_size_execute0_lowered;
	s5 =	sadd.s32 s5, s6;
	[dreg:$0x0] =	wrdreg $0x0  }
0xaa: {  	s6 =	sshll.u32 s28, $0x1;
	[dreg:$0x2] =	wrdreg s5  }
0xab: {  	[dreg:$0x3] =	wrdreg s6  }
0xac: {  	[dreg:$0x4] =	wrdreg $0xC0  }
0xad: {  	_ =	task [dreg:s9], $0x5FFFF  }
0xae: {  	[dreg:$0x1] =	wrdreg $0xFFFFFFFF  }
0xaf: {  	[dreg:$0x0] =	wrdreg $0x60  }
0xb0: {  	[dreg:$0x2] =	wrdreg s2  }
0xb1: {  	[dreg:$0x3] =	wrdreg s19  }
0xb2: {  	[dreg:$0x4] =	wrdreg s4  }
0xb3: {  	[dreg:$0x5] =	wrdreg $0x9  }
0xb4: {  	_ =	task.clear_ibuf [dreg:s9], $0x6FFFF;
	_ =	strace $0x90000046  }
0xb5: {  	s29 =	simm.s32 $0x9;
	_ =	strace $0x80000048  }
0xb6: {  	_ =	swait.ge [sflag:s29], $0x1  }
0xb7: {  	[sflag:s29] =	ssyncadd.s32 $0xFFFFFFFF  }
0xb8: {  	_ =	strace $0x90000048  }
0xb9: {  	_ =	sfence  }
0xba: {  	s30 =	sld [smem:$0x0];
	_ =	sdelay $0x2  }
0xbb: {  	s31 =	sshll.u32 s1, $0xD;
	s1 =	sshrl.u32 s1, $0x2  }
0xbc: {  	s3 =	sand.u32 $0x4000, s31;
	s1 =	sadd.s32 s1, s30  }
0xbd: {  	s0 =	sor.u32 s3, s0;
	s1 =	sshll.u32 s1, $0x11  }
0xbe: {  	s0 =	sor.u32 s1, s0  }
0xbf: {  	s0 =	sadd.s32 $0x8F2B, s0  }
0xc0: {  	[sflag:s0] =	ssyncadd.remote.s32 $0x1  }
0xc1: {  	_ =	sfence.sel $0xFFFF  }
0xc2: {  	[dreg:$0x0] =	wrdreg $0xFFFFFFFF;
	(pc) =	sbr.abs _section_cstart, $3  }
0xc3: {  	[dreg:$0x1] =	wrdreg $0xFFFFFFFF  }
0xc4: {  	_ =	task.clear_ibuf [dreg:s9], $0x2FFFF;
	_ =	strace $0x9FFFFFFF  }
0xc5: {  	(tm) =	ssettm $0x7FFFFFFF  }
tec
execute0_lowered:
.L_overlay_start_1:
0x0: {  	(tag) =	ssettag $0x1  }
0x1: {  	s1 =	rddreg [dreg:$0x0]  }
0x2: {  	s2 =	rddreg [dreg:$0x1]  }
0x3: {  	s3 =	rddreg [dreg:$0x2];
	s4 =	srdreg.scid  }
0x4: {  	s0 =	rddreg [dreg:$0x3];
	s5 =	simm.s32 $0x0;
	s10 =	simm.s32 $0x10000  }
0x5: {  	s11 =	simm.s32 $0x9;
	s12 =	simm.s32 $0x1;
	s13 =	simm.s32 $0x2  }
0x6: {  	s14 =	simm.s32 $0x3;
	s15 =	simm.s32 $0x4;
	s16 =	simm.s32 $0x4000  }
0x7: {  	s17 =	simm.s32 $0x5;
	s18 =	simm.s32 $0x6;
	s19 =	simm.s32 $0x7  }
0x8: {  	s20 =	simm.s32 $0x8;
	s21 =	simm.s32 $0x0;
	s6 =	sand.u32 $0x1, s4  }
0x9: {  	[smem:$0x7FF] =	sst s5;
	s4 =	stileid.u32;
	s7 =	ssub.s32 $0x2, s6  }
0xa: {  	s9 =	sshll.u32 s4, $0x10;
	s6 =	sshll.u32 s6, $0xF;
	s8 =	sshrl.u32 s7, $0x1  }
0xb: {  	_ =	strace $0x80000047;
	s6 =	sor.u32 s6, s9;
	s7 =	ssub.s32 s7, s8  }
0xc: {  	s9 =	simm.s32 $0xC000;
	s8 =	simm.s32 $0x8000;
	s7 =	smax.u32 s7, $0x1  }
.LBB2_1:
0xd: {  	s22 =	simm.s32 $0x0  }
.LBB2_2:
0xe: {  	s23 =	sshll.u32 s22, $0xB  }
0xf: {  	p0 =	seq.s32 s22, $0x0;
	s23 =	sadd.s32 s6, s23  }
0x10: {  	s25 =	simm.s32 @p0 $0x0;
	s26 =	simm.s32 @p0 $0x4000;
	s24 =	sadd.s32 @p0 s1, s23  }
0x11: {  	[tilespmem:s26], [sflag:$0x1] =	stream.linear.gather @p0 [hbm4b:s24+s25], $0x4000, $0x38;
	[tilespmem:$0x14000] =	vst v63  }
0x12: {  	s24 =	simm.s32 @!p0 $0x5  }
0x13: {  	_ =	swait.ge @!p0 [sflag:s24], $0x4000  }
0x14: {  	s25 =	simm.s32 @!p0 $0x0;
	[sflag:s24] =	ssyncset.done @!p0 $0x0  }
0x15: {  	s26 =	simm.s32 @!p0 $0x4000;
	[sflag:s24] =	ssyncadd.s32 @!p0 $0xFFFFC000;
	s24 =	sadd.s32 @!p0 s1, s23  }
0x16: {  	[tilespmem:s26], [sflag:$0x1] =	stream.linear.gather @!p0 [hbm4b:s24+s25], $0x4000, $0x38;
	[tilespmem:$0x14000] =	vst v63  }
0x17: {  	s25 =	simm.s32 @!p0 $0x6  }
0x18: {  	_ =	swait.ge @!p0 [sflag:s25], $0x4000  }
0x19: {  	s24 =	sor.u32 $0x100000, s23;
	[sflag:s25] =	ssyncset.done @!p0 $0x0  }
0x1a: {  	s26 =	simm.s32 @!p0 $0x7;
	s29 =	sadd.s32 s1, s24;
	[sflag:s25] =	ssyncadd.s32 @!p0 $0xFFFFC000  }
0x1b: {  	[tilespmem:s8], [sflag:$0x2] =	stream.linear.gather [hbm4b:s29+s5], $0x4000, $0x38;
	[tilespmem:$0x14000] =	vst v63  }
0x1c: {  	_ =	swait.ge @!p0 [sflag:s26], $0x4000  }
0x1d: {  	s25 =	sor.u32 $0x200000, s23;
	[sflag:s26] =	ssyncset.done @!p0 $0x0  }
0x1e: {  	s28 =	simm.s32 @!p0 $0x8;
	s30 =	sadd.s32 s1, s25;
	[sflag:s26] =	ssyncadd.s32 @!p0 $0xFFFFC000  }
0x1f: {  	[tilespmem:s9], [sflag:$0x3] =	stream.linear.gather [hbm4b:s30+s5], $0x4000, $0x38;
	[tilespmem:$0x14000] =	vst v63  }
0x20: {  	_ =	swait.ge @!p0 [sflag:s28], $0x4000  }
0x21: {  	s26 =	sor.u32 $0x300000, s23;
	[sflag:s28] =	ssyncset.done @!p0 $0x0  }
0x22: {  	s29 =	sadd.s32 s1, s26;
	[sflag:s28] =	ssyncadd.s32 @!p0 $0xFFFFC000;
	s28 =	simm.s32 $0x0  }
0x23: {  	[tilespmem:s10], [sflag:$0x4] =	stream.linear.gather [hbm4b:s29+s28], $0x4000, $0x38;
	[tilespmem:$0x14000] =	vst v63  }
0x24: {  	s31 =	sadd.s32 s2, s23  }
0x25: {  	[tilespmem:s28], [sflag:$0x9] =	stream.linear.gather [hbm4b:s31+s28], $0x4000, $0x38;
	[tilespmem:$0x14000] =	vst v63  }
0x26: {  	_ =	swait.ge [sflag:s11], $0x4000  }
0x27: {  	[sflag:s11] =	ssyncset.done $0x0  }
0x28: {  	[sflag:s11] =	ssyncadd.s32 $0xFFFFC000  }
0x29: {  	_ =	swait.ge [sflag:s12], $0x4000  }
0x2a: {  	[sflag:s12] =	ssyncset.done $0x0  }
0x2b: {  	[sflag:s12] =	ssyncadd.s32 $0xFFFFC000  }
0x2c: {  	_ =	swait.ge [sflag:s13], $0x4000  }
0x2d: {  	[sflag:s13] =	ssyncset.done $0x0  }
0x2e: {  	[sflag:s13] =	ssyncadd.s32 $0xFFFFC000  }
0x2f: {  	_ =	swait.ge [sflag:s14], $0x4000  }
0x30: {  	[sflag:s14] =	ssyncset.done $0x0  }
0x31: {  	[sflag:s14] =	ssyncadd.s32 $0xFFFFC000  }
0x32: {  	_ =	swait.ge [sflag:s15], $0x4000  }
0x33: {  	[sflag:s15] =	ssyncset.done $0x0  }
0x34: {  	[sflag:s15] =	ssyncadd.s32 $0xFFFFC000  }
.LBB2_3:
0x35: {  	s29 =	sshll.u32 s28, $0xA  }
0x36: {  	v0 =	vld [tilespmem:s29+$0x0]  }
0x37: {  	v1 =	vld [tilespmem:s29+$0x10]  }
0x38: {  	v63 =	vld [tilespmem:s29+$0x20]  }
0x39: {  	v4 =	vld [tilespmem:s29+$0x30]  }
0x3a: {  	v5 =	vld [tilespmem:s29+$0x40]  }
0x3b: {  	v6 =	vld [tilespmem:s29+$0x50]  }
0x3c: {  	v7 =	vld [tilespmem:s29+$0x60]  }
0x3d: {  	v8 =	vld [tilespmem:s29+$0x70]  }
0x3e: {  	v9 =	vld [tilespmem:s29+$0x80]  }
0x3f: {  	v10 =	vld [tilespmem:s29+$0x90]  }
0x40: {  	v11 =	vld [tilespmem:s29+$0xA0]  }
0x41: {  	v12 =	vld [tilespmem:s29+$0xB0]  }
0x42: {  	v13 =	vld [tilespmem:s29+$0xC0]  }
0x43: {  	v14 =	vld [tilespmem:s29+$0xD0]  }
0x44: {  	v15 =	vld [tilespmem:s29+$0xE0]  }
0x45: {  	v16 =	vld [tilespmem:s29+$0xF0]  }
0x46: {  	v17 =	vld [tilespmem:s29+$0x100]  }
0x47: {  	v18 =	vld [tilespmem:s29+$0x110]  }
0x48: {  	v19 =	vld [tilespmem:s29+$0x120]  }
0x49: {  	v20 =	vld [tilespmem:s29+$0x130]  }
0x4a: {  	v21 =	vld [tilespmem:s29+$0x140]  }
0x4b: {  	v22 =	vld [tilespmem:s29+$0x150]  }
0x4c: {  	v23 =	vld [tilespmem:s29+$0x160]  }
0x4d: {  	v24 =	vld [tilespmem:s29+$0x170]  }
0x4e: {  	v25 =	vld [tilespmem:s29+$0x180]  }
0x4f: {  	v26 =	vld [tilespmem:s29+$0x190]  }
0x50: {  	v27 =	vld [tilespmem:s29+$0x1A0]  }
0x51: {  	v28 =	vld [tilespmem:s29+$0x1B0]  }
0x52: {  	[tilespmem:s29+$0x4000] =	vst.add.f32.msk $0xffff, v0  }
0x53: {  	[tilespmem:s29+$0x8000] =	vst.add.f32.msk $0xffff, v0  }
0x54: {  	[tilespmem:s29+$0xC000] =	vst.add.f32.msk $0xffff, v0  }
0x55: {  	[tilespmem:s29+$0x10000] =	vst.add.f32.msk $0xffff, v0  }
0x56: {  	[tilespmem:s29+$0x4010] =	vst.add.f32.msk $0xffff, v1  }
0x57: {  	[tilespmem:s29+$0x8010] =	vst.add.f32.msk $0xffff, v1  }
0x58: {  	[tilespmem:s29+$0xC010] =	vst.add.f32.msk $0xffff, v1  }
0x59: {  	[tilespmem:s29+$0x10010] =	vst.add.f32.msk $0xffff, v1  }
0x5a: {  	[tilespmem:s29+$0x4020] =	vst.add.f32.msk $0xffff, v63  }
0x5b: {  	[tilespmem:s29+$0x8020] =	vst.add.f32.msk $0xffff, v63  }
0x5c: {  	[tilespmem:s29+$0xC020] =	vst.add.f32.msk $0xffff, v63  }
0x5d: {  	[tilespmem:s29+$0x10020] =	vst.add.f32.msk $0xffff, v63  }
0x5e: {  	[tilespmem:s29+$0x4030] =	vst.add.f32.msk $0xffff, v4  }
0x5f: {  	[tilespmem:s29+$0x8030] =	vst.add.f32.msk $0xffff, v4  }
0x60: {  	[tilespmem:s29+$0xC030] =	vst.add.f32.msk $0xffff, v4  }
0x61: {  	[tilespmem:s29+$0x10030] =	vst.add.f32.msk $0xffff, v4  }
0x62: {  	[tilespmem:s29+$0x4040] =	vst.add.f32.msk $0xffff, v5  }
0x63: {  	[tilespmem:s29+$0x8040] =	vst.add.f32.msk $0xffff, v5  }
0x64: {  	[tilespmem:s29+$0xC040] =	vst.add.f32.msk $0xffff, v5  }
0x65: {  	[tilespmem:s29+$0x10040] =	vst.add.f32.msk $0xffff, v5  }
0x66: {  	[tilespmem:s29+$0x4050] =	vst.add.f32.msk $0xffff, v6  }
0x67: {  	[tilespmem:s29+$0x8050] =	vst.add.f32.msk $0xffff, v6  }
0x68: {  	[tilespmem:s29+$0xC050] =	vst.add.f32.msk $0xffff, v6  }
0x69: {  	[tilespmem:s29+$0x10050] =	vst.add.f32.msk $0xffff, v6  }
0x6a: {  	[tilespmem:s29+$0x4060] =	vst.add.f32.msk $0xffff, v7  }
0x6b: {  	[tilespmem:s29+$0x8060] =	vst.add.f32.msk $0xffff, v7  }
0x6c: {  	[tilespmem:s29+$0xC060] =	vst.add.f32.msk $0xffff, v7  }
0x6d: {  	[tilespmem:s29+$0x10060] =	vst.add.f32.msk $0xffff, v7  }
0x6e: {  	[tilespmem:s29+$0x4070] =	vst.add.f32.msk $0xffff, v8  }
0x6f: {  	[tilespmem:s29+$0x8070] =	vst.add.f32.msk $0xffff, v8  }
0x70: {  	[tilespmem:s29+$0xC070] =	vst.add.f32.msk $0xffff, v8  }
0x71: {  	[tilespmem:s29+$0x10070] =	vst.add.f32.msk $0xffff, v8  }
0x72: {  	[tilespmem:s29+$0x4080] =	vst.add.f32.msk $0xffff, v9  }
0x73: {  	[tilespmem:s29+$0x8080] =	vst.add.f32.msk $0xffff, v9  }
0x74: {  	[tilespmem:s29+$0xC080] =	vst.add.f32.msk $0xffff, v9  }
0x75: {  	[tilespmem:s29+$0x10080] =	vst.add.f32.msk $0xffff, v9  }
0x76: {  	[tilespmem:s29+$0x4090] =	vst.add.f32.msk $0xffff, v10  }
0x77: {  	[tilespmem:s29+$0x8090] =	vst.add.f32.msk $0xffff, v10  }
0x78: {  	[tilespmem:s29+$0xC090] =	vst.add.f32.msk $0xffff, v10  }
0x79: {  	[tilespmem:s29+$0x10090] =	vst.add.f32.msk $0xffff, v10  }
0x7a: {  	[tilespmem:s29+$0x40A0] =	vst.add.f32.msk $0xffff, v11  }
0x7b: {  	[tilespmem:s29+$0x80A0] =	vst.add.f32.msk $0xffff, v11  }
0x7c: {  	[tilespmem:s29+$0xC0A0] =	vst.add.f32.msk $0xffff, v11  }
0x7d: {  	[tilespmem:s29+$0x100A0] =	vst.add.f32.msk $0xffff, v11  }
0x7e: {  	[tilespmem:s29+$0x40B0] =	vst.add.f32.msk $0xffff, v12  }
0x7f: {  	[tilespmem:s29+$0x80B0] =	vst.add.f32.msk $0xffff, v12  }
0x80: {  	[tilespmem:s29+$0xC0B0] =	vst.add.f32.msk $0xffff, v12  }
0x81: {  	[tilespmem:s29+$0x100B0] =	vst.add.f32.msk $0xffff, v12  }
0x82: {  	[tilespmem:s29+$0x40C0] =	vst.add.f32.msk $0xffff, v13  }
0x83: {  	[tilespmem:s29+$0x80C0] =	vst.add.f32.msk $0xffff, v13  }
0x84: {  	[tilespmem:s29+$0xC0C0] =	vst.add.f32.msk $0xffff, v13  }
0x85: {  	[tilespmem:s29+$0x100C0] =	vst.add.f32.msk $0xffff, v13  }
0x86: {  	[tilespmem:s29+$0x40D0] =	vst.add.f32.msk $0xffff, v14  }
0x87: {  	[tilespmem:s29+$0x80D0] =	vst.add.f32.msk $0xffff, v14  }
0x88: {  	[tilespmem:s29+$0xC0D0] =	vst.add.f32.msk $0xffff, v14  }
0x89: {  	[tilespmem:s29+$0x100D0] =	vst.add.f32.msk $0xffff, v14  }
0x8a: {  	[tilespmem:s29+$0x40E0] =	vst.add.f32.msk $0xffff, v15  }
0x8b: {  	[tilespmem:s29+$0x80E0] =	vst.add.f32.msk $0xffff, v15  }
0x8c: {  	[tilespmem:s29+$0xC0E0] =	vst.add.f32.msk $0xffff, v15  }
0x8d: {  	[tilespmem:s29+$0x100E0] =	vst.add.f32.msk $0xffff, v15  }
0x8e: {  	[tilespmem:s29+$0x40F0] =	vst.add.f32.msk $0xffff, v16  }
0x8f: {  	[tilespmem:s29+$0x80F0] =	vst.add.f32.msk $0xffff, v16  }
0x90: {  	[tilespmem:s29+$0xC0F0] =	vst.add.f32.msk $0xffff, v16  }
0x91: {  	[tilespmem:s29+$0x100F0] =	vst.add.f32.msk $0xffff, v16  }
0x92: {  	[tilespmem:s29+$0x4100] =	vst.add.f32.msk $0xffff, v17  }
0x93: {  	[tilespmem:s29+$0x8100] =	vst.add.f32.msk $0xffff, v17  }
0x94: {  	[tilespmem:s29+$0xC100] =	vst.add.f32.msk $0xffff, v17  }
0x95: {  	[tilespmem:s29+$0x10100] =	vst.add.f32.msk $0xffff, v17  }
0x96: {  	[tilespmem:s29+$0x4110] =	vst.add.f32.msk $0xffff, v18  }
0x97: {  	[tilespmem:s29+$0x8110] =	vst.add.f32.msk $0xffff, v18  }
0x98: {  	[tilespmem:s29+$0xC110] =	vst.add.f32.msk $0xffff, v18  }
0x99: {  	[tilespmem:s29+$0x10110] =	vst.add.f32.msk $0xffff, v18  }
0x9a: {  	[tilespmem:s29+$0x4120] =	vst.add.f32.msk $0xffff, v19  }
0x9b: {  	[tilespmem:s29+$0x8120] =	vst.add.f32.msk $0xffff, v19  }
0x9c: {  	[tilespmem:s29+$0xC120] =	vst.add.f32.msk $0xffff, v19  }
0x9d: {  	[tilespmem:s29+$0x10120] =	vst.add.f32.msk $0xffff, v19  }
0x9e: {  	[tilespmem:s29+$0x4130] =	vst.add.f32.msk $0xffff, v20  }
0x9f: {  	[tilespmem:s29+$0x8130] =	vst.add.f32.msk $0xffff, v20  }
0xa0: {  	[tilespmem:s29+$0xC130] =	vst.add.f32.msk $0xffff, v20  }
0xa1: {  	[tilespmem:s29+$0x10130] =	vst.add.f32.msk $0xffff, v20  }
0xa2: {  	[tilespmem:s29+$0x4140] =	vst.add.f32.msk $0xffff, v21  }
0xa3: {  	[tilespmem:s29+$0x8140] =	vst.add.f32.msk $0xffff, v21  }
0xa4: {  	[tilespmem:s29+$0xC140] =	vst.add.f32.msk $0xffff, v21  }
0xa5: {  	[tilespmem:s29+$0x10140] =	vst.add.f32.msk $0xffff, v21  }
0xa6: {  	[tilespmem:s29+$0x4150] =	vst.add.f32.msk $0xffff, v22  }
0xa7: {  	[tilespmem:s29+$0x8150] =	vst.add.f32.msk $0xffff, v22  }
0xa8: {  	[tilespmem:s29+$0xC150] =	vst.add.f32.msk $0xffff, v22  }
0xa9: {  	[tilespmem:s29+$0x10150] =	vst.add.f32.msk $0xffff, v22  }
0xaa: {  	[tilespmem:s29+$0x4160] =	vst.add.f32.msk $0xffff, v23  }
0xab: {  	[tilespmem:s29+$0x8160] =	vst.add.f32.msk $0xffff, v23  }
0xac: {  	[tilespmem:s29+$0xC160] =	vst.add.f32.msk $0xffff, v23  }
0xad: {  	[tilespmem:s29+$0x10160] =	vst.add.f32.msk $0xffff, v23  }
0xae: {  	[tilespmem:s29+$0x4170] =	vst.add.f32.msk $0xffff, v24  }
0xaf: {  	[tilespmem:s29+$0x8170] =	vst.add.f32.msk $0xffff, v24  }
0xb0: {  	[tilespmem:s29+$0xC170] =	vst.add.f32.msk $0xffff, v24  }
0xb1: {  	[tilespmem:s29+$0x10170] =	vst.add.f32.msk $0xffff, v24  }
0xb2: {  	[tilespmem:s29+$0x4180] =	vst.add.f32.msk $0xffff, v25  }
0xb3: {  	[tilespmem:s29+$0x8180] =	vst.add.f32.msk $0xffff, v25  }
0xb4: {  	[tilespmem:s29+$0xC180] =	vst.add.f32.msk $0xffff, v25  }
0xb5: {  	[tilespmem:s29+$0x10180] =	vst.add.f32.msk $0xffff, v25  }
0xb6: {  	[tilespmem:s29+$0x4190] =	vst.add.f32.msk $0xffff, v26  }
0xb7: {  	[tilespmem:s29+$0x8190] =	vst.add.f32.msk $0xffff, v26  }
0xb8: {  	[tilespmem:s29+$0xC190] =	vst.add.f32.msk $0xffff, v26  }
0xb9: {  	[tilespmem:s29+$0x10190] =	vst.add.f32.msk $0xffff, v26  }
0xba: {  	[tilespmem:s29+$0x41A0] =	vst.add.f32.msk $0xffff, v27  }
0xbb: {  	[tilespmem:s29+$0x81A0] =	vst.add.f32.msk $0xffff, v27  }
0xbc: {  	[tilespmem:s29+$0xC1A0] =	vst.add.f32.msk $0xffff, v27  }
0xbd: {  	[tilespmem:s29+$0x101A0] =	vst.add.f32.msk $0xffff, v27  }
0xbe: {  	[tilespmem:s29+$0x41B0] =	vst.add.f32.msk $0xffff, v28  }
0xbf: {  	[tilespmem:s29+$0x81B0] =	vst.add.f32.msk $0xffff, v28  }
0xc0: {  	[tilespmem:s29+$0xC1B0] =	vst.add.f32.msk $0xffff, v28  }
0xc1: {  	[tilespmem:s29+$0x101B0] =	vst.add.f32.msk $0xffff, v28  }
0xc2: {  	v0 =	vld [tilespmem:s29+$0x1C0]  }
0xc3: {  	v29 =	vld [tilespmem:s29+$0x1D0]  }
0xc4: {  	v30 =	vld [tilespmem:s29+$0x1E0]  }
0xc5: {  	v31 =	vld [tilespmem:s29+$0x1F0]  }
0xc6: {  	v32 =	vld [tilespmem:s29+$0x200]  }
0xc7: {  	v33 =	vld [tilespmem:s29+$0x210]  }
0xc8: {  	v34 =	vld [tilespmem:s29+$0x220]  }
0xc9: {  	v35 =	vld [tilespmem:s29+$0x230]  }
0xca: {  	v36 =	vld [tilespmem:s29+$0x240]  }
0xcb: {  	v37 =	vld [tilespmem:s29+$0x250]  }
0xcc: {  	v38 =	vld [tilespmem:s29+$0x260]  }
0xcd: {  	v39 =	vld [tilespmem:s29+$0x270]  }
0xce: {  	v40 =	vld [tilespmem:s29+$0x280]  }
0xcf: {  	v41 =	vld [tilespmem:s29+$0x290]  }
0xd0: {  	v42 =	vld [tilespmem:s29+$0x2A0]  }
0xd1: {  	v43 =	vld [tilespmem:s29+$0x2B0]  }
0xd2: {  	v44 =	vld [tilespmem:s29+$0x2C0]  }
0xd3: {  	v45 =	vld [tilespmem:s29+$0x2D0]  }
0xd4: {  	v46 =	vld [tilespmem:s29+$0x2E0]  }
0xd5: {  	v47 =	vld [tilespmem:s29+$0x2F0]  }
0xd6: {  	v48 =	vld [tilespmem:s29+$0x300]  }
0xd7: {  	v49 =	vld [tilespmem:s29+$0x310]  }
0xd8: {  	v50 =	vld [tilespmem:s29+$0x320]  }
0xd9: {  	v51 =	vld [tilespmem:s29+$0x330]  }
0xda: {  	v52 =	vld [tilespmem:s29+$0x340]  }
0xdb: {  	v53 =	vld [tilespmem:s29+$0x350]  }
0xdc: {  	v54 =	vld [tilespmem:s29+$0x360]  }
0xdd: {  	v55 =	vld [tilespmem:s29+$0x370]  }
0xde: {  	v56 =	vld [tilespmem:s29+$0x380]  }
0xdf: {  	v57 =	vld [tilespmem:s29+$0x390]  }
0xe0: {  	v58 =	vld [tilespmem:s29+$0x3A0]  }
0xe1: {  	v59 =	vld [tilespmem:s29+$0x3B0]  }
0xe2: {  	v60 =	vld [tilespmem:s29+$0x3C0]  }
0xe3: {  	v61 =	vld [tilespmem:s29+$0x3D0]  }
0xe4: {  	v62 =	vld [tilespmem:s29+$0x3E0]  }
0xe5: {  	v63 =	vld [tilespmem:s29+$0x3F0]  }
0xe6: {  	[tilespmem:s29+$0x41C0] =	vst.add.f32.msk $0xffff, v0  }
0xe7: {  	[tilespmem:s29+$0x81C0] =	vst.add.f32.msk $0xffff, v0  }
0xe8: {  	[tilespmem:s29+$0xC1C0] =	vst.add.f32.msk $0xffff, v0  }
0xe9: {  	[tilespmem:s29+$0x101C0] =	vst.add.f32.msk $0xffff, v0  }
0xea: {  	[tilespmem:s29+$0x41D0] =	vst.add.f32.msk $0xffff, v29  }
0xeb: {  	[tilespmem:s29+$0x81D0] =	vst.add.f32.msk $0xffff, v29  }
0xec: {  	[tilespmem:s29+$0xC1D0] =	vst.add.f32.msk $0xffff, v29  }
0xed: {  	[tilespmem:s29+$0x101D0] =	vst.add.f32.msk $0xffff, v29  }
0xee: {  	[tilespmem:s29+$0x41E0] =	vst.add.f32.msk $0xffff, v30  }
0xef: {  	[tilespmem:s29+$0x81E0] =	vst.add.f32.msk $0xffff, v30  }
0xf0: {  	[tilespmem:s29+$0xC1E0] =	vst.add.f32.msk $0xffff, v30  }
0xf1: {  	[tilespmem:s29+$0x101E0] =	vst.add.f32.msk $0xffff, v30  }
0xf2: {  	[tilespmem:s29+$0x41F0] =	vst.add.f32.msk $0xffff, v31  }
0xf3: {  	[tilespmem:s29+$0x81F0] =	vst.add.f32.msk $0xffff, v31  }
0xf4: {  	[tilespmem:s29+$0xC1F0] =	vst.add.f32.msk $0xffff, v31  }
0xf5: {  	[tilespmem:s29+$0x101F0] =	vst.add.f32.msk $0xffff, v31  }
0xf6: {  	[tilespmem:s29+$0x4200] =	vst.add.f32.msk $0xffff, v32  }
0xf7: {  	[tilespmem:s29+$0x8200] =	vst.add.f32.msk $0xffff, v32  }
0xf8: {  	[tilespmem:s29+$0xC200] =	vst.add.f32.msk $0xffff, v32  }
0xf9: {  	[tilespmem:s29+$0x10200] =	vst.add.f32.msk $0xffff, v32  }
0xfa: {  	[tilespmem:s29+$0x4210] =	vst.add.f32.msk $0xffff, v33  }
0xfb: {  	[tilespmem:s29+$0x8210] =	vst.add.f32.msk $0xffff, v33  }
0xfc: {  	[tilespmem:s29+$0xC210] =	vst.add.f32.msk $0xffff, v33  }
0xfd: {  	[tilespmem:s29+$0x10210] =	vst.add.f32.msk $0xffff, v33  }
0xfe: {  	[tilespmem:s29+$0x4220] =	vst.add.f32.msk $0xffff, v34  }
0xff: {  	[tilespmem:s29+$0x8220] =	vst.add.f32.msk $0xffff, v34  }
0x100: {  	[tilespmem:s29+$0xC220] =	vst.add.f32.msk $0xffff, v34  }
0x101: {  	[tilespmem:s29+$0x10220] =	vst.add.f32.msk $0xffff, v34  }
0x102: {  	[tilespmem:s29+$0x4230] =	vst.add.f32.msk $0xffff, v35  }
0x103: {  	[tilespmem:s29+$0x8230] =	vst.add.f32.msk $0xffff, v35  }
0x104: {  	[tilespmem:s29+$0xC230] =	vst.add.f32.msk $0xffff, v35  }
0x105: {  	[tilespmem:s29+$0x10230] =	vst.add.f32.msk $0xffff, v35  }
0x106: {  	[tilespmem:s29+$0x4240] =	vst.add.f32.msk $0xffff, v36  }
0x107: {  	[tilespmem:s29+$0x8240] =	vst.add.f32.msk $0xffff, v36  }
0x108: {  	[tilespmem:s29+$0xC240] =	vst.add.f32.msk $0xffff, v36  }
0x109: {  	[tilespmem:s29+$0x10240] =	vst.add.f32.msk $0xffff, v36  }
0x10a: {  	[tilespmem:s29+$0x4250] =	vst.add.f32.msk $0xffff, v37  }
0x10b: {  	[tilespmem:s29+$0x8250] =	vst.add.f32.msk $0xffff, v37  }
0x10c: {  	[tilespmem:s29+$0xC250] =	vst.add.f32.msk $0xffff, v37  }
0x10d: {  	[tilespmem:s29+$0x10250] =	vst.add.f32.msk $0xffff, v37  }
0x10e: {  	[tilespmem:s29+$0x4260] =	vst.add.f32.msk $0xffff, v38  }
0x10f: {  	[tilespmem:s29+$0x8260] =	vst.add.f32.msk $0xffff, v38  }
0x110: {  	[tilespmem:s29+$0xC260] =	vst.add.f32.msk $0xffff, v38  }
0x111: {  	[tilespmem:s29+$0x10260] =	vst.add.f32.msk $0xffff, v38  }
0x112: {  	[tilespmem:s29+$0x4270] =	vst.add.f32.msk $0xffff, v39  }
0x113: {  	[tilespmem:s29+$0x8270] =	vst.add.f32.msk $0xffff, v39  }
0x114: {  	[tilespmem:s29+$0xC270] =	vst.add.f32.msk $0xffff, v39  }
0x115: {  	[tilespmem:s29+$0x10270] =	vst.add.f32.msk $0xffff, v39  }
0x116: {  	[tilespmem:s29+$0x4280] =	vst.add.f32.msk $0xffff, v40  }
0x117: {  	[tilespmem:s29+$0x8280] =	vst.add.f32.msk $0xffff, v40  }
0x118: {  	[tilespmem:s29+$0xC280] =	vst.add.f32.msk $0xffff, v40  }
0x119: {  	[tilespmem:s29+$0x10280] =	vst.add.f32.msk $0xffff, v40  }
0x11a: {  	[tilespmem:s29+$0x4290] =	vst.add.f32.msk $0xffff, v41  }
0x11b: {  	[tilespmem:s29+$0x8290] =	vst.add.f32.msk $0xffff, v41  }
0x11c: {  	[tilespmem:s29+$0xC290] =	vst.add.f32.msk $0xffff, v41  }
0x11d: {  	[tilespmem:s29+$0x10290] =	vst.add.f32.msk $0xffff, v41  }
0x11e: {  	[tilespmem:s29+$0x42A0] =	vst.add.f32.msk $0xffff, v42  }
0x11f: {  	[tilespmem:s29+$0x82A0] =	vst.add.f32.msk $0xffff, v42  }
0x120: {  	[tilespmem:s29+$0xC2A0] =	vst.add.f32.msk $0xffff, v42  }
0x121: {  	[tilespmem:s29+$0x102A0] =	vst.add.f32.msk $0xffff, v42  }
0x122: {  	[tilespmem:s29+$0x42B0] =	vst.add.f32.msk $0xffff, v43  }
0x123: {  	[tilespmem:s29+$0x82B0] =	vst.add.f32.msk $0xffff, v43  }
0x124: {  	[tilespmem:s29+$0xC2B0] =	vst.add.f32.msk $0xffff, v43  }
0x125: {  	[tilespmem:s29+$0x102B0] =	vst.add.f32.msk $0xffff, v43  }
0x126: {  	[tilespmem:s29+$0x42C0] =	vst.add.f32.msk $0xffff, v44  }
0x127: {  	[tilespmem:s29+$0x82C0] =	vst.add.f32.msk $0xffff, v44  }
0x128: {  	[tilespmem:s29+$0xC2C0] =	vst.add.f32.msk $0xffff, v44  }
0x129: {  	[tilespmem:s29+$0x102C0] =	vst.add.f32.msk $0xffff, v44  }
0x12a: {  	[tilespmem:s29+$0x42D0] =	vst.add.f32.msk $0xffff, v45  }
0x12b: {  	[tilespmem:s29+$0x82D0] =	vst.add.f32.msk $0xffff, v45  }
0x12c: {  	[tilespmem:s29+$0xC2D0] =	vst.add.f32.msk $0xffff, v45  }
0x12d: {  	[tilespmem:s29+$0x102D0] =	vst.add.f32.msk $0xffff, v45  }
0x12e: {  	[tilespmem:s29+$0x42E0] =	vst.add.f32.msk $0xffff, v46  }
0x12f: {  	[tilespmem:s29+$0x82E0] =	vst.add.f32.msk $0xffff, v46  }
0x130: {  	[tilespmem:s29+$0xC2E0] =	vst.add.f32.msk $0xffff, v46  }
0x131: {  	[tilespmem:s29+$0x102E0] =	vst.add.f32.msk $0xffff, v46  }
0x132: {  	[tilespmem:s29+$0x42F0] =	vst.add.f32.msk $0xffff, v47  }
0x133: {  	[tilespmem:s29+$0x82F0] =	vst.add.f32.msk $0xffff, v47  }
0x134: {  	[tilespmem:s29+$0xC2F0] =	vst.add.f32.msk $0xffff, v47  }
0x135: {  	[tilespmem:s29+$0x102F0] =	vst.add.f32.msk $0xffff, v47  }
0x136: {  	[tilespmem:s29+$0x4300] =	vst.add.f32.msk $0xffff, v48  }
0x137: {  	[tilespmem:s29+$0x8300] =	vst.add.f32.msk $0xffff, v48  }
0x138: {  	[tilespmem:s29+$0xC300] =	vst.add.f32.msk $0xffff, v48  }
0x139: {  	[tilespmem:s29+$0x10300] =	vst.add.f32.msk $0xffff, v48  }
0x13a: {  	[tilespmem:s29+$0x4310] =	vst.add.f32.msk $0xffff, v49  }
0x13b: {  	[tilespmem:s29+$0x8310] =	vst.add.f32.msk $0xffff, v49  }
0x13c: {  	[tilespmem:s29+$0xC310] =	vst.add.f32.msk $0xffff, v49  }
0x13d: {  	[tilespmem:s29+$0x10310] =	vst.add.f32.msk $0xffff, v49  }
0x13e: {  	[tilespmem:s29+$0x4320] =	vst.add.f32.msk $0xffff, v50  }
0x13f: {  	[tilespmem:s29+$0x8320] =	vst.add.f32.msk $0xffff, v50  }
0x140: {  	[tilespmem:s29+$0xC320] =	vst.add.f32.msk $0xffff, v50  }
0x141: {  	[tilespmem:s29+$0x10320] =	vst.add.f32.msk $0xffff, v50  }
0x142: {  	[tilespmem:s29+$0x4330] =	vst.add.f32.msk $0xffff, v51  }
0x143: {  	[tilespmem:s29+$0x8330] =	vst.add.f32.msk $0xffff, v51  }
0x144: {  	[tilespmem:s29+$0xC330] =	vst.add.f32.msk $0xffff, v51  }
0x145: {  	[tilespmem:s29+$0x10330] =	vst.add.f32.msk $0xffff, v51  }
0x146: {  	[tilespmem:s29+$0x4340] =	vst.add.f32.msk $0xffff, v52  }
0x147: {  	[tilespmem:s29+$0x8340] =	vst.add.f32.msk $0xffff, v52  }
0x148: {  	[tilespmem:s29+$0xC340] =	vst.add.f32.msk $0xffff, v52  }
0x149: {  	[tilespmem:s29+$0x10340] =	vst.add.f32.msk $0xffff, v52  }
0x14a: {  	[tilespmem:s29+$0x4350] =	vst.add.f32.msk $0xffff, v53  }
0x14b: {  	[tilespmem:s29+$0x8350] =	vst.add.f32.msk $0xffff, v53  }
0x14c: {  	[tilespmem:s29+$0xC350] =	vst.add.f32.msk $0xffff, v53  }
0x14d: {  	[tilespmem:s29+$0x10350] =	vst.add.f32.msk $0xffff, v53  }
0x14e: {  	[tilespmem:s29+$0x4360] =	vst.add.f32.msk $0xffff, v54  }
0x14f: {  	[tilespmem:s29+$0x8360] =	vst.add.f32.msk $0xffff, v54  }
0x150: {  	[tilespmem:s29+$0xC360] =	vst.add.f32.msk $0xffff, v54  }
0x151: {  	[tilespmem:s29+$0x10360] =	vst.add.f32.msk $0xffff, v54  }
0x152: {  	[tilespmem:s29+$0x4370] =	vst.add.f32.msk $0xffff, v55  }
0x153: {  	[tilespmem:s29+$0x8370] =	vst.add.f32.msk $0xffff, v55  }
0x154: {  	[tilespmem:s29+$0xC370] =	vst.add.f32.msk $0xffff, v55  }
0x155: {  	[tilespmem:s29+$0x10370] =	vst.add.f32.msk $0xffff, v55  }
0x156: {  	[tilespmem:s29+$0x4380] =	vst.add.f32.msk $0xffff, v56  }
0x157: {  	[tilespmem:s29+$0x8380] =	vst.add.f32.msk $0xffff, v56  }
0x158: {  	[tilespmem:s29+$0xC380] =	vst.add.f32.msk $0xffff, v56  }
0x159: {  	[tilespmem:s29+$0x10380] =	vst.add.f32.msk $0xffff, v56  }
0x15a: {  	[tilespmem:s29+$0x4390] =	vst.add.f32.msk $0xffff, v57  }
0x15b: {  	[tilespmem:s29+$0x8390] =	vst.add.f32.msk $0xffff, v57  }
0x15c: {  	[tilespmem:s29+$0xC390] =	vst.add.f32.msk $0xffff, v57  }
0x15d: {  	[tilespmem:s29+$0x10390] =	vst.add.f32.msk $0xffff, v57  }
0x15e: {  	[tilespmem:s29+$0x43A0] =	vst.add.f32.msk $0xffff, v58  }
0x15f: {  	[tilespmem:s29+$0x83A0] =	vst.add.f32.msk $0xffff, v58  }
0x160: {  	[tilespmem:s29+$0xC3A0] =	vst.add.f32.msk $0xffff, v58  }
0x161: {  	[tilespmem:s29+$0x103A0] =	vst.add.f32.msk $0xffff, v58  }
0x162: {  	[tilespmem:s29+$0x43B0] =	vst.add.f32.msk $0xffff, v59  }
0x163: {  	[tilespmem:s29+$0x83B0] =	vst.add.f32.msk $0xffff, v59  }
0x164: {  	[tilespmem:s29+$0xC3B0] =	vst.add.f32.msk $0xffff, v59  }
0x165: {  	[tilespmem:s29+$0x103B0] =	vst.add.f32.msk $0xffff, v59  }
0x166: {  	[tilespmem:s29+$0x43C0] =	vst.add.f32.msk $0xffff, v60  }
0x167: {  	[tilespmem:s29+$0x83C0] =	vst.add.f32.msk $0xffff, v60  }
0x168: {  	[tilespmem:s29+$0xC3C0] =	vst.add.f32.msk $0xffff, v60  }
0x169: {  	[tilespmem:s29+$0x103C0] =	vst.add.f32.msk $0xffff, v60  }
0x16a: {  	[tilespmem:s29+$0x43D0] =	vst.add.f32.msk $0xffff, v61  }
0x16b: {  	[tilespmem:s29+$0x83D0] =	vst.add.f32.msk $0xffff, v61  }
0x16c: {  	[tilespmem:s29+$0xC3D0] =	vst.add.f32.msk $0xffff, v61  }
0x16d: {  	[tilespmem:s29+$0x103D0] =	vst.add.f32.msk $0xffff, v61  }
0x16e: {  	[tilespmem:s29+$0x43E0] =	vst.add.f32.msk $0xffff, v62  }
0x16f: {  	[tilespmem:s29+$0x83E0] =	vst.add.f32.msk $0xffff, v62  }
0x170: {  	[tilespmem:s29+$0xC3E0] =	vst.add.f32.msk $0xffff, v62  }
0x171: {  	[tilespmem:s29+$0x103E0] =	vst.add.f32.msk $0xffff, v62  }
0x172: {  	[tilespmem:s29+$0x43F0] =	vst.add.f32.msk $0xffff, v63  }
0x173: {  	[tilespmem:s29+$0x83F0] =	vst.add.f32.msk $0xffff, v63  }
0x174: {  	[tilespmem:s29+$0xC3F0] =	vst.add.f32.msk $0xffff, v63  }
0x175: {  	s30 =	sor.u32 $0x2000, s29;
	[tilespmem:s29+$0x103F0] =	vst.add.f32.msk $0xffff, v63  }
0x176: {  	v0 =	vld [tilespmem:s30+$0x0];
	_ =	sdelay $0x4  }
0x177: {  	[tilespmem:s29+$0x6000] =	vst.add.f32.msk $0xffff, v0  }
0x178: {  	[tilespmem:s29+$0xA000] =	vst.add.f32.msk $0xffff, v0  }
0x179: {  	[tilespmem:s29+$0xE000] =	vst.add.f32.msk $0xffff, v0  }
0x17a: {  	s31 =	sor.u32 $0x2010, s29;
	[tilespmem:s29+$0x12000] =	vst.add.f32.msk $0xffff, v0  }
0x17b: {  	v0 =	vld [tilespmem:s31+$0x0];
	_ =	sdelay $0x4  }
0x17c: {  	[tilespmem:s29+$0x6010] =	vst.add.f32.msk $0xffff, v0  }
0x17d: {  	[tilespmem:s29+$0xA010] =	vst.add.f32.msk $0xffff, v0  }
0x17e: {  	[tilespmem:s29+$0xE010] =	vst.add.f32.msk $0xffff, v0  }
0x17f: {  	s31 =	sor.u32 $0x2020, s29;
	[tilespmem:s29+$0x12010] =	vst.add.f32.msk $0xffff, v0  }
0x180: {  	v0 =	vld [tilespmem:s31+$0x0];
	_ =	sdelay $0x4  }
0x181: {  	[tilespmem:s29+$0x6020] =	vst.add.f32.msk $0xffff, v0  }
0x182: {  	[tilespmem:s29+$0xA020] =	vst.add.f32.msk $0xffff, v0  }
0x183: {  	[tilespmem:s29+$0xE020] =	vst.add.f32.msk $0xffff, v0  }
0x184: {  	s31 =	sor.u32 $0x2030, s29;
	[tilespmem:s29+$0x12020] =	vst.add.f32.msk $0xffff, v0  }
0x185: {  	v0 =	vld [tilespmem:s31+$0x0];
	_ =	sdelay $0x4  }
0x186: {  	[tilespmem:s29+$0x6030] =	vst.add.f32.msk $0xffff, v0  }
0x187: {  	[tilespmem:s29+$0xA030] =	vst.add.f32.msk $0xffff, v0  }
0x188: {  	[tilespmem:s29+$0xE030] =	vst.add.f32.msk $0xffff, v0  }
0x189: {  	s31 =	sor.u32 $0x2040, s29;
	[tilespmem:s29+$0x12030] =	vst.add.f32.msk $0xffff, v0  }
0x18a: {  	v0 =	vld [tilespmem:s31+$0x0];
	_ =	sdelay $0x4  }
0x18b: {  	[tilespmem:s29+$0x6040] =	vst.add.f32.msk $0xffff, v0  }
0x18c: {  	[tilespmem:s29+$0xA040] =	vst.add.f32.msk $0xffff, v0  }
0x18d: {  	[tilespmem:s29+$0xE040] =	vst.add.f32.msk $0xffff, v0  }
0x18e: {  	s31 =	sor.u32 $0x2050, s29;
	[tilespmem:s29+$0x12040] =	vst.add.f32.msk $0xffff, v0  }
0x18f: {  	v0 =	vld [tilespmem:s31+$0x0];
	_ =	sdelay $0x4  }
0x190: {  	[tilespmem:s29+$0x6050] =	vst.add.f32.msk $0xffff, v0  }
0x191: {  	[tilespmem:s29+$0xA050] =	vst.add.f32.msk $0xffff, v0  }
0x192: {  	[tilespmem:s29+$0xE050] =	vst.add.f32.msk $0xffff, v0  }
0x193: {  	s31 =	sor.u32 $0x2060, s29;
	[tilespmem:s29+$0x12050] =	vst.add.f32.msk $0xffff, v0  }
0x194: {  	v0 =	vld [tilespmem:s31+$0x0];
	_ =	sdelay $0x4  }
0x195: {  	[tilespmem:s29+$0x6060] =	vst.add.f32.msk $0xffff, v0  }
0x196: {  	[tilespmem:s29+$0xA060] =	vst.add.f32.msk $0xffff, v0  }
0x197: {  	[tilespmem:s29+$0xE060] =	vst.add.f32.msk $0xffff, v0  }
0x198: {  	s31 =	sor.u32 $0x2070, s29;
	[tilespmem:s29+$0x12060] =	vst.add.f32.msk $0xffff, v0  }
0x199: {  	v0 =	vld [tilespmem:s31+$0x0];
	_ =	sdelay $0x4  }
0x19a: {  	[tilespmem:s29+$0x6070] =	vst.add.f32.msk $0xffff, v0  }
0x19b: {  	[tilespmem:s29+$0xA070] =	vst.add.f32.msk $0xffff, v0  }
0x19c: {  	[tilespmem:s29+$0xE070] =	vst.add.f32.msk $0xffff, v0  }
0x19d: {  	s31 =	sor.u32 $0x2080, s29;
	[tilespmem:s29+$0x12070] =	vst.add.f32.msk $0xffff, v0  }
0x19e: {  	v0 =	vld [tilespmem:s31+$0x0];
	_ =	sdelay $0x4  }
0x19f: {  	[tilespmem:s29+$0x6080] =	vst.add.f32.msk $0xffff, v0  }
0x1a0: {  	[tilespmem:s29+$0xA080] =	vst.add.f32.msk $0xffff, v0  }
0x1a1: {  	[tilespmem:s29+$0xE080] =	vst.add.f32.msk $0xffff, v0  }
0x1a2: {  	s31 =	sor.u32 $0x2090, s29;
	[tilespmem:s29+$0x12080] =	vst.add.f32.msk $0xffff, v0  }
0x1a3: {  	v0 =	vld [tilespmem:s31+$0x0];
	_ =	sdelay $0x4  }
0x1a4: {  	[tilespmem:s29+$0x6090] =	vst.add.f32.msk $0xffff, v0  }
0x1a5: {  	[tilespmem:s29+$0xA090] =	vst.add.f32.msk $0xffff, v0  }
0x1a6: {  	[tilespmem:s29+$0xE090] =	vst.add.f32.msk $0xffff, v0  }
0x1a7: {  	s31 =	sor.u32 $0x20A0, s29;
	[tilespmem:s29+$0x12090] =	vst.add.f32.msk $0xffff, v0  }
0x1a8: {  	v0 =	vld [tilespmem:s31+$0x0];
	_ =	sdelay $0x4  }
0x1a9: {  	[tilespmem:s29+$0x60A0] =	vst.add.f32.msk $0xffff, v0  }
0x1aa: {  	[tilespmem:s29+$0xA0A0] =	vst.add.f32.msk $0xffff, v0  }
0x1ab: {  	[tilespmem:s29+$0xE0A0] =	vst.add.f32.msk $0xffff, v0  }
0x1ac: {  	s31 =	sor.u32 $0x20B0, s29;
	[tilespmem:s29+$0x120A0] =	vst.add.f32.msk $0xffff, v0  }
0x1ad: {  	v0 =	vld [tilespmem:s31+$0x0];
	_ =	sdelay $0x4  }
0x1ae: {  	[tilespmem:s29+$0x60B0] =	vst.add.f32.msk $0xffff, v0  }
0x1af: {  	[tilespmem:s29+$0xA0B0] =	vst.add.f32.msk $0xffff, v0  }
0x1b0: {  	[tilespmem:s29+$0xE0B0] =	vst.add.f32.msk $0xffff, v0  }
0x1b1: {  	s31 =	sor.u32 $0x20C0, s29;
	[tilespmem:s29+$0x120B0] =	vst.add.f32.msk $0xffff, v0  }
0x1b2: {  	v0 =	vld [tilespmem:s31+$0x0];
	_ =	sdelay $0x4  }
0x1b3: {  	[tilespmem:s29+$0x60C0] =	vst.add.f32.msk $0xffff, v0  }
0x1b4: {  	[tilespmem:s29+$0xA0C0] =	vst.add.f32.msk $0xffff, v0  }
0x1b5: {  	[tilespmem:s29+$0xE0C0] =	vst.add.f32.msk $0xffff, v0  }
0x1b6: {  	s31 =	sor.u32 $0x20D0, s29;
	[tilespmem:s29+$0x120C0] =	vst.add.f32.msk $0xffff, v0  }
0x1b7: {  	v0 =	vld [tilespmem:s31+$0x0];
	_ =	sdelay $0x4  }
0x1b8: {  	[tilespmem:s29+$0x60D0] =	vst.add.f32.msk $0xffff, v0  }
0x1b9: {  	[tilespmem:s29+$0xA0D0] =	vst.add.f32.msk $0xffff, v0  }
0x1ba: {  	[tilespmem:s29+$0xE0D0] =	vst.add.f32.msk $0xffff, v0  }
0x1bb: {  	s31 =	sor.u32 $0x20E0, s29;
	[tilespmem:s29+$0x120D0] =	vst.add.f32.msk $0xffff, v0  }
0x1bc: {  	v0 =	vld [tilespmem:s31+$0x0];
	_ =	sdelay $0x4  }
0x1bd: {  	[tilespmem:s29+$0x60E0] =	vst.add.f32.msk $0xffff, v0  }
0x1be: {  	[tilespmem:s29+$0xA0E0] =	vst.add.f32.msk $0xffff, v0  }
0x1bf: {  	[tilespmem:s29+$0xE0E0] =	vst.add.f32.msk $0xffff, v0  }
0x1c0: {  	s31 =	sor.u32 $0x20F0, s29;
	[tilespmem:s29+$0x120E0] =	vst.add.f32.msk $0xffff, v0  }
0x1c1: {  	v0 =	vld [tilespmem:s31+$0x0];
	_ =	sdelay $0x4  }
0x1c2: {  	[tilespmem:s29+$0x60F0] =	vst.add.f32.msk $0xffff, v0  }
0x1c3: {  	[tilespmem:s29+$0xA0F0] =	vst.add.f32.msk $0xffff, v0  }
0x1c4: {  	[tilespmem:s29+$0xE0F0] =	vst.add.f32.msk $0xffff, v0  }
0x1c5: {  	s31 =	sor.u32 $0x2100, s29;
	[tilespmem:s29+$0x120F0] =	vst.add.f32.msk $0xffff, v0  }
0x1c6: {  	v0 =	vld [tilespmem:s31+$0x0];
	_ =	sdelay $0x4  }
0x1c7: {  	[tilespmem:s29+$0x6100] =	vst.add.f32.msk $0xffff, v0  }
0x1c8: {  	[tilespmem:s29+$0xA100] =	vst.add.f32.msk $0xffff, v0  }
0x1c9: {  	[tilespmem:s29+$0xE100] =	vst.add.f32.msk $0xffff, v0  }
0x1ca: {  	s31 =	sor.u32 $0x2110, s29;
	[tilespmem:s29+$0x12100] =	vst.add.f32.msk $0xffff, v0  }
0x1cb: {  	v0 =	vld [tilespmem:s31+$0x0];
	_ =	sdelay $0x4  }
0x1cc: {  	[tilespmem:s29+$0x6110] =	vst.add.f32.msk $0xffff, v0  }
0x1cd: {  	[tilespmem:s29+$0xA110] =	vst.add.f32.msk $0xffff, v0  }
0x1ce: {  	[tilespmem:s29+$0xE110] =	vst.add.f32.msk $0xffff, v0  }
0x1cf: {  	s31 =	sor.u32 $0x2120, s29;
	[tilespmem:s29+$0x12110] =	vst.add.f32.msk $0xffff, v0  }
0x1d0: {  	v0 =	vld [tilespmem:s31+$0x0];
	_ =	sdelay $0x4  }
0x1d1: {  	[tilespmem:s29+$0x6120] =	vst.add.f32.msk $0xffff, v0  }
0x1d2: {  	[tilespmem:s29+$0xA120] =	vst.add.f32.msk $0xffff, v0  }
0x1d3: {  	[tilespmem:s29+$0xE120] =	vst.add.f32.msk $0xffff, v0  }
0x1d4: {  	s31 =	sor.u32 $0x2130, s29;
	[tilespmem:s29+$0x12120] =	vst.add.f32.msk $0xffff, v0  }
0x1d5: {  	v0 =	vld [tilespmem:s31+$0x0];
	_ =	sdelay $0x4  }
0x1d6: {  	[tilespmem:s29+$0x6130] =	vst.add.f32.msk $0xffff, v0  }
0x1d7: {  	[tilespmem:s29+$0xA130] =	vst.add.f32.msk $0xffff, v0  }
0x1d8: {  	[tilespmem:s29+$0xE130] =	vst.add.f32.msk $0xffff, v0  }
0x1d9: {  	s31 =	sor.u32 $0x2140, s29;
	[tilespmem:s29+$0x12130] =	vst.add.f32.msk $0xffff, v0  }
0x1da: {  	v0 =	vld [tilespmem:s31+$0x0];
	_ =	sdelay $0x4  }
0x1db: {  	[tilespmem:s29+$0x6140] =	vst.add.f32.msk $0xffff, v0  }
0x1dc: {  	[tilespmem:s29+$0xA140] =	vst.add.f32.msk $0xffff, v0  }
0x1dd: {  	[tilespmem:s29+$0xE140] =	vst.add.f32.msk $0xffff, v0  }
0x1de: {  	s31 =	sor.u32 $0x2150, s29;
	[tilespmem:s29+$0x12140] =	vst.add.f32.msk $0xffff, v0  }
0x1df: {  	v0 =	vld [tilespmem:s31+$0x0];
	_ =	sdelay $0x4  }
0x1e0: {  	[tilespmem:s29+$0x6150] =	vst.add.f32.msk $0xffff, v0  }
0x1e1: {  	[tilespmem:s29+$0xA150] =	vst.add.f32.msk $0xffff, v0  }
0x1e2: {  	[tilespmem:s29+$0xE150] =	vst.add.f32.msk $0xffff, v0  }
0x1e3: {  	s31 =	sor.u32 $0x2160, s29;
	[tilespmem:s29+$0x12150] =	vst.add.f32.msk $0xffff, v0  }
0x1e4: {  	v0 =	vld [tilespmem:s31+$0x0];
	_ =	sdelay $0x4  }
0x1e5: {  	[tilespmem:s29+$0x6160] =	vst.add.f32.msk $0xffff, v0  }
0x1e6: {  	[tilespmem:s29+$0xA160] =	vst.add.f32.msk $0xffff, v0  }
0x1e7: {  	[tilespmem:s29+$0xE160] =	vst.add.f32.msk $0xffff, v0  }
0x1e8: {  	s31 =	sor.u32 $0x2170, s29;
	[tilespmem:s29+$0x12160] =	vst.add.f32.msk $0xffff, v0  }
0x1e9: {  	v0 =	vld [tilespmem:s31+$0x0];
	_ =	sdelay $0x4  }
0x1ea: {  	[tilespmem:s29+$0x6170] =	vst.add.f32.msk $0xffff, v0  }
0x1eb: {  	[tilespmem:s29+$0xA170] =	vst.add.f32.msk $0xffff, v0  }
0x1ec: {  	[tilespmem:s29+$0xE170] =	vst.add.f32.msk $0xffff, v0  }
0x1ed: {  	s31 =	sor.u32 $0x2180, s29;
	[tilespmem:s29+$0x12170] =	vst.add.f32.msk $0xffff, v0  }
0x1ee: {  	v0 =	vld [tilespmem:s31+$0x0];
	_ =	sdelay $0x4  }
0x1ef: {  	[tilespmem:s29+$0x6180] =	vst.add.f32.msk $0xffff, v0  }
0x1f0: {  	[tilespmem:s29+$0xA180] =	vst.add.f32.msk $0xffff, v0  }
0x1f1: {  	[tilespmem:s29+$0xE180] =	vst.add.f32.msk $0xffff, v0  }
0x1f2: {  	s31 =	sor.u32 $0x2190, s29;
	[tilespmem:s29+$0x12180] =	vst.add.f32.msk $0xffff, v0  }
0x1f3: {  	v0 =	vld [tilespmem:s31+$0x0];
	_ =	sdelay $0x4  }
0x1f4: {  	[tilespmem:s29+$0x6190] =	vst.add.f32.msk $0xffff, v0  }
0x1f5: {  	[tilespmem:s29+$0xA190] =	vst.add.f32.msk $0xffff, v0  }
0x1f6: {  	[tilespmem:s29+$0xE190] =	vst.add.f32.msk $0xffff, v0  }
0x1f7: {  	s31 =	sor.u32 $0x21A0, s29;
	[tilespmem:s29+$0x12190] =	vst.add.f32.msk $0xffff, v0  }
0x1f8: {  	v0 =	vld [tilespmem:s31+$0x0];
	_ =	sdelay $0x4  }
0x1f9: {  	[tilespmem:s29+$0x61A0] =	vst.add.f32.msk $0xffff, v0  }
0x1fa: {  	[tilespmem:s29+$0xA1A0] =	vst.add.f32.msk $0xffff, v0  }
0x1fb: {  	[tilespmem:s29+$0xE1A0] =	vst.add.f32.msk $0xffff, v0  }
0x1fc: {  	s31 =	sor.u32 $0x21B0, s29;
	[tilespmem:s29+$0x121A0] =	vst.add.f32.msk $0xffff, v0  }
0x1fd: {  	v0 =	vld [tilespmem:s31+$0x0];
	_ =	sdelay $0x4  }
0x1fe: {  	[tilespmem:s29+$0x61B0] =	vst.add.f32.msk $0xffff, v0  }
0x1ff: {  	[tilespmem:s29+$0xA1B0] =	vst.add.f32.msk $0xffff, v0  }
0x200: {  	[tilespmem:s29+$0xE1B0] =	vst.add.f32.msk $0xffff, v0  }
0x201: {  	s31 =	sor.u32 $0x21C0, s29;
	[tilespmem:s29+$0x121B0] =	vst.add.f32.msk $0xffff, v0  }
0x202: {  	v0 =	vld [tilespmem:s31+$0x0];
	_ =	sdelay $0x4  }
0x203: {  	[tilespmem:s29+$0x61C0] =	vst.add.f32.msk $0xffff, v0  }
0x204: {  	[tilespmem:s29+$0xA1C0] =	vst.add.f32.msk $0xffff, v0  }
0x205: {  	[tilespmem:s29+$0xE1C0] =	vst.add.f32.msk $0xffff, v0  }
0x206: {  	s31 =	sor.u32 $0x21D0, s29;
	[tilespmem:s29+$0x121C0] =	vst.add.f32.msk $0xffff, v0  }
0x207: {  	v0 =	vld [tilespmem:s31+$0x0];
	_ =	sdelay $0x4  }
0x208: {  	[tilespmem:s29+$0x61D0] =	vst.add.f32.msk $0xffff, v0  }
0x209: {  	[tilespmem:s29+$0xA1D0] =	vst.add.f32.msk $0xffff, v0  }
0x20a: {  	[tilespmem:s29+$0xE1D0] =	vst.add.f32.msk $0xffff, v0  }
0x20b: {  	s31 =	sor.u32 $0x21E0, s29;
	[tilespmem:s29+$0x121D0] =	vst.add.f32.msk $0xffff, v0  }
0x20c: {  	v0 =	vld [tilespmem:s31+$0x0];
	_ =	sdelay $0x4  }
0x20d: {  	[tilespmem:s29+$0x61E0] =	vst.add.f32.msk $0xffff, v0  }
0x20e: {  	[tilespmem:s29+$0xA1E0] =	vst.add.f32.msk $0xffff, v0  }
0x20f: {  	[tilespmem:s29+$0xE1E0] =	vst.add.f32.msk $0xffff, v0  }
0x210: {  	s31 =	sor.u32 $0x21F0, s29;
	[tilespmem:s29+$0x121E0] =	vst.add.f32.msk $0xffff, v0  }
0x211: {  	v0 =	vld [tilespmem:s31+$0x0];
	_ =	sdelay $0x4  }
0x212: {  	[tilespmem:s29+$0x61F0] =	vst.add.f32.msk $0xffff, v0  }
0x213: {  	[tilespmem:s29+$0xA1F0] =	vst.add.f32.msk $0xffff, v0  }
0x214: {  	[tilespmem:s29+$0xE1F0] =	vst.add.f32.msk $0xffff, v0  }
0x215: {  	s31 =	sor.u32 $0x2200, s29;
	[tilespmem:s29+$0x121F0] =	vst.add.f32.msk $0xffff, v0  }
0x216: {  	v0 =	vld [tilespmem:s31+$0x0];
	_ =	sdelay $0x4  }
0x217: {  	[tilespmem:s29+$0x6200] =	vst.add.f32.msk $0xffff, v0  }
0x218: {  	[tilespmem:s29+$0xA200] =	vst.add.f32.msk $0xffff, v0  }
0x219: {  	[tilespmem:s29+$0xE200] =	vst.add.f32.msk $0xffff, v0  }
0x21a: {  	s31 =	sor.u32 $0x2210, s29;
	[tilespmem:s29+$0x12200] =	vst.add.f32.msk $0xffff, v0  }
0x21b: {  	v0 =	vld [tilespmem:s31+$0x0];
	_ =	sdelay $0x4  }
0x21c: {  	[tilespmem:s29+$0x6210] =	vst.add.f32.msk $0xffff, v0  }
0x21d: {  	[tilespmem:s29+$0xA210] =	vst.add.f32.msk $0xffff, v0  }
0x21e: {  	[tilespmem:s29+$0xE210] =	vst.add.f32.msk $0xffff, v0  }
0x21f: {  	s31 =	sor.u32 $0x2220, s29;
	[tilespmem:s29+$0x12210] =	vst.add.f32.msk $0xffff, v0  }
0x220: {  	v0 =	vld [tilespmem:s31+$0x0];
	_ =	sdelay $0x4  }
0x221: {  	[tilespmem:s29+$0x6220] =	vst.add.f32.msk $0xffff, v0  }
0x222: {  	[tilespmem:s29+$0xA220] =	vst.add.f32.msk $0xffff, v0  }
0x223: {  	[tilespmem:s29+$0xE220] =	vst.add.f32.msk $0xffff, v0  }
0x224: {  	s31 =	sor.u32 $0x2230, s29;
	[tilespmem:s29+$0x12220] =	vst.add.f32.msk $0xffff, v0  }
0x225: {  	v0 =	vld [tilespmem:s31+$0x0];
	_ =	sdelay $0x4  }
0x226: {  	[tilespmem:s29+$0x6230] =	vst.add.f32.msk $0xffff, v0  }
0x227: {  	[tilespmem:s29+$0xA230] =	vst.add.f32.msk $0xffff, v0  }
0x228: {  	[tilespmem:s29+$0xE230] =	vst.add.f32.msk $0xffff, v0  }
0x229: {  	s31 =	sor.u32 $0x2240, s29;
	[tilespmem:s29+$0x12230] =	vst.add.f32.msk $0xffff, v0  }
0x22a: {  	v0 =	vld [tilespmem:s31+$0x0];
	_ =	sdelay $0x4  }
0x22b: {  	[tilespmem:s29+$0x6240] =	vst.add.f32.msk $0xffff, v0  }
0x22c: {  	[tilespmem:s29+$0xA240] =	vst.add.f32.msk $0xffff, v0  }
0x22d: {  	[tilespmem:s29+$0xE240] =	vst.add.f32.msk $0xffff, v0  }
0x22e: {  	s31 =	sor.u32 $0x2250, s29;
	[tilespmem:s29+$0x12240] =	vst.add.f32.msk $0xffff, v0  }
0x22f: {  	v0 =	vld [tilespmem:s31+$0x0];
	_ =	sdelay $0x4  }
0x230: {  	[tilespmem:s29+$0x6250] =	vst.add.f32.msk $0xffff, v0  }
0x231: {  	[tilespmem:s29+$0xA250] =	vst.add.f32.msk $0xffff, v0  }
0x232: {  	[tilespmem:s29+$0xE250] =	vst.add.f32.msk $0xffff, v0  }
0x233: {  	s31 =	sor.u32 $0x2260, s29;
	[tilespmem:s29+$0x12250] =	vst.add.f32.msk $0xffff, v0  }
0x234: {  	v0 =	vld [tilespmem:s31+$0x0];
	_ =	sdelay $0x4  }
0x235: {  	[tilespmem:s29+$0x6260] =	vst.add.f32.msk $0xffff, v0  }
0x236: {  	[tilespmem:s29+$0xA260] =	vst.add.f32.msk $0xffff, v0  }
0x237: {  	[tilespmem:s29+$0xE260] =	vst.add.f32.msk $0xffff, v0  }
0x238: {  	s31 =	sor.u32 $0x2270, s29;
	[tilespmem:s29+$0x12260] =	vst.add.f32.msk $0xffff, v0  }
0x239: {  	v0 =	vld [tilespmem:s31+$0x0];
	_ =	sdelay $0x4  }
0x23a: {  	[tilespmem:s29+$0x6270] =	vst.add.f32.msk $0xffff, v0  }
0x23b: {  	[tilespmem:s29+$0xA270] =	vst.add.f32.msk $0xffff, v0  }
0x23c: {  	[tilespmem:s29+$0xE270] =	vst.add.f32.msk $0xffff, v0  }
0x23d: {  	s31 =	sor.u32 $0x2280, s29;
	[tilespmem:s29+$0x12270] =	vst.add.f32.msk $0xffff, v0  }
0x23e: {  	v0 =	vld [tilespmem:s31+$0x0];
	_ =	sdelay $0x4  }
0x23f: {  	[tilespmem:s29+$0x6280] =	vst.add.f32.msk $0xffff, v0  }
0x240: {  	[tilespmem:s29+$0xA280] =	vst.add.f32.msk $0xffff, v0  }
0x241: {  	[tilespmem:s29+$0xE280] =	vst.add.f32.msk $0xffff, v0  }
0x242: {  	s31 =	sor.u32 $0x2290, s29;
	[tilespmem:s29+$0x12280] =	vst.add.f32.msk $0xffff, v0  }
0x243: {  	v0 =	vld [tilespmem:s31+$0x0];
	_ =	sdelay $0x4  }
0x244: {  	[tilespmem:s29+$0x6290] =	vst.add.f32.msk $0xffff, v0  }
0x245: {  	[tilespmem:s29+$0xA290] =	vst.add.f32.msk $0xffff, v0  }
0x246: {  	[tilespmem:s29+$0xE290] =	vst.add.f32.msk $0xffff, v0  }
0x247: {  	s31 =	sor.u32 $0x22A0, s29;
	[tilespmem:s29+$0x12290] =	vst.add.f32.msk $0xffff, v0  }
0x248: {  	v0 =	vld [tilespmem:s31+$0x0];
	_ =	sdelay $0x4  }
0x249: {  	[tilespmem:s29+$0x62A0] =	vst.add.f32.msk $0xffff, v0  }
0x24a: {  	[tilespmem:s29+$0xA2A0] =	vst.add.f32.msk $0xffff, v0  }
0x24b: {  	[tilespmem:s29+$0xE2A0] =	vst.add.f32.msk $0xffff, v0  }
0x24c: {  	s31 =	sor.u32 $0x22B0, s29;
	[tilespmem:s29+$0x122A0] =	vst.add.f32.msk $0xffff, v0  }
0x24d: {  	v0 =	vld [tilespmem:s31+$0x0];
	_ =	sdelay $0x4  }
0x24e: {  	[tilespmem:s29+$0x62B0] =	vst.add.f32.msk $0xffff, v0  }
0x24f: {  	[tilespmem:s29+$0xA2B0] =	vst.add.f32.msk $0xffff, v0  }
0x250: {  	[tilespmem:s29+$0xE2B0] =	vst.add.f32.msk $0xffff, v0  }
0x251: {  	s31 =	sor.u32 $0x22C0, s29;
	[tilespmem:s29+$0x122B0] =	vst.add.f32.msk $0xffff, v0  }
0x252: {  	v0 =	vld [tilespmem:s31+$0x0];
	_ =	sdelay $0x4  }
0x253: {  	[tilespmem:s29+$0x62C0] =	vst.add.f32.msk $0xffff, v0  }
0x254: {  	[tilespmem:s29+$0xA2C0] =	vst.add.f32.msk $0xffff, v0  }
0x255: {  	[tilespmem:s29+$0xE2C0] =	vst.add.f32.msk $0xffff, v0  }
0x256: {  	s31 =	sor.u32 $0x22D0, s29;
	[tilespmem:s29+$0x122C0] =	vst.add.f32.msk $0xffff, v0  }
0x257: {  	v0 =	vld [tilespmem:s31+$0x0];
	_ =	sdelay $0x4  }
0x258: {  	[tilespmem:s29+$0x62D0] =	vst.add.f32.msk $0xffff, v0  }
0x259: {  	[tilespmem:s29+$0xA2D0] =	vst.add.f32.msk $0xffff, v0  }
0x25a: {  	[tilespmem:s29+$0xE2D0] =	vst.add.f32.msk $0xffff, v0  }
0x25b: {  	s31 =	sor.u32 $0x22E0, s29;
	[tilespmem:s29+$0x122D0] =	vst.add.f32.msk $0xffff, v0  }
0x25c: {  	v0 =	vld [tilespmem:s31+$0x0];
	_ =	sdelay $0x4  }
0x25d: {  	[tilespmem:s29+$0x62E0] =	vst.add.f32.msk $0xffff, v0  }
0x25e: {  	[tilespmem:s29+$0xA2E0] =	vst.add.f32.msk $0xffff, v0  }
0x25f: {  	[tilespmem:s29+$0xE2E0] =	vst.add.f32.msk $0xffff, v0  }
0x260: {  	s31 =	sor.u32 $0x22F0, s29;
	[tilespmem:s29+$0x122E0] =	vst.add.f32.msk $0xffff, v0  }
0x261: {  	v0 =	vld [tilespmem:s31+$0x0];
	_ =	sdelay $0x4  }
0x262: {  	[tilespmem:s29+$0x62F0] =	vst.add.f32.msk $0xffff, v0  }
0x263: {  	[tilespmem:s29+$0xA2F0] =	vst.add.f32.msk $0xffff, v0  }
0x264: {  	[tilespmem:s29+$0xE2F0] =	vst.add.f32.msk $0xffff, v0  }
0x265: {  	s31 =	sor.u32 $0x2300, s29;
	[tilespmem:s29+$0x122F0] =	vst.add.f32.msk $0xffff, v0  }
0x266: {  	v0 =	vld [tilespmem:s31+$0x0];
	_ =	sdelay $0x4  }
0x267: {  	[tilespmem:s29+$0x6300] =	vst.add.f32.msk $0xffff, v0  }
0x268: {  	[tilespmem:s29+$0xA300] =	vst.add.f32.msk $0xffff, v0  }
0x269: {  	[tilespmem:s29+$0xE300] =	vst.add.f32.msk $0xffff, v0  }
0x26a: {  	s31 =	sor.u32 $0x2310, s29;
	[tilespmem:s29+$0x12300] =	vst.add.f32.msk $0xffff, v0  }
0x26b: {  	v0 =	vld [tilespmem:s31+$0x0];
	_ =	sdelay $0x4  }
0x26c: {  	[tilespmem:s29+$0x6310] =	vst.add.f32.msk $0xffff, v0  }
0x26d: {  	[tilespmem:s29+$0xA310] =	vst.add.f32.msk $0xffff, v0  }
0x26e: {  	[tilespmem:s29+$0xE310] =	vst.add.f32.msk $0xffff, v0  }
0x26f: {  	s31 =	sor.u32 $0x2320, s29;
	[tilespmem:s29+$0x12310] =	vst.add.f32.msk $0xffff, v0  }
0x270: {  	v0 =	vld [tilespmem:s31+$0x0];
	_ =	sdelay $0x4  }
0x271: {  	[tilespmem:s29+$0x6320] =	vst.add.f32.msk $0xffff, v0  }
0x272: {  	[tilespmem:s29+$0xA320] =	vst.add.f32.msk $0xffff, v0  }
0x273: {  	[tilespmem:s29+$0xE320] =	vst.add.f32.msk $0xffff, v0  }
0x274: {  	s31 =	sor.u32 $0x2330, s29;
	[tilespmem:s29+$0x12320] =	vst.add.f32.msk $0xffff, v0  }
0x275: {  	v0 =	vld [tilespmem:s31+$0x0];
	_ =	sdelay $0x4  }
0x276: {  	[tilespmem:s29+$0x6330] =	vst.add.f32.msk $0xffff, v0  }
0x277: {  	[tilespmem:s29+$0xA330] =	vst.add.f32.msk $0xffff, v0  }
0x278: {  	[tilespmem:s29+$0xE330] =	vst.add.f32.msk $0xffff, v0  }
0x279: {  	s31 =	sor.u32 $0x2340, s29;
	[tilespmem:s29+$0x12330] =	vst.add.f32.msk $0xffff, v0  }
0x27a: {  	v0 =	vld [tilespmem:s31+$0x0];
	_ =	sdelay $0x4  }
0x27b: {  	[tilespmem:s29+$0x6340] =	vst.add.f32.msk $0xffff, v0  }
0x27c: {  	[tilespmem:s29+$0xA340] =	vst.add.f32.msk $0xffff, v0  }
0x27d: {  	[tilespmem:s29+$0xE340] =	vst.add.f32.msk $0xffff, v0  }
0x27e: {  	s31 =	sor.u32 $0x2350, s29;
	[tilespmem:s29+$0x12340] =	vst.add.f32.msk $0xffff, v0  }
0x27f: {  	v0 =	vld [tilespmem:s31+$0x0];
	_ =	sdelay $0x4  }
0x280: {  	[tilespmem:s29+$0x6350] =	vst.add.f32.msk $0xffff, v0  }
0x281: {  	[tilespmem:s29+$0xA350] =	vst.add.f32.msk $0xffff, v0  }
0x282: {  	[tilespmem:s29+$0xE350] =	vst.add.f32.msk $0xffff, v0  }
0x283: {  	s31 =	sor.u32 $0x2360, s29;
	[tilespmem:s29+$0x12350] =	vst.add.f32.msk $0xffff, v0  }
0x284: {  	v0 =	vld [tilespmem:s31+$0x0];
	_ =	sdelay $0x4  }
0x285: {  	[tilespmem:s29+$0x6360] =	vst.add.f32.msk $0xffff, v0  }
0x286: {  	[tilespmem:s29+$0xA360] =	vst.add.f32.msk $0xffff, v0  }
0x287: {  	[tilespmem:s29+$0xE360] =	vst.add.f32.msk $0xffff, v0  }
0x288: {  	s31 =	sor.u32 $0x2370, s29;
	[tilespmem:s29+$0x12360] =	vst.add.f32.msk $0xffff, v0  }
0x289: {  	v0 =	vld [tilespmem:s31+$0x0];
	_ =	sdelay $0x4  }
0x28a: {  	[tilespmem:s29+$0x6370] =	vst.add.f32.msk $0xffff, v0  }
0x28b: {  	[tilespmem:s29+$0xA370] =	vst.add.f32.msk $0xffff, v0  }
0x28c: {  	[tilespmem:s29+$0xE370] =	vst.add.f32.msk $0xffff, v0  }
0x28d: {  	s31 =	sor.u32 $0x2380, s29;
	[tilespmem:s29+$0x12370] =	vst.add.f32.msk $0xffff, v0  }
0x28e: {  	v0 =	vld [tilespmem:s31+$0x0];
	_ =	sdelay $0x4  }
0x28f: {  	[tilespmem:s29+$0x6380] =	vst.add.f32.msk $0xffff, v0  }
0x290: {  	[tilespmem:s29+$0xA380] =	vst.add.f32.msk $0xffff, v0  }
0x291: {  	[tilespmem:s29+$0xE380] =	vst.add.f32.msk $0xffff, v0  }
0x292: {  	s31 =	sor.u32 $0x2390, s29;
	[tilespmem:s29+$0x12380] =	vst.add.f32.msk $0xffff, v0  }
0x293: {  	v0 =	vld [tilespmem:s31+$0x0];
	_ =	sdelay $0x4  }
0x294: {  	[tilespmem:s29+$0x6390] =	vst.add.f32.msk $0xffff, v0  }
0x295: {  	[tilespmem:s29+$0xA390] =	vst.add.f32.msk $0xffff, v0  }
0x296: {  	[tilespmem:s29+$0xE390] =	vst.add.f32.msk $0xffff, v0  }
0x297: {  	s31 =	sor.u32 $0x23A0, s29;
	[tilespmem:s29+$0x12390] =	vst.add.f32.msk $0xffff, v0  }
0x298: {  	v0 =	vld [tilespmem:s31+$0x0];
	_ =	sdelay $0x4  }
0x299: {  	[tilespmem:s29+$0x63A0] =	vst.add.f32.msk $0xffff, v0  }
0x29a: {  	[tilespmem:s29+$0xA3A0] =	vst.add.f32.msk $0xffff, v0  }
0x29b: {  	[tilespmem:s29+$0xE3A0] =	vst.add.f32.msk $0xffff, v0  }
0x29c: {  	s31 =	sor.u32 $0x23B0, s29;
	[tilespmem:s29+$0x123A0] =	vst.add.f32.msk $0xffff, v0  }
0x29d: {  	v0 =	vld [tilespmem:s31+$0x0];
	_ =	sdelay $0x4  }
0x29e: {  	[tilespmem:s29+$0x63B0] =	vst.add.f32.msk $0xffff, v0  }
0x29f: {  	[tilespmem:s29+$0xA3B0] =	vst.add.f32.msk $0xffff, v0  }
0x2a0: {  	[tilespmem:s29+$0xE3B0] =	vst.add.f32.msk $0xffff, v0  }
0x2a1: {  	s31 =	sor.u32 $0x23C0, s29;
	[tilespmem:s29+$0x123B0] =	vst.add.f32.msk $0xffff, v0  }
0x2a2: {  	v0 =	vld [tilespmem:s31+$0x0];
	_ =	sdelay $0x4  }
0x2a3: {  	[tilespmem:s29+$0x63C0] =	vst.add.f32.msk $0xffff, v0  }
0x2a4: {  	[tilespmem:s29+$0xA3C0] =	vst.add.f32.msk $0xffff, v0  }
0x2a5: {  	[tilespmem:s29+$0xE3C0] =	vst.add.f32.msk $0xffff, v0  }
0x2a6: {  	s31 =	sor.u32 $0x23D0, s29;
	[tilespmem:s29+$0x123C0] =	vst.add.f32.msk $0xffff, v0  }
0x2a7: {  	v0 =	vld [tilespmem:s31+$0x0];
	_ =	sdelay $0x4  }
0x2a8: {  	[tilespmem:s29+$0x63D0] =	vst.add.f32.msk $0xffff, v0  }
0x2a9: {  	[tilespmem:s29+$0xA3D0] =	vst.add.f32.msk $0xffff, v0  }
0x2aa: {  	[tilespmem:s29+$0xE3D0] =	vst.add.f32.msk $0xffff, v0  }
0x2ab: {  	s31 =	sor.u32 $0x23E0, s29;
	[tilespmem:s29+$0x123D0] =	vst.add.f32.msk $0xffff, v0  }
0x2ac: {  	v0 =	vld [tilespmem:s31+$0x0];
	_ =	sdelay $0x4  }
0x2ad: {  	[tilespmem:s29+$0x63E0] =	vst.add.f32.msk $0xffff, v0  }
0x2ae: {  	[tilespmem:s29+$0xA3E0] =	vst.add.f32.msk $0xffff, v0  }
0x2af: {  	[tilespmem:s29+$0xE3E0] =	vst.add.f32.msk $0xffff, v0  }
0x2b0: {  	s31 =	sor.u32 $0x23F0, s29;
	[tilespmem:s29+$0x123E0] =	vst.add.f32.msk $0xffff, v0  }
0x2b1: {  	v0 =	vld [tilespmem:s31+$0x0];
	_ =	sdelay $0x2  }
0x2b2: {  	p0 =	sne.s32 s28, $0x7  }
.Ltmp0:
0x2b3: {  	_ = 	snop;
	(pc) =	sbr.rel @p0 .LBB2_3-.Ltmp0, $4  }
0x2b4: {  	[tilespmem:s29+$0x63F0] =	vst.add.f32.msk $0xffff, v0  }
0x2b5: {  	[tilespmem:s29+$0xA3F0] =	vst.add.f32.msk $0xffff, v0  }
0x2b6: {  	[tilespmem:s29+$0xE3F0] =	vst.add.f32.msk $0xffff, v0  }
0x2b7: {  	s28 =	sadd.s32 $0x1, s28;
	[tilespmem:s29+$0x123F0] =	vst.add.f32.msk $0xffff, v0  }
0x2b8: {  	s23 =	sadd.s32 s3, s23;
	s22 =	sadd.s32 $0x1, s22  }
0x2b9: {  	[hbm4b:s23+s5] =	stream.linear.scatter [tilespmem:s16], [sflag:$0x5], $0x4000, $0x38;
	[tilespmem:$0x14000] =	vst v63  }
0x2ba: {  	s29 =	sadd.s32 s3, s24;
	p0 =	sne.s32 s22, $0x10  }
0x2bb: {  	[hbm4b:s29+s5] =	stream.linear.scatter [tilespmem:s8], [sflag:$0x6], $0x4000, $0x38;
	[tilespmem:$0x14000] =	vst v63  }
.Ltmp1:
0x2bc: {  	_ = 	snop;
	(pc) =	sbr.rel @p0 .LBB2_2-.Ltmp1, $4  }
0x2bd: {  	s30 =	sadd.s32 s3, s25  }
0x2be: {  	[hbm4b:s30+s5] =	stream.linear.scatter [tilespmem:s9], [sflag:$0x7], $0x4000, $0x38;
	[tilespmem:$0x14000] =	vst v63  }
0x2bf: {  	s31 =	sadd.s32 s3, s26  }
0x2c0: {  	[hbm4b:s31+s5] =	stream.linear.scatter [tilespmem:s10], [sflag:$0x8], $0x4000, $0x38;
	[tilespmem:$0x14000] =	vst v63  }
0x2c1: {  	_ =	swait.ge [sflag:s17], $0x4000  }
0x2c2: {  	[sflag:s17] =	ssyncset.done $0x0  }
0x2c3: {  	[sflag:s17] =	ssyncadd.s32 $0xFFFFC000  }
0x2c4: {  	_ =	swait.ge [sflag:s18], $0x4000  }
0x2c5: {  	[sflag:s18] =	ssyncset.done $0x0  }
0x2c6: {  	s21 =	sadd.s32 $0x1, s21;
	[sflag:s18] =	ssyncadd.s32 $0xFFFFC000  }
0x2c7: {  	p0 =	sne.s32 s21, s7;
	_ =	swait.ge [sflag:s19], $0x4000  }
.Ltmp2:
0x2c8: {  	[sflag:s19] =	ssyncset.done $0x0;
	(pc) =	sbr.rel @p0 .LBB2_1-.Ltmp2, $4  }
0x2c9: {  	[sflag:s19] =	ssyncadd.s32 $0xFFFFC000  }
0x2ca: {  	_ =	swait.ge [sflag:s20], $0x4000  }
0x2cb: {  	[sflag:s20] =	ssyncset.done $0x0  }
0x2cc: {  	[sflag:s20] =	ssyncadd.s32 $0xFFFFC000  }
0x2cd: {  	_ =	sfence.sel $0x180000  }
0x2ce: {  	[bflag:$0x0] =	sbarrier.arrive $0xFFFF  }
0x2cf: {  	p0 =	sne.s32 s4, $0x0;
	_ =	strace $0x90000047  }
0x2d0: {  	s0 =	sadd.s32 @!p0 $0x100000, s0;
	[bflag:$0x2] =	sbarrier.arrive $0xFFFF  }
0x2d1: {  	[sflag:s0] =	ssyncadd.tile.s32 @!p0 $0x1;
	_ =	shalt  }
.Lfunc_end2:
_tile_overlayer_lowered:
.L_overlay_start_2:
0x2d2: {  	(tag) =	ssettag $0x2  }
0x2d3: {  	s0 =	rddreg [dreg:$0x0];
	s2 =	stileid.u32  }
0x2d4: {  	s1 =	rddreg [dreg:$0x1];
	p0 =	sne.s32 s2, $0x0  }
0x2d5: {  	s3 =	rddreg [dreg:$0x2];
	[bflag:$0x3] =	sbarrier.arrive $0xFFFF;
	s2 =	simm.s32 @!p0 $0x1C09  }
0x2d6: {  	[timem:s3], [sflag:s2] =	dma.local @!p0 [hbm:s0], s1  }
0x2d7: {  	s0 =	simm.s32 @!p0 $0x9  }
0x2d8: {  	_ =	swait.ge @!p0 [sflag:s0], s1  }
0x2d9: {  	s1 =	ssub.s32 @!p0 $0x0, s1;
	[sflag:s0] =	ssyncset.done @!p0 $0x0  }
0x2da: {  	[sflag:s0] =	ssyncadd.s32 @!p0 s1  }
0x2db: {  	[bflag:$0x3] =	sbarrier.arrive $0xFFFF  }
0x2dc: {  	_ =	shalt  }

</sc_bundles>
